<compile_context>
chip_gen: v7x
topology: tpu7x:2x2x1
jax: 0.10.2.dev20260603
libtpu: 0.0.44.dev20260713+nightly
codegen_flags: <defaults>
</compile_context>

<pallas_src>
import jax
import jax.numpy as jnp
from jax import lax
from jax.experimental import pallas as pl
from jax.experimental.pallas import tpu as pltpu
from jax.experimental.pallas import tpu_sc as plsc

_EMBED = 32
_BATCH = 4096
_HIST = 200

_INFO = plsc.get_sparse_core_info()
_NC = _INFO.num_cores
_NS = _INFO.num_subcores
_NW = _NC * _NS
_BB = _BATCH // _NW
_WP = _BB + 1
_NBUF = 4
_T = _HIST // _NBUF


def _body(idx_hbm, table_hbm, out_hbm, idx_v, gbufs, wbufs, gsem, wsem):
    wid = lax.axis_index("s") * _NC + lax.axis_index("c")
    bbase = wid * _BB
    pltpu.sync_copy(idx_hbm.at[:, pl.ds(bbase, _BB)], idx_v)

    jlo = lax.iota(jnp.int32, 16)
    jhi = jlo + 16

    def fire(b, s):
        pltpu.async_copy(table_hbm.at[idx_v.at[s]], gbufs.at[b], gsem.at[b])

    def wait_gather(b):
        pltpu.make_async_copy(
            table_hbm.at[pl.ds(0, _BB)], gbufs.at[b], gsem.at[b]).wait()

    def transpose(b):
        unroll = 16

        def tr_step(i, carry):
            r0 = i * unroll
            rs = jnp.full((16,), r0, jnp.int32)
            for k in range(unroll):
                r = r0 + k
                rsk = rs + k
                v0 = gbufs[b, r, pl.ds(0, 16)]
                v1 = gbufs[b, r, pl.ds(16, 16)]
                plsc.store_scatter(wbufs.at[b], [jlo, rsk], v0)
                plsc.store_scatter(wbufs.at[b], [jhi, rsk], v1)
            return carry

        lax.fori_loop(0, _BB // unroll, tr_step, 0)

    def start_write(b, s):
        for jt in range(4):
            pltpu.async_copy(
                wbufs.at[b, pl.ds(8 * jt, 8), pl.ds(0, _BB)],
                out_hbm.at[s, jt, wid, :, :],
                wsem.at[b],
            )

    def wait_write(b):
        for jt in range(4):
            pltpu.make_async_copy(
                wbufs.at[b, pl.ds(8 * jt, 8), pl.ds(0, _BB)],
                out_hbm.at[0, 0, 0, :, :],
                wsem.at[b],
            ).wait()

    for b in range(_NBUF - 1):
        fire(b, b)

    def step(t, carry):
        for b in range(_NBUF):
            s = t * _NBUF + b
            wait_gather(b)

            @pl.when(t > 0)
            def _():
                wait_write(b)
            transpose(b)
            start_write(b, s)
            if b == 0:
                fire((b - 1) % _NBUF, s + _NBUF - 1)
            else:
                @pl.when(t < _T - 1)
                def _():
                    fire(b - 1, s + _NBUF - 1)
        return carry

    lax.fori_loop(0, _T, step, 0)
    for b in range(_NBUF):
        wait_write(b)


@jax.jit
def _gather(idx, table):
    mesh = plsc.VectorSubcoreMesh(core_axis_name="c", subcore_axis_name="s")
    f = pl.kernel(
        _body,
        out_type=jax.ShapeDtypeStruct(
            (_HIST, _EMBED // 8, _NW, 8, _BB), jnp.float32),
        mesh=mesh,
        compiler_params=pltpu.CompilerParams(
            use_tc_tiling_on_sc=False, needs_layout_passes=False,
            disable_bounds_checks=True),
        scratch_types=[
            pltpu.VMEM((_HIST, _BB), jnp.int32),
            pltpu.VMEM((_NBUF, _BB, _EMBED), jnp.float32),
            pltpu.VMEM((_NBUF, _EMBED, _WP), jnp.float32),
            pltpu.SemaphoreType.DMA((_NBUF,)),
            pltpu.SemaphoreType.DMA((_NBUF,)),
        ],
    )
    return f(idx, table)


def kernel(tags, table):
    idx = jnp.transpose(tags).astype(jnp.int32)
    out5 = _gather(idx, table)
    out = jnp.transpose(out5, (2, 4, 0, 1, 3)).reshape(_BATCH, _HIST, _EMBED)
    return out

# --- scband reference (transcript-rebuilt; emitter-appended) ---
"""Pipeline reference for scband-tag-embedding-25847113187837 (READ-ONLY COPY).

The authoritative reference and input builder live on the scoring server;
editing this copy changes nothing except your own understanding.
"""

import jax, jax.numpy as jnp
import numpy as np

VOCAB = 1000000
EMBED_DIM = 32
BATCH = 4096
HIST = 200

def setup_inputs(seed: int = 0) -> dict:
    key = jax.random.key(seed)
    k_tags, k_table = jax.random.split(key)
    tags = jax.random.randint(k_tags, (BATCH, HIST), 0, VOCAB, dtype=jnp.int64 if jax.config.jax_enable_x64 else jnp.int32)
    table = jax.random.normal(k_table, (VOCAB, EMBED_DIM), dtype=jnp.float32)
    return {"tags": tags, "table": table}

def reference(tags, table):
    # TagEmbedding.forward: x = word_embedding(tags); return dropout(x)
    # Dropout is identity in eval/inference mode, so the faithful deterministic
    # reference is a pure embedding lookup (gather over table rows).
    x = jnp.take(table, tags, axis=0)
    return x

if __name__ == "__main__":
    import jax
    _d = setup_inputs()
    print(jax.jit(kernel)(*tuple(_d.values())))

</pallas_src>

<mosaic_0001>
#map = affine_map<(d0, d1) -> (0, 0)>
#map1 = affine_map<(d0, d1) -> (0, 0, 0, 0, 0)>
module attributes {stable_mosaic.version = 14 : i64} {
  func.func @_body(%arg0: i32, %arg1: i32, %arg2: memref<200x4096xi32, #tpu.memory_space<hbm>>, %arg3: memref<1000000x32xf32, #tpu.memory_space<hbm>>, %arg4: memref<200x4x32x8x128xf32, #tpu.memory_space<hbm>>, %arg5: memref<200x128xi32, #tpu.memory_space<vmem>>, %arg6: memref<4x128x32xf32, #tpu.memory_space<vmem>>, %arg7: memref<4x32x129xf32, #tpu.memory_space<vmem>>, %arg8: memref<4x!tpu.dma_semaphore, #tpu.memory_space<semaphore_mem>>, %arg9: memref<4x!tpu.dma_semaphore, #tpu.memory_space<semaphore_mem>>) attributes {dimension_semantics = [#tpu.dimension_semantics<core_parallel>, #tpu.dimension_semantics<subcore_parallel>], iteration_bounds = array<i64: 2, 16>, scalar_prefetch = 0 : i64, scratch_operands = 5 : i64, tpu.core_type = #tpu.core_type<sc_vector_subcore>, window_params = [{transform_indices = #map}, {transform_indices = #map}, {transform_indices = #map1}]} {
    %mul3A = arith.constant 2 : i32
    %mul3A_0 = arith.muli %arg1, %mul3A : i32
    %add3A = arith.addi %mul3A_0, %arg0 : i32
    %mul3A_1 = arith.constant 128 : i32
    %mul3A_2 = arith.muli %add3A, %mul3A_1 : i32
    "tpu.region"() ({
      %run_scoped3A = tpu.sem_alloc : memref<!tpu.dma_semaphore, #tpu.memory_space<semaphore_mem>>
      %dma_start3A_422 = arith.constant 0 : i32
      %dma_start3A_423 = tpu.memref_slice %arg2[%dma_start3A_422, %mul3A_2] : memref<200x4096xi32, #tpu.memory_space<hbm>> -> memref<200x128xi32, #tpu.memory_space<hbm>>
      %dma_start3A_424 = arith.constant 0 : i32
      %dma_start3A_425 = tpu.memref_slice %arg2[%dma_start3A_424, %mul3A_2] : memref<200x4096xi32, #tpu.memory_space<hbm>> -> memref<200x128xi32, #tpu.memory_space<hbm>>
      tpu.enqueue_dma source(%dma_start3A_425 : memref<200x128xi32, #tpu.memory_space<hbm>>) target(%arg5 : memref<200x128xi32, #tpu.memory_space<vmem>>) target_semaphore(%run_scoped3A : memref<!tpu.dma_semaphore, #tpu.memory_space<semaphore_mem>>)
      %dma_wait3A_426 = arith.constant 0 : i32
      %dma_wait3A_427 = tpu.memref_slice %arg2[%dma_wait3A_426, %mul3A_2] : memref<200x4096xi32, #tpu.memory_space<hbm>> -> memref<200x128xi32, #tpu.memory_space<hbm>>
      %dma_wait3A_428 = arith.constant 0 : i32
      %dma_wait3A_429 = tpu.memref_slice %arg2[%dma_wait3A_428, %mul3A_2] : memref<200x4096xi32, #tpu.memory_space<hbm>> -> memref<200x128xi32, #tpu.memory_space<hbm>>
      tpu.wait_dma2 semaphore(%run_scoped3A : memref<!tpu.dma_semaphore, #tpu.memory_space<semaphore_mem>>) src(%dma_wait3A_429 : memref<200x128xi32, #tpu.memory_space<hbm>>) dst(%arg5 : memref<200x128xi32, #tpu.memory_space<vmem>>)
      tpu.yield
    }) : () -> ()
    %iota3A = tpu.iota {dimensions = array<i32: 0>} : vector<16xi32>
    %add3A_3 = arith.constant 16 : i32
    %add3A_4 = vector.broadcast %add3A_3 : i32 to vector<16xi32>
    %add3A_5 = arith.addi %iota3A, %add3A_4 : vector<16xi32>
    %dma_start3A = arith.constant 0 : i32
    %dma_start3A_6 = arith.constant 0 : i32
    %dma_start3A_7 = arith.constant 0 : i32
    %dma_start3A_8 = arith.constant 0 : i32
    %dma_start3A_9 = arith.constant 0 : i32
    %dma_start3A_10 = tpu.memref_slice %arg6[%dma_start3A_6, %dma_start3A_8, %dma_start3A_9] : memref<4x128x32xf32, #tpu.memory_space<vmem>> -> memref<1x128x32xf32, #tpu.memory_space<vmem>>
    %dma_start3A_11 = tpu.memref_squeeze %dma_start3A_10 : memref<1x128x32xf32, #tpu.memory_space<vmem>> -> memref<128x32xf32, #tpu.memory_space<vmem>>
    %dma_start3A_12 = arith.constant 0 : i32
    %dma_start3A_13 = tpu.memref_slice %arg5[%dma_start3A, %dma_start3A_12] : memref<200x128xi32, #tpu.memory_space<vmem>> -> memref<1x128xi32, #tpu.memory_space<vmem>>
    %dma_start3A_14 = tpu.memref_squeeze %dma_start3A_13 : memref<1x128xi32, #tpu.memory_space<vmem>> -> memref<128xi32, #tpu.memory_space<vmem>>
    %dma_start3A_15 = arith.constant 0 : i32
    %dma_start3A_16 = arith.constant 0 : i32
    %dma_start3A_17 = tpu.memref_slice %arg3[%dma_start3A_15, %dma_start3A_16] : memref<1000000x32xf32, #tpu.memory_space<hbm>> -> memref<1000000x32xf32, #tpu.memory_space<hbm>>
    %dma_start3A_18 = tpu.memref_slice %arg8[%dma_start3A_7] : memref<4x!tpu.dma_semaphore, #tpu.memory_space<semaphore_mem>> -> memref<1x!tpu.dma_semaphore, #tpu.memory_space<semaphore_mem>>
    %dma_start3A_19 = tpu.memref_squeeze %dma_start3A_18 : memref<1x!tpu.dma_semaphore, #tpu.memory_space<semaphore_mem>> -> memref<!tpu.dma_semaphore, #tpu.memory_space<semaphore_mem>>
    tpu.enqueue_indirect_dma source(%dma_start3A_17 : memref<1000000x32xf32, #tpu.memory_space<hbm>>) target(%dma_start3A_11 : memref<128x32xf32, #tpu.memory_space<vmem>>) offsets(%dma_start3A_14 : memref<128xi32, #tpu.memory_space<vmem>>) semaphore(%dma_start3A_19 : memref<!tpu.dma_semaphore, #tpu.memory_space<semaphore_mem>>)
    %dma_start3A_20 = arith.constant 1 : i32
    %dma_start3A_21 = arith.constant 1 : i32
    %dma_start3A_22 = arith.constant 1 : i32
    %dma_start3A_23 = arith.constant 0 : i32
    %dma_start3A_24 = arith.constant 0 : i32
    %dma_start3A_25 = tpu.memref_slice %arg6[%dma_start3A_21, %dma_start3A_23, %dma_start3A_24] : memref<4x128x32xf32, #tpu.memory_space<vmem>> -> memref<1x128x32xf32, #tpu.memory_space<vmem>>
    %dma_start3A_26 = tpu.memref_squeeze %dma_start3A_25 : memref<1x128x32xf32, #tpu.memory_space<vmem>> -> memref<128x32xf32, #tpu.memory_space<vmem>>
    %dma_start3A_27 = arith.constant 0 : i32
    %dma_start3A_28 = tpu.memref_slice %arg5[%dma_start3A_20, %dma_start3A_27] : memref<200x128xi32, #tpu.memory_space<vmem>> -> memref<1x128xi32, #tpu.memory_space<vmem>>
    %dma_start3A_29 = tpu.memref_squeeze %dma_start3A_28 : memref<1x128xi32, #tpu.memory_space<vmem>> -> memref<128xi32, #tpu.memory_space<vmem>>
    %dma_start3A_30 = arith.constant 0 : i32
    %dma_start3A_31 = arith.constant 0 : i32
    %dma_start3A_32 = tpu.memref_slice %arg3[%dma_start3A_30, %dma_start3A_31] : memref<1000000x32xf32, #tpu.memory_space<hbm>> -> memref<1000000x32xf32, #tpu.memory_space<hbm>>
    %dma_start3A_33 = tpu.memref_slice %arg8[%dma_start3A_22] : memref<4x!tpu.dma_semaphore, #tpu.memory_space<semaphore_mem>> -> memref<1x!tpu.dma_semaphore, #tpu.memory_space<semaphore_mem>>
    %dma_start3A_34 = tpu.memref_squeeze %dma_start3A_33 : memref<1x!tpu.dma_semaphore, #tpu.memory_space<semaphore_mem>> -> memref<!tpu.dma_semaphore, #tpu.memory_space<semaphore_mem>>
    tpu.enqueue_indirect_dma source(%dma_start3A_32 : memref<1000000x32xf32, #tpu.memory_space<hbm>>) target(%dma_start3A_26 : memref<128x32xf32, #tpu.memory_space<vmem>>) offsets(%dma_start3A_29 : memref<128xi32, #tpu.memory_space<vmem>>) semaphore(%dma_start3A_34 : memref<!tpu.dma_semaphore, #tpu.memory_space<semaphore_mem>>)
    %dma_start3A_35 = arith.constant 2 : i32
    %dma_start3A_36 = arith.constant 2 : i32
    %dma_start3A_37 = arith.constant 2 : i32
    %dma_start3A_38 = arith.constant 0 : i32
    %dma_start3A_39 = arith.constant 0 : i32
    %dma_start3A_40 = tpu.memref_slice %arg6[%dma_start3A_36, %dma_start3A_38, %dma_start3A_39] : memref<4x128x32xf32, #tpu.memory_space<vmem>> -> memref<1x128x32xf32, #tpu.memory_space<vmem>>
    %dma_start3A_41 = tpu.memref_squeeze %dma_start3A_40 : memref<1x128x32xf32, #tpu.memory_space<vmem>> -> memref<128x32xf32, #tpu.memory_space<vmem>>
    %dma_start3A_42 = arith.constant 0 : i32
    %dma_start3A_43 = tpu.memref_slice %arg5[%dma_start3A_35, %dma_start3A_42] : memref<200x128xi32, #tpu.memory_space<vmem>> -> memref<1x128xi32, #tpu.memory_space<vmem>>
    %dma_start3A_44 = tpu.memref_squeeze %dma_start3A_43 : memref<1x128xi32, #tpu.memory_space<vmem>> -> memref<128xi32, #tpu.memory_space<vmem>>
    %dma_start3A_45 = arith.constant 0 : i32
    %dma_start3A_46 = arith.constant 0 : i32
    %dma_start3A_47 = tpu.memref_slice %arg3[%dma_start3A_45, %dma_start3A_46] : memref<1000000x32xf32, #tpu.memory_space<hbm>> -> memref<1000000x32xf32, #tpu.memory_space<hbm>>
    %dma_start3A_48 = tpu.memref_slice %arg8[%dma_start3A_37] : memref<4x!tpu.dma_semaphore, #tpu.memory_space<semaphore_mem>> -> memref<1x!tpu.dma_semaphore, #tpu.memory_space<semaphore_mem>>
    %dma_start3A_49 = tpu.memref_squeeze %dma_start3A_48 : memref<1x!tpu.dma_semaphore, #tpu.memory_space<semaphore_mem>> -> memref<!tpu.dma_semaphore, #tpu.memory_space<semaphore_mem>>
    tpu.enqueue_indirect_dma source(%dma_start3A_47 : memref<1000000x32xf32, #tpu.memory_space<hbm>>) target(%dma_start3A_41 : memref<128x32xf32, #tpu.memory_space<vmem>>) offsets(%dma_start3A_44 : memref<128xi32, #tpu.memory_space<vmem>>) semaphore(%dma_start3A_49 : memref<!tpu.dma_semaphore, #tpu.memory_space<semaphore_mem>>)
    %scan3A = arith.constant 0 : i32
    %scan3A_50 = arith.constant 0 : i32
    %scan3A_51 = arith.constant 50 : i32
    %scan3A_52 = arith.addi %scan3A_50, %scan3A_51 : i32
    %scan3A_53 = arith.constant 1 : i32
    scf.for %scan3A_422 = %scan3A_50 to %scan3A_52 step %scan3A_53  : i32 {
      %mul3A_423 = arith.constant 4 : i32
      %mul3A_424 = arith.muli %scan3A_422, %mul3A_423 : i32
      %add3A_425 = arith.constant 0 : i32
      %add3A_426 = arith.addi %mul3A_424, %add3A_425 : i32
      %dma_wait3A_427 = arith.constant 0 : i32
      %dma_wait3A_428 = arith.constant 0 : i32
      %dma_wait3A_429 = arith.constant 0 : i32
      %dma_wait3A_430 = arith.constant 0 : i32
      %dma_wait3A_431 = tpu.memref_slice %arg6[%dma_wait3A_427, %dma_wait3A_429, %dma_wait3A_430] : memref<4x128x32xf32, #tpu.memory_space<vmem>> -> memref<1x128x32xf32, #tpu.memory_space<vmem>>
      %dma_wait3A_432 = tpu.memref_squeeze %dma_wait3A_431 : memref<1x128x32xf32, #tpu.memory_space<vmem>> -> memref<128x32xf32, #tpu.memory_space<vmem>>
      %dma_wait3A_433 = arith.constant 0 : i32
      %dma_wait3A_434 = arith.constant 0 : i32
      %dma_wait3A_435 = tpu.memref_slice %arg3[%dma_wait3A_433, %dma_wait3A_434] : memref<1000000x32xf32, #tpu.memory_space<hbm>> -> memref<128x32xf32, #tpu.memory_space<hbm>>
      %dma_wait3A_436 = tpu.memref_slice %arg8[%dma_wait3A_428] : memref<4x!tpu.dma_semaphore, #tpu.memory_space<semaphore_mem>> -> memref<1x!tpu.dma_semaphore, #tpu.memory_space<semaphore_mem>>
      %dma_wait3A_437 = tpu.memref_squeeze %dma_wait3A_436 : memref<1x!tpu.dma_semaphore, #tpu.memory_space<semaphore_mem>> -> memref<!tpu.dma_semaphore, #tpu.memory_space<semaphore_mem>>
      %dma_wait3A_438 = arith.constant 0 : i32
      %dma_wait3A_439 = arith.constant 0 : i32
      %dma_wait3A_440 = tpu.memref_slice %arg6[%dma_wait3A_427, %dma_wait3A_438, %dma_wait3A_439] : memref<4x128x32xf32, #tpu.memory_space<vmem>> -> memref<1x128x32xf32, #tpu.memory_space<vmem>>
      %dma_wait3A_441 = tpu.memref_squeeze %dma_wait3A_440 : memref<1x128x32xf32, #tpu.memory_space<vmem>> -> memref<128x32xf32, #tpu.memory_space<vmem>>
      %dma_wait3A_442 = arith.constant 0 : i32
      %dma_wait3A_443 = arith.constant 0 : i32
      %dma_wait3A_444 = tpu.memref_slice %arg3[%dma_wait3A_442, %dma_wait3A_443] : memref<1000000x32xf32, #tpu.memory_space<hbm>> -> memref<128x32xf32, #tpu.memory_space<hbm>>
      tpu.wait_dma2 semaphore(%dma_wait3A_437 : memref<!tpu.dma_semaphore, #tpu.memory_space<semaphore_mem>>) src(%dma_wait3A_444 : memref<128x32xf32, #tpu.memory_space<hbm>>) dst(%dma_wait3A_441 : memref<128x32xf32, #tpu.memory_space<vmem>>)
      %gt3A = arith.constant 0 : i32
      %gt3A_445 = arith.cmpi sgt, %scan3A_422, %gt3A : i32
      %convert_element_type3A = arith.extui %gt3A_445 : i1 to i32
      %cond3A = arith.constant 0 : i32
      %cond3A_446 = arith.cmpi ne, %convert_element_type3A, %cond3A : i32
      scf.if %cond3A_446 {
        %dma_wait3A_919 = arith.constant 0 : i32
        %dma_wait3A_920 = arith.constant 0 : i32
        %dma_wait3A_921 = arith.constant 0 : i32
        %dma_wait3A_922 = arith.constant 0 : i32
        %dma_wait3A_923 = arith.constant 0 : i32
        %dma_wait3A_924 = arith.constant 0 : i32
        %dma_wait3A_925 = arith.constant 0 : i32
        %dma_wait3A_926 = tpu.memref_slice %arg7[%dma_wait3A_919, %dma_wait3A_924, %dma_wait3A_925] : memref<4x32x129xf32, #tpu.memory_space<vmem>> -> memref<1x8x128xf32, #tpu.memory_space<vmem>>
        %dma_wait3A_927 = tpu.memref_squeeze %dma_wait3A_926 : memref<1x8x128xf32, #tpu.memory_space<vmem>> -> memref<8x128xf32, #tpu.memory_space<vmem>>
        %dma_wait3A_928 = arith.constant 0 : i32
        %dma_wait3A_929 = arith.constant 0 : i32
        %dma_wait3A_930 = tpu.memref_slice %arg4[%dma_wait3A_920, %dma_wait3A_921, %dma_wait3A_922, %dma_wait3A_928, %dma_wait3A_929] : memref<200x4x32x8x128xf32, #tpu.memory_space<hbm>> -> memref<1x1x1x8x128xf32, #tpu.memory_space<hbm>>
        %dma_wait3A_931 = tpu.memref_squeeze %dma_wait3A_930 : memref<1x1x1x8x128xf32, #tpu.memory_space<hbm>> -> memref<8x128xf32, #tpu.memory_space<hbm>>
        %dma_wait3A_932 = tpu.memref_slice %arg9[%dma_wait3A_923] : memref<4x!tpu.dma_semaphore, #tpu.memory_space<semaphore_mem>> -> memref<1x!tpu.dma_semaphore, #tpu.memory_space<semaphore_mem>>
        %dma_wait3A_933 = tpu.memref_squeeze %dma_wait3A_932 : memref<1x!tpu.dma_semaphore, #tpu.memory_space<semaphore_mem>> -> memref<!tpu.dma_semaphore, #tpu.memory_space<semaphore_mem>>
        %dma_wait3A_934 = arith.constant 0 : i32
        %dma_wait3A_935 = arith.constant 0 : i32
        %dma_wait3A_936 = tpu.memref_slice %arg4[%dma_wait3A_920, %dma_wait3A_921, %dma_wait3A_922, %dma_wait3A_934, %dma_wait3A_935] : memref<200x4x32x8x128xf32, #tpu.memory_space<hbm>> -> memref<1x1x1x8x128xf32, #tpu.memory_space<hbm>>
        %dma_wait3A_937 = tpu.memref_squeeze %dma_wait3A_936 : memref<1x1x1x8x128xf32, #tpu.memory_space<hbm>> -> memref<8x128xf32, #tpu.memory_space<hbm>>
        %dma_wait3A_938 = arith.constant 0 : i32
        %dma_wait3A_939 = arith.constant 0 : i32
        %dma_wait3A_940 = tpu.memref_slice %arg7[%dma_wait3A_919, %dma_wait3A_938, %dma_wait3A_939] : memref<4x32x129xf32, #tpu.memory_space<vmem>> -> memref<1x8x128xf32, #tpu.memory_space<vmem>>
        %dma_wait3A_941 = tpu.memref_squeeze %dma_wait3A_940 : memref<1x8x128xf32, #tpu.memory_space<vmem>> -> memref<8x128xf32, #tpu.memory_space<vmem>>
        tpu.wait_dma2 semaphore(%dma_wait3A_933 : memref<!tpu.dma_semaphore, #tpu.memory_space<semaphore_mem>>) src(%dma_wait3A_941 : memref<8x128xf32, #tpu.memory_space<vmem>>) dst(%dma_wait3A_937 : memref<8x128xf32, #tpu.memory_space<hbm>>)
        %dma_wait3A_942 = arith.constant 0 : i32
        %dma_wait3A_943 = arith.constant 0 : i32
        %dma_wait3A_944 = arith.constant 0 : i32
        %dma_wait3A_945 = arith.constant 0 : i32
        %dma_wait3A_946 = arith.constant 0 : i32
        %dma_wait3A_947 = arith.constant 8 : i32
        %dma_wait3A_948 = arith.constant 0 : i32
        %dma_wait3A_949 = tpu.memref_slice %arg7[%dma_wait3A_942, %dma_wait3A_947, %dma_wait3A_948] : memref<4x32x129xf32, #tpu.memory_space<vmem>> -> memref<1x8x128xf32, #tpu.memory_space<vmem>>
        %dma_wait3A_950 = tpu.memref_squeeze %dma_wait3A_949 : memref<1x8x128xf32, #tpu.memory_space<vmem>> -> memref<8x128xf32, #tpu.memory_space<vmem>>
        %dma_wait3A_951 = arith.constant 0 : i32
        %dma_wait3A_952 = arith.constant 0 : i32
        %dma_wait3A_953 = tpu.memref_slice %arg4[%dma_wait3A_943, %dma_wait3A_944, %dma_wait3A_945, %dma_wait3A_951, %dma_wait3A_952] : memref<200x4x32x8x128xf32, #tpu.memory_space<hbm>> -> memref<1x1x1x8x128xf32, #tpu.memory_space<hbm>>
        %dma_wait3A_954 = tpu.memref_squeeze %dma_wait3A_953 : memref<1x1x1x8x128xf32, #tpu.memory_space<hbm>> -> memref<8x128xf32, #tpu.memory_space<hbm>>
        %dma_wait3A_955 = tpu.memref_slice %arg9[%dma_wait3A_946] : memref<4x!tpu.dma_semaphore, #tpu.memory_space<semaphore_mem>> -> memref<1x!tpu.dma_semaphore, #tpu.memory_space<semaphore_mem>>
        %dma_wait3A_956 = tpu.memref_squeeze %dma_wait3A_955 : memref<1x!tpu.dma_semaphore, #tpu.memory_space<semaphore_mem>> -> memref<!tpu.dma_semaphore, #tpu.memory_space<semaphore_mem>>
        %dma_wait3A_957 = arith.constant 0 : i32
        %dma_wait3A_958 = arith.constant 0 : i32
        %dma_wait3A_959 = tpu.memref_slice %arg4[%dma_wait3A_943, %dma_wait3A_944, %dma_wait3A_945, %dma_wait3A_957, %dma_wait3A_958] : memref<200x4x32x8x128xf32, #tpu.memory_space<hbm>> -> memref<1x1x1x8x128xf32, #tpu.memory_space<hbm>>
        %dma_wait3A_960 = tpu.memref_squeeze %dma_wait3A_959 : memref<1x1x1x8x128xf32, #tpu.memory_space<hbm>> -> memref<8x128xf32, #tpu.memory_space<hbm>>
        %dma_wait3A_961 = arith.constant 8 : i32
        %dma_wait3A_962 = arith.constant 0 : i32
        %dma_wait3A_963 = tpu.memref_slice %arg7[%dma_wait3A_942, %dma_wait3A_961, %dma_wait3A_962] : memref<4x32x129xf32, #tpu.memory_space<vmem>> -> memref<1x8x128xf32, #tpu.memory_space<vmem>>
        %dma_wait3A_964 = tpu.memref_squeeze %dma_wait3A_963 : memref<1x8x128xf32, #tpu.memory_space<vmem>> -> memref<8x128xf32, #tpu.memory_space<vmem>>
        tpu.wait_dma2 semaphore(%dma_wait3A_956 : memref<!tpu.dma_semaphore, #tpu.memory_space<semaphore_mem>>) src(%dma_wait3A_964 : memref<8x128xf32, #tpu.memory_space<vmem>>) dst(%dma_wait3A_960 : memref<8x128xf32, #tpu.memory_space<hbm>>)
        %dma_wait3A_965 = arith.constant 0 : i32
        %dma_wait3A_966 = arith.constant 0 : i32
        %dma_wait3A_967 = arith.constant 0 : i32
        %dma_wait3A_968 = arith.constant 0 : i32
        %dma_wait3A_969 = arith.constant 0 : i32
        %dma_wait3A_970 = arith.constant 16 : i32
        %dma_wait3A_971 = arith.constant 0 : i32
        %dma_wait3A_972 = tpu.memref_slice %arg7[%dma_wait3A_965, %dma_wait3A_970, %dma_wait3A_971] : memref<4x32x129xf32, #tpu.memory_space<vmem>> -> memref<1x8x128xf32, #tpu.memory_space<vmem>>
        %dma_wait3A_973 = tpu.memref_squeeze %dma_wait3A_972 : memref<1x8x128xf32, #tpu.memory_space<vmem>> -> memref<8x128xf32, #tpu.memory_space<vmem>>
        %dma_wait3A_974 = arith.constant 0 : i32
        %dma_wait3A_975 = arith.constant 0 : i32
        %dma_wait3A_976 = tpu.memref_slice %arg4[%dma_wait3A_966, %dma_wait3A_967, %dma_wait3A_968, %dma_wait3A_974, %dma_wait3A_975] : memref<200x4x32x8x128xf32, #tpu.memory_space<hbm>> -> memref<1x1x1x8x128xf32, #tpu.memory_space<hbm>>
        %dma_wait3A_977 = tpu.memref_squeeze %dma_wait3A_976 : memref<1x1x1x8x128xf32, #tpu.memory_space<hbm>> -> memref<8x128xf32, #tpu.memory_space<hbm>>
        %dma_wait3A_978 = tpu.memref_slice %arg9[%dma_wait3A_969] : memref<4x!tpu.dma_semaphore, #tpu.memory_space<semaphore_mem>> -> memref<1x!tpu.dma_semaphore, #tpu.memory_space<semaphore_mem>>
        %dma_wait3A_979 = tpu.memref_squeeze %dma_wait3A_978 : memref<1x!tpu.dma_semaphore, #tpu.memory_space<semaphore_mem>> -> memref<!tpu.dma_semaphore, #tpu.memory_space<semaphore_mem>>
        %dma_wait3A_980 = arith.constant 0 : i32
        %dma_wait3A_981 = arith.constant 0 : i32
        %dma_wait3A_982 = tpu.memref_slice %arg4[%dma_wait3A_966, %dma_wait3A_967, %dma_wait3A_968, %dma_wait3A_980, %dma_wait3A_981] : memref<200x4x32x8x128xf32, #tpu.memory_space<hbm>> -> memref<1x1x1x8x128xf32, #tpu.memory_space<hbm>>
        %dma_wait3A_983 = tpu.memref_squeeze %dma_wait3A_982 : memref<1x1x1x8x128xf32, #tpu.memory_space<hbm>> -> memref<8x128xf32, #tpu.memory_space<hbm>>
        %dma_wait3A_984 = arith.constant 16 : i32
        %dma_wait3A_985 = arith.constant 0 : i32
        %dma_wait3A_986 = tpu.memref_slice %arg7[%dma_wait3A_965, %dma_wait3A_984, %dma_wait3A_985] : memref<4x32x129xf32, #tpu.memory_space<vmem>> -> memref<1x8x128xf32, #tpu.memory_space<vmem>>
        %dma_wait3A_987 = tpu.memref_squeeze %dma_wait3A_986 : memref<1x8x128xf32, #tpu.memory_space<vmem>> -> memref<8x128xf32, #tpu.memory_space<vmem>>
        tpu.wait_dma2 semaphore(%dma_wait3A_979 : memref<!tpu.dma_semaphore, #tpu.memory_space<semaphore_mem>>) src(%dma_wait3A_987 : memref<8x128xf32, #tpu.memory_space<vmem>>) dst(%dma_wait3A_983 : memref<8x128xf32, #tpu.memory_space<hbm>>)
        %dma_wait3A_988 = arith.constant 0 : i32
        %dma_wait3A_989 = arith.constant 0 : i32
        %dma_wait3A_990 = arith.constant 0 : i32
        %dma_wait3A_991 = arith.constant 0 : i32
        %dma_wait3A_992 = arith.constant 0 : i32
        %dma_wait3A_993 = arith.constant 24 : i32
        %dma_wait3A_994 = arith.constant 0 : i32
        %dma_wait3A_995 = tpu.memref_slice %arg7[%dma_wait3A_988, %dma_wait3A_993, %dma_wait3A_994] : memref<4x32x129xf32, #tpu.memory_space<vmem>> -> memref<1x8x128xf32, #tpu.memory_space<vmem>>
        %dma_wait3A_996 = tpu.memref_squeeze %dma_wait3A_995 : memref<1x8x128xf32, #tpu.memory_space<vmem>> -> memref<8x128xf32, #tpu.memory_space<vmem>>
        %dma_wait3A_997 = arith.constant 0 : i32
        %dma_wait3A_998 = arith.constant 0 : i32
        %dma_wait3A_999 = tpu.memref_slice %arg4[%dma_wait3A_989, %dma_wait3A_990, %dma_wait3A_991, %dma_wait3A_997, %dma_wait3A_998] : memref<200x4x32x8x128xf32, #tpu.memory_space<hbm>> -> memref<1x1x1x8x128xf32, #tpu.memory_space<hbm>>
        %dma_wait3A_1000 = tpu.memref_squeeze %dma_wait3A_999 : memref<1x1x1x8x128xf32, #tpu.memory_space<hbm>> -> memref<8x128xf32, #tpu.memory_space<hbm>>
        %dma_wait3A_1001 = tpu.memref_slice %arg9[%dma_wait3A_992] : memref<4x!tpu.dma_semaphore, #tpu.memory_space<semaphore_mem>> -> memref<1x!tpu.dma_semaphore, #tpu.memory_space<semaphore_mem>>
        %dma_wait3A_1002 = tpu.memref_squeeze %dma_wait3A_1001 : memref<1x!tpu.dma_semaphore, #tpu.memory_space<semaphore_mem>> -> memref<!tpu.dma_semaphore, #tpu.memory_space<semaphore_mem>>
        %dma_wait3A_1003 = arith.constant 0 : i32
        %dma_wait3A_1004 = arith.constant 0 : i32
        %dma_wait3A_1005 = tpu.memref_slice %arg4[%dma_wait3A_989, %dma_wait3A_990, %dma_wait3A_991, %dma_wait3A_1003, %dma_wait3A_1004] : memref<200x4x32x8x128xf32, #tpu.memory_space<hbm>> -> memref<1x1x1x8x128xf32, #tpu.memory_space<hbm>>
        %dma_wait3A_1006 = tpu.memref_squeeze %dma_wait3A_1005 : memref<1x1x1x8x128xf32, #tpu.memory_space<hbm>> -> memref<8x128xf32, #tpu.memory_space<hbm>>
        %dma_wait3A_1007 = arith.constant 24 : i32
        %dma_wait3A_1008 = arith.constant 0 : i32
        %dma_wait3A_1009 = tpu.memref_slice %arg7[%dma_wait3A_988, %dma_wait3A_1007, %dma_wait3A_1008] : memref<4x32x129xf32, #tpu.memory_space<vmem>> -> memref<1x8x128xf32, #tpu.memory_space<vmem>>
        %dma_wait3A_1010 = tpu.memref_squeeze %dma_wait3A_1009 : memref<1x8x128xf32, #tpu.memory_space<vmem>> -> memref<8x128xf32, #tpu.memory_space<vmem>>
        tpu.wait_dma2 semaphore(%dma_wait3A_1002 : memref<!tpu.dma_semaphore, #tpu.memory_space<semaphore_mem>>) src(%dma_wait3A_1010 : memref<8x128xf32, #tpu.memory_space<vmem>>) dst(%dma_wait3A_1006 : memref<8x128xf32, #tpu.memory_space<hbm>>)
      } else {
      }
      %scan3A_447 = arith.constant 0 : i32
      %scan3A_448 = arith.constant 0 : i32
      %scan3A_449 = arith.constant 8 : i32
      %scan3A_450 = arith.addi %scan3A_448, %scan3A_449 : i32
      %scan3A_451 = arith.constant 1 : i32
      scf.for %scan3A_919 = %scan3A_448 to %scan3A_450 step %scan3A_451  : i32 {
        %mul3A_920 = arith.constant 16 : i32
        %mul3A_921 = arith.muli %scan3A_919, %mul3A_920 : i32
        %broadcast_in_dim3A = vector.broadcast %mul3A_921 : i32 to vector<16xi32>
        %add3A_922 = arith.constant 0 : i32
        %add3A_923 = arith.addi %mul3A_921, %add3A_922 : i32
        %add3A_924 = arith.constant 0 : i32
        %add3A_925 = vector.broadcast %add3A_924 : i32 to vector<16xi32>
        %add3A_926 = arith.addi %broadcast_in_dim3A, %add3A_925 : vector<16xi32>
        %get3A = arith.constant 0 : i32
        %get3A_927 = arith.index_cast %get3A : i32 to index
        %get3A_928 = arith.index_cast %add3A_923 : i32 to index
        %get3A_929 = arith.constant 0 : index
        %get3A_930 = tpu.vector_load %arg6[%get3A_927, %get3A_928, %get3A_929] {strides = array<i32>} : memref<4x128x32xf32, #tpu.memory_space<vmem>>, vector<16xf32>,
        %get3A_931 = arith.constant 0 : i32
        %get3A_932 = arith.index_cast %get3A_931 : i32 to index
        %get3A_933 = arith.index_cast %add3A_923 : i32 to index
        %get3A_934 = arith.constant 16 : index
        %get3A_935 = tpu.vector_load %arg6[%get3A_932, %get3A_933, %get3A_934] {strides = array<i32>} : memref<4x128x32xf32, #tpu.memory_space<vmem>>, vector<16xf32>,
        %scatter3A = arith.constant 0 : i32
        %scatter3A_936 = arith.constant 0 : i32
        %scatter3A_937 = arith.constant 0 : i32
        %scatter3A_938 = tpu.memref_slice %arg7[%scatter3A, %scatter3A_936, %scatter3A_937] : memref<4x32x129xf32, #tpu.memory_space<vmem>> -> memref<1x32x129xf32, #tpu.memory_space<vmem>>
        %scatter3A_939 = tpu.memref_squeeze %scatter3A_938 : memref<1x32x129xf32, #tpu.memory_space<vmem>> -> memref<32x129xf32, #tpu.memory_space<vmem>>
        tpu.vector_store_idx %scatter3A_939[%iota3A, %add3A_926], %get3A_930 : memref<32x129xf32, #tpu.memory_space<vmem>>[vector<16xi32>, vector<16xi32>], vector<16xf32>,
        %scatter3A_940 = arith.constant 0 : i32
        %scatter3A_941 = arith.constant 0 : i32
        %scatter3A_942 = arith.constant 0 : i32
        %scatter3A_943 = tpu.memref_slice %arg7[%scatter3A_940, %scatter3A_941, %scatter3A_942] : memref<4x32x129xf32, #tpu.memory_space<vmem>> -> memref<1x32x129xf32, #tpu.memory_space<vmem>>
        %scatter3A_944 = tpu.memref_squeeze %scatter3A_943 : memref<1x32x129xf32, #tpu.memory_space<vmem>> -> memref<32x129xf32, #tpu.memory_space<vmem>>
        tpu.vector_store_idx %scatter3A_944[%add3A_5, %add3A_926], %get3A_935 : memref<32x129xf32, #tpu.memory_space<vmem>>[vector<16xi32>, vector<16xi32>], vector<16xf32>,
        %add3A_945 = arith.constant 1 : i32
        %add3A_946 = arith.addi %mul3A_921, %add3A_945 : i32
        %add3A_947 = arith.constant 1 : i32
        %add3A_948 = vector.broadcast %add3A_947 : i32 to vector<16xi32>
        %add3A_949 = arith.addi %broadcast_in_dim3A, %add3A_948 : vector<16xi32>
        %get3A_950 = arith.constant 0 : i32
        %get3A_951 = arith.index_cast %get3A_950 : i32 to index
        %get3A_952 = arith.index_cast %add3A_946 : i32 to index
        %get3A_953 = arith.constant 0 : index
        %get3A_954 = tpu.vector_load %arg6[%get3A_951, %get3A_952, %get3A_953] {strides = array<i32>} : memref<4x128x32xf32, #tpu.memory_space<vmem>>, vector<16xf32>,
        %get3A_955 = arith.constant 0 : i32
        %get3A_956 = arith.index_cast %get3A_955 : i32 to index
        %get3A_957 = arith.index_cast %add3A_946 : i32 to index
        %get3A_958 = arith.constant 16 : index
        %get3A_959 = tpu.vector_load %arg6[%get3A_956, %get3A_957, %get3A_958] {strides = array<i32>} : memref<4x128x32xf32, #tpu.memory_space<vmem>>, vector<16xf32>,
        %scatter3A_960 = arith.constant 0 : i32
        %scatter3A_961 = arith.constant 0 : i32
        %scatter3A_962 = arith.constant 0 : i32
        %scatter3A_963 = tpu.memref_slice %arg7[%scatter3A_960, %scatter3A_961, %scatter3A_962] : memref<4x32x129xf32, #tpu.memory_space<vmem>> -> memref<1x32x129xf32, #tpu.memory_space<vmem>>
        %scatter3A_964 = tpu.memref_squeeze %scatter3A_963 : memref<1x32x129xf32, #tpu.memory_space<vmem>> -> memref<32x129xf32, #tpu.memory_space<vmem>>
        tpu.vector_store_idx %scatter3A_964[%iota3A, %add3A_949], %get3A_954 : memref<32x129xf32, #tpu.memory_space<vmem>>[vector<16xi32>, vector<16xi32>], vector<16xf32>,
        %scatter3A_965 = arith.constant 0 : i32
        %scatter3A_966 = arith.constant 0 : i32
        %scatter3A_967 = arith.constant 0 : i32
        %scatter3A_968 = tpu.memref_slice %arg7[%scatter3A_965, %scatter3A_966, %scatter3A_967] : memref<4x32x129xf32, #tpu.memory_space<vmem>> -> memref<1x32x129xf32, #tpu.memory_space<vmem>>
        %scatter3A_969 = tpu.memref_squeeze %scatter3A_968 : memref<1x32x129xf32, #tpu.memory_space<vmem>> -> memref<32x129xf32, #tpu.memory_space<vmem>>
        tpu.vector_store_idx %scatter3A_969[%add3A_5, %add3A_949], %get3A_959 : memref<32x129xf32, #tpu.memory_space<vmem>>[vector<16xi32>, vector<16xi32>], vector<16xf32>,
        %add3A_970 = arith.constant 2 : i32
        %add3A_971 = arith.addi %mul3A_921, %add3A_970 : i32
        %add3A_972 = arith.constant 2 : i32
        %add3A_973 = vector.broadcast %add3A_972 : i32 to vector<16xi32>
        %add3A_974 = arith.addi %broadcast_in_dim3A, %add3A_973 : vector<16xi32>
        %get3A_975 = arith.constant 0 : i32
        %get3A_976 = arith.index_cast %get3A_975 : i32 to index
        %get3A_977 = arith.index_cast %add3A_971 : i32 to index
        %get3A_978 = arith.constant 0 : index
        %get3A_979 = tpu.vector_load %arg6[%get3A_976, %get3A_977, %get3A_978] {strides = array<i32>} : memref<4x128x32xf32, #tpu.memory_space<vmem>>, vector<16xf32>,
        %get3A_980 = arith.constant 0 : i32
        %get3A_981 = arith.index_cast %get3A_980 : i32 to index
        %get3A_982 = arith.index_cast %add3A_971 : i32 to index
        %get3A_983 = arith.constant 16 : index
        %get3A_984 = tpu.vector_load %arg6[%get3A_981, %get3A_982, %get3A_983] {strides = array<i32>} : memref<4x128x32xf32, #tpu.memory_space<vmem>>, vector<16xf32>,
        %scatter3A_985 = arith.constant 0 : i32
        %scatter3A_986 = arith.constant 0 : i32
        %scatter3A_987 = arith.constant 0 : i32
        %scatter3A_988 = tpu.memref_slice %arg7[%scatter3A_985, %scatter3A_986, %scatter3A_987] : memref<4x32x129xf32, #tpu.memory_space<vmem>> -> memref<1x32x129xf32, #tpu.memory_space<vmem>>
        %scatter3A_989 = tpu.memref_squeeze %scatter3A_988 : memref<1x32x129xf32, #tpu.memory_space<vmem>> -> memref<32x129xf32, #tpu.memory_space<vmem>>
        tpu.vector_store_idx %scatter3A_989[%iota3A, %add3A_974], %get3A_979 : memref<32x129xf32, #tpu.memory_space<vmem>>[vector<16xi32>, vector<16xi32>], vector<16xf32>,
        %scatter3A_990 = arith.constant 0 : i32
        %scatter3A_991 = arith.constant 0 : i32
        %scatter3A_992 = arith.constant 0 : i32
        %scatter3A_993 = tpu.memref_slice %arg7[%scatter3A_990, %scatter3A_991, %scatter3A_992] : memref<4x32x129xf32, #tpu.memory_space<vmem>> -> memref<1x32x129xf32, #tpu.memory_space<vmem>>
        %scatter3A_994 = tpu.memref_squeeze %scatter3A_993 : memref<1x32x129xf32, #tpu.memory_space<vmem>> -> memref<32x129xf32, #tpu.memory_space<vmem>>
        tpu.vector_store_idx %scatter3A_994[%add3A_5, %add3A_974], %get3A_984 : memref<32x129xf32, #tpu.memory_space<vmem>>[vector<16xi32>, vector<16xi32>], vector<16xf32>,
        %add3A_995 = arith.constant 3 : i32
        %add3A_996 = arith.addi %mul3A_921, %add3A_995 : i32
        %add3A_997 = arith.constant 3 : i32
        %add3A_998 = vector.broadcast %add3A_997 : i32 to vector<16xi32>
        %add3A_999 = arith.addi %broadcast_in_dim3A, %add3A_998 : vector<16xi32>
        %get3A_1000 = arith.constant 0 : i32
        %get3A_1001 = arith.index_cast %get3A_1000 : i32 to index
        %get3A_1002 = arith.index_cast %add3A_996 : i32 to index
        %get3A_1003 = arith.constant 0 : index
        %get3A_1004 = tpu.vector_load %arg6[%get3A_1001, %get3A_1002, %get3A_1003] {strides = array<i32>} : memref<4x128x32xf32, #tpu.memory_space<vmem>>, vector<16xf32>,
        %get3A_1005 = arith.constant 0 : i32
        %get3A_1006 = arith.index_cast %get3A_1005 : i32 to index
        %get3A_1007 = arith.index_cast %add3A_996 : i32 to index
        %get3A_1008 = arith.constant 16 : index
        %get3A_1009 = tpu.vector_load %arg6[%get3A_1006, %get3A_1007, %get3A_1008] {strides = array<i32>} : memref<4x128x32xf32, #tpu.memory_space<vmem>>, vector<16xf32>,
        %scatter3A_1010 = arith.constant 0 : i32
        %scatter3A_1011 = arith.constant 0 : i32
        %scatter3A_1012 = arith.constant 0 : i32
        %scatter3A_1013 = tpu.memref_slice %arg7[%scatter3A_1010, %scatter3A_1011, %scatter3A_1012] : memref<4x32x129xf32, #tpu.memory_space<vmem>> -> memref<1x32x129xf32, #tpu.memory_space<vmem>>
        %scatter3A_1014 = tpu.memref_squeeze %scatter3A_1013 : memref<1x32x129xf32, #tpu.memory_space<vmem>> -> memref<32x129xf32, #tpu.memory_space<vmem>>
        tpu.vector_store_idx %scatter3A_1014[%iota3A, %add3A_999], %get3A_1004 : memref<32x129xf32, #tpu.memory_space<vmem>>[vector<16xi32>, vector<16xi32>], vector<16xf32>,
        %scatter3A_1015 = arith.constant 0 : i32
        %scatter3A_1016 = arith.constant 0 : i32
        %scatter3A_1017 = arith.constant 0 : i32
        %scatter3A_1018 = tpu.memref_slice %arg7[%scatter3A_1015, %scatter3A_1016, %scatter3A_1017] : memref<4x32x129xf32, #tpu.memory_space<vmem>> -> memref<1x32x129xf32, #tpu.memory_space<vmem>>
        %scatter3A_1019 = tpu.memref_squeeze %scatter3A_1018 : memref<1x32x129xf32, #tpu.memory_space<vmem>> -> memref<32x129xf32, #tpu.memory_space<vmem>>
        tpu.vector_store_idx %scatter3A_1019[%add3A_5, %add3A_999], %get3A_1009 : memref<32x129xf32, #tpu.memory_space<vmem>>[vector<16xi32>, vector<16xi32>], vector<16xf32>,
        %add3A_1020 = arith.constant 4 : i32
        %add3A_1021 = arith.addi %mul3A_921, %add3A_1020 : i32
        %add3A_1022 = arith.constant 4 : i32
        %add3A_1023 = vector.broadcast %add3A_1022 : i32 to vector<16xi32>
        %add3A_1024 = arith.addi %broadcast_in_dim3A, %add3A_1023 : vector<16xi32>
        %get3A_1025 = arith.constant 0 : i32
        %get3A_1026 = arith.index_cast %get3A_1025 : i32 to index
        %get3A_1027 = arith.index_cast %add3A_1021 : i32 to index
        %get3A_1028 = arith.constant 0 : index
        %get3A_1029 = tpu.vector_load %arg6[%get3A_1026, %get3A_1027, %get3A_1028] {strides = array<i32>} : memref<4x128x32xf32, #tpu.memory_space<vmem>>, vector<16xf32>,
        %get3A_1030 = arith.constant 0 : i32
        %get3A_1031 = arith.index_cast %get3A_1030 : i32 to index
        %get3A_1032 = arith.index_cast %add3A_1021 : i32 to index
        %get3A_1033 = arith.constant 16 : index
        %get3A_1034 = tpu.vector_load %arg6[%get3A_1031, %get3A_1032, %get3A_1033] {strides = array<i32>} : memref<4x128x32xf32, #tpu.memory_space<vmem>>, vector<16xf32>,
        %scatter3A_1035 = arith.constant 0 : i32
        %scatter3A_1036 = arith.constant 0 : i32
        %scatter3A_1037 = arith.constant 0 : i32
        %scatter3A_1038 = tpu.memref_slice %arg7[%scatter3A_1035, %scatter3A_1036, %scatter3A_1037] : memref<4x32x129xf32, #tpu.memory_space<vmem>> -> memref<1x32x129xf32, #tpu.memory_space<vmem>>
        %scatter3A_1039 = tpu.memref_squeeze %scatter3A_1038 : memref<1x32x129xf32, #tpu.memory_space<vmem>> -> memref<32x129xf32, #tpu.memory_space<vmem>>
        tpu.vector_store_idx %scatter3A_1039[%iota3A, %add3A_1024], %get3A_1029 : memref<32x129xf32, #tpu.memory_space<vmem>>[vector<16xi32>, vector<16xi32>], vector<16xf32>,
        %scatter3A_1040 = arith.constant 0 : i32
        %scatter3A_1041 = arith.constant 0 : i32
        %scatter3A_1042 = arith.constant 0 : i32
        %scatter3A_1043 = tpu.memref_slice %arg7[%scatter3A_1040, %scatter3A_1041, %scatter3A_1042] : memref<4x32x129xf32, #tpu.memory_space<vmem>> -> memref<1x32x129xf32, #tpu.memory_space<vmem>>
        %scatter3A_1044 = tpu.memref_squeeze %scatter3A_1043 : memref<1x32x129xf32, #tpu.memory_space<vmem>> -> memref<32x129xf32, #tpu.memory_space<vmem>>
        tpu.vector_store_idx %scatter3A_1044[%add3A_5, %add3A_1024], %get3A_1034 : memref<32x129xf32, #tpu.memory_space<vmem>>[vector<16xi32>, vector<16xi32>], vector<16xf32>,
        %add3A_1045 = arith.constant 5 : i32
        %add3A_1046 = arith.addi %mul3A_921, %add3A_1045 : i32
        %add3A_1047 = arith.constant 5 : i32
        %add3A_1048 = vector.broadcast %add3A_1047 : i32 to vector<16xi32>
        %add3A_1049 = arith.addi %broadcast_in_dim3A, %add3A_1048 : vector<16xi32>
        %get3A_1050 = arith.constant 0 : i32
        %get3A_1051 = arith.index_cast %get3A_1050 : i32 to index
        %get3A_1052 = arith.index_cast %add3A_1046 : i32 to index
        %get3A_1053 = arith.constant 0 : index
        %get3A_1054 = tpu.vector_load %arg6[%get3A_1051, %get3A_1052, %get3A_1053] {strides = array<i32>} : memref<4x128x32xf32, #tpu.memory_space<vmem>>, vector<16xf32>,
        %get3A_1055 = arith.constant 0 : i32
        %get3A_1056 = arith.index_cast %get3A_1055 : i32 to index
        %get3A_1057 = arith.index_cast %add3A_1046 : i32 to index
        %get3A_1058 = arith.constant 16 : index
        %get3A_1059 = tpu.vector_load %arg6[%get3A_1056, %get3A_1057, %get3A_1058] {strides = array<i32>} : memref<4x128x32xf32, #tpu.memory_space<vmem>>, vector<16xf32>,
        %scatter3A_1060 = arith.constant 0 : i32
        %scatter3A_1061 = arith.constant 0 : i32
        %scatter3A_1062 = arith.constant 0 : i32
        %scatter3A_1063 = tpu.memref_slice %arg7[%scatter3A_1060, %scatter3A_1061, %scatter3A_1062] : memref<4x32x129xf32, #tpu.memory_space<vmem>> -> memref<1x32x129xf32, #tpu.memory_space<vmem>>
        %scatter3A_1064 = tpu.memref_squeeze %scatter3A_1063 : memref<1x32x129xf32, #tpu.memory_space<vmem>> -> memref<32x129xf32, #tpu.memory_space<vmem>>
        tpu.vector_store_idx %scatter3A_1064[%iota3A, %add3A_1049], %get3A_1054 : memref<32x129xf32, #tpu.memory_space<vmem>>[vector<16xi32>, vector<16xi32>], vector<16xf32>,
        %scatter3A_1065 = arith.constant 0 : i32
        %scatter3A_1066 = arith.constant 0 : i32
        %scatter3A_1067 = arith.constant 0 : i32
        %scatter3A_1068 = tpu.memref_slice %arg7[%scatter3A_1065, %scatter3A_1066, %scatter3A_1067] : memref<4x32x129xf32, #tpu.memory_space<vmem>> -> memref<1x32x129xf32, #tpu.memory_space<vmem>>
        %scatter3A_1069 = tpu.memref_squeeze %scatter3A_1068 : memref<1x32x129xf32, #tpu.memory_space<vmem>> -> memref<32x129xf32, #tpu.memory_space<vmem>>
        tpu.vector_store_idx %scatter3A_1069[%add3A_5, %add3A_1049], %get3A_1059 : memref<32x129xf32, #tpu.memory_space<vmem>>[vector<16xi32>, vector<16xi32>], vector<16xf32>,
        %add3A_1070 = arith.constant 6 : i32
        %add3A_1071 = arith.addi %mul3A_921, %add3A_1070 : i32
        %add3A_1072 = arith.constant 6 : i32
        %add3A_1073 = vector.broadcast %add3A_1072 : i32 to vector<16xi32>
        %add3A_1074 = arith.addi %broadcast_in_dim3A, %add3A_1073 : vector<16xi32>
        %get3A_1075 = arith.constant 0 : i32
        %get3A_1076 = arith.index_cast %get3A_1075 : i32 to index
        %get3A_1077 = arith.index_cast %add3A_1071 : i32 to index
        %get3A_1078 = arith.constant 0 : index
        %get3A_1079 = tpu.vector_load %arg6[%get3A_1076, %get3A_1077, %get3A_1078] {strides = array<i32>} : memref<4x128x32xf32, #tpu.memory_space<vmem>>, vector<16xf32>,
        %get3A_1080 = arith.constant 0 : i32
        %get3A_1081 = arith.index_cast %get3A_1080 : i32 to index
        %get3A_1082 = arith.index_cast %add3A_1071 : i32 to index
        %get3A_1083 = arith.constant 16 : index
        %get3A_1084 = tpu.vector_load %arg6[%get3A_1081, %get3A_1082, %get3A_1083] {strides = array<i32>} : memref<4x128x32xf32, #tpu.memory_space<vmem>>, vector<16xf32>,
        %scatter3A_1085 = arith.constant 0 : i32
        %scatter3A_1086 = arith.constant 0 : i32
        %scatter3A_1087 = arith.constant 0 : i32
        %scatter3A_1088 = tpu.memref_slice %arg7[%scatter3A_1085, %scatter3A_1086, %scatter3A_1087] : memref<4x32x129xf32, #tpu.memory_space<vmem>> -> memref<1x32x129xf32, #tpu.memory_space<vmem>>
        %scatter3A_1089 = tpu.memref_squeeze %scatter3A_1088 : memref<1x32x129xf32, #tpu.memory_space<vmem>> -> memref<32x129xf32, #tpu.memory_space<vmem>>
        tpu.vector_store_idx %scatter3A_1089[%iota3A, %add3A_1074], %get3A_1079 : memref<32x129xf32, #tpu.memory_space<vmem>>[vector<16xi32>, vector<16xi32>], vector<16xf32>,
        %scatter3A_1090 = arith.constant 0 : i32
        %scatter3A_1091 = arith.constant 0 : i32
        %scatter3A_1092 = arith.constant 0 : i32
        %scatter3A_1093 = tpu.memref_slice %arg7[%scatter3A_1090, %scatter3A_1091, %scatter3A_1092] : memref<4x32x129xf32, #tpu.memory_space<vmem>> -> memref<1x32x129xf32, #tpu.memory_space<vmem>>
        %scatter3A_1094 = tpu.memref_squeeze %scatter3A_1093 : memref<1x32x129xf32, #tpu.memory_space<vmem>> -> memref<32x129xf32, #tpu.memory_space<vmem>>
        tpu.vector_store_idx %scatter3A_1094[%add3A_5, %add3A_1074], %get3A_1084 : memref<32x129xf32, #tpu.memory_space<vmem>>[vector<16xi32>, vector<16xi32>], vector<16xf32>,
        %add3A_1095 = arith.constant 7 : i32
        %add3A_1096 = arith.addi %mul3A_921, %add3A_1095 : i32
        %add3A_1097 = arith.constant 7 : i32
        %add3A_1098 = vector.broadcast %add3A_1097 : i32 to vector<16xi32>
        %add3A_1099 = arith.addi %broadcast_in_dim3A, %add3A_1098 : vector<16xi32>
        %get3A_1100 = arith.constant 0 : i32
        %get3A_1101 = arith.index_cast %get3A_1100 : i32 to index
        %get3A_1102 = arith.index_cast %add3A_1096 : i32 to index
        %get3A_1103 = arith.constant 0 : index
        %get3A_1104 = tpu.vector_load %arg6[%get3A_1101, %get3A_1102, %get3A_1103] {strides = array<i32>} : memref<4x128x32xf32, #tpu.memory_space<vmem>>, vector<16xf32>,
        %get3A_1105 = arith.constant 0 : i32
        %get3A_1106 = arith.index_cast %get3A_1105 : i32 to index
        %get3A_1107 = arith.index_cast %add3A_1096 : i32 to index
        %get3A_1108 = arith.constant 16 : index
        %get3A_1109 = tpu.vector_load %arg6[%get3A_1106, %get3A_1107, %get3A_1108] {strides = array<i32>} : memref<4x128x32xf32, #tpu.memory_space<vmem>>, vector<16xf32>,
        %scatter3A_1110 = arith.constant 0 : i32
        %scatter3A_1111 = arith.constant 0 : i32
        %scatter3A_1112 = arith.constant 0 : i32
        %scatter3A_1113 = tpu.memref_slice %arg7[%scatter3A_1110, %scatter3A_1111, %scatter3A_1112] : memref<4x32x129xf32, #tpu.memory_space<vmem>> -> memref<1x32x129xf32, #tpu.memory_space<vmem>>
        %scatter3A_1114 = tpu.memref_squeeze %scatter3A_1113 : memref<1x32x129xf32, #tpu.memory_space<vmem>> -> memref<32x129xf32, #tpu.memory_space<vmem>>
        tpu.vector_store_idx %scatter3A_1114[%iota3A, %add3A_1099], %get3A_1104 : memref<32x129xf32, #tpu.memory_space<vmem>>[vector<16xi32>, vector<16xi32>], vector<16xf32>,
        %scatter3A_1115 = arith.constant 0 : i32
        %scatter3A_1116 = arith.constant 0 : i32
        %scatter3A_1117 = arith.constant 0 : i32
        %scatter3A_1118 = tpu.memref_slice %arg7[%scatter3A_1115, %scatter3A_1116, %scatter3A_1117] : memref<4x32x129xf32, #tpu.memory_space<vmem>> -> memref<1x32x129xf32, #tpu.memory_space<vmem>>
        %scatter3A_1119 = tpu.memref_squeeze %scatter3A_1118 : memref<1x32x129xf32, #tpu.memory_space<vmem>> -> memref<32x129xf32, #tpu.memory_space<vmem>>
        tpu.vector_store_idx %scatter3A_1119[%add3A_5, %add3A_1099], %get3A_1109 : memref<32x129xf32, #tpu.memory_space<vmem>>[vector<16xi32>, vector<16xi32>], vector<16xf32>,
        %add3A_1120 = arith.constant 8 : i32
        %add3A_1121 = arith.addi %mul3A_921, %add3A_1120 : i32
        %add3A_1122 = arith.constant 8 : i32
        %add3A_1123 = vector.broadcast %add3A_1122 : i32 to vector<16xi32>
        %add3A_1124 = arith.addi %broadcast_in_dim3A, %add3A_1123 : vector<16xi32>
        %get3A_1125 = arith.constant 0 : i32
        %get3A_1126 = arith.index_cast %get3A_1125 : i32 to index
        %get3A_1127 = arith.index_cast %add3A_1121 : i32 to index
        %get3A_1128 = arith.constant 0 : index
        %get3A_1129 = tpu.vector_load %arg6[%get3A_1126, %get3A_1127, %get3A_1128] {strides = array<i32>} : memref<4x128x32xf32, #tpu.memory_space<vmem>>, vector<16xf32>,
        %get3A_1130 = arith.constant 0 : i32
        %get3A_1131 = arith.index_cast %get3A_1130 : i32 to index
        %get3A_1132 = arith.index_cast %add3A_1121 : i32 to index
        %get3A_1133 = arith.constant 16 : index
        %get3A_1134 = tpu.vector_load %arg6[%get3A_1131, %get3A_1132, %get3A_1133] {strides = array<i32>} : memref<4x128x32xf32, #tpu.memory_space<vmem>>, vector<16xf32>,
        %scatter3A_1135 = arith.constant 0 : i32
        %scatter3A_1136 = arith.constant 0 : i32
        %scatter3A_1137 = arith.constant 0 : i32
        %scatter3A_1138 = tpu.memref_slice %arg7[%scatter3A_1135, %scatter3A_1136, %scatter3A_1137] : memref<4x32x129xf32, #tpu.memory_space<vmem>> -> memref<1x32x129xf32, #tpu.memory_space<vmem>>
        %scatter3A_1139 = tpu.memref_squeeze %scatter3A_1138 : memref<1x32x129xf32, #tpu.memory_space<vmem>> -> memref<32x129xf32, #tpu.memory_space<vmem>>
        tpu.vector_store_idx %scatter3A_1139[%iota3A, %add3A_1124], %get3A_1129 : memref<32x129xf32, #tpu.memory_space<vmem>>[vector<16xi32>, vector<16xi32>], vector<16xf32>,
        %scatter3A_1140 = arith.constant 0 : i32
        %scatter3A_1141 = arith.constant 0 : i32
        %scatter3A_1142 = arith.constant 0 : i32
        %scatter3A_1143 = tpu.memref_slice %arg7[%scatter3A_1140, %scatter3A_1141, %scatter3A_1142] : memref<4x32x129xf32, #tpu.memory_space<vmem>> -> memref<1x32x129xf32, #tpu.memory_space<vmem>>
        %scatter3A_1144 = tpu.memref_squeeze %scatter3A_1143 : memref<1x32x129xf32, #tpu.memory_space<vmem>> -> memref<32x129xf32, #tpu.memory_space<vmem>>
        tpu.vector_store_idx %scatter3A_1144[%add3A_5, %add3A_1124], %get3A_1134 : memref<32x129xf32, #tpu.memory_space<vmem>>[vector<16xi32>, vector<16xi32>], vector<16xf32>,
        %add3A_1145 = arith.constant 9 : i32
        %add3A_1146 = arith.addi %mul3A_921, %add3A_1145 : i32
        %add3A_1147 = arith.constant 9 : i32
        %add3A_1148 = vector.broadcast %add3A_1147 : i32 to vector<16xi32>
        %add3A_1149 = arith.addi %broadcast_in_dim3A, %add3A_1148 : vector<16xi32>
        %get3A_1150 = arith.constant 0 : i32
        %get3A_1151 = arith.index_cast %get3A_1150 : i32 to index
        %get3A_1152 = arith.index_cast %add3A_1146 : i32 to index
        %get3A_1153 = arith.constant 0 : index
        %get3A_1154 = tpu.vector_load %arg6[%get3A_1151, %get3A_1152, %get3A_1153] {strides = array<i32>} : memref<4x128x32xf32, #tpu.memory_space<vmem>>, vector<16xf32>,
        %get3A_1155 = arith.constant 0 : i32
        %get3A_1156 = arith.index_cast %get3A_1155 : i32 to index
        %get3A_1157 = arith.index_cast %add3A_1146 : i32 to index
        %get3A_1158 = arith.constant 16 : index
        %get3A_1159 = tpu.vector_load %arg6[%get3A_1156, %get3A_1157, %get3A_1158] {strides = array<i32>} : memref<4x128x32xf32, #tpu.memory_space<vmem>>, vector<16xf32>,
        %scatter3A_1160 = arith.constant 0 : i32
        %scatter3A_1161 = arith.constant 0 : i32
        %scatter3A_1162 = arith.constant 0 : i32
        %scatter3A_1163 = tpu.memref_slice %arg7[%scatter3A_1160, %scatter3A_1161, %scatter3A_1162] : memref<4x32x129xf32, #tpu.memory_space<vmem>> -> memref<1x32x129xf32, #tpu.memory_space<vmem>>
        %scatter3A_1164 = tpu.memref_squeeze %scatter3A_1163 : memref<1x32x129xf32, #tpu.memory_space<vmem>> -> memref<32x129xf32, #tpu.memory_space<vmem>>
        tpu.vector_store_idx %scatter3A_1164[%iota3A, %add3A_1149], %get3A_1154 : memref<32x129xf32, #tpu.memory_space<vmem>>[vector<16xi32>, vector<16xi32>], vector<16xf32>,
        %scatter3A_1165 = arith.constant 0 : i32
        %scatter3A_1166 = arith.constant 0 : i32
        %scatter3A_1167 = arith.constant 0 : i32
        %scatter3A_1168 = tpu.memref_slice %arg7[%scatter3A_1165, %scatter3A_1166, %scatter3A_1167] : memref<4x32x129xf32, #tpu.memory_space<vmem>> -> memref<1x32x129xf32, #tpu.memory_space<vmem>>
        %scatter3A_1169 = tpu.memref_squeeze %scatter3A_1168 : memref<1x32x129xf32, #tpu.memory_space<vmem>> -> memref<32x129xf32, #tpu.memory_space<vmem>>
        tpu.vector_store_idx %scatter3A_1169[%add3A_5, %add3A_1149], %get3A_1159 : memref<32x129xf32, #tpu.memory_space<vmem>>[vector<16xi32>, vector<16xi32>], vector<16xf32>,
        %add3A_1170 = arith.constant 10 : i32
        %add3A_1171 = arith.addi %mul3A_921, %add3A_1170 : i32
        %add3A_1172 = arith.constant 10 : i32
        %add3A_1173 = vector.broadcast %add3A_1172 : i32 to vector<16xi32>
        %add3A_1174 = arith.addi %broadcast_in_dim3A, %add3A_1173 : vector<16xi32>
        %get3A_1175 = arith.constant 0 : i32
        %get3A_1176 = arith.index_cast %get3A_1175 : i32 to index
        %get3A_1177 = arith.index_cast %add3A_1171 : i32 to index
        %get3A_1178 = arith.constant 0 : index
        %get3A_1179 = tpu.vector_load %arg6[%get3A_1176, %get3A_1177, %get3A_1178] {strides = array<i32>} : memref<4x128x32xf32, #tpu.memory_space<vmem>>, vector<16xf32>,
        %get3A_1180 = arith.constant 0 : i32
        %get3A_1181 = arith.index_cast %get3A_1180 : i32 to index
        %get3A_1182 = arith.index_cast %add3A_1171 : i32 to index
        %get3A_1183 = arith.constant 16 : index
        %get3A_1184 = tpu.vector_load %arg6[%get3A_1181, %get3A_1182, %get3A_1183] {strides = array<i32>} : memref<4x128x32xf32, #tpu.memory_space<vmem>>, vector<16xf32>,
        %scatter3A_1185 = arith.constant 0 : i32
        %scatter3A_1186 = arith.constant 0 : i32
        %scatter3A_1187 = arith.constant 0 : i32
        %scatter3A_1188 = tpu.memref_slice %arg7[%scatter3A_1185, %scatter3A_1186, %scatter3A_1187] : memref<4x32x129xf32, #tpu.memory_space<vmem>> -> memref<1x32x129xf32, #tpu.memory_space<vmem>>
        %scatter3A_1189 = tpu.memref_squeeze %scatter3A_1188 : memref<1x32x129xf32, #tpu.memory_space<vmem>> -> memref<32x129xf32, #tpu.memory_space<vmem>>
        tpu.vector_store_idx %scatter3A_1189[%iota3A, %add3A_1174], %get3A_1179 : memref<32x129xf32, #tpu.memory_space<vmem>>[vector<16xi32>, vector<16xi32>], vector<16xf32>,
        %scatter3A_1190 = arith.constant 0 : i32
        %scatter3A_1191 = arith.constant 0 : i32
        %scatter3A_1192 = arith.constant 0 : i32
        %scatter3A_1193 = tpu.memref_slice %arg7[%scatter3A_1190, %scatter3A_1191, %scatter3A_1192] : memref<4x32x129xf32, #tpu.memory_space<vmem>> -> memref<1x32x129xf32, #tpu.memory_space<vmem>>
        %scatter3A_1194 = tpu.memref_squeeze %scatter3A_1193 : memref<1x32x129xf32, #tpu.memory_space<vmem>> -> memref<32x129xf32, #tpu.memory_space<vmem>>
        tpu.vector_store_idx %scatter3A_1194[%add3A_5, %add3A_1174], %get3A_1184 : memref<32x129xf32, #tpu.memory_space<vmem>>[vector<16xi32>, vector<16xi32>], vector<16xf32>,
        %add3A_1195 = arith.constant 11 : i32
        %add3A_1196 = arith.addi %mul3A_921, %add3A_1195 : i32
        %add3A_1197 = arith.constant 11 : i32
        %add3A_1198 = vector.broadcast %add3A_1197 : i32 to vector<16xi32>
        %add3A_1199 = arith.addi %broadcast_in_dim3A, %add3A_1198 : vector<16xi32>
        %get3A_1200 = arith.constant 0 : i32
        %get3A_1201 = arith.index_cast %get3A_1200 : i32 to index
        %get3A_1202 = arith.index_cast %add3A_1196 : i32 to index
        %get3A_1203 = arith.constant 0 : index
        %get3A_1204 = tpu.vector_load %arg6[%get3A_1201, %get3A_1202, %get3A_1203] {strides = array<i32>} : memref<4x128x32xf32, #tpu.memory_space<vmem>>, vector<16xf32>,
        %get3A_1205 = arith.constant 0 : i32
        %get3A_1206 = arith.index_cast %get3A_1205 : i32 to index
        %get3A_1207 = arith.index_cast %add3A_1196 : i32 to index
        %get3A_1208 = arith.constant 16 : index
        %get3A_1209 = tpu.vector_load %arg6[%get3A_1206, %get3A_1207, %get3A_1208] {strides = array<i32>} : memref<4x128x32xf32, #tpu.memory_space<vmem>>, vector<16xf32>,
        %scatter3A_1210 = arith.constant 0 : i32
        %scatter3A_1211 = arith.constant 0 : i32
        %scatter3A_1212 = arith.constant 0 : i32
        %scatter3A_1213 = tpu.memref_slice %arg7[%scatter3A_1210, %scatter3A_1211, %scatter3A_1212] : memref<4x32x129xf32, #tpu.memory_space<vmem>> -> memref<1x32x129xf32, #tpu.memory_space<vmem>>
        %scatter3A_1214 = tpu.memref_squeeze %scatter3A_1213 : memref<1x32x129xf32, #tpu.memory_space<vmem>> -> memref<32x129xf32, #tpu.memory_space<vmem>>
        tpu.vector_store_idx %scatter3A_1214[%iota3A, %add3A_1199], %get3A_1204 : memref<32x129xf32, #tpu.memory_space<vmem>>[vector<16xi32>, vector<16xi32>], vector<16xf32>,
        %scatter3A_1215 = arith.constant 0 : i32
        %scatter3A_1216 = arith.constant 0 : i32
        %scatter3A_1217 = arith.constant 0 : i32
        %scatter3A_1218 = tpu.memref_slice %arg7[%scatter3A_1215, %scatter3A_1216, %scatter3A_1217] : memref<4x32x129xf32, #tpu.memory_space<vmem>> -> memref<1x32x129xf32, #tpu.memory_space<vmem>>
        %scatter3A_1219 = tpu.memref_squeeze %scatter3A_1218 : memref<1x32x129xf32, #tpu.memory_space<vmem>> -> memref<32x129xf32, #tpu.memory_space<vmem>>
        tpu.vector_store_idx %scatter3A_1219[%add3A_5, %add3A_1199], %get3A_1209 : memref<32x129xf32, #tpu.memory_space<vmem>>[vector<16xi32>, vector<16xi32>], vector<16xf32>,
        %add3A_1220 = arith.constant 12 : i32
        %add3A_1221 = arith.addi %mul3A_921, %add3A_1220 : i32
        %add3A_1222 = arith.constant 12 : i32
        %add3A_1223 = vector.broadcast %add3A_1222 : i32 to vector<16xi32>
        %add3A_1224 = arith.addi %broadcast_in_dim3A, %add3A_1223 : vector<16xi32>
        %get3A_1225 = arith.constant 0 : i32
        %get3A_1226 = arith.index_cast %get3A_1225 : i32 to index
        %get3A_1227 = arith.index_cast %add3A_1221 : i32 to index
        %get3A_1228 = arith.constant 0 : index
        %get3A_1229 = tpu.vector_load %arg6[%get3A_1226, %get3A_1227, %get3A_1228] {strides = array<i32>} : memref<4x128x32xf32, #tpu.memory_space<vmem>>, vector<16xf32>,
        %get3A_1230 = arith.constant 0 : i32
        %get3A_1231 = arith.index_cast %get3A_1230 : i32 to index
        %get3A_1232 = arith.index_cast %add3A_1221 : i32 to index
        %get3A_1233 = arith.constant 16 : index
        %get3A_1234 = tpu.vector_load %arg6[%get3A_1231, %get3A_1232, %get3A_1233] {strides = array<i32>} : memref<4x128x32xf32, #tpu.memory_space<vmem>>, vector<16xf32>,
        %scatter3A_1235 = arith.constant 0 : i32
        %scatter3A_1236 = arith.constant 0 : i32
        %scatter3A_1237 = arith.constant 0 : i32
        %scatter3A_1238 = tpu.memref_slice %arg7[%scatter3A_1235, %scatter3A_1236, %scatter3A_1237] : memref<4x32x129xf32, #tpu.memory_space<vmem>> -> memref<1x32x129xf32, #tpu.memory_space<vmem>>
        %scatter3A_1239 = tpu.memref_squeeze %scatter3A_1238 : memref<1x32x129xf32, #tpu.memory_space<vmem>> -> memref<32x129xf32, #tpu.memory_space<vmem>>
        tpu.vector_store_idx %scatter3A_1239[%iota3A, %add3A_1224], %get3A_1229 : memref<32x129xf32, #tpu.memory_space<vmem>>[vector<16xi32>, vector<16xi32>], vector<16xf32>,
        %scatter3A_1240 = arith.constant 0 : i32
        %scatter3A_1241 = arith.constant 0 : i32
        %scatter3A_1242 = arith.constant 0 : i32
        %scatter3A_1243 = tpu.memref_slice %arg7[%scatter3A_1240, %scatter3A_1241, %scatter3A_1242] : memref<4x32x129xf32, #tpu.memory_space<vmem>> -> memref<1x32x129xf32, #tpu.memory_space<vmem>>
        %scatter3A_1244 = tpu.memref_squeeze %scatter3A_1243 : memref<1x32x129xf32, #tpu.memory_space<vmem>> -> memref<32x129xf32, #tpu.memory_space<vmem>>
        tpu.vector_store_idx %scatter3A_1244[%add3A_5, %add3A_1224], %get3A_1234 : memref<32x129xf32, #tpu.memory_space<vmem>>[vector<16xi32>, vector<16xi32>], vector<16xf32>,
        %add3A_1245 = arith.constant 13 : i32
        %add3A_1246 = arith.addi %mul3A_921, %add3A_1245 : i32
        %add3A_1247 = arith.constant 13 : i32
        %add3A_1248 = vector.broadcast %add3A_1247 : i32 to vector<16xi32>
        %add3A_1249 = arith.addi %broadcast_in_dim3A, %add3A_1248 : vector<16xi32>
        %get3A_1250 = arith.constant 0 : i32
        %get3A_1251 = arith.index_cast %get3A_1250 : i32 to index
        %get3A_1252 = arith.index_cast %add3A_1246 : i32 to index
        %get3A_1253 = arith.constant 0 : index
        %get3A_1254 = tpu.vector_load %arg6[%get3A_1251, %get3A_1252, %get3A_1253] {strides = array<i32>} : memref<4x128x32xf32, #tpu.memory_space<vmem>>, vector<16xf32>,
        %get3A_1255 = arith.constant 0 : i32
        %get3A_1256 = arith.index_cast %get3A_1255 : i32 to index
        %get3A_1257 = arith.index_cast %add3A_1246 : i32 to index
        %get3A_1258 = arith.constant 16 : index
        %get3A_1259 = tpu.vector_load %arg6[%get3A_1256, %get3A_1257, %get3A_1258] {strides = array<i32>} : memref<4x128x32xf32, #tpu.memory_space<vmem>>, vector<16xf32>,
        %scatter3A_1260 = arith.constant 0 : i32
        %scatter3A_1261 = arith.constant 0 : i32
        %scatter3A_1262 = arith.constant 0 : i32
        %scatter3A_1263 = tpu.memref_slice %arg7[%scatter3A_1260, %scatter3A_1261, %scatter3A_1262] : memref<4x32x129xf32, #tpu.memory_space<vmem>> -> memref<1x32x129xf32, #tpu.memory_space<vmem>>
        %scatter3A_1264 = tpu.memref_squeeze %scatter3A_1263 : memref<1x32x129xf32, #tpu.memory_space<vmem>> -> memref<32x129xf32, #tpu.memory_space<vmem>>
        tpu.vector_store_idx %scatter3A_1264[%iota3A, %add3A_1249], %get3A_1254 : memref<32x129xf32, #tpu.memory_space<vmem>>[vector<16xi32>, vector<16xi32>], vector<16xf32>,
        %scatter3A_1265 = arith.constant 0 : i32
        %scatter3A_1266 = arith.constant 0 : i32
        %scatter3A_1267 = arith.constant 0 : i32
        %scatter3A_1268 = tpu.memref_slice %arg7[%scatter3A_1265, %scatter3A_1266, %scatter3A_1267] : memref<4x32x129xf32, #tpu.memory_space<vmem>> -> memref<1x32x129xf32, #tpu.memory_space<vmem>>
        %scatter3A_1269 = tpu.memref_squeeze %scatter3A_1268 : memref<1x32x129xf32, #tpu.memory_space<vmem>> -> memref<32x129xf32, #tpu.memory_space<vmem>>
        tpu.vector_store_idx %scatter3A_1269[%add3A_5, %add3A_1249], %get3A_1259 : memref<32x129xf32, #tpu.memory_space<vmem>>[vector<16xi32>, vector<16xi32>], vector<16xf32>,
        %add3A_1270 = arith.constant 14 : i32
        %add3A_1271 = arith.addi %mul3A_921, %add3A_1270 : i32
        %add3A_1272 = arith.constant 14 : i32
        %add3A_1273 = vector.broadcast %add3A_1272 : i32 to vector<16xi32>
        %add3A_1274 = arith.addi %broadcast_in_dim3A, %add3A_1273 : vector<16xi32>
        %get3A_1275 = arith.constant 0 : i32
        %get3A_1276 = arith.index_cast %get3A_1275 : i32 to index
        %get3A_1277 = arith.index_cast %add3A_1271 : i32 to index
        %get3A_1278 = arith.constant 0 : index
        %get3A_1279 = tpu.vector_load %arg6[%get3A_1276, %get3A_1277, %get3A_1278] {strides = array<i32>} : memref<4x128x32xf32, #tpu.memory_space<vmem>>, vector<16xf32>,
        %get3A_1280 = arith.constant 0 : i32
        %get3A_1281 = arith.index_cast %get3A_1280 : i32 to index
        %get3A_1282 = arith.index_cast %add3A_1271 : i32 to index
        %get3A_1283 = arith.constant 16 : index
        %get3A_1284 = tpu.vector_load %arg6[%get3A_1281, %get3A_1282, %get3A_1283] {strides = array<i32>} : memref<4x128x32xf32, #tpu.memory_space<vmem>>, vector<16xf32>,
        %scatter3A_1285 = arith.constant 0 : i32
        %scatter3A_1286 = arith.constant 0 : i32
        %scatter3A_1287 = arith.constant 0 : i32
        %scatter3A_1288 = tpu.memref_slice %arg7[%scatter3A_1285, %scatter3A_1286, %scatter3A_1287] : memref<4x32x129xf32, #tpu.memory_space<vmem>> -> memref<1x32x129xf32, #tpu.memory_space<vmem>>
        %scatter3A_1289 = tpu.memref_squeeze %scatter3A_1288 : memref<1x32x129xf32, #tpu.memory_space<vmem>> -> memref<32x129xf32, #tpu.memory_space<vmem>>
        tpu.vector_store_idx %scatter3A_1289[%iota3A, %add3A_1274], %get3A_1279 : memref<32x129xf32, #tpu.memory_space<vmem>>[vector<16xi32>, vector<16xi32>], vector<16xf32>,
        %scatter3A_1290 = arith.constant 0 : i32
        %scatter3A_1291 = arith.constant 0 : i32
        %scatter3A_1292 = arith.constant 0 : i32
        %scatter3A_1293 = tpu.memref_slice %arg7[%scatter3A_1290, %scatter3A_1291, %scatter3A_1292] : memref<4x32x129xf32, #tpu.memory_space<vmem>> -> memref<1x32x129xf32, #tpu.memory_space<vmem>>
        %scatter3A_1294 = tpu.memref_squeeze %scatter3A_1293 : memref<1x32x129xf32, #tpu.memory_space<vmem>> -> memref<32x129xf32, #tpu.memory_space<vmem>>
        tpu.vector_store_idx %scatter3A_1294[%add3A_5, %add3A_1274], %get3A_1284 : memref<32x129xf32, #tpu.memory_space<vmem>>[vector<16xi32>, vector<16xi32>], vector<16xf32>,
        %add3A_1295 = arith.constant 15 : i32
        %add3A_1296 = arith.addi %mul3A_921, %add3A_1295 : i32
        %add3A_1297 = arith.constant 15 : i32
        %add3A_1298 = vector.broadcast %add3A_1297 : i32 to vector<16xi32>
        %add3A_1299 = arith.addi %broadcast_in_dim3A, %add3A_1298 : vector<16xi32>
        %get3A_1300 = arith.constant 0 : i32
        %get3A_1301 = arith.index_cast %get3A_1300 : i32 to index
        %get3A_1302 = arith.index_cast %add3A_1296 : i32 to index
        %get3A_1303 = arith.constant 0 : index
        %get3A_1304 = tpu.vector_load %arg6[%get3A_1301, %get3A_1302, %get3A_1303] {strides = array<i32>} : memref<4x128x32xf32, #tpu.memory_space<vmem>>, vector<16xf32>,
        %get3A_1305 = arith.constant 0 : i32
        %get3A_1306 = arith.index_cast %get3A_1305 : i32 to index
        %get3A_1307 = arith.index_cast %add3A_1296 : i32 to index
        %get3A_1308 = arith.constant 16 : index
        %get3A_1309 = tpu.vector_load %arg6[%get3A_1306, %get3A_1307, %get3A_1308] {strides = array<i32>} : memref<4x128x32xf32, #tpu.memory_space<vmem>>, vector<16xf32>,
        %scatter3A_1310 = arith.constant 0 : i32
        %scatter3A_1311 = arith.constant 0 : i32
        %scatter3A_1312 = arith.constant 0 : i32
        %scatter3A_1313 = tpu.memref_slice %arg7[%scatter3A_1310, %scatter3A_1311, %scatter3A_1312] : memref<4x32x129xf32, #tpu.memory_space<vmem>> -> memref<1x32x129xf32, #tpu.memory_space<vmem>>
        %scatter3A_1314 = tpu.memref_squeeze %scatter3A_1313 : memref<1x32x129xf32, #tpu.memory_space<vmem>> -> memref<32x129xf32, #tpu.memory_space<vmem>>
        tpu.vector_store_idx %scatter3A_1314[%iota3A, %add3A_1299], %get3A_1304 : memref<32x129xf32, #tpu.memory_space<vmem>>[vector<16xi32>, vector<16xi32>], vector<16xf32>,
        %scatter3A_1315 = arith.constant 0 : i32
        %scatter3A_1316 = arith.constant 0 : i32
        %scatter3A_1317 = arith.constant 0 : i32
        %scatter3A_1318 = tpu.memref_slice %arg7[%scatter3A_1315, %scatter3A_1316, %scatter3A_1317] : memref<4x32x129xf32, #tpu.memory_space<vmem>> -> memref<1x32x129xf32, #tpu.memory_space<vmem>>
        %scatter3A_1319 = tpu.memref_squeeze %scatter3A_1318 : memref<1x32x129xf32, #tpu.memory_space<vmem>> -> memref<32x129xf32, #tpu.memory_space<vmem>>
        tpu.vector_store_idx %scatter3A_1319[%add3A_5, %add3A_1299], %get3A_1309 : memref<32x129xf32, #tpu.memory_space<vmem>>[vector<16xi32>, vector<16xi32>], vector<16xf32>,
      }
      %scan3A_452 = arith.constant 8 : i32
      %dma_start3A_453 = arith.constant 0 : i32
      %dma_start3A_454 = arith.constant 0 : i32
      %dma_start3A_455 = arith.constant 0 : i32
      %dma_start3A_456 = arith.constant 0 : i32
      %dma_start3A_457 = arith.constant 0 : i32
      %dma_start3A_458 = tpu.memref_slice %arg7[%dma_start3A_453, %dma_start3A_456, %dma_start3A_457] : memref<4x32x129xf32, #tpu.memory_space<vmem>> -> memref<1x8x128xf32, #tpu.memory_space<vmem>>
      %dma_start3A_459 = tpu.memref_squeeze %dma_start3A_458 : memref<1x8x128xf32, #tpu.memory_space<vmem>> -> memref<8x128xf32, #tpu.memory_space<vmem>>
      %dma_start3A_460 = arith.constant 0 : i32
      %dma_start3A_461 = arith.constant 0 : i32
      %dma_start3A_462 = tpu.memref_slice %arg4[%add3A_426, %dma_start3A_454, %add3A, %dma_start3A_460, %dma_start3A_461] : memref<200x4x32x8x128xf32, #tpu.memory_space<hbm>> -> memref<1x1x1x8x128xf32, #tpu.memory_space<hbm>>
      %dma_start3A_463 = tpu.memref_squeeze %dma_start3A_462 : memref<1x1x1x8x128xf32, #tpu.memory_space<hbm>> -> memref<8x128xf32, #tpu.memory_space<hbm>>
      %dma_start3A_464 = tpu.memref_slice %arg9[%dma_start3A_455] : memref<4x!tpu.dma_semaphore, #tpu.memory_space<semaphore_mem>> -> memref<1x!tpu.dma_semaphore, #tpu.memory_space<semaphore_mem>>
      %dma_start3A_465 = tpu.memref_squeeze %dma_start3A_464 : memref<1x!tpu.dma_semaphore, #tpu.memory_space<semaphore_mem>> -> memref<!tpu.dma_semaphore, #tpu.memory_space<semaphore_mem>>
      %dma_start3A_466 = arith.constant 0 : i32
      %dma_start3A_467 = arith.constant 0 : i32
      %dma_start3A_468 = tpu.memref_slice %arg4[%add3A_426, %dma_start3A_454, %add3A, %dma_start3A_466, %dma_start3A_467] : memref<200x4x32x8x128xf32, #tpu.memory_space<hbm>> -> memref<1x1x1x8x128xf32, #tpu.memory_space<hbm>>
      %dma_start3A_469 = tpu.memref_squeeze %dma_start3A_468 : memref<1x1x1x8x128xf32, #tpu.memory_space<hbm>> -> memref<8x128xf32, #tpu.memory_space<hbm>>
      %dma_start3A_470 = arith.constant 0 : i32
      %dma_start3A_471 = arith.constant 0 : i32
      %dma_start3A_472 = tpu.memref_slice %arg7[%dma_start3A_453, %dma_start3A_470, %dma_start3A_471] : memref<4x32x129xf32, #tpu.memory_space<vmem>> -> memref<1x8x128xf32, #tpu.memory_space<vmem>>
      %dma_start3A_473 = tpu.memref_squeeze %dma_start3A_472 : memref<1x8x128xf32, #tpu.memory_space<vmem>> -> memref<8x128xf32, #tpu.memory_space<vmem>>
      tpu.enqueue_dma source(%dma_start3A_473 : memref<8x128xf32, #tpu.memory_space<vmem>>) target(%dma_start3A_469 : memref<8x128xf32, #tpu.memory_space<hbm>>) target_semaphore(%dma_start3A_465 : memref<!tpu.dma_semaphore, #tpu.memory_space<semaphore_mem>>)
      %dma_start3A_474 = arith.constant 0 : i32
      %dma_start3A_475 = arith.constant 1 : i32
      %dma_start3A_476 = arith.constant 0 : i32
      %dma_start3A_477 = arith.constant 8 : i32
      %dma_start3A_478 = arith.constant 0 : i32
      %dma_start3A_479 = tpu.memref_slice %arg7[%dma_start3A_474, %dma_start3A_477, %dma_start3A_478] : memref<4x32x129xf32, #tpu.memory_space<vmem>> -> memref<1x8x128xf32, #tpu.memory_space<vmem>>
      %dma_start3A_480 = tpu.memref_squeeze %dma_start3A_479 : memref<1x8x128xf32, #tpu.memory_space<vmem>> -> memref<8x128xf32, #tpu.memory_space<vmem>>
      %dma_start3A_481 = arith.constant 0 : i32
      %dma_start3A_482 = arith.constant 0 : i32
      %dma_start3A_483 = tpu.memref_slice %arg4[%add3A_426, %dma_start3A_475, %add3A, %dma_start3A_481, %dma_start3A_482] : memref<200x4x32x8x128xf32, #tpu.memory_space<hbm>> -> memref<1x1x1x8x128xf32, #tpu.memory_space<hbm>>
      %dma_start3A_484 = tpu.memref_squeeze %dma_start3A_483 : memref<1x1x1x8x128xf32, #tpu.memory_space<hbm>> -> memref<8x128xf32, #tpu.memory_space<hbm>>
      %dma_start3A_485 = tpu.memref_slice %arg9[%dma_start3A_476] : memref<4x!tpu.dma_semaphore, #tpu.memory_space<semaphore_mem>> -> memref<1x!tpu.dma_semaphore, #tpu.memory_space<semaphore_mem>>
      %dma_start3A_486 = tpu.memref_squeeze %dma_start3A_485 : memref<1x!tpu.dma_semaphore, #tpu.memory_space<semaphore_mem>> -> memref<!tpu.dma_semaphore, #tpu.memory_space<semaphore_mem>>
      %dma_start3A_487 = arith.constant 0 : i32
      %dma_start3A_488 = arith.constant 0 : i32
      %dma_start3A_489 = tpu.memref_slice %arg4[%add3A_426, %dma_start3A_475, %add3A, %dma_start3A_487, %dma_start3A_488] : memref<200x4x32x8x128xf32, #tpu.memory_space<hbm>> -> memref<1x1x1x8x128xf32, #tpu.memory_space<hbm>>
      %dma_start3A_490 = tpu.memref_squeeze %dma_start3A_489 : memref<1x1x1x8x128xf32, #tpu.memory_space<hbm>> -> memref<8x128xf32, #tpu.memory_space<hbm>>
      %dma_start3A_491 = arith.constant 8 : i32
      %dma_start3A_492 = arith.constant 0 : i32
      %dma_start3A_493 = tpu.memref_slice %arg7[%dma_start3A_474, %dma_start3A_491, %dma_start3A_492] : memref<4x32x129xf32, #tpu.memory_space<vmem>> -> memref<1x8x128xf32, #tpu.memory_space<vmem>>
      %dma_start3A_494 = tpu.memref_squeeze %dma_start3A_493 : memref<1x8x128xf32, #tpu.memory_space<vmem>> -> memref<8x128xf32, #tpu.memory_space<vmem>>
      tpu.enqueue_dma source(%dma_start3A_494 : memref<8x128xf32, #tpu.memory_space<vmem>>) target(%dma_start3A_490 : memref<8x128xf32, #tpu.memory_space<hbm>>) target_semaphore(%dma_start3A_486 : memref<!tpu.dma_semaphore, #tpu.memory_space<semaphore_mem>>)
      %dma_start3A_495 = arith.constant 0 : i32
      %dma_start3A_496 = arith.constant 2 : i32
      %dma_start3A_497 = arith.constant 0 : i32
      %dma_start3A_498 = arith.constant 16 : i32
      %dma_start3A_499 = arith.constant 0 : i32
      %dma_start3A_500 = tpu.memref_slice %arg7[%dma_start3A_495, %dma_start3A_498, %dma_start3A_499] : memref<4x32x129xf32, #tpu.memory_space<vmem>> -> memref<1x8x128xf32, #tpu.memory_space<vmem>>
      %dma_start3A_501 = tpu.memref_squeeze %dma_start3A_500 : memref<1x8x128xf32, #tpu.memory_space<vmem>> -> memref<8x128xf32, #tpu.memory_space<vmem>>
      %dma_start3A_502 = arith.constant 0 : i32
      %dma_start3A_503 = arith.constant 0 : i32
      %dma_start3A_504 = tpu.memref_slice %arg4[%add3A_426, %dma_start3A_496, %add3A, %dma_start3A_502, %dma_start3A_503] : memref<200x4x32x8x128xf32, #tpu.memory_space<hbm>> -> memref<1x1x1x8x128xf32, #tpu.memory_space<hbm>>
      %dma_start3A_505 = tpu.memref_squeeze %dma_start3A_504 : memref<1x1x1x8x128xf32, #tpu.memory_space<hbm>> -> memref<8x128xf32, #tpu.memory_space<hbm>>
      %dma_start3A_506 = tpu.memref_slice %arg9[%dma_start3A_497] : memref<4x!tpu.dma_semaphore, #tpu.memory_space<semaphore_mem>> -> memref<1x!tpu.dma_semaphore, #tpu.memory_space<semaphore_mem>>
      %dma_start3A_507 = tpu.memref_squeeze %dma_start3A_506 : memref<1x!tpu.dma_semaphore, #tpu.memory_space<semaphore_mem>> -> memref<!tpu.dma_semaphore, #tpu.memory_space<semaphore_mem>>
      %dma_start3A_508 = arith.constant 0 : i32
      %dma_start3A_509 = arith.constant 0 : i32
      %dma_start3A_510 = tpu.memref_slice %arg4[%add3A_426, %dma_start3A_496, %add3A, %dma_start3A_508, %dma_start3A_509] : memref<200x4x32x8x128xf32, #tpu.memory_space<hbm>> -> memref<1x1x1x8x128xf32, #tpu.memory_space<hbm>>
      %dma_start3A_511 = tpu.memref_squeeze %dma_start3A_510 : memref<1x1x1x8x128xf32, #tpu.memory_space<hbm>> -> memref<8x128xf32, #tpu.memory_space<hbm>>
      %dma_start3A_512 = arith.constant 16 : i32
      %dma_start3A_513 = arith.constant 0 : i32
      %dma_start3A_514 = tpu.memref_slice %arg7[%dma_start3A_495, %dma_start3A_512, %dma_start3A_513] : memref<4x32x129xf32, #tpu.memory_space<vmem>> -> memref<1x8x128xf32, #tpu.memory_space<vmem>>
      %dma_start3A_515 = tpu.memref_squeeze %dma_start3A_514 : memref<1x8x128xf32, #tpu.memory_space<vmem>> -> memref<8x128xf32, #tpu.memory_space<vmem>>
      tpu.enqueue_dma source(%dma_start3A_515 : memref<8x128xf32, #tpu.memory_space<vmem>>) target(%dma_start3A_511 : memref<8x128xf32, #tpu.memory_space<hbm>>) target_semaphore(%dma_start3A_507 : memref<!tpu.dma_semaphore, #tpu.memory_space<semaphore_mem>>)
      %dma_start3A_516 = arith.constant 0 : i32
      %dma_start3A_517 = arith.constant 3 : i32
      %dma_start3A_518 = arith.constant 0 : i32
      %dma_start3A_519 = arith.constant 24 : i32
      %dma_start3A_520 = arith.constant 0 : i32
      %dma_start3A_521 = tpu.memref_slice %arg7[%dma_start3A_516, %dma_start3A_519, %dma_start3A_520] : memref<4x32x129xf32, #tpu.memory_space<vmem>> -> memref<1x8x128xf32, #tpu.memory_space<vmem>>
      %dma_start3A_522 = tpu.memref_squeeze %dma_start3A_521 : memref<1x8x128xf32, #tpu.memory_space<vmem>> -> memref<8x128xf32, #tpu.memory_space<vmem>>
      %dma_start3A_523 = arith.constant 0 : i32
      %dma_start3A_524 = arith.constant 0 : i32
      %dma_start3A_525 = tpu.memref_slice %arg4[%add3A_426, %dma_start3A_517, %add3A, %dma_start3A_523, %dma_start3A_524] : memref<200x4x32x8x128xf32, #tpu.memory_space<hbm>> -> memref<1x1x1x8x128xf32, #tpu.memory_space<hbm>>
      %dma_start3A_526 = tpu.memref_squeeze %dma_start3A_525 : memref<1x1x1x8x128xf32, #tpu.memory_space<hbm>> -> memref<8x128xf32, #tpu.memory_space<hbm>>
      %dma_start3A_527 = tpu.memref_slice %arg9[%dma_start3A_518] : memref<4x!tpu.dma_semaphore, #tpu.memory_space<semaphore_mem>> -> memref<1x!tpu.dma_semaphore, #tpu.memory_space<semaphore_mem>>
      %dma_start3A_528 = tpu.memref_squeeze %dma_start3A_527 : memref<1x!tpu.dma_semaphore, #tpu.memory_space<semaphore_mem>> -> memref<!tpu.dma_semaphore, #tpu.memory_space<semaphore_mem>>
      %dma_start3A_529 = arith.constant 0 : i32
      %dma_start3A_530 = arith.constant 0 : i32
      %dma_start3A_531 = tpu.memref_slice %arg4[%add3A_426, %dma_start3A_517, %add3A, %dma_start3A_529, %dma_start3A_530] : memref<200x4x32x8x128xf32, #tpu.memory_space<hbm>> -> memref<1x1x1x8x128xf32, #tpu.memory_space<hbm>>
      %dma_start3A_532 = tpu.memref_squeeze %dma_start3A_531 : memref<1x1x1x8x128xf32, #tpu.memory_space<hbm>> -> memref<8x128xf32, #tpu.memory_space<hbm>>
      %dma_start3A_533 = arith.constant 24 : i32
      %dma_start3A_534 = arith.constant 0 : i32
      %dma_start3A_535 = tpu.memref_slice %arg7[%dma_start3A_516, %dma_start3A_533, %dma_start3A_534] : memref<4x32x129xf32, #tpu.memory_space<vmem>> -> memref<1x8x128xf32, #tpu.memory_space<vmem>>
      %dma_start3A_536 = tpu.memref_squeeze %dma_start3A_535 : memref<1x8x128xf32, #tpu.memory_space<vmem>> -> memref<8x128xf32, #tpu.memory_space<vmem>>
      tpu.enqueue_dma source(%dma_start3A_536 : memref<8x128xf32, #tpu.memory_space<vmem>>) target(%dma_start3A_532 : memref<8x128xf32, #tpu.memory_space<hbm>>) target_semaphore(%dma_start3A_528 : memref<!tpu.dma_semaphore, #tpu.memory_space<semaphore_mem>>)
      %add3A_537 = arith.constant 4 : i32
      %add3A_538 = arith.addi %add3A_426, %add3A_537 : i32
      %sub3A = arith.constant 1 : i32
      %sub3A_539 = arith.subi %add3A_538, %sub3A : i32
      %dma_start3A_540 = arith.constant 3 : i32
      %dma_start3A_541 = arith.constant 3 : i32
      %dma_start3A_542 = arith.constant 0 : i32
      %dma_start3A_543 = arith.constant 0 : i32
      %dma_start3A_544 = tpu.memref_slice %arg6[%dma_start3A_540, %dma_start3A_542, %dma_start3A_543] : memref<4x128x32xf32, #tpu.memory_space<vmem>> -> memref<1x128x32xf32, #tpu.memory_space<vmem>>
      %dma_start3A_545 = tpu.memref_squeeze %dma_start3A_544 : memref<1x128x32xf32, #tpu.memory_space<vmem>> -> memref<128x32xf32, #tpu.memory_space<vmem>>
      %dma_start3A_546 = arith.constant 0 : i32
      %dma_start3A_547 = tpu.memref_slice %arg5[%sub3A_539, %dma_start3A_546] : memref<200x128xi32, #tpu.memory_space<vmem>> -> memref<1x128xi32, #tpu.memory_space<vmem>>
      %dma_start3A_548 = tpu.memref_squeeze %dma_start3A_547 : memref<1x128xi32, #tpu.memory_space<vmem>> -> memref<128xi32, #tpu.memory_space<vmem>>
      %dma_start3A_549 = arith.constant 0 : i32
      %dma_start3A_550 = arith.constant 0 : i32
      %dma_start3A_551 = tpu.memref_slice %arg3[%dma_start3A_549, %dma_start3A_550] : memref<1000000x32xf32, #tpu.memory_space<hbm>> -> memref<1000000x32xf32, #tpu.memory_space<hbm>>
      %dma_start3A_552 = tpu.memref_slice %arg8[%dma_start3A_541] : memref<4x!tpu.dma_semaphore, #tpu.memory_space<semaphore_mem>> -> memref<1x!tpu.dma_semaphore, #tpu.memory_space<semaphore_mem>>
      %dma_start3A_553 = tpu.memref_squeeze %dma_start3A_552 : memref<1x!tpu.dma_semaphore, #tpu.memory_space<semaphore_mem>> -> memref<!tpu.dma_semaphore, #tpu.memory_space<semaphore_mem>>
      tpu.enqueue_indirect_dma source(%dma_start3A_551 : memref<1000000x32xf32, #tpu.memory_space<hbm>>) target(%dma_start3A_545 : memref<128x32xf32, #tpu.memory_space<vmem>>) offsets(%dma_start3A_548 : memref<128xi32, #tpu.memory_space<vmem>>) semaphore(%dma_start3A_553 : memref<!tpu.dma_semaphore, #tpu.memory_space<semaphore_mem>>)
      %mul3A_554 = arith.constant 4 : i32
      %mul3A_555 = arith.muli %scan3A_422, %mul3A_554 : i32
      %add3A_556 = arith.constant 1 : i32
      %add3A_557 = arith.addi %mul3A_555, %add3A_556 : i32
      %dma_wait3A_558 = arith.constant 1 : i32
      %dma_wait3A_559 = arith.constant 1 : i32
      %dma_wait3A_560 = arith.constant 0 : i32
      %dma_wait3A_561 = arith.constant 0 : i32
      %dma_wait3A_562 = tpu.memref_slice %arg6[%dma_wait3A_558, %dma_wait3A_560, %dma_wait3A_561] : memref<4x128x32xf32, #tpu.memory_space<vmem>> -> memref<1x128x32xf32, #tpu.memory_space<vmem>>
      %dma_wait3A_563 = tpu.memref_squeeze %dma_wait3A_562 : memref<1x128x32xf32, #tpu.memory_space<vmem>> -> memref<128x32xf32, #tpu.memory_space<vmem>>
      %dma_wait3A_564 = arith.constant 0 : i32
      %dma_wait3A_565 = arith.constant 0 : i32
      %dma_wait3A_566 = tpu.memref_slice %arg3[%dma_wait3A_564, %dma_wait3A_565] : memref<1000000x32xf32, #tpu.memory_space<hbm>> -> memref<128x32xf32, #tpu.memory_space<hbm>>
      %dma_wait3A_567 = tpu.memref_slice %arg8[%dma_wait3A_559] : memref<4x!tpu.dma_semaphore, #tpu.memory_space<semaphore_mem>> -> memref<1x!tpu.dma_semaphore, #tpu.memory_space<semaphore_mem>>
      %dma_wait3A_568 = tpu.memref_squeeze %dma_wait3A_567 : memref<1x!tpu.dma_semaphore, #tpu.memory_space<semaphore_mem>> -> memref<!tpu.dma_semaphore, #tpu.memory_space<semaphore_mem>>
      %dma_wait3A_569 = arith.constant 0 : i32
      %dma_wait3A_570 = arith.constant 0 : i32
      %dma_wait3A_571 = tpu.memref_slice %arg6[%dma_wait3A_558, %dma_wait3A_569, %dma_wait3A_570] : memref<4x128x32xf32, #tpu.memory_space<vmem>> -> memref<1x128x32xf32, #tpu.memory_space<vmem>>
      %dma_wait3A_572 = tpu.memref_squeeze %dma_wait3A_571 : memref<1x128x32xf32, #tpu.memory_space<vmem>> -> memref<128x32xf32, #tpu.memory_space<vmem>>
      %dma_wait3A_573 = arith.constant 0 : i32
      %dma_wait3A_574 = arith.constant 0 : i32
      %dma_wait3A_575 = tpu.memref_slice %arg3[%dma_wait3A_573, %dma_wait3A_574] : memref<1000000x32xf32, #tpu.memory_space<hbm>> -> memref<128x32xf32, #tpu.memory_space<hbm>>
      tpu.wait_dma2 semaphore(%dma_wait3A_568 : memref<!tpu.dma_semaphore, #tpu.memory_space<semaphore_mem>>) src(%dma_wait3A_575 : memref<128x32xf32, #tpu.memory_space<hbm>>) dst(%dma_wait3A_572 : memref<128x32xf32, #tpu.memory_space<vmem>>)
      %gt3A_576 = arith.constant 0 : i32
      %gt3A_577 = arith.cmpi sgt, %scan3A_422, %gt3A_576 : i32
      %convert_element_type3A_578 = arith.extui %gt3A_577 : i1 to i32
      %cond3A_579 = arith.constant 0 : i32
      %cond3A_580 = arith.cmpi ne, %convert_element_type3A_578, %cond3A_579 : i32
      scf.if %cond3A_580 {
        %dma_wait3A_919 = arith.constant 1 : i32
        %dma_wait3A_920 = arith.constant 0 : i32
        %dma_wait3A_921 = arith.constant 0 : i32
        %dma_wait3A_922 = arith.constant 0 : i32
        %dma_wait3A_923 = arith.constant 1 : i32
        %dma_wait3A_924 = arith.constant 0 : i32
        %dma_wait3A_925 = arith.constant 0 : i32
        %dma_wait3A_926 = tpu.memref_slice %arg7[%dma_wait3A_919, %dma_wait3A_924, %dma_wait3A_925] : memref<4x32x129xf32, #tpu.memory_space<vmem>> -> memref<1x8x128xf32, #tpu.memory_space<vmem>>
        %dma_wait3A_927 = tpu.memref_squeeze %dma_wait3A_926 : memref<1x8x128xf32, #tpu.memory_space<vmem>> -> memref<8x128xf32, #tpu.memory_space<vmem>>
        %dma_wait3A_928 = arith.constant 0 : i32
        %dma_wait3A_929 = arith.constant 0 : i32
        %dma_wait3A_930 = tpu.memref_slice %arg4[%dma_wait3A_920, %dma_wait3A_921, %dma_wait3A_922, %dma_wait3A_928, %dma_wait3A_929] : memref<200x4x32x8x128xf32, #tpu.memory_space<hbm>> -> memref<1x1x1x8x128xf32, #tpu.memory_space<hbm>>
        %dma_wait3A_931 = tpu.memref_squeeze %dma_wait3A_930 : memref<1x1x1x8x128xf32, #tpu.memory_space<hbm>> -> memref<8x128xf32, #tpu.memory_space<hbm>>
        %dma_wait3A_932 = tpu.memref_slice %arg9[%dma_wait3A_923] : memref<4x!tpu.dma_semaphore, #tpu.memory_space<semaphore_mem>> -> memref<1x!tpu.dma_semaphore, #tpu.memory_space<semaphore_mem>>
        %dma_wait3A_933 = tpu.memref_squeeze %dma_wait3A_932 : memref<1x!tpu.dma_semaphore, #tpu.memory_space<semaphore_mem>> -> memref<!tpu.dma_semaphore, #tpu.memory_space<semaphore_mem>>
        %dma_wait3A_934 = arith.constant 0 : i32
        %dma_wait3A_935 = arith.constant 0 : i32
        %dma_wait3A_936 = tpu.memref_slice %arg4[%dma_wait3A_920, %dma_wait3A_921, %dma_wait3A_922, %dma_wait3A_934, %dma_wait3A_935] : memref<200x4x32x8x128xf32, #tpu.memory_space<hbm>> -> memref<1x1x1x8x128xf32, #tpu.memory_space<hbm>>
        %dma_wait3A_937 = tpu.memref_squeeze %dma_wait3A_936 : memref<1x1x1x8x128xf32, #tpu.memory_space<hbm>> -> memref<8x128xf32, #tpu.memory_space<hbm>>
        %dma_wait3A_938 = arith.constant 0 : i32
        %dma_wait3A_939 = arith.constant 0 : i32
        %dma_wait3A_940 = tpu.memref_slice %arg7[%dma_wait3A_919, %dma_wait3A_938, %dma_wait3A_939] : memref<4x32x129xf32, #tpu.memory_space<vmem>> -> memref<1x8x128xf32, #tpu.memory_space<vmem>>
        %dma_wait3A_941 = tpu.memref_squeeze %dma_wait3A_940 : memref<1x8x128xf32, #tpu.memory_space<vmem>> -> memref<8x128xf32, #tpu.memory_space<vmem>>
        tpu.wait_dma2 semaphore(%dma_wait3A_933 : memref<!tpu.dma_semaphore, #tpu.memory_space<semaphore_mem>>) src(%dma_wait3A_941 : memref<8x128xf32, #tpu.memory_space<vmem>>) dst(%dma_wait3A_937 : memref<8x128xf32, #tpu.memory_space<hbm>>)
        %dma_wait3A_942 = arith.constant 1 : i32
        %dma_wait3A_943 = arith.constant 0 : i32
        %dma_wait3A_944 = arith.constant 0 : i32
        %dma_wait3A_945 = arith.constant 0 : i32
        %dma_wait3A_946 = arith.constant 1 : i32
        %dma_wait3A_947 = arith.constant 8 : i32
        %dma_wait3A_948 = arith.constant 0 : i32
        %dma_wait3A_949 = tpu.memref_slice %arg7[%dma_wait3A_942, %dma_wait3A_947, %dma_wait3A_948] : memref<4x32x129xf32, #tpu.memory_space<vmem>> -> memref<1x8x128xf32, #tpu.memory_space<vmem>>
        %dma_wait3A_950 = tpu.memref_squeeze %dma_wait3A_949 : memref<1x8x128xf32, #tpu.memory_space<vmem>> -> memref<8x128xf32, #tpu.memory_space<vmem>>
        %dma_wait3A_951 = arith.constant 0 : i32
        %dma_wait3A_952 = arith.constant 0 : i32
        %dma_wait3A_953 = tpu.memref_slice %arg4[%dma_wait3A_943, %dma_wait3A_944, %dma_wait3A_945, %dma_wait3A_951, %dma_wait3A_952] : memref<200x4x32x8x128xf32, #tpu.memory_space<hbm>> -> memref<1x1x1x8x128xf32, #tpu.memory_space<hbm>>
        %dma_wait3A_954 = tpu.memref_squeeze %dma_wait3A_953 : memref<1x1x1x8x128xf32, #tpu.memory_space<hbm>> -> memref<8x128xf32, #tpu.memory_space<hbm>>
        %dma_wait3A_955 = tpu.memref_slice %arg9[%dma_wait3A_946] : memref<4x!tpu.dma_semaphore, #tpu.memory_space<semaphore_mem>> -> memref<1x!tpu.dma_semaphore, #tpu.memory_space<semaphore_mem>>
        %dma_wait3A_956 = tpu.memref_squeeze %dma_wait3A_955 : memref<1x!tpu.dma_semaphore, #tpu.memory_space<semaphore_mem>> -> memref<!tpu.dma_semaphore, #tpu.memory_space<semaphore_mem>>
        %dma_wait3A_957 = arith.constant 0 : i32
        %dma_wait3A_958 = arith.constant 0 : i32
        %dma_wait3A_959 = tpu.memref_slice %arg4[%dma_wait3A_943, %dma_wait3A_944, %dma_wait3A_945, %dma_wait3A_957, %dma_wait3A_958] : memref<200x4x32x8x128xf32, #tpu.memory_space<hbm>> -> memref<1x1x1x8x128xf32, #tpu.memory_space<hbm>>
        %dma_wait3A_960 = tpu.memref_squeeze %dma_wait3A_959 : memref<1x1x1x8x128xf32, #tpu.memory_space<hbm>> -> memref<8x128xf32, #tpu.memory_space<hbm>>
        %dma_wait3A_961 = arith.constant 8 : i32
        %dma_wait3A_962 = arith.constant 0 : i32
        %dma_wait3A_963 = tpu.memref_slice %arg7[%dma_wait3A_942, %dma_wait3A_961, %dma_wait3A_962] : memref<4x32x129xf32, #tpu.memory_space<vmem>> -> memref<1x8x128xf32, #tpu.memory_space<vmem>>
        %dma_wait3A_964 = tpu.memref_squeeze %dma_wait3A_963 : memref<1x8x128xf32, #tpu.memory_space<vmem>> -> memref<8x128xf32, #tpu.memory_space<vmem>>
        tpu.wait_dma2 semaphore(%dma_wait3A_956 : memref<!tpu.dma_semaphore, #tpu.memory_space<semaphore_mem>>) src(%dma_wait3A_964 : memref<8x128xf32, #tpu.memory_space<vmem>>) dst(%dma_wait3A_960 : memref<8x128xf32, #tpu.memory_space<hbm>>)
        %dma_wait3A_965 = arith.constant 1 : i32
        %dma_wait3A_966 = arith.constant 0 : i32
        %dma_wait3A_967 = arith.constant 0 : i32
        %dma_wait3A_968 = arith.constant 0 : i32
        %dma_wait3A_969 = arith.constant 1 : i32
        %dma_wait3A_970 = arith.constant 16 : i32
        %dma_wait3A_971 = arith.constant 0 : i32
        %dma_wait3A_972 = tpu.memref_slice %arg7[%dma_wait3A_965, %dma_wait3A_970, %dma_wait3A_971] : memref<4x32x129xf32, #tpu.memory_space<vmem>> -> memref<1x8x128xf32, #tpu.memory_space<vmem>>
        %dma_wait3A_973 = tpu.memref_squeeze %dma_wait3A_972 : memref<1x8x128xf32, #tpu.memory_space<vmem>> -> memref<8x128xf32, #tpu.memory_space<vmem>>
        %dma_wait3A_974 = arith.constant 0 : i32
        %dma_wait3A_975 = arith.constant 0 : i32
        %dma_wait3A_976 = tpu.memref_slice %arg4[%dma_wait3A_966, %dma_wait3A_967, %dma_wait3A_968, %dma_wait3A_974, %dma_wait3A_975] : memref<200x4x32x8x128xf32, #tpu.memory_space<hbm>> -> memref<1x1x1x8x128xf32, #tpu.memory_space<hbm>>
        %dma_wait3A_977 = tpu.memref_squeeze %dma_wait3A_976 : memref<1x1x1x8x128xf32, #tpu.memory_space<hbm>> -> memref<8x128xf32, #tpu.memory_space<hbm>>
        %dma_wait3A_978 = tpu.memref_slice %arg9[%dma_wait3A_969] : memref<4x!tpu.dma_semaphore, #tpu.memory_space<semaphore_mem>> -> memref<1x!tpu.dma_semaphore, #tpu.memory_space<semaphore_mem>>
        %dma_wait3A_979 = tpu.memref_squeeze %dma_wait3A_978 : memref<1x!tpu.dma_semaphore, #tpu.memory_space<semaphore_mem>> -> memref<!tpu.dma_semaphore, #tpu.memory_space<semaphore_mem>>
        %dma_wait3A_980 = arith.constant 0 : i32
        %dma_wait3A_981 = arith.constant 0 : i32
        %dma_wait3A_982 = tpu.memref_slice %arg4[%dma_wait3A_966, %dma_wait3A_967, %dma_wait3A_968, %dma_wait3A_980, %dma_wait3A_981] : memref<200x4x32x8x128xf32, #tpu.memory_space<hbm>> -> memref<1x1x1x8x128xf32, #tpu.memory_space<hbm>>
        %dma_wait3A_983 = tpu.memref_squeeze %dma_wait3A_982 : memref<1x1x1x8x128xf32, #tpu.memory_space<hbm>> -> memref<8x128xf32, #tpu.memory_space<hbm>>
        %dma_wait3A_984 = arith.constant 16 : i32
        %dma_wait3A_985 = arith.constant 0 : i32
        %dma_wait3A_986 = tpu.memref_slice %arg7[%dma_wait3A_965, %dma_wait3A_984, %dma_wait3A_985] : memref<4x32x129xf32, #tpu.memory_space<vmem>> -> memref<1x8x128xf32, #tpu.memory_space<vmem>>
        %dma_wait3A_987 = tpu.memref_squeeze %dma_wait3A_986 : memref<1x8x128xf32, #tpu.memory_space<vmem>> -> memref<8x128xf32, #tpu.memory_space<vmem>>
        tpu.wait_dma2 semaphore(%dma_wait3A_979 : memref<!tpu.dma_semaphore, #tpu.memory_space<semaphore_mem>>) src(%dma_wait3A_987 : memref<8x128xf32, #tpu.memory_space<vmem>>) dst(%dma_wait3A_983 : memref<8x128xf32, #tpu.memory_space<hbm>>)
        %dma_wait3A_988 = arith.constant 1 : i32
        %dma_wait3A_989 = arith.constant 0 : i32
        %dma_wait3A_990 = arith.constant 0 : i32
        %dma_wait3A_991 = arith.constant 0 : i32
        %dma_wait3A_992 = arith.constant 1 : i32
        %dma_wait3A_993 = arith.constant 24 : i32
        %dma_wait3A_994 = arith.constant 0 : i32
        %dma_wait3A_995 = tpu.memref_slice %arg7[%dma_wait3A_988, %dma_wait3A_993, %dma_wait3A_994] : memref<4x32x129xf32, #tpu.memory_space<vmem>> -> memref<1x8x128xf32, #tpu.memory_space<vmem>>
        %dma_wait3A_996 = tpu.memref_squeeze %dma_wait3A_995 : memref<1x8x128xf32, #tpu.memory_space<vmem>> -> memref<8x128xf32, #tpu.memory_space<vmem>>
        %dma_wait3A_997 = arith.constant 0 : i32
        %dma_wait3A_998 = arith.constant 0 : i32
        %dma_wait3A_999 = tpu.memref_slice %arg4[%dma_wait3A_989, %dma_wait3A_990, %dma_wait3A_991, %dma_wait3A_997, %dma_wait3A_998] : memref<200x4x32x8x128xf32, #tpu.memory_space<hbm>> -> memref<1x1x1x8x128xf32, #tpu.memory_space<hbm>>
        %dma_wait3A_1000 = tpu.memref_squeeze %dma_wait3A_999 : memref<1x1x1x8x128xf32, #tpu.memory_space<hbm>> -> memref<8x128xf32, #tpu.memory_space<hbm>>
        %dma_wait3A_1001 = tpu.memref_slice %arg9[%dma_wait3A_992] : memref<4x!tpu.dma_semaphore, #tpu.memory_space<semaphore_mem>> -> memref<1x!tpu.dma_semaphore, #tpu.memory_space<semaphore_mem>>
        %dma_wait3A_1002 = tpu.memref_squeeze %dma_wait3A_1001 : memref<1x!tpu.dma_semaphore, #tpu.memory_space<semaphore_mem>> -> memref<!tpu.dma_semaphore, #tpu.memory_space<semaphore_mem>>
        %dma_wait3A_1003 = arith.constant 0 : i32
        %dma_wait3A_1004 = arith.constant 0 : i32
        %dma_wait3A_1005 = tpu.memref_slice %arg4[%dma_wait3A_989, %dma_wait3A_990, %dma_wait3A_991, %dma_wait3A_1003, %dma_wait3A_1004] : memref<200x4x32x8x128xf32, #tpu.memory_space<hbm>> -> memref<1x1x1x8x128xf32, #tpu.memory_space<hbm>>
        %dma_wait3A_1006 = tpu.memref_squeeze %dma_wait3A_1005 : memref<1x1x1x8x128xf32, #tpu.memory_space<hbm>> -> memref<8x128xf32, #tpu.memory_space<hbm>>
        %dma_wait3A_1007 = arith.constant 24 : i32
        %dma_wait3A_1008 = arith.constant 0 : i32
        %dma_wait3A_1009 = tpu.memref_slice %arg7[%dma_wait3A_988, %dma_wait3A_1007, %dma_wait3A_1008] : memref<4x32x129xf32, #tpu.memory_space<vmem>> -> memref<1x8x128xf32, #tpu.memory_space<vmem>>
        %dma_wait3A_1010 = tpu.memref_squeeze %dma_wait3A_1009 : memref<1x8x128xf32, #tpu.memory_space<vmem>> -> memref<8x128xf32, #tpu.memory_space<vmem>>
        tpu.wait_dma2 semaphore(%dma_wait3A_1002 : memref<!tpu.dma_semaphore, #tpu.memory_space<semaphore_mem>>) src(%dma_wait3A_1010 : memref<8x128xf32, #tpu.memory_space<vmem>>) dst(%dma_wait3A_1006 : memref<8x128xf32, #tpu.memory_space<hbm>>)
      } else {
      }
      %scan3A_581 = arith.constant 0 : i32
      %scan3A_582 = arith.constant 0 : i32
      %scan3A_583 = arith.constant 8 : i32
      %scan3A_584 = arith.addi %scan3A_582, %scan3A_583 : i32
      %scan3A_585 = arith.constant 1 : i32
      scf.for %scan3A_919 = %scan3A_582 to %scan3A_584 step %scan3A_585  : i32 {
        %mul3A_920 = arith.constant 16 : i32
        %mul3A_921 = arith.muli %scan3A_919, %mul3A_920 : i32
        %broadcast_in_dim3A = vector.broadcast %mul3A_921 : i32 to vector<16xi32>
        %add3A_922 = arith.constant 0 : i32
        %add3A_923 = arith.addi %mul3A_921, %add3A_922 : i32
        %add3A_924 = arith.constant 0 : i32
        %add3A_925 = vector.broadcast %add3A_924 : i32 to vector<16xi32>
        %add3A_926 = arith.addi %broadcast_in_dim3A, %add3A_925 : vector<16xi32>
        %get3A = arith.constant 1 : i32
        %get3A_927 = arith.index_cast %get3A : i32 to index
        %get3A_928 = arith.index_cast %add3A_923 : i32 to index
        %get3A_929 = arith.constant 0 : index
        %get3A_930 = tpu.vector_load %arg6[%get3A_927, %get3A_928, %get3A_929] {strides = array<i32>} : memref<4x128x32xf32, #tpu.memory_space<vmem>>, vector<16xf32>,
        %get3A_931 = arith.constant 1 : i32
        %get3A_932 = arith.index_cast %get3A_931 : i32 to index
        %get3A_933 = arith.index_cast %add3A_923 : i32 to index
        %get3A_934 = arith.constant 16 : index
        %get3A_935 = tpu.vector_load %arg6[%get3A_932, %get3A_933, %get3A_934] {strides = array<i32>} : memref<4x128x32xf32, #tpu.memory_space<vmem>>, vector<16xf32>,
        %scatter3A = arith.constant 1 : i32
        %scatter3A_936 = arith.constant 0 : i32
        %scatter3A_937 = arith.constant 0 : i32
        %scatter3A_938 = tpu.memref_slice %arg7[%scatter3A, %scatter3A_936, %scatter3A_937] : memref<4x32x129xf32, #tpu.memory_space<vmem>> -> memref<1x32x129xf32, #tpu.memory_space<vmem>>
        %scatter3A_939 = tpu.memref_squeeze %scatter3A_938 : memref<1x32x129xf32, #tpu.memory_space<vmem>> -> memref<32x129xf32, #tpu.memory_space<vmem>>
        tpu.vector_store_idx %scatter3A_939[%iota3A, %add3A_926], %get3A_930 : memref<32x129xf32, #tpu.memory_space<vmem>>[vector<16xi32>, vector<16xi32>], vector<16xf32>,
        %scatter3A_940 = arith.constant 1 : i32
        %scatter3A_941 = arith.constant 0 : i32
        %scatter3A_942 = arith.constant 0 : i32
        %scatter3A_943 = tpu.memref_slice %arg7[%scatter3A_940, %scatter3A_941, %scatter3A_942] : memref<4x32x129xf32, #tpu.memory_space<vmem>> -> memref<1x32x129xf32, #tpu.memory_space<vmem>>
        %scatter3A_944 = tpu.memref_squeeze %scatter3A_943 : memref<1x32x129xf32, #tpu.memory_space<vmem>> -> memref<32x129xf32, #tpu.memory_space<vmem>>
        tpu.vector_store_idx %scatter3A_944[%add3A_5, %add3A_926], %get3A_935 : memref<32x129xf32, #tpu.memory_space<vmem>>[vector<16xi32>, vector<16xi32>], vector<16xf32>,
        %add3A_945 = arith.constant 1 : i32
        %add3A_946 = arith.addi %mul3A_921, %add3A_945 : i32
        %add3A_947 = arith.constant 1 : i32
        %add3A_948 = vector.broadcast %add3A_947 : i32 to vector<16xi32>
        %add3A_949 = arith.addi %broadcast_in_dim3A, %add3A_948 : vector<16xi32>
        %get3A_950 = arith.constant 1 : i32
        %get3A_951 = arith.index_cast %get3A_950 : i32 to index
        %get3A_952 = arith.index_cast %add3A_946 : i32 to index
        %get3A_953 = arith.constant 0 : index
        %get3A_954 = tpu.vector_load %arg6[%get3A_951, %get3A_952, %get3A_953] {strides = array<i32>} : memref<4x128x32xf32, #tpu.memory_space<vmem>>, vector<16xf32>,
        %get3A_955 = arith.constant 1 : i32
        %get3A_956 = arith.index_cast %get3A_955 : i32 to index
        %get3A_957 = arith.index_cast %add3A_946 : i32 to index
        %get3A_958 = arith.constant 16 : index
        %get3A_959 = tpu.vector_load %arg6[%get3A_956, %get3A_957, %get3A_958] {strides = array<i32>} : memref<4x128x32xf32, #tpu.memory_space<vmem>>, vector<16xf32>,
        %scatter3A_960 = arith.constant 1 : i32
        %scatter3A_961 = arith.constant 0 : i32
        %scatter3A_962 = arith.constant 0 : i32
        %scatter3A_963 = tpu.memref_slice %arg7[%scatter3A_960, %scatter3A_961, %scatter3A_962] : memref<4x32x129xf32, #tpu.memory_space<vmem>> -> memref<1x32x129xf32, #tpu.memory_space<vmem>>
        %scatter3A_964 = tpu.memref_squeeze %scatter3A_963 : memref<1x32x129xf32, #tpu.memory_space<vmem>> -> memref<32x129xf32, #tpu.memory_space<vmem>>
        tpu.vector_store_idx %scatter3A_964[%iota3A, %add3A_949], %get3A_954 : memref<32x129xf32, #tpu.memory_space<vmem>>[vector<16xi32>, vector<16xi32>], vector<16xf32>,
        %scatter3A_965 = arith.constant 1 : i32
        %scatter3A_966 = arith.constant 0 : i32
        %scatter3A_967 = arith.constant 0 : i32
        %scatter3A_968 = tpu.memref_slice %arg7[%scatter3A_965, %scatter3A_966, %scatter3A_967] : memref<4x32x129xf32, #tpu.memory_space<vmem>> -> memref<1x32x129xf32, #tpu.memory_space<vmem>>
        %scatter3A_969 = tpu.memref_squeeze %scatter3A_968 : memref<1x32x129xf32, #tpu.memory_space<vmem>> -> memref<32x129xf32, #tpu.memory_space<vmem>>
        tpu.vector_store_idx %scatter3A_969[%add3A_5, %add3A_949], %get3A_959 : memref<32x129xf32, #tpu.memory_space<vmem>>[vector<16xi32>, vector<16xi32>], vector<16xf32>,
        %add3A_970 = arith.constant 2 : i32
        %add3A_971 = arith.addi %mul3A_921, %add3A_970 : i32
        %add3A_972 = arith.constant 2 : i32
        %add3A_973 = vector.broadcast %add3A_972 : i32 to vector<16xi32>
        %add3A_974 = arith.addi %broadcast_in_dim3A, %add3A_973 : vector<16xi32>
        %get3A_975 = arith.constant 1 : i32
        %get3A_976 = arith.index_cast %get3A_975 : i32 to index
        %get3A_977 = arith.index_cast %add3A_971 : i32 to index
        %get3A_978 = arith.constant 0 : index
        %get3A_979 = tpu.vector_load %arg6[%get3A_976, %get3A_977, %get3A_978] {strides = array<i32>} : memref<4x128x32xf32, #tpu.memory_space<vmem>>, vector<16xf32>,
        %get3A_980 = arith.constant 1 : i32
        %get3A_981 = arith.index_cast %get3A_980 : i32 to index
        %get3A_982 = arith.index_cast %add3A_971 : i32 to index
        %get3A_983 = arith.constant 16 : index
        %get3A_984 = tpu.vector_load %arg6[%get3A_981, %get3A_982, %get3A_983] {strides = array<i32>} : memref<4x128x32xf32, #tpu.memory_space<vmem>>, vector<16xf32>,
        %scatter3A_985 = arith.constant 1 : i32
        %scatter3A_986 = arith.constant 0 : i32
        %scatter3A_987 = arith.constant 0 : i32
        %scatter3A_988 = tpu.memref_slice %arg7[%scatter3A_985, %scatter3A_986, %scatter3A_987] : memref<4x32x129xf32, #tpu.memory_space<vmem>> -> memref<1x32x129xf32, #tpu.memory_space<vmem>>
        %scatter3A_989 = tpu.memref_squeeze %scatter3A_988 : memref<1x32x129xf32, #tpu.memory_space<vmem>> -> memref<32x129xf32, #tpu.memory_space<vmem>>
        tpu.vector_store_idx %scatter3A_989[%iota3A, %add3A_974], %get3A_979 : memref<32x129xf32, #tpu.memory_space<vmem>>[vector<16xi32>, vector<16xi32>], vector<16xf32>,
        %scatter3A_990 = arith.constant 1 : i32
        %scatter3A_991 = arith.constant 0 : i32
        %scatter3A_992 = arith.constant 0 : i32
        %scatter3A_993 = tpu.memref_slice %arg7[%scatter3A_990, %scatter3A_991, %scatter3A_992] : memref<4x32x129xf32, #tpu.memory_space<vmem>> -> memref<1x32x129xf32, #tpu.memory_space<vmem>>
        %scatter3A_994 = tpu.memref_squeeze %scatter3A_993 : memref<1x32x129xf32, #tpu.memory_space<vmem>> -> memref<32x129xf32, #tpu.memory_space<vmem>>
        tpu.vector_store_idx %scatter3A_994[%add3A_5, %add3A_974], %get3A_984 : memref<32x129xf32, #tpu.memory_space<vmem>>[vector<16xi32>, vector<16xi32>], vector<16xf32>,
        %add3A_995 = arith.constant 3 : i32
        %add3A_996 = arith.addi %mul3A_921, %add3A_995 : i32
        %add3A_997 = arith.constant 3 : i32
        %add3A_998 = vector.broadcast %add3A_997 : i32 to vector<16xi32>
        %add3A_999 = arith.addi %broadcast_in_dim3A, %add3A_998 : vector<16xi32>
        %get3A_1000 = arith.constant 1 : i32
        %get3A_1001 = arith.index_cast %get3A_1000 : i32 to index
        %get3A_1002 = arith.index_cast %add3A_996 : i32 to index
        %get3A_1003 = arith.constant 0 : index
        %get3A_1004 = tpu.vector_load %arg6[%get3A_1001, %get3A_1002, %get3A_1003] {strides = array<i32>} : memref<4x128x32xf32, #tpu.memory_space<vmem>>, vector<16xf32>,
        %get3A_1005 = arith.constant 1 : i32
        %get3A_1006 = arith.index_cast %get3A_1005 : i32 to index
        %get3A_1007 = arith.index_cast %add3A_996 : i32 to index
        %get3A_1008 = arith.constant 16 : index
        %get3A_1009 = tpu.vector_load %arg6[%get3A_1006, %get3A_1007, %get3A_1008] {strides = array<i32>} : memref<4x128x32xf32, #tpu.memory_space<vmem>>, vector<16xf32>,
        %scatter3A_1010 = arith.constant 1 : i32
        %scatter3A_1011 = arith.constant 0 : i32
        %scatter3A_1012 = arith.constant 0 : i32
        %scatter3A_1013 = tpu.memref_slice %arg7[%scatter3A_1010, %scatter3A_1011, %scatter3A_1012] : memref<4x32x129xf32, #tpu.memory_space<vmem>> -> memref<1x32x129xf32, #tpu.memory_space<vmem>>
        %scatter3A_1014 = tpu.memref_squeeze %scatter3A_1013 : memref<1x32x129xf32, #tpu.memory_space<vmem>> -> memref<32x129xf32, #tpu.memory_space<vmem>>
        tpu.vector_store_idx %scatter3A_1014[%iota3A, %add3A_999], %get3A_1004 : memref<32x129xf32, #tpu.memory_space<vmem>>[vector<16xi32>, vector<16xi32>], vector<16xf32>,
        %scatter3A_1015 = arith.constant 1 : i32
        %scatter3A_1016 = arith.constant 0 : i32
        %scatter3A_1017 = arith.constant 0 : i32
        %scatter3A_1018 = tpu.memref_slice %arg7[%scatter3A_1015, %scatter3A_1016, %scatter3A_1017] : memref<4x32x129xf32, #tpu.memory_space<vmem>> -> memref<1x32x129xf32, #tpu.memory_space<vmem>>
        %scatter3A_1019 = tpu.memref_squeeze %scatter3A_1018 : memref<1x32x129xf32, #tpu.memory_space<vmem>> -> memref<32x129xf32, #tpu.memory_space<vmem>>
        tpu.vector_store_idx %scatter3A_1019[%add3A_5, %add3A_999], %get3A_1009 : memref<32x129xf32, #tpu.memory_space<vmem>>[vector<16xi32>, vector<16xi32>], vector<16xf32>,
        %add3A_1020 = arith.constant 4 : i32
        %add3A_1021 = arith.addi %mul3A_921, %add3A_1020 : i32
        %add3A_1022 = arith.constant 4 : i32
        %add3A_1023 = vector.broadcast %add3A_1022 : i32 to vector<16xi32>
        %add3A_1024 = arith.addi %broadcast_in_dim3A, %add3A_1023 : vector<16xi32>
        %get3A_1025 = arith.constant 1 : i32
        %get3A_1026 = arith.index_cast %get3A_1025 : i32 to index
        %get3A_1027 = arith.index_cast %add3A_1021 : i32 to index
        %get3A_1028 = arith.constant 0 : index
        %get3A_1029 = tpu.vector_load %arg6[%get3A_1026, %get3A_1027, %get3A_1028] {strides = array<i32>} : memref<4x128x32xf32, #tpu.memory_space<vmem>>, vector<16xf32>,
        %get3A_1030 = arith.constant 1 : i32
        %get3A_1031 = arith.index_cast %get3A_1030 : i32 to index
        %get3A_1032 = arith.index_cast %add3A_1021 : i32 to index
        %get3A_1033 = arith.constant 16 : index
        %get3A_1034 = tpu.vector_load %arg6[%get3A_1031, %get3A_1032, %get3A_1033] {strides = array<i32>} : memref<4x128x32xf32, #tpu.memory_space<vmem>>, vector<16xf32>,
        %scatter3A_1035 = arith.constant 1 : i32
        %scatter3A_1036 = arith.constant 0 : i32
        %scatter3A_1037 = arith.constant 0 : i32
        %scatter3A_1038 = tpu.memref_slice %arg7[%scatter3A_1035, %scatter3A_1036, %scatter3A_1037] : memref<4x32x129xf32, #tpu.memory_space<vmem>> -> memref<1x32x129xf32, #tpu.memory_space<vmem>>
        %scatter3A_1039 = tpu.memref_squeeze %scatter3A_1038 : memref<1x32x129xf32, #tpu.memory_space<vmem>> -> memref<32x129xf32, #tpu.memory_space<vmem>>
        tpu.vector_store_idx %scatter3A_1039[%iota3A, %add3A_1024], %get3A_1029 : memref<32x129xf32, #tpu.memory_space<vmem>>[vector<16xi32>, vector<16xi32>], vector<16xf32>,
        %scatter3A_1040 = arith.constant 1 : i32
        %scatter3A_1041 = arith.constant 0 : i32
        %scatter3A_1042 = arith.constant 0 : i32
        %scatter3A_1043 = tpu.memref_slice %arg7[%scatter3A_1040, %scatter3A_1041, %scatter3A_1042] : memref<4x32x129xf32, #tpu.memory_space<vmem>> -> memref<1x32x129xf32, #tpu.memory_space<vmem>>
        %scatter3A_1044 = tpu.memref_squeeze %scatter3A_1043 : memref<1x32x129xf32, #tpu.memory_space<vmem>> -> memref<32x129xf32, #tpu.memory_space<vmem>>
        tpu.vector_store_idx %scatter3A_1044[%add3A_5, %add3A_1024], %get3A_1034 : memref<32x129xf32, #tpu.memory_space<vmem>>[vector<16xi32>, vector<16xi32>], vector<16xf32>,
        %add3A_1045 = arith.constant 5 : i32
        %add3A_1046 = arith.addi %mul3A_921, %add3A_1045 : i32
        %add3A_1047 = arith.constant 5 : i32
        %add3A_1048 = vector.broadcast %add3A_1047 : i32 to vector<16xi32>
        %add3A_1049 = arith.addi %broadcast_in_dim3A, %add3A_1048 : vector<16xi32>
        %get3A_1050 = arith.constant 1 : i32
        %get3A_1051 = arith.index_cast %get3A_1050 : i32 to index
        %get3A_1052 = arith.index_cast %add3A_1046 : i32 to index
        %get3A_1053 = arith.constant 0 : index
        %get3A_1054 = tpu.vector_load %arg6[%get3A_1051, %get3A_1052, %get3A_1053] {strides = array<i32>} : memref<4x128x32xf32, #tpu.memory_space<vmem>>, vector<16xf32>,
        %get3A_1055 = arith.constant 1 : i32
        %get3A_1056 = arith.index_cast %get3A_1055 : i32 to index
        %get3A_1057 = arith.index_cast %add3A_1046 : i32 to index
        %get3A_1058 = arith.constant 16 : index
        %get3A_1059 = tpu.vector_load %arg6[%get3A_1056, %get3A_1057, %get3A_1058] {strides = array<i32>} : memref<4x128x32xf32, #tpu.memory_space<vmem>>, vector<16xf32>,
        %scatter3A_1060 = arith.constant 1 : i32
        %scatter3A_1061 = arith.constant 0 : i32
        %scatter3A_1062 = arith.constant 0 : i32
        %scatter3A_1063 = tpu.memref_slice %arg7[%scatter3A_1060, %scatter3A_1061, %scatter3A_1062] : memref<4x32x129xf32, #tpu.memory_space<vmem>> -> memref<1x32x129xf32, #tpu.memory_space<vmem>>
        %scatter3A_1064 = tpu.memref_squeeze %scatter3A_1063 : memref<1x32x129xf32, #tpu.memory_space<vmem>> -> memref<32x129xf32, #tpu.memory_space<vmem>>
        tpu.vector_store_idx %scatter3A_1064[%iota3A, %add3A_1049], %get3A_1054 : memref<32x129xf32, #tpu.memory_space<vmem>>[vector<16xi32>, vector<16xi32>], vector<16xf32>,
        %scatter3A_1065 = arith.constant 1 : i32
        %scatter3A_1066 = arith.constant 0 : i32
        %scatter3A_1067 = arith.constant 0 : i32
        %scatter3A_1068 = tpu.memref_slice %arg7[%scatter3A_1065, %scatter3A_1066, %scatter3A_1067] : memref<4x32x129xf32, #tpu.memory_space<vmem>> -> memref<1x32x129xf32, #tpu.memory_space<vmem>>
        %scatter3A_1069 = tpu.memref_squeeze %scatter3A_1068 : memref<1x32x129xf32, #tpu.memory_space<vmem>> -> memref<32x129xf32, #tpu.memory_space<vmem>>
        tpu.vector_store_idx %scatter3A_1069[%add3A_5, %add3A_1049], %get3A_1059 : memref<32x129xf32, #tpu.memory_space<vmem>>[vector<16xi32>, vector<16xi32>], vector<16xf32>,
        %add3A_1070 = arith.constant 6 : i32
        %add3A_1071 = arith.addi %mul3A_921, %add3A_1070 : i32
        %add3A_1072 = arith.constant 6 : i32
        %add3A_1073 = vector.broadcast %add3A_1072 : i32 to vector<16xi32>
        %add3A_1074 = arith.addi %broadcast_in_dim3A, %add3A_1073 : vector<16xi32>
        %get3A_1075 = arith.constant 1 : i32
        %get3A_1076 = arith.index_cast %get3A_1075 : i32 to index
        %get3A_1077 = arith.index_cast %add3A_1071 : i32 to index
        %get3A_1078 = arith.constant 0 : index
        %get3A_1079 = tpu.vector_load %arg6[%get3A_1076, %get3A_1077, %get3A_1078] {strides = array<i32>} : memref<4x128x32xf32, #tpu.memory_space<vmem>>, vector<16xf32>,
        %get3A_1080 = arith.constant 1 : i32
        %get3A_1081 = arith.index_cast %get3A_1080 : i32 to index
        %get3A_1082 = arith.index_cast %add3A_1071 : i32 to index
        %get3A_1083 = arith.constant 16 : index
        %get3A_1084 = tpu.vector_load %arg6[%get3A_1081, %get3A_1082, %get3A_1083] {strides = array<i32>} : memref<4x128x32xf32, #tpu.memory_space<vmem>>, vector<16xf32>,
        %scatter3A_1085 = arith.constant 1 : i32
        %scatter3A_1086 = arith.constant 0 : i32
        %scatter3A_1087 = arith.constant 0 : i32
        %scatter3A_1088 = tpu.memref_slice %arg7[%scatter3A_1085, %scatter3A_1086, %scatter3A_1087] : memref<4x32x129xf32, #tpu.memory_space<vmem>> -> memref<1x32x129xf32, #tpu.memory_space<vmem>>
        %scatter3A_1089 = tpu.memref_squeeze %scatter3A_1088 : memref<1x32x129xf32, #tpu.memory_space<vmem>> -> memref<32x129xf32, #tpu.memory_space<vmem>>
        tpu.vector_store_idx %scatter3A_1089[%iota3A, %add3A_1074], %get3A_1079 : memref<32x129xf32, #tpu.memory_space<vmem>>[vector<16xi32>, vector<16xi32>], vector<16xf32>,
        %scatter3A_1090 = arith.constant 1 : i32
        %scatter3A_1091 = arith.constant 0 : i32
        %scatter3A_1092 = arith.constant 0 : i32
        %scatter3A_1093 = tpu.memref_slice %arg7[%scatter3A_1090, %scatter3A_1091, %scatter3A_1092] : memref<4x32x129xf32, #tpu.memory_space<vmem>> -> memref<1x32x129xf32, #tpu.memory_space<vmem>>
        %scatter3A_1094 = tpu.memref_squeeze %scatter3A_1093 : memref<1x32x129xf32, #tpu.memory_space<vmem>> -> memref<32x129xf32, #tpu.memory_space<vmem>>
        tpu.vector_store_idx %scatter3A_1094[%add3A_5, %add3A_1074], %get3A_1084 : memref<32x129xf32, #tpu.memory_space<vmem>>[vector<16xi32>, vector<16xi32>], vector<16xf32>,
        %add3A_1095 = arith.constant 7 : i32
        %add3A_1096 = arith.addi %mul3A_921, %add3A_1095 : i32
        %add3A_1097 = arith.constant 7 : i32
        %add3A_1098 = vector.broadcast %add3A_1097 : i32 to vector<16xi32>
        %add3A_1099 = arith.addi %broadcast_in_dim3A, %add3A_1098 : vector<16xi32>
        %get3A_1100 = arith.constant 1 : i32
        %get3A_1101 = arith.index_cast %get3A_1100 : i32 to index
        %get3A_1102 = arith.index_cast %add3A_1096 : i32 to index
        %get3A_1103 = arith.constant 0 : index
        %get3A_1104 = tpu.vector_load %arg6[%get3A_1101, %get3A_1102, %get3A_1103] {strides = array<i32>} : memref<4x128x32xf32, #tpu.memory_space<vmem>>, vector<16xf32>,
        %get3A_1105 = arith.constant 1 : i32
        %get3A_1106 = arith.index_cast %get3A_1105 : i32 to index
        %get3A_1107 = arith.index_cast %add3A_1096 : i32 to index
        %get3A_1108 = arith.constant 16 : index
        %get3A_1109 = tpu.vector_load %arg6[%get3A_1106, %get3A_1107, %get3A_1108] {strides = array<i32>} : memref<4x128x32xf32, #tpu.memory_space<vmem>>, vector<16xf32>,
        %scatter3A_1110 = arith.constant 1 : i32
        %scatter3A_1111 = arith.constant 0 : i32
        %scatter3A_1112 = arith.constant 0 : i32
        %scatter3A_1113 = tpu.memref_slice %arg7[%scatter3A_1110, %scatter3A_1111, %scatter3A_1112] : memref<4x32x129xf32, #tpu.memory_space<vmem>> -> memref<1x32x129xf32, #tpu.memory_space<vmem>>
        %scatter3A_1114 = tpu.memref_squeeze %scatter3A_1113 : memref<1x32x129xf32, #tpu.memory_space<vmem>> -> memref<32x129xf32, #tpu.memory_space<vmem>>
        tpu.vector_store_idx %scatter3A_1114[%iota3A, %add3A_1099], %get3A_1104 : memref<32x129xf32, #tpu.memory_space<vmem>>[vector<16xi32>, vector<16xi32>], vector<16xf32>,
        %scatter3A_1115 = arith.constant 1 : i32
        %scatter3A_1116 = arith.constant 0 : i32
        %scatter3A_1117 = arith.constant 0 : i32
        %scatter3A_1118 = tpu.memref_slice %arg7[%scatter3A_1115, %scatter3A_1116, %scatter3A_1117] : memref<4x32x129xf32, #tpu.memory_space<vmem>> -> memref<1x32x129xf32, #tpu.memory_space<vmem>>
        %scatter3A_1119 = tpu.memref_squeeze %scatter3A_1118 : memref<1x32x129xf32, #tpu.memory_space<vmem>> -> memref<32x129xf32, #tpu.memory_space<vmem>>
        tpu.vector_store_idx %scatter3A_1119[%add3A_5, %add3A_1099], %get3A_1109 : memref<32x129xf32, #tpu.memory_space<vmem>>[vector<16xi32>, vector<16xi32>], vector<16xf32>,
        %add3A_1120 = arith.constant 8 : i32
        %add3A_1121 = arith.addi %mul3A_921, %add3A_1120 : i32
        %add3A_1122 = arith.constant 8 : i32
        %add3A_1123 = vector.broadcast %add3A_1122 : i32 to vector<16xi32>
        %add3A_1124 = arith.addi %broadcast_in_dim3A, %add3A_1123 : vector<16xi32>
        %get3A_1125 = arith.constant 1 : i32
        %get3A_1126 = arith.index_cast %get3A_1125 : i32 to index
        %get3A_1127 = arith.index_cast %add3A_1121 : i32 to index
        %get3A_1128 = arith.constant 0 : index
        %get3A_1129 = tpu.vector_load %arg6[%get3A_1126, %get3A_1127, %get3A_1128] {strides = array<i32>} : memref<4x128x32xf32, #tpu.memory_space<vmem>>, vector<16xf32>,
        %get3A_1130 = arith.constant 1 : i32
        %get3A_1131 = arith.index_cast %get3A_1130 : i32 to index
        %get3A_1132 = arith.index_cast %add3A_1121 : i32 to index
        %get3A_1133 = arith.constant 16 : index
        %get3A_1134 = tpu.vector_load %arg6[%get3A_1131, %get3A_1132, %get3A_1133] {strides = array<i32>} : memref<4x128x32xf32, #tpu.memory_space<vmem>>, vector<16xf32>,
        %scatter3A_1135 = arith.constant 1 : i32
        %scatter3A_1136 = arith.constant 0 : i32
        %scatter3A_1137 = arith.constant 0 : i32
        %scatter3A_1138 = tpu.memref_slice %arg7[%scatter3A_1135, %scatter3A_1136, %scatter3A_1137] : memref<4x32x129xf32, #tpu.memory_space<vmem>> -> memref<1x32x129xf32, #tpu.memory_space<vmem>>
        %scatter3A_1139 = tpu.memref_squeeze %scatter3A_1138 : memref<1x32x129xf32, #tpu.memory_space<vmem>> -> memref<32x129xf32, #tpu.memory_space<vmem>>
        tpu.vector_store_idx %scatter3A_1139[%iota3A, %add3A_1124], %get3A_1129 : memref<32x129xf32, #tpu.memory_space<vmem>>[vector<16xi32>, vector<16xi32>], vector<16xf32>,
        %scatter3A_1140 = arith.constant 1 : i32
        %scatter3A_1141 = arith.constant 0 : i32
        %scatter3A_1142 = arith.constant 0 : i32
        %scatter3A_1143 = tpu.memref_slice %arg7[%scatter3A_1140, %scatter3A_1141, %scatter3A_1142] : memref<4x32x129xf32, #tpu.memory_space<vmem>> -> memref<1x32x129xf32, #tpu.memory_space<vmem>>
        %scatter3A_1144 = tpu.memref_squeeze %scatter3A_1143 : memref<1x32x129xf32, #tpu.memory_space<vmem>> -> memref<32x129xf32, #tpu.memory_space<vmem>>
        tpu.vector_store_idx %scatter3A_1144[%add3A_5, %add3A_1124], %get3A_1134 : memref<32x129xf32, #tpu.memory_space<vmem>>[vector<16xi32>, vector<16xi32>], vector<16xf32>,
        %add3A_1145 = arith.constant 9 : i32
        %add3A_1146 = arith.addi %mul3A_921, %add3A_1145 : i32
        %add3A_1147 = arith.constant 9 : i32
        %add3A_1148 = vector.broadcast %add3A_1147 : i32 to vector<16xi32>
        %add3A_1149 = arith.addi %broadcast_in_dim3A, %add3A_1148 : vector<16xi32>
        %get3A_1150 = arith.constant 1 : i32
        %get3A_1151 = arith.index_cast %get3A_1150 : i32 to index
        %get3A_1152 = arith.index_cast %add3A_1146 : i32 to index
        %get3A_1153 = arith.constant 0 : index
        %get3A_1154 = tpu.vector_load %arg6[%get3A_1151, %get3A_1152, %get3A_1153] {strides = array<i32>} : memref<4x128x32xf32, #tpu.memory_space<vmem>>, vector<16xf32>,
        %get3A_1155 = arith.constant 1 : i32
        %get3A_1156 = arith.index_cast %get3A_1155 : i32 to index
        %get3A_1157 = arith.index_cast %add3A_1146 : i32 to index
        %get3A_1158 = arith.constant 16 : index
        %get3A_1159 = tpu.vector_load %arg6[%get3A_1156, %get3A_1157, %get3A_1158] {strides = array<i32>} : memref<4x128x32xf32, #tpu.memory_space<vmem>>, vector<16xf32>,
        %scatter3A_1160 = arith.constant 1 : i32
        %scatter3A_1161 = arith.constant 0 : i32
        %scatter3A_1162 = arith.constant 0 : i32
        %scatter3A_1163 = tpu.memref_slice %arg7[%scatter3A_1160, %scatter3A_1161, %scatter3A_1162] : memref<4x32x129xf32, #tpu.memory_space<vmem>> -> memref<1x32x129xf32, #tpu.memory_space<vmem>>
        %scatter3A_1164 = tpu.memref_squeeze %scatter3A_1163 : memref<1x32x129xf32, #tpu.memory_space<vmem>> -> memref<32x129xf32, #tpu.memory_space<vmem>>
        tpu.vector_store_idx %scatter3A_1164[%iota3A, %add3A_1149], %get3A_1154 : memref<32x129xf32, #tpu.memory_space<vmem>>[vector<16xi32>, vector<16xi32>], vector<16xf32>,
        %scatter3A_1165 = arith.constant 1 : i32
        %scatter3A_1166 = arith.constant 0 : i32
        %scatter3A_1167 = arith.constant 0 : i32
        %scatter3A_1168 = tpu.memref_slice %arg7[%scatter3A_1165, %scatter3A_1166, %scatter3A_1167] : memref<4x32x129xf32, #tpu.memory_space<vmem>> -> memref<1x32x129xf32, #tpu.memory_space<vmem>>
        %scatter3A_1169 = tpu.memref_squeeze %scatter3A_1168 : memref<1x32x129xf32, #tpu.memory_space<vmem>> -> memref<32x129xf32, #tpu.memory_space<vmem>>
        tpu.vector_store_idx %scatter3A_1169[%add3A_5, %add3A_1149], %get3A_1159 : memref<32x129xf32, #tpu.memory_space<vmem>>[vector<16xi32>, vector<16xi32>], vector<16xf32>,
        %add3A_1170 = arith.constant 10 : i32
        %add3A_1171 = arith.addi %mul3A_921, %add3A_1170 : i32
        %add3A_1172 = arith.constant 10 : i32
        %add3A_1173 = vector.broadcast %add3A_1172 : i32 to vector<16xi32>
        %add3A_1174 = arith.addi %broadcast_in_dim3A, %add3A_1173 : vector<16xi32>
        %get3A_1175 = arith.constant 1 : i32
        %get3A_1176 = arith.index_cast %get3A_1175 : i32 to index
        %get3A_1177 = arith.index_cast %add3A_1171 : i32 to index
        %get3A_1178 = arith.constant 0 : index
        %get3A_1179 = tpu.vector_load %arg6[%get3A_1176, %get3A_1177, %get3A_1178] {strides = array<i32>} : memref<4x128x32xf32, #tpu.memory_space<vmem>>, vector<16xf32>,
        %get3A_1180 = arith.constant 1 : i32
        %get3A_1181 = arith.index_cast %get3A_1180 : i32 to index
        %get3A_1182 = arith.index_cast %add3A_1171 : i32 to index
        %get3A_1183 = arith.constant 16 : index
        %get3A_1184 = tpu.vector_load %arg6[%get3A_1181, %get3A_1182, %get3A_1183] {strides = array<i32>} : memref<4x128x32xf32, #tpu.memory_space<vmem>>, vector<16xf32>,
        %scatter3A_1185 = arith.constant 1 : i32
        %scatter3A_1186 = arith.constant 0 : i32
        %scatter3A_1187 = arith.constant 0 : i32
        %scatter3A_1188 = tpu.memref_slice %arg7[%scatter3A_1185, %scatter3A_1186, %scatter3A_1187] : memref<4x32x129xf32, #tpu.memory_space<vmem>> -> memref<1x32x129xf32, #tpu.memory_space<vmem>>
        %scatter3A_1189 = tpu.memref_squeeze %scatter3A_1188 : memref<1x32x129xf32, #tpu.memory_space<vmem>> -> memref<32x129xf32, #tpu.memory_space<vmem>>
        tpu.vector_store_idx %scatter3A_1189[%iota3A, %add3A_1174], %get3A_1179 : memref<32x129xf32, #tpu.memory_space<vmem>>[vector<16xi32>, vector<16xi32>], vector<16xf32>,
        %scatter3A_1190 = arith.constant 1 : i32
        %scatter3A_1191 = arith.constant 0 : i32
        %scatter3A_1192 = arith.constant 0 : i32
        %scatter3A_1193 = tpu.memref_slice %arg7[%scatter3A_1190, %scatter3A_1191, %scatter3A_1192] : memref<4x32x129xf32, #tpu.memory_space<vmem>> -> memref<1x32x129xf32, #tpu.memory_space<vmem>>
        %scatter3A_1194 = tpu.memref_squeeze %scatter3A_1193 : memref<1x32x129xf32, #tpu.memory_space<vmem>> -> memref<32x129xf32, #tpu.memory_space<vmem>>
        tpu.vector_store_idx %scatter3A_1194[%add3A_5, %add3A_1174], %get3A_1184 : memref<32x129xf32, #tpu.memory_space<vmem>>[vector<16xi32>, vector<16xi32>], vector<16xf32>,
        %add3A_1195 = arith.constant 11 : i32
        %add3A_1196 = arith.addi %mul3A_921, %add3A_1195 : i32
        %add3A_1197 = arith.constant 11 : i32
        %add3A_1198 = vector.broadcast %add3A_1197 : i32 to vector<16xi32>
        %add3A_1199 = arith.addi %broadcast_in_dim3A, %add3A_1198 : vector<16xi32>
        %get3A_1200 = arith.constant 1 : i32
        %get3A_1201 = arith.index_cast %get3A_1200 : i32 to index
        %get3A_1202 = arith.index_cast %add3A_1196 : i32 to index
        %get3A_1203 = arith.constant 0 : index
        %get3A_1204 = tpu.vector_load %arg6[%get3A_1201, %get3A_1202, %get3A_1203] {strides = array<i32>} : memref<4x128x32xf32, #tpu.memory_space<vmem>>, vector<16xf32>,
        %get3A_1205 = arith.constant 1 : i32
        %get3A_1206 = arith.index_cast %get3A_1205 : i32 to index
        %get3A_1207 = arith.index_cast %add3A_1196 : i32 to index
        %get3A_1208 = arith.constant 16 : index
        %get3A_1209 = tpu.vector_load %arg6[%get3A_1206, %get3A_1207, %get3A_1208] {strides = array<i32>} : memref<4x128x32xf32, #tpu.memory_space<vmem>>, vector<16xf32>,
        %scatter3A_1210 = arith.constant 1 : i32
        %scatter3A_1211 = arith.constant 0 : i32
        %scatter3A_1212 = arith.constant 0 : i32
        %scatter3A_1213 = tpu.memref_slice %arg7[%scatter3A_1210, %scatter3A_1211, %scatter3A_1212] : memref<4x32x129xf32, #tpu.memory_space<vmem>> -> memref<1x32x129xf32, #tpu.memory_space<vmem>>
        %scatter3A_1214 = tpu.memref_squeeze %scatter3A_1213 : memref<1x32x129xf32, #tpu.memory_space<vmem>> -> memref<32x129xf32, #tpu.memory_space<vmem>>
        tpu.vector_store_idx %scatter3A_1214[%iota3A, %add3A_1199], %get3A_1204 : memref<32x129xf32, #tpu.memory_space<vmem>>[vector<16xi32>, vector<16xi32>], vector<16xf32>,
        %scatter3A_1215 = arith.constant 1 : i32
        %scatter3A_1216 = arith.constant 0 : i32
        %scatter3A_1217 = arith.constant 0 : i32
        %scatter3A_1218 = tpu.memref_slice %arg7[%scatter3A_1215, %scatter3A_1216, %scatter3A_1217] : memref<4x32x129xf32, #tpu.memory_space<vmem>> -> memref<1x32x129xf32, #tpu.memory_space<vmem>>
        %scatter3A_1219 = tpu.memref_squeeze %scatter3A_1218 : memref<1x32x129xf32, #tpu.memory_space<vmem>> -> memref<32x129xf32, #tpu.memory_space<vmem>>
        tpu.vector_store_idx %scatter3A_1219[%add3A_5, %add3A_1199], %get3A_1209 : memref<32x129xf32, #tpu.memory_space<vmem>>[vector<16xi32>, vector<16xi32>], vector<16xf32>,
        %add3A_1220 = arith.constant 12 : i32
        %add3A_1221 = arith.addi %mul3A_921, %add3A_1220 : i32
        %add3A_1222 = arith.constant 12 : i32
        %add3A_1223 = vector.broadcast %add3A_1222 : i32 to vector<16xi32>
        %add3A_1224 = arith.addi %broadcast_in_dim3A, %add3A_1223 : vector<16xi32>
        %get3A_1225 = arith.constant 1 : i32
        %get3A_1226 = arith.index_cast %get3A_1225 : i32 to index
        %get3A_1227 = arith.index_cast %add3A_1221 : i32 to index
        %get3A_1228 = arith.constant 0 : index
        %get3A_1229 = tpu.vector_load %arg6[%get3A_1226, %get3A_1227, %get3A_1228] {strides = array<i32>} : memref<4x128x32xf32, #tpu.memory_space<vmem>>, vector<16xf32>,
        %get3A_1230 = arith.constant 1 : i32
        %get3A_1231 = arith.index_cast %get3A_1230 : i32 to index
        %get3A_1232 = arith.index_cast %add3A_1221 : i32 to index
        %get3A_1233 = arith.constant 16 : index
        %get3A_1234 = tpu.vector_load %arg6[%get3A_1231, %get3A_1232, %get3A_1233] {strides = array<i32>} : memref<4x128x32xf32, #tpu.memory_space<vmem>>, vector<16xf32>,
        %scatter3A_1235 = arith.constant 1 : i32
        %scatter3A_1236 = arith.constant 0 : i32
        %scatter3A_1237 = arith.constant 0 : i32
        %scatter3A_1238 = tpu.memref_slice %arg7[%scatter3A_1235, %scatter3A_1236, %scatter3A_1237] : memref<4x32x129xf32, #tpu.memory_space<vmem>> -> memref<1x32x129xf32, #tpu.memory_space<vmem>>
        %scatter3A_1239 = tpu.memref_squeeze %scatter3A_1238 : memref<1x32x129xf32, #tpu.memory_space<vmem>> -> memref<32x129xf32, #tpu.memory_space<vmem>>
        tpu.vector_store_idx %scatter3A_1239[%iota3A, %add3A_1224], %get3A_1229 : memref<32x129xf32, #tpu.memory_space<vmem>>[vector<16xi32>, vector<16xi32>], vector<16xf32>,
        %scatter3A_1240 = arith.constant 1 : i32
        %scatter3A_1241 = arith.constant 0 : i32
        %scatter3A_1242 = arith.constant 0 : i32
        %scatter3A_1243 = tpu.memref_slice %arg7[%scatter3A_1240, %scatter3A_1241, %scatter3A_1242] : memref<4x32x129xf32, #tpu.memory_space<vmem>> -> memref<1x32x129xf32, #tpu.memory_space<vmem>>
        %scatter3A_1244 = tpu.memref_squeeze %scatter3A_1243 : memref<1x32x129xf32, #tpu.memory_space<vmem>> -> memref<32x129xf32, #tpu.memory_space<vmem>>
        tpu.vector_store_idx %scatter3A_1244[%add3A_5, %add3A_1224], %get3A_1234 : memref<32x129xf32, #tpu.memory_space<vmem>>[vector<16xi32>, vector<16xi32>], vector<16xf32>,
        %add3A_1245 = arith.constant 13 : i32
        %add3A_1246 = arith.addi %mul3A_921, %add3A_1245 : i32
        %add3A_1247 = arith.constant 13 : i32
        %add3A_1248 = vector.broadcast %add3A_1247 : i32 to vector<16xi32>
        %add3A_1249 = arith.addi %broadcast_in_dim3A, %add3A_1248 : vector<16xi32>
        %get3A_1250 = arith.constant 1 : i32
        %get3A_1251 = arith.index_cast %get3A_1250 : i32 to index
        %get3A_1252 = arith.index_cast %add3A_1246 : i32 to index
        %get3A_1253 = arith.constant 0 : index
        %get3A_1254 = tpu.vector_load %arg6[%get3A_1251, %get3A_1252, %get3A_1253] {strides = array<i32>} : memref<4x128x32xf32, #tpu.memory_space<vmem>>, vector<16xf32>,
        %get3A_1255 = arith.constant 1 : i32
        %get3A_1256 = arith.index_cast %get3A_1255 : i32 to index
        %get3A_1257 = arith.index_cast %add3A_1246 : i32 to index
        %get3A_1258 = arith.constant 16 : index
        %get3A_1259 = tpu.vector_load %arg6[%get3A_1256, %get3A_1257, %get3A_1258] {strides = array<i32>} : memref<4x128x32xf32, #tpu.memory_space<vmem>>, vector<16xf32>,
        %scatter3A_1260 = arith.constant 1 : i32
        %scatter3A_1261 = arith.constant 0 : i32
        %scatter3A_1262 = arith.constant 0 : i32
        %scatter3A_1263 = tpu.memref_slice %arg7[%scatter3A_1260, %scatter3A_1261, %scatter3A_1262] : memref<4x32x129xf32, #tpu.memory_space<vmem>> -> memref<1x32x129xf32, #tpu.memory_space<vmem>>
        %scatter3A_1264 = tpu.memref_squeeze %scatter3A_1263 : memref<1x32x129xf32, #tpu.memory_space<vmem>> -> memref<32x129xf32, #tpu.memory_space<vmem>>
        tpu.vector_store_idx %scatter3A_1264[%iota3A, %add3A_1249], %get3A_1254 : memref<32x129xf32, #tpu.memory_space<vmem>>[vector<16xi32>, vector<16xi32>], vector<16xf32>,
        %scatter3A_1265 = arith.constant 1 : i32
        %scatter3A_1266 = arith.constant 0 : i32
        %scatter3A_1267 = arith.constant 0 : i32
        %scatter3A_1268 = tpu.memref_slice %arg7[%scatter3A_1265, %scatter3A_1266, %scatter3A_1267] : memref<4x32x129xf32, #tpu.memory_space<vmem>> -> memref<1x32x129xf32, #tpu.memory_space<vmem>>
        %scatter3A_1269 = tpu.memref_squeeze %scatter3A_1268 : memref<1x32x129xf32, #tpu.memory_space<vmem>> -> memref<32x129xf32, #tpu.memory_space<vmem>>
        tpu.vector_store_idx %scatter3A_1269[%add3A_5, %add3A_1249], %get3A_1259 : memref<32x129xf32, #tpu.memory_space<vmem>>[vector<16xi32>, vector<16xi32>], vector<16xf32>,
        %add3A_1270 = arith.constant 14 : i32
        %add3A_1271 = arith.addi %mul3A_921, %add3A_1270 : i32
        %add3A_1272 = arith.constant 14 : i32
        %add3A_1273 = vector.broadcast %add3A_1272 : i32 to vector<16xi32>
        %add3A_1274 = arith.addi %broadcast_in_dim3A, %add3A_1273 : vector<16xi32>
        %get3A_1275 = arith.constant 1 : i32
        %get3A_1276 = arith.index_cast %get3A_1275 : i32 to index
        %get3A_1277 = arith.index_cast %add3A_1271 : i32 to index
        %get3A_1278 = arith.constant 0 : index
        %get3A_1279 = tpu.vector_load %arg6[%get3A_1276, %get3A_1277, %get3A_1278] {strides = array<i32>} : memref<4x128x32xf32, #tpu.memory_space<vmem>>, vector<16xf32>,
        %get3A_1280 = arith.constant 1 : i32
        %get3A_1281 = arith.index_cast %get3A_1280 : i32 to index
        %get3A_1282 = arith.index_cast %add3A_1271 : i32 to index
        %get3A_1283 = arith.constant 16 : index
        %get3A_1284 = tpu.vector_load %arg6[%get3A_1281, %get3A_1282, %get3A_1283] {strides = array<i32>} : memref<4x128x32xf32, #tpu.memory_space<vmem>>, vector<16xf32>,
        %scatter3A_1285 = arith.constant 1 : i32
        %scatter3A_1286 = arith.constant 0 : i32
        %scatter3A_1287 = arith.constant 0 : i32
        %scatter3A_1288 = tpu.memref_slice %arg7[%scatter3A_1285, %scatter3A_1286, %scatter3A_1287] : memref<4x32x129xf32, #tpu.memory_space<vmem>> -> memref<1x32x129xf32, #tpu.memory_space<vmem>>
        %scatter3A_1289 = tpu.memref_squeeze %scatter3A_1288 : memref<1x32x129xf32, #tpu.memory_space<vmem>> -> memref<32x129xf32, #tpu.memory_space<vmem>>
        tpu.vector_store_idx %scatter3A_1289[%iota3A, %add3A_1274], %get3A_1279 : memref<32x129xf32, #tpu.memory_space<vmem>>[vector<16xi32>, vector<16xi32>], vector<16xf32>,
        %scatter3A_1290 = arith.constant 1 : i32
        %scatter3A_1291 = arith.constant 0 : i32
        %scatter3A_1292 = arith.constant 0 : i32
        %scatter3A_1293 = tpu.memref_slice %arg7[%scatter3A_1290, %scatter3A_1291, %scatter3A_1292] : memref<4x32x129xf32, #tpu.memory_space<vmem>> -> memref<1x32x129xf32, #tpu.memory_space<vmem>>
        %scatter3A_1294 = tpu.memref_squeeze %scatter3A_1293 : memref<1x32x129xf32, #tpu.memory_space<vmem>> -> memref<32x129xf32, #tpu.memory_space<vmem>>
        tpu.vector_store_idx %scatter3A_1294[%add3A_5, %add3A_1274], %get3A_1284 : memref<32x129xf32, #tpu.memory_space<vmem>>[vector<16xi32>, vector<16xi32>], vector<16xf32>,
        %add3A_1295 = arith.constant 15 : i32
        %add3A_1296 = arith.addi %mul3A_921, %add3A_1295 : i32
        %add3A_1297 = arith.constant 15 : i32
        %add3A_1298 = vector.broadcast %add3A_1297 : i32 to vector<16xi32>
        %add3A_1299 = arith.addi %broadcast_in_dim3A, %add3A_1298 : vector<16xi32>
        %get3A_1300 = arith.constant 1 : i32
        %get3A_1301 = arith.index_cast %get3A_1300 : i32 to index
        %get3A_1302 = arith.index_cast %add3A_1296 : i32 to index
        %get3A_1303 = arith.constant 0 : index
        %get3A_1304 = tpu.vector_load %arg6[%get3A_1301, %get3A_1302, %get3A_1303] {strides = array<i32>} : memref<4x128x32xf32, #tpu.memory_space<vmem>>, vector<16xf32>,
        %get3A_1305 = arith.constant 1 : i32
        %get3A_1306 = arith.index_cast %get3A_1305 : i32 to index
        %get3A_1307 = arith.index_cast %add3A_1296 : i32 to index
        %get3A_1308 = arith.constant 16 : index
        %get3A_1309 = tpu.vector_load %arg6[%get3A_1306, %get3A_1307, %get3A_1308] {strides = array<i32>} : memref<4x128x32xf32, #tpu.memory_space<vmem>>, vector<16xf32>,
        %scatter3A_1310 = arith.constant 1 : i32
        %scatter3A_1311 = arith.constant 0 : i32
        %scatter3A_1312 = arith.constant 0 : i32
        %scatter3A_1313 = tpu.memref_slice %arg7[%scatter3A_1310, %scatter3A_1311, %scatter3A_1312] : memref<4x32x129xf32, #tpu.memory_space<vmem>> -> memref<1x32x129xf32, #tpu.memory_space<vmem>>
        %scatter3A_1314 = tpu.memref_squeeze %scatter3A_1313 : memref<1x32x129xf32, #tpu.memory_space<vmem>> -> memref<32x129xf32, #tpu.memory_space<vmem>>
        tpu.vector_store_idx %scatter3A_1314[%iota3A, %add3A_1299], %get3A_1304 : memref<32x129xf32, #tpu.memory_space<vmem>>[vector<16xi32>, vector<16xi32>], vector<16xf32>,
        %scatter3A_1315 = arith.constant 1 : i32
        %scatter3A_1316 = arith.constant 0 : i32
        %scatter3A_1317 = arith.constant 0 : i32
        %scatter3A_1318 = tpu.memref_slice %arg7[%scatter3A_1315, %scatter3A_1316, %scatter3A_1317] : memref<4x32x129xf32, #tpu.memory_space<vmem>> -> memref<1x32x129xf32, #tpu.memory_space<vmem>>
        %scatter3A_1319 = tpu.memref_squeeze %scatter3A_1318 : memref<1x32x129xf32, #tpu.memory_space<vmem>> -> memref<32x129xf32, #tpu.memory_space<vmem>>
        tpu.vector_store_idx %scatter3A_1319[%add3A_5, %add3A_1299], %get3A_1309 : memref<32x129xf32, #tpu.memory_space<vmem>>[vector<16xi32>, vector<16xi32>], vector<16xf32>,
      }
      %scan3A_586 = arith.constant 8 : i32
      %dma_start3A_587 = arith.constant 1 : i32
      %dma_start3A_588 = arith.constant 0 : i32
      %dma_start3A_589 = arith.constant 1 : i32
      %dma_start3A_590 = arith.constant 0 : i32
      %dma_start3A_591 = arith.constant 0 : i32
      %dma_start3A_592 = tpu.memref_slice %arg7[%dma_start3A_587, %dma_start3A_590, %dma_start3A_591] : memref<4x32x129xf32, #tpu.memory_space<vmem>> -> memref<1x8x128xf32, #tpu.memory_space<vmem>>
      %dma_start3A_593 = tpu.memref_squeeze %dma_start3A_592 : memref<1x8x128xf32, #tpu.memory_space<vmem>> -> memref<8x128xf32, #tpu.memory_space<vmem>>
      %dma_start3A_594 = arith.constant 0 : i32
      %dma_start3A_595 = arith.constant 0 : i32
      %dma_start3A_596 = tpu.memref_slice %arg4[%add3A_557, %dma_start3A_588, %add3A, %dma_start3A_594, %dma_start3A_595] : memref<200x4x32x8x128xf32, #tpu.memory_space<hbm>> -> memref<1x1x1x8x128xf32, #tpu.memory_space<hbm>>
      %dma_start3A_597 = tpu.memref_squeeze %dma_start3A_596 : memref<1x1x1x8x128xf32, #tpu.memory_space<hbm>> -> memref<8x128xf32, #tpu.memory_space<hbm>>
      %dma_start3A_598 = tpu.memref_slice %arg9[%dma_start3A_589] : memref<4x!tpu.dma_semaphore, #tpu.memory_space<semaphore_mem>> -> memref<1x!tpu.dma_semaphore, #tpu.memory_space<semaphore_mem>>
      %dma_start3A_599 = tpu.memref_squeeze %dma_start3A_598 : memref<1x!tpu.dma_semaphore, #tpu.memory_space<semaphore_mem>> -> memref<!tpu.dma_semaphore, #tpu.memory_space<semaphore_mem>>
      %dma_start3A_600 = arith.constant 0 : i32
      %dma_start3A_601 = arith.constant 0 : i32
      %dma_start3A_602 = tpu.memref_slice %arg4[%add3A_557, %dma_start3A_588, %add3A, %dma_start3A_600, %dma_start3A_601] : memref<200x4x32x8x128xf32, #tpu.memory_space<hbm>> -> memref<1x1x1x8x128xf32, #tpu.memory_space<hbm>>
      %dma_start3A_603 = tpu.memref_squeeze %dma_start3A_602 : memref<1x1x1x8x128xf32, #tpu.memory_space<hbm>> -> memref<8x128xf32, #tpu.memory_space<hbm>>
      %dma_start3A_604 = arith.constant 0 : i32
      %dma_start3A_605 = arith.constant 0 : i32
      %dma_start3A_606 = tpu.memref_slice %arg7[%dma_start3A_587, %dma_start3A_604, %dma_start3A_605] : memref<4x32x129xf32, #tpu.memory_space<vmem>> -> memref<1x8x128xf32, #tpu.memory_space<vmem>>
      %dma_start3A_607 = tpu.memref_squeeze %dma_start3A_606 : memref<1x8x128xf32, #tpu.memory_space<vmem>> -> memref<8x128xf32, #tpu.memory_space<vmem>>
      tpu.enqueue_dma source(%dma_start3A_607 : memref<8x128xf32, #tpu.memory_space<vmem>>) target(%dma_start3A_603 : memref<8x128xf32, #tpu.memory_space<hbm>>) target_semaphore(%dma_start3A_599 : memref<!tpu.dma_semaphore, #tpu.memory_space<semaphore_mem>>)
      %dma_start3A_608 = arith.constant 1 : i32
      %dma_start3A_609 = arith.constant 1 : i32
      %dma_start3A_610 = arith.constant 1 : i32
      %dma_start3A_611 = arith.constant 8 : i32
      %dma_start3A_612 = arith.constant 0 : i32
      %dma_start3A_613 = tpu.memref_slice %arg7[%dma_start3A_608, %dma_start3A_611, %dma_start3A_612] : memref<4x32x129xf32, #tpu.memory_space<vmem>> -> memref<1x8x128xf32, #tpu.memory_space<vmem>>
      %dma_start3A_614 = tpu.memref_squeeze %dma_start3A_613 : memref<1x8x128xf32, #tpu.memory_space<vmem>> -> memref<8x128xf32, #tpu.memory_space<vmem>>
      %dma_start3A_615 = arith.constant 0 : i32
      %dma_start3A_616 = arith.constant 0 : i32
      %dma_start3A_617 = tpu.memref_slice %arg4[%add3A_557, %dma_start3A_609, %add3A, %dma_start3A_615, %dma_start3A_616] : memref<200x4x32x8x128xf32, #tpu.memory_space<hbm>> -> memref<1x1x1x8x128xf32, #tpu.memory_space<hbm>>
      %dma_start3A_618 = tpu.memref_squeeze %dma_start3A_617 : memref<1x1x1x8x128xf32, #tpu.memory_space<hbm>> -> memref<8x128xf32, #tpu.memory_space<hbm>>
      %dma_start3A_619 = tpu.memref_slice %arg9[%dma_start3A_610] : memref<4x!tpu.dma_semaphore, #tpu.memory_space<semaphore_mem>> -> memref<1x!tpu.dma_semaphore, #tpu.memory_space<semaphore_mem>>
      %dma_start3A_620 = tpu.memref_squeeze %dma_start3A_619 : memref<1x!tpu.dma_semaphore, #tpu.memory_space<semaphore_mem>> -> memref<!tpu.dma_semaphore, #tpu.memory_space<semaphore_mem>>
      %dma_start3A_621 = arith.constant 0 : i32
      %dma_start3A_622 = arith.constant 0 : i32
      %dma_start3A_623 = tpu.memref_slice %arg4[%add3A_557, %dma_start3A_609, %add3A, %dma_start3A_621, %dma_start3A_622] : memref<200x4x32x8x128xf32, #tpu.memory_space<hbm>> -> memref<1x1x1x8x128xf32, #tpu.memory_space<hbm>>
      %dma_start3A_624 = tpu.memref_squeeze %dma_start3A_623 : memref<1x1x1x8x128xf32, #tpu.memory_space<hbm>> -> memref<8x128xf32, #tpu.memory_space<hbm>>
      %dma_start3A_625 = arith.constant 8 : i32
      %dma_start3A_626 = arith.constant 0 : i32
      %dma_start3A_627 = tpu.memref_slice %arg7[%dma_start3A_608, %dma_start3A_625, %dma_start3A_626] : memref<4x32x129xf32, #tpu.memory_space<vmem>> -> memref<1x8x128xf32, #tpu.memory_space<vmem>>
      %dma_start3A_628 = tpu.memref_squeeze %dma_start3A_627 : memref<1x8x128xf32, #tpu.memory_space<vmem>> -> memref<8x128xf32, #tpu.memory_space<vmem>>
      tpu.enqueue_dma source(%dma_start3A_628 : memref<8x128xf32, #tpu.memory_space<vmem>>) target(%dma_start3A_624 : memref<8x128xf32, #tpu.memory_space<hbm>>) target_semaphore(%dma_start3A_620 : memref<!tpu.dma_semaphore, #tpu.memory_space<semaphore_mem>>)
      %dma_start3A_629 = arith.constant 1 : i32
      %dma_start3A_630 = arith.constant 2 : i32
      %dma_start3A_631 = arith.constant 1 : i32
      %dma_start3A_632 = arith.constant 16 : i32
      %dma_start3A_633 = arith.constant 0 : i32
      %dma_start3A_634 = tpu.memref_slice %arg7[%dma_start3A_629, %dma_start3A_632, %dma_start3A_633] : memref<4x32x129xf32, #tpu.memory_space<vmem>> -> memref<1x8x128xf32, #tpu.memory_space<vmem>>
      %dma_start3A_635 = tpu.memref_squeeze %dma_start3A_634 : memref<1x8x128xf32, #tpu.memory_space<vmem>> -> memref<8x128xf32, #tpu.memory_space<vmem>>
      %dma_start3A_636 = arith.constant 0 : i32
      %dma_start3A_637 = arith.constant 0 : i32
      %dma_start3A_638 = tpu.memref_slice %arg4[%add3A_557, %dma_start3A_630, %add3A, %dma_start3A_636, %dma_start3A_637] : memref<200x4x32x8x128xf32, #tpu.memory_space<hbm>> -> memref<1x1x1x8x128xf32, #tpu.memory_space<hbm>>
      %dma_start3A_639 = tpu.memref_squeeze %dma_start3A_638 : memref<1x1x1x8x128xf32, #tpu.memory_space<hbm>> -> memref<8x128xf32, #tpu.memory_space<hbm>>
      %dma_start3A_640 = tpu.memref_slice %arg9[%dma_start3A_631] : memref<4x!tpu.dma_semaphore, #tpu.memory_space<semaphore_mem>> -> memref<1x!tpu.dma_semaphore, #tpu.memory_space<semaphore_mem>>
      %dma_start3A_641 = tpu.memref_squeeze %dma_start3A_640 : memref<1x!tpu.dma_semaphore, #tpu.memory_space<semaphore_mem>> -> memref<!tpu.dma_semaphore, #tpu.memory_space<semaphore_mem>>
      %dma_start3A_642 = arith.constant 0 : i32
      %dma_start3A_643 = arith.constant 0 : i32
      %dma_start3A_644 = tpu.memref_slice %arg4[%add3A_557, %dma_start3A_630, %add3A, %dma_start3A_642, %dma_start3A_643] : memref<200x4x32x8x128xf32, #tpu.memory_space<hbm>> -> memref<1x1x1x8x128xf32, #tpu.memory_space<hbm>>
      %dma_start3A_645 = tpu.memref_squeeze %dma_start3A_644 : memref<1x1x1x8x128xf32, #tpu.memory_space<hbm>> -> memref<8x128xf32, #tpu.memory_space<hbm>>
      %dma_start3A_646 = arith.constant 16 : i32
      %dma_start3A_647 = arith.constant 0 : i32
      %dma_start3A_648 = tpu.memref_slice %arg7[%dma_start3A_629, %dma_start3A_646, %dma_start3A_647] : memref<4x32x129xf32, #tpu.memory_space<vmem>> -> memref<1x8x128xf32, #tpu.memory_space<vmem>>
      %dma_start3A_649 = tpu.memref_squeeze %dma_start3A_648 : memref<1x8x128xf32, #tpu.memory_space<vmem>> -> memref<8x128xf32, #tpu.memory_space<vmem>>
      tpu.enqueue_dma source(%dma_start3A_649 : memref<8x128xf32, #tpu.memory_space<vmem>>) target(%dma_start3A_645 : memref<8x128xf32, #tpu.memory_space<hbm>>) target_semaphore(%dma_start3A_641 : memref<!tpu.dma_semaphore, #tpu.memory_space<semaphore_mem>>)
      %dma_start3A_650 = arith.constant 1 : i32
      %dma_start3A_651 = arith.constant 3 : i32
      %dma_start3A_652 = arith.constant 1 : i32
      %dma_start3A_653 = arith.constant 24 : i32
      %dma_start3A_654 = arith.constant 0 : i32
      %dma_start3A_655 = tpu.memref_slice %arg7[%dma_start3A_650, %dma_start3A_653, %dma_start3A_654] : memref<4x32x129xf32, #tpu.memory_space<vmem>> -> memref<1x8x128xf32, #tpu.memory_space<vmem>>
      %dma_start3A_656 = tpu.memref_squeeze %dma_start3A_655 : memref<1x8x128xf32, #tpu.memory_space<vmem>> -> memref<8x128xf32, #tpu.memory_space<vmem>>
      %dma_start3A_657 = arith.constant 0 : i32
      %dma_start3A_658 = arith.constant 0 : i32
      %dma_start3A_659 = tpu.memref_slice %arg4[%add3A_557, %dma_start3A_651, %add3A, %dma_start3A_657, %dma_start3A_658] : memref<200x4x32x8x128xf32, #tpu.memory_space<hbm>> -> memref<1x1x1x8x128xf32, #tpu.memory_space<hbm>>
      %dma_start3A_660 = tpu.memref_squeeze %dma_start3A_659 : memref<1x1x1x8x128xf32, #tpu.memory_space<hbm>> -> memref<8x128xf32, #tpu.memory_space<hbm>>
      %dma_start3A_661 = tpu.memref_slice %arg9[%dma_start3A_652] : memref<4x!tpu.dma_semaphore, #tpu.memory_space<semaphore_mem>> -> memref<1x!tpu.dma_semaphore, #tpu.memory_space<semaphore_mem>>
      %dma_start3A_662 = tpu.memref_squeeze %dma_start3A_661 : memref<1x!tpu.dma_semaphore, #tpu.memory_space<semaphore_mem>> -> memref<!tpu.dma_semaphore, #tpu.memory_space<semaphore_mem>>
      %dma_start3A_663 = arith.constant 0 : i32
      %dma_start3A_664 = arith.constant 0 : i32
      %dma_start3A_665 = tpu.memref_slice %arg4[%add3A_557, %dma_start3A_651, %add3A, %dma_start3A_663, %dma_start3A_664] : memref<200x4x32x8x128xf32, #tpu.memory_space<hbm>> -> memref<1x1x1x8x128xf32, #tpu.memory_space<hbm>>
      %dma_start3A_666 = tpu.memref_squeeze %dma_start3A_665 : memref<1x1x1x8x128xf32, #tpu.memory_space<hbm>> -> memref<8x128xf32, #tpu.memory_space<hbm>>
      %dma_start3A_667 = arith.constant 24 : i32
      %dma_start3A_668 = arith.constant 0 : i32
      %dma_start3A_669 = tpu.memref_slice %arg7[%dma_start3A_650, %dma_start3A_667, %dma_start3A_668] : memref<4x32x129xf32, #tpu.memory_space<vmem>> -> memref<1x8x128xf32, #tpu.memory_space<vmem>>
      %dma_start3A_670 = tpu.memref_squeeze %dma_start3A_669 : memref<1x8x128xf32, #tpu.memory_space<vmem>> -> memref<8x128xf32, #tpu.memory_space<vmem>>
      tpu.enqueue_dma source(%dma_start3A_670 : memref<8x128xf32, #tpu.memory_space<vmem>>) target(%dma_start3A_666 : memref<8x128xf32, #tpu.memory_space<hbm>>) target_semaphore(%dma_start3A_662 : memref<!tpu.dma_semaphore, #tpu.memory_space<semaphore_mem>>)
      %lt3A = arith.constant 49 : i32
      %lt3A_671 = arith.cmpi slt, %scan3A_422, %lt3A : i32
      %convert_element_type3A_672 = arith.extui %lt3A_671 : i1 to i32
      %cond3A_673 = arith.constant 0 : i32
      %cond3A_674 = arith.cmpi ne, %convert_element_type3A_672, %cond3A_673 : i32
      scf.if %cond3A_674 {
        %add3A_919 = arith.constant 4 : i32
        %add3A_920 = arith.addi %add3A_557, %add3A_919 : i32
        %sub3A_921 = arith.constant 1 : i32
        %sub3A_922 = arith.subi %add3A_920, %sub3A_921 : i32
        %dma_start3A_923 = arith.constant 0 : i32
        %dma_start3A_924 = arith.constant 0 : i32
        %dma_start3A_925 = arith.constant 0 : i32
        %dma_start3A_926 = arith.constant 0 : i32
        %dma_start3A_927 = tpu.memref_slice %arg6[%dma_start3A_923, %dma_start3A_925, %dma_start3A_926] : memref<4x128x32xf32, #tpu.memory_space<vmem>> -> memref<1x128x32xf32, #tpu.memory_space<vmem>>
        %dma_start3A_928 = tpu.memref_squeeze %dma_start3A_927 : memref<1x128x32xf32, #tpu.memory_space<vmem>> -> memref<128x32xf32, #tpu.memory_space<vmem>>
        %dma_start3A_929 = arith.constant 0 : i32
        %dma_start3A_930 = tpu.memref_slice %arg5[%sub3A_922, %dma_start3A_929] : memref<200x128xi32, #tpu.memory_space<vmem>> -> memref<1x128xi32, #tpu.memory_space<vmem>>
        %dma_start3A_931 = tpu.memref_squeeze %dma_start3A_930 : memref<1x128xi32, #tpu.memory_space<vmem>> -> memref<128xi32, #tpu.memory_space<vmem>>
        %dma_start3A_932 = arith.constant 0 : i32
        %dma_start3A_933 = arith.constant 0 : i32
        %dma_start3A_934 = tpu.memref_slice %arg3[%dma_start3A_932, %dma_start3A_933] : memref<1000000x32xf32, #tpu.memory_space<hbm>> -> memref<1000000x32xf32, #tpu.memory_space<hbm>>
        %dma_start3A_935 = tpu.memref_slice %arg8[%dma_start3A_924] : memref<4x!tpu.dma_semaphore, #tpu.memory_space<semaphore_mem>> -> memref<1x!tpu.dma_semaphore, #tpu.memory_space<semaphore_mem>>
        %dma_start3A_936 = tpu.memref_squeeze %dma_start3A_935 : memref<1x!tpu.dma_semaphore, #tpu.memory_space<semaphore_mem>> -> memref<!tpu.dma_semaphore, #tpu.memory_space<semaphore_mem>>
        tpu.enqueue_indirect_dma source(%dma_start3A_934 : memref<1000000x32xf32, #tpu.memory_space<hbm>>) target(%dma_start3A_928 : memref<128x32xf32, #tpu.memory_space<vmem>>) offsets(%dma_start3A_931 : memref<128xi32, #tpu.memory_space<vmem>>) semaphore(%dma_start3A_936 : memref<!tpu.dma_semaphore, #tpu.memory_space<semaphore_mem>>)
      } else {
      }
      %mul3A_675 = arith.constant 4 : i32
      %mul3A_676 = arith.muli %scan3A_422, %mul3A_675 : i32
      %add3A_677 = arith.constant 2 : i32
      %add3A_678 = arith.addi %mul3A_676, %add3A_677 : i32
      %dma_wait3A_679 = arith.constant 2 : i32
      %dma_wait3A_680 = arith.constant 2 : i32
      %dma_wait3A_681 = arith.constant 0 : i32
      %dma_wait3A_682 = arith.constant 0 : i32
      %dma_wait3A_683 = tpu.memref_slice %arg6[%dma_wait3A_679, %dma_wait3A_681, %dma_wait3A_682] : memref<4x128x32xf32, #tpu.memory_space<vmem>> -> memref<1x128x32xf32, #tpu.memory_space<vmem>>
      %dma_wait3A_684 = tpu.memref_squeeze %dma_wait3A_683 : memref<1x128x32xf32, #tpu.memory_space<vmem>> -> memref<128x32xf32, #tpu.memory_space<vmem>>
      %dma_wait3A_685 = arith.constant 0 : i32
      %dma_wait3A_686 = arith.constant 0 : i32
      %dma_wait3A_687 = tpu.memref_slice %arg3[%dma_wait3A_685, %dma_wait3A_686] : memref<1000000x32xf32, #tpu.memory_space<hbm>> -> memref<128x32xf32, #tpu.memory_space<hbm>>
      %dma_wait3A_688 = tpu.memref_slice %arg8[%dma_wait3A_680] : memref<4x!tpu.dma_semaphore, #tpu.memory_space<semaphore_mem>> -> memref<1x!tpu.dma_semaphore, #tpu.memory_space<semaphore_mem>>
      %dma_wait3A_689 = tpu.memref_squeeze %dma_wait3A_688 : memref<1x!tpu.dma_semaphore, #tpu.memory_space<semaphore_mem>> -> memref<!tpu.dma_semaphore, #tpu.memory_space<semaphore_mem>>
      %dma_wait3A_690 = arith.constant 0 : i32
      %dma_wait3A_691 = arith.constant 0 : i32
      %dma_wait3A_692 = tpu.memref_slice %arg6[%dma_wait3A_679, %dma_wait3A_690, %dma_wait3A_691] : memref<4x128x32xf32, #tpu.memory_space<vmem>> -> memref<1x128x32xf32, #tpu.memory_space<vmem>>
      %dma_wait3A_693 = tpu.memref_squeeze %dma_wait3A_692 : memref<1x128x32xf32, #tpu.memory_space<vmem>> -> memref<128x32xf32, #tpu.memory_space<vmem>>
      %dma_wait3A_694 = arith.constant 0 : i32
      %dma_wait3A_695 = arith.constant 0 : i32
      %dma_wait3A_696 = tpu.memref_slice %arg3[%dma_wait3A_694, %dma_wait3A_695] : memref<1000000x32xf32, #tpu.memory_space<hbm>> -> memref<128x32xf32, #tpu.memory_space<hbm>>
      tpu.wait_dma2 semaphore(%dma_wait3A_689 : memref<!tpu.dma_semaphore, #tpu.memory_space<semaphore_mem>>) src(%dma_wait3A_696 : memref<128x32xf32, #tpu.memory_space<hbm>>) dst(%dma_wait3A_693 : memref<128x32xf32, #tpu.memory_space<vmem>>)
      %gt3A_697 = arith.constant 0 : i32
      %gt3A_698 = arith.cmpi sgt, %scan3A_422, %gt3A_697 : i32
      %convert_element_type3A_699 = arith.extui %gt3A_698 : i1 to i32
      %cond3A_700 = arith.constant 0 : i32
      %cond3A_701 = arith.cmpi ne, %convert_element_type3A_699, %cond3A_700 : i32
      scf.if %cond3A_701 {
        %dma_wait3A_919 = arith.constant 2 : i32
        %dma_wait3A_920 = arith.constant 0 : i32
        %dma_wait3A_921 = arith.constant 0 : i32
        %dma_wait3A_922 = arith.constant 0 : i32
        %dma_wait3A_923 = arith.constant 2 : i32
        %dma_wait3A_924 = arith.constant 0 : i32
        %dma_wait3A_925 = arith.constant 0 : i32
        %dma_wait3A_926 = tpu.memref_slice %arg7[%dma_wait3A_919, %dma_wait3A_924, %dma_wait3A_925] : memref<4x32x129xf32, #tpu.memory_space<vmem>> -> memref<1x8x128xf32, #tpu.memory_space<vmem>>
        %dma_wait3A_927 = tpu.memref_squeeze %dma_wait3A_926 : memref<1x8x128xf32, #tpu.memory_space<vmem>> -> memref<8x128xf32, #tpu.memory_space<vmem>>
        %dma_wait3A_928 = arith.constant 0 : i32
        %dma_wait3A_929 = arith.constant 0 : i32
        %dma_wait3A_930 = tpu.memref_slice %arg4[%dma_wait3A_920, %dma_wait3A_921, %dma_wait3A_922, %dma_wait3A_928, %dma_wait3A_929] : memref<200x4x32x8x128xf32, #tpu.memory_space<hbm>> -> memref<1x1x1x8x128xf32, #tpu.memory_space<hbm>>
        %dma_wait3A_931 = tpu.memref_squeeze %dma_wait3A_930 : memref<1x1x1x8x128xf32, #tpu.memory_space<hbm>> -> memref<8x128xf32, #tpu.memory_space<hbm>>
        %dma_wait3A_932 = tpu.memref_slice %arg9[%dma_wait3A_923] : memref<4x!tpu.dma_semaphore, #tpu.memory_space<semaphore_mem>> -> memref<1x!tpu.dma_semaphore, #tpu.memory_space<semaphore_mem>>
        %dma_wait3A_933 = tpu.memref_squeeze %dma_wait3A_932 : memref<1x!tpu.dma_semaphore, #tpu.memory_space<semaphore_mem>> -> memref<!tpu.dma_semaphore, #tpu.memory_space<semaphore_mem>>
        %dma_wait3A_934 = arith.constant 0 : i32
        %dma_wait3A_935 = arith.constant 0 : i32
        %dma_wait3A_936 = tpu.memref_slice %arg4[%dma_wait3A_920, %dma_wait3A_921, %dma_wait3A_922, %dma_wait3A_934, %dma_wait3A_935] : memref<200x4x32x8x128xf32, #tpu.memory_space<hbm>> -> memref<1x1x1x8x128xf32, #tpu.memory_space<hbm>>
        %dma_wait3A_937 = tpu.memref_squeeze %dma_wait3A_936 : memref<1x1x1x8x128xf32, #tpu.memory_space<hbm>> -> memref<8x128xf32, #tpu.memory_space<hbm>>
        %dma_wait3A_938 = arith.constant 0 : i32
        %dma_wait3A_939 = arith.constant 0 : i32
        %dma_wait3A_940 = tpu.memref_slice %arg7[%dma_wait3A_919, %dma_wait3A_938, %dma_wait3A_939] : memref<4x32x129xf32, #tpu.memory_space<vmem>> -> memref<1x8x128xf32, #tpu.memory_space<vmem>>
        %dma_wait3A_941 = tpu.memref_squeeze %dma_wait3A_940 : memref<1x8x128xf32, #tpu.memory_space<vmem>> -> memref<8x128xf32, #tpu.memory_space<vmem>>
        tpu.wait_dma2 semaphore(%dma_wait3A_933 : memref<!tpu.dma_semaphore, #tpu.memory_space<semaphore_mem>>) src(%dma_wait3A_941 : memref<8x128xf32, #tpu.memory_space<vmem>>) dst(%dma_wait3A_937 : memref<8x128xf32, #tpu.memory_space<hbm>>)
        %dma_wait3A_942 = arith.constant 2 : i32
        %dma_wait3A_943 = arith.constant 0 : i32
        %dma_wait3A_944 = arith.constant 0 : i32
        %dma_wait3A_945 = arith.constant 0 : i32
        %dma_wait3A_946 = arith.constant 2 : i32
        %dma_wait3A_947 = arith.constant 8 : i32
        %dma_wait3A_948 = arith.constant 0 : i32
        %dma_wait3A_949 = tpu.memref_slice %arg7[%dma_wait3A_942, %dma_wait3A_947, %dma_wait3A_948] : memref<4x32x129xf32, #tpu.memory_space<vmem>> -> memref<1x8x128xf32, #tpu.memory_space<vmem>>
        %dma_wait3A_950 = tpu.memref_squeeze %dma_wait3A_949 : memref<1x8x128xf32, #tpu.memory_space<vmem>> -> memref<8x128xf32, #tpu.memory_space<vmem>>
        %dma_wait3A_951 = arith.constant 0 : i32
        %dma_wait3A_952 = arith.constant 0 : i32
        %dma_wait3A_953 = tpu.memref_slice %arg4[%dma_wait3A_943, %dma_wait3A_944, %dma_wait3A_945, %dma_wait3A_951, %dma_wait3A_952] : memref<200x4x32x8x128xf32, #tpu.memory_space<hbm>> -> memref<1x1x1x8x128xf32, #tpu.memory_space<hbm>>
        %dma_wait3A_954 = tpu.memref_squeeze %dma_wait3A_953 : memref<1x1x1x8x128xf32, #tpu.memory_space<hbm>> -> memref<8x128xf32, #tpu.memory_space<hbm>>
        %dma_wait3A_955 = tpu.memref_slice %arg9[%dma_wait3A_946] : memref<4x!tpu.dma_semaphore, #tpu.memory_space<semaphore_mem>> -> memref<1x!tpu.dma_semaphore, #tpu.memory_space<semaphore_mem>>
        %dma_wait3A_956 = tpu.memref_squeeze %dma_wait3A_955 : memref<1x!tpu.dma_semaphore, #tpu.memory_space<semaphore_mem>> -> memref<!tpu.dma_semaphore, #tpu.memory_space<semaphore_mem>>
        %dma_wait3A_957 = arith.constant 0 : i32
        %dma_wait3A_958 = arith.constant 0 : i32
        %dma_wait3A_959 = tpu.memref_slice %arg4[%dma_wait3A_943, %dma_wait3A_944, %dma_wait3A_945, %dma_wait3A_957, %dma_wait3A_958] : memref<200x4x32x8x128xf32, #tpu.memory_space<hbm>> -> memref<1x1x1x8x128xf32, #tpu.memory_space<hbm>>
        %dma_wait3A_960 = tpu.memref_squeeze %dma_wait3A_959 : memref<1x1x1x8x128xf32, #tpu.memory_space<hbm>> -> memref<8x128xf32, #tpu.memory_space<hbm>>
        %dma_wait3A_961 = arith.constant 8 : i32
        %dma_wait3A_962 = arith.constant 0 : i32
        %dma_wait3A_963 = tpu.memref_slice %arg7[%dma_wait3A_942, %dma_wait3A_961, %dma_wait3A_962] : memref<4x32x129xf32, #tpu.memory_space<vmem>> -> memref<1x8x128xf32, #tpu.memory_space<vmem>>
        %dma_wait3A_964 = tpu.memref_squeeze %dma_wait3A_963 : memref<1x8x128xf32, #tpu.memory_space<vmem>> -> memref<8x128xf32, #tpu.memory_space<vmem>>
        tpu.wait_dma2 semaphore(%dma_wait3A_956 : memref<!tpu.dma_semaphore, #tpu.memory_space<semaphore_mem>>) src(%dma_wait3A_964 : memref<8x128xf32, #tpu.memory_space<vmem>>) dst(%dma_wait3A_960 : memref<8x128xf32, #tpu.memory_space<hbm>>)
        %dma_wait3A_965 = arith.constant 2 : i32
        %dma_wait3A_966 = arith.constant 0 : i32
        %dma_wait3A_967 = arith.constant 0 : i32
        %dma_wait3A_968 = arith.constant 0 : i32
        %dma_wait3A_969 = arith.constant 2 : i32
        %dma_wait3A_970 = arith.constant 16 : i32
        %dma_wait3A_971 = arith.constant 0 : i32
        %dma_wait3A_972 = tpu.memref_slice %arg7[%dma_wait3A_965, %dma_wait3A_970, %dma_wait3A_971] : memref<4x32x129xf32, #tpu.memory_space<vmem>> -> memref<1x8x128xf32, #tpu.memory_space<vmem>>
        %dma_wait3A_973 = tpu.memref_squeeze %dma_wait3A_972 : memref<1x8x128xf32, #tpu.memory_space<vmem>> -> memref<8x128xf32, #tpu.memory_space<vmem>>
        %dma_wait3A_974 = arith.constant 0 : i32
        %dma_wait3A_975 = arith.constant 0 : i32
        %dma_wait3A_976 = tpu.memref_slice %arg4[%dma_wait3A_966, %dma_wait3A_967, %dma_wait3A_968, %dma_wait3A_974, %dma_wait3A_975] : memref<200x4x32x8x128xf32, #tpu.memory_space<hbm>> -> memref<1x1x1x8x128xf32, #tpu.memory_space<hbm>>
        %dma_wait3A_977 = tpu.memref_squeeze %dma_wait3A_976 : memref<1x1x1x8x128xf32, #tpu.memory_space<hbm>> -> memref<8x128xf32, #tpu.memory_space<hbm>>
        %dma_wait3A_978 = tpu.memref_slice %arg9[%dma_wait3A_969] : memref<4x!tpu.dma_semaphore, #tpu.memory_space<semaphore_mem>> -> memref<1x!tpu.dma_semaphore, #tpu.memory_space<semaphore_mem>>
        %dma_wait3A_979 = tpu.memref_squeeze %dma_wait3A_978 : memref<1x!tpu.dma_semaphore, #tpu.memory_space<semaphore_mem>> -> memref<!tpu.dma_semaphore, #tpu.memory_space<semaphore_mem>>
        %dma_wait3A_980 = arith.constant 0 : i32
        %dma_wait3A_981 = arith.constant 0 : i32
        %dma_wait3A_982 = tpu.memref_slice %arg4[%dma_wait3A_966, %dma_wait3A_967, %dma_wait3A_968, %dma_wait3A_980, %dma_wait3A_981] : memref<200x4x32x8x128xf32, #tpu.memory_space<hbm>> -> memref<1x1x1x8x128xf32, #tpu.memory_space<hbm>>
        %dma_wait3A_983 = tpu.memref_squeeze %dma_wait3A_982 : memref<1x1x1x8x128xf32, #tpu.memory_space<hbm>> -> memref<8x128xf32, #tpu.memory_space<hbm>>
        %dma_wait3A_984 = arith.constant 16 : i32
        %dma_wait3A_985 = arith.constant 0 : i32
        %dma_wait3A_986 = tpu.memref_slice %arg7[%dma_wait3A_965, %dma_wait3A_984, %dma_wait3A_985] : memref<4x32x129xf32, #tpu.memory_space<vmem>> -> memref<1x8x128xf32, #tpu.memory_space<vmem>>
        %dma_wait3A_987 = tpu.memref_squeeze %dma_wait3A_986 : memref<1x8x128xf32, #tpu.memory_space<vmem>> -> memref<8x128xf32, #tpu.memory_space<vmem>>
        tpu.wait_dma2 semaphore(%dma_wait3A_979 : memref<!tpu.dma_semaphore, #tpu.memory_space<semaphore_mem>>) src(%dma_wait3A_987 : memref<8x128xf32, #tpu.memory_space<vmem>>) dst(%dma_wait3A_983 : memref<8x128xf32, #tpu.memory_space<hbm>>)
        %dma_wait3A_988 = arith.constant 2 : i32
        %dma_wait3A_989 = arith.constant 0 : i32
        %dma_wait3A_990 = arith.constant 0 : i32
        %dma_wait3A_991 = arith.constant 0 : i32
        %dma_wait3A_992 = arith.constant 2 : i32
        %dma_wait3A_993 = arith.constant 24 : i32
        %dma_wait3A_994 = arith.constant 0 : i32
        %dma_wait3A_995 = tpu.memref_slice %arg7[%dma_wait3A_988, %dma_wait3A_993, %dma_wait3A_994] : memref<4x32x129xf32, #tpu.memory_space<vmem>> -> memref<1x8x128xf32, #tpu.memory_space<vmem>>
        %dma_wait3A_996 = tpu.memref_squeeze %dma_wait3A_995 : memref<1x8x128xf32, #tpu.memory_space<vmem>> -> memref<8x128xf32, #tpu.memory_space<vmem>>
        %dma_wait3A_997 = arith.constant 0 : i32
        %dma_wait3A_998 = arith.constant 0 : i32
        %dma_wait3A_999 = tpu.memref_slice %arg4[%dma_wait3A_989, %dma_wait3A_990, %dma_wait3A_991, %dma_wait3A_997, %dma_wait3A_998] : memref<200x4x32x8x128xf32, #tpu.memory_space<hbm>> -> memref<1x1x1x8x128xf32, #tpu.memory_space<hbm>>
        %dma_wait3A_1000 = tpu.memref_squeeze %dma_wait3A_999 : memref<1x1x1x8x128xf32, #tpu.memory_space<hbm>> -> memref<8x128xf32, #tpu.memory_space<hbm>>
        %dma_wait3A_1001 = tpu.memref_slice %arg9[%dma_wait3A_992] : memref<4x!tpu.dma_semaphore, #tpu.memory_space<semaphore_mem>> -> memref<1x!tpu.dma_semaphore, #tpu.memory_space<semaphore_mem>>
        %dma_wait3A_1002 = tpu.memref_squeeze %dma_wait3A_1001 : memref<1x!tpu.dma_semaphore, #tpu.memory_space<semaphore_mem>> -> memref<!tpu.dma_semaphore, #tpu.memory_space<semaphore_mem>>
        %dma_wait3A_1003 = arith.constant 0 : i32
        %dma_wait3A_1004 = arith.constant 0 : i32
        %dma_wait3A_1005 = tpu.memref_slice %arg4[%dma_wait3A_989, %dma_wait3A_990, %dma_wait3A_991, %dma_wait3A_1003, %dma_wait3A_1004] : memref<200x4x32x8x128xf32, #tpu.memory_space<hbm>> -> memref<1x1x1x8x128xf32, #tpu.memory_space<hbm>>
        %dma_wait3A_1006 = tpu.memref_squeeze %dma_wait3A_1005 : memref<1x1x1x8x128xf32, #tpu.memory_space<hbm>> -> memref<8x128xf32, #tpu.memory_space<hbm>>
        %dma_wait3A_1007 = arith.constant 24 : i32
        %dma_wait3A_1008 = arith.constant 0 : i32
        %dma_wait3A_1009 = tpu.memref_slice %arg7[%dma_wait3A_988, %dma_wait3A_1007, %dma_wait3A_1008] : memref<4x32x129xf32, #tpu.memory_space<vmem>> -> memref<1x8x128xf32, #tpu.memory_space<vmem>>
        %dma_wait3A_1010 = tpu.memref_squeeze %dma_wait3A_1009 : memref<1x8x128xf32, #tpu.memory_space<vmem>> -> memref<8x128xf32, #tpu.memory_space<vmem>>
        tpu.wait_dma2 semaphore(%dma_wait3A_1002 : memref<!tpu.dma_semaphore, #tpu.memory_space<semaphore_mem>>) src(%dma_wait3A_1010 : memref<8x128xf32, #tpu.memory_space<vmem>>) dst(%dma_wait3A_1006 : memref<8x128xf32, #tpu.memory_space<hbm>>)
      } else {
      }
      %scan3A_702 = arith.constant 0 : i32
      %scan3A_703 = arith.constant 0 : i32
      %scan3A_704 = arith.constant 8 : i32
      %scan3A_705 = arith.addi %scan3A_703, %scan3A_704 : i32
      %scan3A_706 = arith.constant 1 : i32
      scf.for %scan3A_919 = %scan3A_703 to %scan3A_705 step %scan3A_706  : i32 {
        %mul3A_920 = arith.constant 16 : i32
        %mul3A_921 = arith.muli %scan3A_919, %mul3A_920 : i32
        %broadcast_in_dim3A = vector.broadcast %mul3A_921 : i32 to vector<16xi32>
        %add3A_922 = arith.constant 0 : i32
        %add3A_923 = arith.addi %mul3A_921, %add3A_922 : i32
        %add3A_924 = arith.constant 0 : i32
        %add3A_925 = vector.broadcast %add3A_924 : i32 to vector<16xi32>
        %add3A_926 = arith.addi %broadcast_in_dim3A, %add3A_925 : vector<16xi32>
        %get3A = arith.constant 2 : i32
        %get3A_927 = arith.index_cast %get3A : i32 to index
        %get3A_928 = arith.index_cast %add3A_923 : i32 to index
        %get3A_929 = arith.constant 0 : index
        %get3A_930 = tpu.vector_load %arg6[%get3A_927, %get3A_928, %get3A_929] {strides = array<i32>} : memref<4x128x32xf32, #tpu.memory_space<vmem>>, vector<16xf32>,
        %get3A_931 = arith.constant 2 : i32
        %get3A_932 = arith.index_cast %get3A_931 : i32 to index
        %get3A_933 = arith.index_cast %add3A_923 : i32 to index
        %get3A_934 = arith.constant 16 : index
        %get3A_935 = tpu.vector_load %arg6[%get3A_932, %get3A_933, %get3A_934] {strides = array<i32>} : memref<4x128x32xf32, #tpu.memory_space<vmem>>, vector<16xf32>,
        %scatter3A = arith.constant 2 : i32
        %scatter3A_936 = arith.constant 0 : i32
        %scatter3A_937 = arith.constant 0 : i32
        %scatter3A_938 = tpu.memref_slice %arg7[%scatter3A, %scatter3A_936, %scatter3A_937] : memref<4x32x129xf32, #tpu.memory_space<vmem>> -> memref<1x32x129xf32, #tpu.memory_space<vmem>>
        %scatter3A_939 = tpu.memref_squeeze %scatter3A_938 : memref<1x32x129xf32, #tpu.memory_space<vmem>> -> memref<32x129xf32, #tpu.memory_space<vmem>>
        tpu.vector_store_idx %scatter3A_939[%iota3A, %add3A_926], %get3A_930 : memref<32x129xf32, #tpu.memory_space<vmem>>[vector<16xi32>, vector<16xi32>], vector<16xf32>,
        %scatter3A_940 = arith.constant 2 : i32
        %scatter3A_941 = arith.constant 0 : i32
        %scatter3A_942 = arith.constant 0 : i32
        %scatter3A_943 = tpu.memref_slice %arg7[%scatter3A_940, %scatter3A_941, %scatter3A_942] : memref<4x32x129xf32, #tpu.memory_space<vmem>> -> memref<1x32x129xf32, #tpu.memory_space<vmem>>
        %scatter3A_944 = tpu.memref_squeeze %scatter3A_943 : memref<1x32x129xf32, #tpu.memory_space<vmem>> -> memref<32x129xf32, #tpu.memory_space<vmem>>
        tpu.vector_store_idx %scatter3A_944[%add3A_5, %add3A_926], %get3A_935 : memref<32x129xf32, #tpu.memory_space<vmem>>[vector<16xi32>, vector<16xi32>], vector<16xf32>,
        %add3A_945 = arith.constant 1 : i32
        %add3A_946 = arith.addi %mul3A_921, %add3A_945 : i32
        %add3A_947 = arith.constant 1 : i32
        %add3A_948 = vector.broadcast %add3A_947 : i32 to vector<16xi32>
        %add3A_949 = arith.addi %broadcast_in_dim3A, %add3A_948 : vector<16xi32>
        %get3A_950 = arith.constant 2 : i32
        %get3A_951 = arith.index_cast %get3A_950 : i32 to index
        %get3A_952 = arith.index_cast %add3A_946 : i32 to index
        %get3A_953 = arith.constant 0 : index
        %get3A_954 = tpu.vector_load %arg6[%get3A_951, %get3A_952, %get3A_953] {strides = array<i32>} : memref<4x128x32xf32, #tpu.memory_space<vmem>>, vector<16xf32>,
        %get3A_955 = arith.constant 2 : i32
        %get3A_956 = arith.index_cast %get3A_955 : i32 to index
        %get3A_957 = arith.index_cast %add3A_946 : i32 to index
        %get3A_958 = arith.constant 16 : index
        %get3A_959 = tpu.vector_load %arg6[%get3A_956, %get3A_957, %get3A_958] {strides = array<i32>} : memref<4x128x32xf32, #tpu.memory_space<vmem>>, vector<16xf32>,
        %scatter3A_960 = arith.constant 2 : i32
        %scatter3A_961 = arith.constant 0 : i32
        %scatter3A_962 = arith.constant 0 : i32
        %scatter3A_963 = tpu.memref_slice %arg7[%scatter3A_960, %scatter3A_961, %scatter3A_962] : memref<4x32x129xf32, #tpu.memory_space<vmem>> -> memref<1x32x129xf32, #tpu.memory_space<vmem>>
        %scatter3A_964 = tpu.memref_squeeze %scatter3A_963 : memref<1x32x129xf32, #tpu.memory_space<vmem>> -> memref<32x129xf32, #tpu.memory_space<vmem>>
        tpu.vector_store_idx %scatter3A_964[%iota3A, %add3A_949], %get3A_954 : memref<32x129xf32, #tpu.memory_space<vmem>>[vector<16xi32>, vector<16xi32>], vector<16xf32>,
        %scatter3A_965 = arith.constant 2 : i32
        %scatter3A_966 = arith.constant 0 : i32
        %scatter3A_967 = arith.constant 0 : i32
        %scatter3A_968 = tpu.memref_slice %arg7[%scatter3A_965, %scatter3A_966, %scatter3A_967] : memref<4x32x129xf32, #tpu.memory_space<vmem>> -> memref<1x32x129xf32, #tpu.memory_space<vmem>>
        %scatter3A_969 = tpu.memref_squeeze %scatter3A_968 : memref<1x32x129xf32, #tpu.memory_space<vmem>> -> memref<32x129xf32, #tpu.memory_space<vmem>>
        tpu.vector_store_idx %scatter3A_969[%add3A_5, %add3A_949], %get3A_959 : memref<32x129xf32, #tpu.memory_space<vmem>>[vector<16xi32>, vector<16xi32>], vector<16xf32>,
        %add3A_970 = arith.constant 2 : i32
        %add3A_971 = arith.addi %mul3A_921, %add3A_970 : i32
        %add3A_972 = arith.constant 2 : i32
        %add3A_973 = vector.broadcast %add3A_972 : i32 to vector<16xi32>
        %add3A_974 = arith.addi %broadcast_in_dim3A, %add3A_973 : vector<16xi32>
        %get3A_975 = arith.constant 2 : i32
        %get3A_976 = arith.index_cast %get3A_975 : i32 to index
        %get3A_977 = arith.index_cast %add3A_971 : i32 to index
        %get3A_978 = arith.constant 0 : index
        %get3A_979 = tpu.vector_load %arg6[%get3A_976, %get3A_977, %get3A_978] {strides = array<i32>} : memref<4x128x32xf32, #tpu.memory_space<vmem>>, vector<16xf32>,
        %get3A_980 = arith.constant 2 : i32
        %get3A_981 = arith.index_cast %get3A_980 : i32 to index
        %get3A_982 = arith.index_cast %add3A_971 : i32 to index
        %get3A_983 = arith.constant 16 : index
        %get3A_984 = tpu.vector_load %arg6[%get3A_981, %get3A_982, %get3A_983] {strides = array<i32>} : memref<4x128x32xf32, #tpu.memory_space<vmem>>, vector<16xf32>,
        %scatter3A_985 = arith.constant 2 : i32
        %scatter3A_986 = arith.constant 0 : i32
        %scatter3A_987 = arith.constant 0 : i32
        %scatter3A_988 = tpu.memref_slice %arg7[%scatter3A_985, %scatter3A_986, %scatter3A_987] : memref<4x32x129xf32, #tpu.memory_space<vmem>> -> memref<1x32x129xf32, #tpu.memory_space<vmem>>
        %scatter3A_989 = tpu.memref_squeeze %scatter3A_988 : memref<1x32x129xf32, #tpu.memory_space<vmem>> -> memref<32x129xf32, #tpu.memory_space<vmem>>
        tpu.vector_store_idx %scatter3A_989[%iota3A, %add3A_974], %get3A_979 : memref<32x129xf32, #tpu.memory_space<vmem>>[vector<16xi32>, vector<16xi32>], vector<16xf32>,
        %scatter3A_990 = arith.constant 2 : i32
        %scatter3A_991 = arith.constant 0 : i32
        %scatter3A_992 = arith.constant 0 : i32
        %scatter3A_993 = tpu.memref_slice %arg7[%scatter3A_990, %scatter3A_991, %scatter3A_992] : memref<4x32x129xf32, #tpu.memory_space<vmem>> -> memref<1x32x129xf32, #tpu.memory_space<vmem>>
        %scatter3A_994 = tpu.memref_squeeze %scatter3A_993 : memref<1x32x129xf32, #tpu.memory_space<vmem>> -> memref<32x129xf32, #tpu.memory_space<vmem>>
        tpu.vector_store_idx %scatter3A_994[%add3A_5, %add3A_974], %get3A_984 : memref<32x129xf32, #tpu.memory_space<vmem>>[vector<16xi32>, vector<16xi32>], vector<16xf32>,
        %add3A_995 = arith.constant 3 : i32
        %add3A_996 = arith.addi %mul3A_921, %add3A_995 : i32
        %add3A_997 = arith.constant 3 : i32
        %add3A_998 = vector.broadcast %add3A_997 : i32 to vector<16xi32>
        %add3A_999 = arith.addi %broadcast_in_dim3A, %add3A_998 : vector<16xi32>
        %get3A_1000 = arith.constant 2 : i32
        %get3A_1001 = arith.index_cast %get3A_1000 : i32 to index
        %get3A_1002 = arith.index_cast %add3A_996 : i32 to index
        %get3A_1003 = arith.constant 0 : index
        %get3A_1004 = tpu.vector_load %arg6[%get3A_1001, %get3A_1002, %get3A_1003] {strides = array<i32>} : memref<4x128x32xf32, #tpu.memory_space<vmem>>, vector<16xf32>,
        %get3A_1005 = arith.constant 2 : i32
        %get3A_1006 = arith.index_cast %get3A_1005 : i32 to index
        %get3A_1007 = arith.index_cast %add3A_996 : i32 to index
        %get3A_1008 = arith.constant 16 : index
        %get3A_1009 = tpu.vector_load %arg6[%get3A_1006, %get3A_1007, %get3A_1008] {strides = array<i32>} : memref<4x128x32xf32, #tpu.memory_space<vmem>>, vector<16xf32>,
        %scatter3A_1010 = arith.constant 2 : i32
        %scatter3A_1011 = arith.constant 0 : i32
        %scatter3A_1012 = arith.constant 0 : i32
        %scatter3A_1013 = tpu.memref_slice %arg7[%scatter3A_1010, %scatter3A_1011, %scatter3A_1012] : memref<4x32x129xf32, #tpu.memory_space<vmem>> -> memref<1x32x129xf32, #tpu.memory_space<vmem>>
        %scatter3A_1014 = tpu.memref_squeeze %scatter3A_1013 : memref<1x32x129xf32, #tpu.memory_space<vmem>> -> memref<32x129xf32, #tpu.memory_space<vmem>>
        tpu.vector_store_idx %scatter3A_1014[%iota3A, %add3A_999], %get3A_1004 : memref<32x129xf32, #tpu.memory_space<vmem>>[vector<16xi32>, vector<16xi32>], vector<16xf32>,
        %scatter3A_1015 = arith.constant 2 : i32
        %scatter3A_1016 = arith.constant 0 : i32
        %scatter3A_1017 = arith.constant 0 : i32
        %scatter3A_1018 = tpu.memref_slice %arg7[%scatter3A_1015, %scatter3A_1016, %scatter3A_1017] : memref<4x32x129xf32, #tpu.memory_space<vmem>> -> memref<1x32x129xf32, #tpu.memory_space<vmem>>
        %scatter3A_1019 = tpu.memref_squeeze %scatter3A_1018 : memref<1x32x129xf32, #tpu.memory_space<vmem>> -> memref<32x129xf32, #tpu.memory_space<vmem>>
        tpu.vector_store_idx %scatter3A_1019[%add3A_5, %add3A_999], %get3A_1009 : memref<32x129xf32, #tpu.memory_space<vmem>>[vector<16xi32>, vector<16xi32>], vector<16xf32>,
        %add3A_1020 = arith.constant 4 : i32
        %add3A_1021 = arith.addi %mul3A_921, %add3A_1020 : i32
        %add3A_1022 = arith.constant 4 : i32
        %add3A_1023 = vector.broadcast %add3A_1022 : i32 to vector<16xi32>
        %add3A_1024 = arith.addi %broadcast_in_dim3A, %add3A_1023 : vector<16xi32>
        %get3A_1025 = arith.constant 2 : i32
        %get3A_1026 = arith.index_cast %get3A_1025 : i32 to index
        %get3A_1027 = arith.index_cast %add3A_1021 : i32 to index
        %get3A_1028 = arith.constant 0 : index
        %get3A_1029 = tpu.vector_load %arg6[%get3A_1026, %get3A_1027, %get3A_1028] {strides = array<i32>} : memref<4x128x32xf32, #tpu.memory_space<vmem>>, vector<16xf32>,
        %get3A_1030 = arith.constant 2 : i32
        %get3A_1031 = arith.index_cast %get3A_1030 : i32 to index
        %get3A_1032 = arith.index_cast %add3A_1021 : i32 to index
        %get3A_1033 = arith.constant 16 : index
        %get3A_1034 = tpu.vector_load %arg6[%get3A_1031, %get3A_1032, %get3A_1033] {strides = array<i32>} : memref<4x128x32xf32, #tpu.memory_space<vmem>>, vector<16xf32>,
        %scatter3A_1035 = arith.constant 2 : i32
        %scatter3A_1036 = arith.constant 0 : i32
        %scatter3A_1037 = arith.constant 0 : i32
        %scatter3A_1038 = tpu.memref_slice %arg7[%scatter3A_1035, %scatter3A_1036, %scatter3A_1037] : memref<4x32x129xf32, #tpu.memory_space<vmem>> -> memref<1x32x129xf32, #tpu.memory_space<vmem>>
        %scatter3A_1039 = tpu.memref_squeeze %scatter3A_1038 : memref<1x32x129xf32, #tpu.memory_space<vmem>> -> memref<32x129xf32, #tpu.memory_space<vmem>>
        tpu.vector_store_idx %scatter3A_1039[%iota3A, %add3A_1024], %get3A_1029 : memref<32x129xf32, #tpu.memory_space<vmem>>[vector<16xi32>, vector<16xi32>], vector<16xf32>,
        %scatter3A_1040 = arith.constant 2 : i32
        %scatter3A_1041 = arith.constant 0 : i32
        %scatter3A_1042 = arith.constant 0 : i32
        %scatter3A_1043 = tpu.memref_slice %arg7[%scatter3A_1040, %scatter3A_1041, %scatter3A_1042] : memref<4x32x129xf32, #tpu.memory_space<vmem>> -> memref<1x32x129xf32, #tpu.memory_space<vmem>>
        %scatter3A_1044 = tpu.memref_squeeze %scatter3A_1043 : memref<1x32x129xf32, #tpu.memory_space<vmem>> -> memref<32x129xf32, #tpu.memory_space<vmem>>
        tpu.vector_store_idx %scatter3A_1044[%add3A_5, %add3A_1024], %get3A_1034 : memref<32x129xf32, #tpu.memory_space<vmem>>[vector<16xi32>, vector<16xi32>], vector<16xf32>,
        %add3A_1045 = arith.constant 5 : i32
        %add3A_1046 = arith.addi %mul3A_921, %add3A_1045 : i32
        %add3A_1047 = arith.constant 5 : i32
        %add3A_1048 = vector.broadcast %add3A_1047 : i32 to vector<16xi32>
        %add3A_1049 = arith.addi %broadcast_in_dim3A, %add3A_1048 : vector<16xi32>
        %get3A_1050 = arith.constant 2 : i32
        %get3A_1051 = arith.index_cast %get3A_1050 : i32 to index
        %get3A_1052 = arith.index_cast %add3A_1046 : i32 to index
        %get3A_1053 = arith.constant 0 : index
        %get3A_1054 = tpu.vector_load %arg6[%get3A_1051, %get3A_1052, %get3A_1053] {strides = array<i32>} : memref<4x128x32xf32, #tpu.memory_space<vmem>>, vector<16xf32>,
        %get3A_1055 = arith.constant 2 : i32
        %get3A_1056 = arith.index_cast %get3A_1055 : i32 to index
        %get3A_1057 = arith.index_cast %add3A_1046 : i32 to index
        %get3A_1058 = arith.constant 16 : index
        %get3A_1059 = tpu.vector_load %arg6[%get3A_1056, %get3A_1057, %get3A_1058] {strides = array<i32>} : memref<4x128x32xf32, #tpu.memory_space<vmem>>, vector<16xf32>,
        %scatter3A_1060 = arith.constant 2 : i32
        %scatter3A_1061 = arith.constant 0 : i32
        %scatter3A_1062 = arith.constant 0 : i32
        %scatter3A_1063 = tpu.memref_slice %arg7[%scatter3A_1060, %scatter3A_1061, %scatter3A_1062] : memref<4x32x129xf32, #tpu.memory_space<vmem>> -> memref<1x32x129xf32, #tpu.memory_space<vmem>>
        %scatter3A_1064 = tpu.memref_squeeze %scatter3A_1063 : memref<1x32x129xf32, #tpu.memory_space<vmem>> -> memref<32x129xf32, #tpu.memory_space<vmem>>
        tpu.vector_store_idx %scatter3A_1064[%iota3A, %add3A_1049], %get3A_1054 : memref<32x129xf32, #tpu.memory_space<vmem>>[vector<16xi32>, vector<16xi32>], vector<16xf32>,
        %scatter3A_1065 = arith.constant 2 : i32
        %scatter3A_1066 = arith.constant 0 : i32
        %scatter3A_1067 = arith.constant 0 : i32
        %scatter3A_1068 = tpu.memref_slice %arg7[%scatter3A_1065, %scatter3A_1066, %scatter3A_1067] : memref<4x32x129xf32, #tpu.memory_space<vmem>> -> memref<1x32x129xf32, #tpu.memory_space<vmem>>
        %scatter3A_1069 = tpu.memref_squeeze %scatter3A_1068 : memref<1x32x129xf32, #tpu.memory_space<vmem>> -> memref<32x129xf32, #tpu.memory_space<vmem>>
        tpu.vector_store_idx %scatter3A_1069[%add3A_5, %add3A_1049], %get3A_1059 : memref<32x129xf32, #tpu.memory_space<vmem>>[vector<16xi32>, vector<16xi32>], vector<16xf32>,
        %add3A_1070 = arith.constant 6 : i32
        %add3A_1071 = arith.addi %mul3A_921, %add3A_1070 : i32
        %add3A_1072 = arith.constant 6 : i32
        %add3A_1073 = vector.broadcast %add3A_1072 : i32 to vector<16xi32>
        %add3A_1074 = arith.addi %broadcast_in_dim3A, %add3A_1073 : vector<16xi32>
        %get3A_1075 = arith.constant 2 : i32
        %get3A_1076 = arith.index_cast %get3A_1075 : i32 to index
        %get3A_1077 = arith.index_cast %add3A_1071 : i32 to index
        %get3A_1078 = arith.constant 0 : index
        %get3A_1079 = tpu.vector_load %arg6[%get3A_1076, %get3A_1077, %get3A_1078] {strides = array<i32>} : memref<4x128x32xf32, #tpu.memory_space<vmem>>, vector<16xf32>,
        %get3A_1080 = arith.constant 2 : i32
        %get3A_1081 = arith.index_cast %get3A_1080 : i32 to index
        %get3A_1082 = arith.index_cast %add3A_1071 : i32 to index
        %get3A_1083 = arith.constant 16 : index
        %get3A_1084 = tpu.vector_load %arg6[%get3A_1081, %get3A_1082, %get3A_1083] {strides = array<i32>} : memref<4x128x32xf32, #tpu.memory_space<vmem>>, vector<16xf32>,
        %scatter3A_1085 = arith.constant 2 : i32
        %scatter3A_1086 = arith.constant 0 : i32
        %scatter3A_1087 = arith.constant 0 : i32
        %scatter3A_1088 = tpu.memref_slice %arg7[%scatter3A_1085, %scatter3A_1086, %scatter3A_1087] : memref<4x32x129xf32, #tpu.memory_space<vmem>> -> memref<1x32x129xf32, #tpu.memory_space<vmem>>
        %scatter3A_1089 = tpu.memref_squeeze %scatter3A_1088 : memref<1x32x129xf32, #tpu.memory_space<vmem>> -> memref<32x129xf32, #tpu.memory_space<vmem>>
        tpu.vector_store_idx %scatter3A_1089[%iota3A, %add3A_1074], %get3A_1079 : memref<32x129xf32, #tpu.memory_space<vmem>>[vector<16xi32>, vector<16xi32>], vector<16xf32>,
        %scatter3A_1090 = arith.constant 2 : i32
        %scatter3A_1091 = arith.constant 0 : i32
        %scatter3A_1092 = arith.constant 0 : i32
        %scatter3A_1093 = tpu.memref_slice %arg7[%scatter3A_1090, %scatter3A_1091, %scatter3A_1092] : memref<4x32x129xf32, #tpu.memory_space<vmem>> -> memref<1x32x129xf32, #tpu.memory_space<vmem>>
        %scatter3A_1094 = tpu.memref_squeeze %scatter3A_1093 : memref<1x32x129xf32, #tpu.memory_space<vmem>> -> memref<32x129xf32, #tpu.memory_space<vmem>>
        tpu.vector_store_idx %scatter3A_1094[%add3A_5, %add3A_1074], %get3A_1084 : memref<32x129xf32, #tpu.memory_space<vmem>>[vector<16xi32>, vector<16xi32>], vector<16xf32>,
        %add3A_1095 = arith.constant 7 : i32
        %add3A_1096 = arith.addi %mul3A_921, %add3A_1095 : i32
        %add3A_1097 = arith.constant 7 : i32
        %add3A_1098 = vector.broadcast %add3A_1097 : i32 to vector<16xi32>
        %add3A_1099 = arith.addi %broadcast_in_dim3A, %add3A_1098 : vector<16xi32>
        %get3A_1100 = arith.constant 2 : i32
        %get3A_1101 = arith.index_cast %get3A_1100 : i32 to index
        %get3A_1102 = arith.index_cast %add3A_1096 : i32 to index
        %get3A_1103 = arith.constant 0 : index
        %get3A_1104 = tpu.vector_load %arg6[%get3A_1101, %get3A_1102, %get3A_1103] {strides = array<i32>} : memref<4x128x32xf32, #tpu.memory_space<vmem>>, vector<16xf32>,
        %get3A_1105 = arith.constant 2 : i32
        %get3A_1106 = arith.index_cast %get3A_1105 : i32 to index
        %get3A_1107 = arith.index_cast %add3A_1096 : i32 to index
        %get3A_1108 = arith.constant 16 : index
        %get3A_1109 = tpu.vector_load %arg6[%get3A_1106, %get3A_1107, %get3A_1108] {strides = array<i32>} : memref<4x128x32xf32, #tpu.memory_space<vmem>>, vector<16xf32>,
        %scatter3A_1110 = arith.constant 2 : i32
        %scatter3A_1111 = arith.constant 0 : i32
        %scatter3A_1112 = arith.constant 0 : i32
        %scatter3A_1113 = tpu.memref_slice %arg7[%scatter3A_1110, %scatter3A_1111, %scatter3A_1112] : memref<4x32x129xf32, #tpu.memory_space<vmem>> -> memref<1x32x129xf32, #tpu.memory_space<vmem>>
        %scatter3A_1114 = tpu.memref_squeeze %scatter3A_1113 : memref<1x32x129xf32, #tpu.memory_space<vmem>> -> memref<32x129xf32, #tpu.memory_space<vmem>>
        tpu.vector_store_idx %scatter3A_1114[%iota3A, %add3A_1099], %get3A_1104 : memref<32x129xf32, #tpu.memory_space<vmem>>[vector<16xi32>, vector<16xi32>], vector<16xf32>,
        %scatter3A_1115 = arith.constant 2 : i32
        %scatter3A_1116 = arith.constant 0 : i32
        %scatter3A_1117 = arith.constant 0 : i32
        %scatter3A_1118 = tpu.memref_slice %arg7[%scatter3A_1115, %scatter3A_1116, %scatter3A_1117] : memref<4x32x129xf32, #tpu.memory_space<vmem>> -> memref<1x32x129xf32, #tpu.memory_space<vmem>>
        %scatter3A_1119 = tpu.memref_squeeze %scatter3A_1118 : memref<1x32x129xf32, #tpu.memory_space<vmem>> -> memref<32x129xf32, #tpu.memory_space<vmem>>
        tpu.vector_store_idx %scatter3A_1119[%add3A_5, %add3A_1099], %get3A_1109 : memref<32x129xf32, #tpu.memory_space<vmem>>[vector<16xi32>, vector<16xi32>], vector<16xf32>,
        %add3A_1120 = arith.constant 8 : i32
        %add3A_1121 = arith.addi %mul3A_921, %add3A_1120 : i32
        %add3A_1122 = arith.constant 8 : i32
        %add3A_1123 = vector.broadcast %add3A_1122 : i32 to vector<16xi32>
        %add3A_1124 = arith.addi %broadcast_in_dim3A, %add3A_1123 : vector<16xi32>
        %get3A_1125 = arith.constant 2 : i32
        %get3A_1126 = arith.index_cast %get3A_1125 : i32 to index
        %get3A_1127 = arith.index_cast %add3A_1121 : i32 to index
        %get3A_1128 = arith.constant 0 : index
        %get3A_1129 = tpu.vector_load %arg6[%get3A_1126, %get3A_1127, %get3A_1128] {strides = array<i32>} : memref<4x128x32xf32, #tpu.memory_space<vmem>>, vector<16xf32>,
        %get3A_1130 = arith.constant 2 : i32
        %get3A_1131 = arith.index_cast %get3A_1130 : i32 to index
        %get3A_1132 = arith.index_cast %add3A_1121 : i32 to index
        %get3A_1133 = arith.constant 16 : index
        %get3A_1134 = tpu.vector_load %arg6[%get3A_1131, %get3A_1132, %get3A_1133] {strides = array<i32>} : memref<4x128x32xf32, #tpu.memory_space<vmem>>, vector<16xf32>,
        %scatter3A_1135 = arith.constant 2 : i32
        %scatter3A_1136 = arith.constant 0 : i32
        %scatter3A_1137 = arith.constant 0 : i32
        %scatter3A_1138 = tpu.memref_slice %arg7[%scatter3A_1135, %scatter3A_1136, %scatter3A_1137] : memref<4x32x129xf32, #tpu.memory_space<vmem>> -> memref<1x32x129xf32, #tpu.memory_space<vmem>>
        %scatter3A_1139 = tpu.memref_squeeze %scatter3A_1138 : memref<1x32x129xf32, #tpu.memory_space<vmem>> -> memref<32x129xf32, #tpu.memory_space<vmem>>
        tpu.vector_store_idx %scatter3A_1139[%iota3A, %add3A_1124], %get3A_1129 : memref<32x129xf32, #tpu.memory_space<vmem>>[vector<16xi32>, vector<16xi32>], vector<16xf32>,
        %scatter3A_1140 = arith.constant 2 : i32
        %scatter3A_1141 = arith.constant 0 : i32
        %scatter3A_1142 = arith.constant 0 : i32
        %scatter3A_1143 = tpu.memref_slice %arg7[%scatter3A_1140, %scatter3A_1141, %scatter3A_1142] : memref<4x32x129xf32, #tpu.memory_space<vmem>> -> memref<1x32x129xf32, #tpu.memory_space<vmem>>
        %scatter3A_1144 = tpu.memref_squeeze %scatter3A_1143 : memref<1x32x129xf32, #tpu.memory_space<vmem>> -> memref<32x129xf32, #tpu.memory_space<vmem>>
        tpu.vector_store_idx %scatter3A_1144[%add3A_5, %add3A_1124], %get3A_1134 : memref<32x129xf32, #tpu.memory_space<vmem>>[vector<16xi32>, vector<16xi32>], vector<16xf32>,
        %add3A_1145 = arith.constant 9 : i32
        %add3A_1146 = arith.addi %mul3A_921, %add3A_1145 : i32
        %add3A_1147 = arith.constant 9 : i32
        %add3A_1148 = vector.broadcast %add3A_1147 : i32 to vector<16xi32>
        %add3A_1149 = arith.addi %broadcast_in_dim3A, %add3A_1148 : vector<16xi32>
        %get3A_1150 = arith.constant 2 : i32
        %get3A_1151 = arith.index_cast %get3A_1150 : i32 to index
        %get3A_1152 = arith.index_cast %add3A_1146 : i32 to index
        %get3A_1153 = arith.constant 0 : index
        %get3A_1154 = tpu.vector_load %arg6[%get3A_1151, %get3A_1152, %get3A_1153] {strides = array<i32>} : memref<4x128x32xf32, #tpu.memory_space<vmem>>, vector<16xf32>,
        %get3A_1155 = arith.constant 2 : i32
        %get3A_1156 = arith.index_cast %get3A_1155 : i32 to index
        %get3A_1157 = arith.index_cast %add3A_1146 : i32 to index
        %get3A_1158 = arith.constant 16 : index
        %get3A_1159 = tpu.vector_load %arg6[%get3A_1156, %get3A_1157, %get3A_1158] {strides = array<i32>} : memref<4x128x32xf32, #tpu.memory_space<vmem>>, vector<16xf32>,
        %scatter3A_1160 = arith.constant 2 : i32
        %scatter3A_1161 = arith.constant 0 : i32
        %scatter3A_1162 = arith.constant 0 : i32
        %scatter3A_1163 = tpu.memref_slice %arg7[%scatter3A_1160, %scatter3A_1161, %scatter3A_1162] : memref<4x32x129xf32, #tpu.memory_space<vmem>> -> memref<1x32x129xf32, #tpu.memory_space<vmem>>
        %scatter3A_1164 = tpu.memref_squeeze %scatter3A_1163 : memref<1x32x129xf32, #tpu.memory_space<vmem>> -> memref<32x129xf32, #tpu.memory_space<vmem>>
        tpu.vector_store_idx %scatter3A_1164[%iota3A, %add3A_1149], %get3A_1154 : memref<32x129xf32, #tpu.memory_space<vmem>>[vector<16xi32>, vector<16xi32>], vector<16xf32>,
        %scatter3A_1165 = arith.constant 2 : i32
        %scatter3A_1166 = arith.constant 0 : i32
        %scatter3A_1167 = arith.constant 0 : i32
        %scatter3A_1168 = tpu.memref_slice %arg7[%scatter3A_1165, %scatter3A_1166, %scatter3A_1167] : memref<4x32x129xf32, #tpu.memory_space<vmem>> -> memref<1x32x129xf32, #tpu.memory_space<vmem>>
        %scatter3A_1169 = tpu.memref_squeeze %scatter3A_1168 : memref<1x32x129xf32, #tpu.memory_space<vmem>> -> memref<32x129xf32, #tpu.memory_space<vmem>>
        tpu.vector_store_idx %scatter3A_1169[%add3A_5, %add3A_1149], %get3A_1159 : memref<32x129xf32, #tpu.memory_space<vmem>>[vector<16xi32>, vector<16xi32>], vector<16xf32>,
        %add3A_1170 = arith.constant 10 : i32
        %add3A_1171 = arith.addi %mul3A_921, %add3A_1170 : i32
        %add3A_1172 = arith.constant 10 : i32
        %add3A_1173 = vector.broadcast %add3A_1172 : i32 to vector<16xi32>
        %add3A_1174 = arith.addi %broadcast_in_dim3A, %add3A_1173 : vector<16xi32>
        %get3A_1175 = arith.constant 2 : i32
        %get3A_1176 = arith.index_cast %get3A_1175 : i32 to index
        %get3A_1177 = arith.index_cast %add3A_1171 : i32 to index
        %get3A_1178 = arith.constant 0 : index
        %get3A_1179 = tpu.vector_load %arg6[%get3A_1176, %get3A_1177, %get3A_1178] {strides = array<i32>} : memref<4x128x32xf32, #tpu.memory_space<vmem>>, vector<16xf32>,
        %get3A_1180 = arith.constant 2 : i32
        %get3A_1181 = arith.index_cast %get3A_1180 : i32 to index
        %get3A_1182 = arith.index_cast %add3A_1171 : i32 to index
        %get3A_1183 = arith.constant 16 : index
        %get3A_1184 = tpu.vector_load %arg6[%get3A_1181, %get3A_1182, %get3A_1183] {strides = array<i32>} : memref<4x128x32xf32, #tpu.memory_space<vmem>>, vector<16xf32>,
        %scatter3A_1185 = arith.constant 2 : i32
        %scatter3A_1186 = arith.constant 0 : i32
        %scatter3A_1187 = arith.constant 0 : i32
        %scatter3A_1188 = tpu.memref_slice %arg7[%scatter3A_1185, %scatter3A_1186, %scatter3A_1187] : memref<4x32x129xf32, #tpu.memory_space<vmem>> -> memref<1x32x129xf32, #tpu.memory_space<vmem>>
        %scatter3A_1189 = tpu.memref_squeeze %scatter3A_1188 : memref<1x32x129xf32, #tpu.memory_space<vmem>> -> memref<32x129xf32, #tpu.memory_space<vmem>>
        tpu.vector_store_idx %scatter3A_1189[%iota3A, %add3A_1174], %get3A_1179 : memref<32x129xf32, #tpu.memory_space<vmem>>[vector<16xi32>, vector<16xi32>], vector<16xf32>,
        %scatter3A_1190 = arith.constant 2 : i32
        %scatter3A_1191 = arith.constant 0 : i32
        %scatter3A_1192 = arith.constant 0 : i32
        %scatter3A_1193 = tpu.memref_slice %arg7[%scatter3A_1190, %scatter3A_1191, %scatter3A_1192] : memref<4x32x129xf32, #tpu.memory_space<vmem>> -> memref<1x32x129xf32, #tpu.memory_space<vmem>>
        %scatter3A_1194 = tpu.memref_squeeze %scatter3A_1193 : memref<1x32x129xf32, #tpu.memory_space<vmem>> -> memref<32x129xf32, #tpu.memory_space<vmem>>
        tpu.vector_store_idx %scatter3A_1194[%add3A_5, %add3A_1174], %get3A_1184 : memref<32x129xf32, #tpu.memory_space<vmem>>[vector<16xi32>, vector<16xi32>], vector<16xf32>,
        %add3A_1195 = arith.constant 11 : i32
        %add3A_1196 = arith.addi %mul3A_921, %add3A_1195 : i32
        %add3A_1197 = arith.constant 11 : i32
        %add3A_1198 = vector.broadcast %add3A_1197 : i32 to vector<16xi32>
        %add3A_1199 = arith.addi %broadcast_in_dim3A, %add3A_1198 : vector<16xi32>
        %get3A_1200 = arith.constant 2 : i32
        %get3A_1201 = arith.index_cast %get3A_1200 : i32 to index
        %get3A_1202 = arith.index_cast %add3A_1196 : i32 to index
        %get3A_1203 = arith.constant 0 : index
        %get3A_1204 = tpu.vector_load %arg6[%get3A_1201, %get3A_1202, %get3A_1203] {strides = array<i32>} : memref<4x128x32xf32, #tpu.memory_space<vmem>>, vector<16xf32>,
        %get3A_1205 = arith.constant 2 : i32
        %get3A_1206 = arith.index_cast %get3A_1205 : i32 to index
        %get3A_1207 = arith.index_cast %add3A_1196 : i32 to index
        %get3A_1208 = arith.constant 16 : index
        %get3A_1209 = tpu.vector_load %arg6[%get3A_1206, %get3A_1207, %get3A_1208] {strides = array<i32>} : memref<4x128x32xf32, #tpu.memory_space<vmem>>, vector<16xf32>,
        %scatter3A_1210 = arith.constant 2 : i32
        %scatter3A_1211 = arith.constant 0 : i32
        %scatter3A_1212 = arith.constant 0 : i32
        %scatter3A_1213 = tpu.memref_slice %arg7[%scatter3A_1210, %scatter3A_1211, %scatter3A_1212] : memref<4x32x129xf32, #tpu.memory_space<vmem>> -> memref<1x32x129xf32, #tpu.memory_space<vmem>>
        %scatter3A_1214 = tpu.memref_squeeze %scatter3A_1213 : memref<1x32x129xf32, #tpu.memory_space<vmem>> -> memref<32x129xf32, #tpu.memory_space<vmem>>
        tpu.vector_store_idx %scatter3A_1214[%iota3A, %add3A_1199], %get3A_1204 : memref<32x129xf32, #tpu.memory_space<vmem>>[vector<16xi32>, vector<16xi32>], vector<16xf32>,
        %scatter3A_1215 = arith.constant 2 : i32
        %scatter3A_1216 = arith.constant 0 : i32
        %scatter3A_1217 = arith.constant 0 : i32
        %scatter3A_1218 = tpu.memref_slice %arg7[%scatter3A_1215, %scatter3A_1216, %scatter3A_1217] : memref<4x32x129xf32, #tpu.memory_space<vmem>> -> memref<1x32x129xf32, #tpu.memory_space<vmem>>
        %scatter3A_1219 = tpu.memref_squeeze %scatter3A_1218 : memref<1x32x129xf32, #tpu.memory_space<vmem>> -> memref<32x129xf32, #tpu.memory_space<vmem>>
        tpu.vector_store_idx %scatter3A_1219[%add3A_5, %add3A_1199], %get3A_1209 : memref<32x129xf32, #tpu.memory_space<vmem>>[vector<16xi32>, vector<16xi32>], vector<16xf32>,
        %add3A_1220 = arith.constant 12 : i32
        %add3A_1221 = arith.addi %mul3A_921, %add3A_1220 : i32
        %add3A_1222 = arith.constant 12 : i32
        %add3A_1223 = vector.broadcast %add3A_1222 : i32 to vector<16xi32>
        %add3A_1224 = arith.addi %broadcast_in_dim3A, %add3A_1223 : vector<16xi32>
        %get3A_1225 = arith.constant 2 : i32
        %get3A_1226 = arith.index_cast %get3A_1225 : i32 to index
        %get3A_1227 = arith.index_cast %add3A_1221 : i32 to index
        %get3A_1228 = arith.constant 0 : index
        %get3A_1229 = tpu.vector_load %arg6[%get3A_1226, %get3A_1227, %get3A_1228] {strides = array<i32>} : memref<4x128x32xf32, #tpu.memory_space<vmem>>, vector<16xf32>,
        %get3A_1230 = arith.constant 2 : i32
        %get3A_1231 = arith.index_cast %get3A_1230 : i32 to index
        %get3A_1232 = arith.index_cast %add3A_1221 : i32 to index
        %get3A_1233 = arith.constant 16 : index
        %get3A_1234 = tpu.vector_load %arg6[%get3A_1231, %get3A_1232, %get3A_1233] {strides = array<i32>} : memref<4x128x32xf32, #tpu.memory_space<vmem>>, vector<16xf32>,
        %scatter3A_1235 = arith.constant 2 : i32
        %scatter3A_1236 = arith.constant 0 : i32
        %scatter3A_1237 = arith.constant 0 : i32
        %scatter3A_1238 = tpu.memref_slice %arg7[%scatter3A_1235, %scatter3A_1236, %scatter3A_1237] : memref<4x32x129xf32, #tpu.memory_space<vmem>> -> memref<1x32x129xf32, #tpu.memory_space<vmem>>
        %scatter3A_1239 = tpu.memref_squeeze %scatter3A_1238 : memref<1x32x129xf32, #tpu.memory_space<vmem>> -> memref<32x129xf32, #tpu.memory_space<vmem>>
        tpu.vector_store_idx %scatter3A_1239[%iota3A, %add3A_1224], %get3A_1229 : memref<32x129xf32, #tpu.memory_space<vmem>>[vector<16xi32>, vector<16xi32>], vector<16xf32>,
        %scatter3A_1240 = arith.constant 2 : i32
        %scatter3A_1241 = arith.constant 0 : i32
        %scatter3A_1242 = arith.constant 0 : i32
        %scatter3A_1243 = tpu.memref_slice %arg7[%scatter3A_1240, %scatter3A_1241, %scatter3A_1242] : memref<4x32x129xf32, #tpu.memory_space<vmem>> -> memref<1x32x129xf32, #tpu.memory_space<vmem>>
        %scatter3A_1244 = tpu.memref_squeeze %scatter3A_1243 : memref<1x32x129xf32, #tpu.memory_space<vmem>> -> memref<32x129xf32, #tpu.memory_space<vmem>>
        tpu.vector_store_idx %scatter3A_1244[%add3A_5, %add3A_1224], %get3A_1234 : memref<32x129xf32, #tpu.memory_space<vmem>>[vector<16xi32>, vector<16xi32>], vector<16xf32>,
        %add3A_1245 = arith.constant 13 : i32
        %add3A_1246 = arith.addi %mul3A_921, %add3A_1245 : i32
        %add3A_1247 = arith.constant 13 : i32
        %add3A_1248 = vector.broadcast %add3A_1247 : i32 to vector<16xi32>
        %add3A_1249 = arith.addi %broadcast_in_dim3A, %add3A_1248 : vector<16xi32>
        %get3A_1250 = arith.constant 2 : i32
        %get3A_1251 = arith.index_cast %get3A_1250 : i32 to index
        %get3A_1252 = arith.index_cast %add3A_1246 : i32 to index
        %get3A_1253 = arith.constant 0 : index
        %get3A_1254 = tpu.vector_load %arg6[%get3A_1251, %get3A_1252, %get3A_1253] {strides = array<i32>} : memref<4x128x32xf32, #tpu.memory_space<vmem>>, vector<16xf32>,
        %get3A_1255 = arith.constant 2 : i32
        %get3A_1256 = arith.index_cast %get3A_1255 : i32 to index
        %get3A_1257 = arith.index_cast %add3A_1246 : i32 to index
        %get3A_1258 = arith.constant 16 : index
        %get3A_1259 = tpu.vector_load %arg6[%get3A_1256, %get3A_1257, %get3A_1258] {strides = array<i32>} : memref<4x128x32xf32, #tpu.memory_space<vmem>>, vector<16xf32>,
        %scatter3A_1260 = arith.constant 2 : i32
        %scatter3A_1261 = arith.constant 0 : i32
        %scatter3A_1262 = arith.constant 0 : i32
        %scatter3A_1263 = tpu.memref_slice %arg7[%scatter3A_1260, %scatter3A_1261, %scatter3A_1262] : memref<4x32x129xf32, #tpu.memory_space<vmem>> -> memref<1x32x129xf32, #tpu.memory_space<vmem>>
        %scatter3A_1264 = tpu.memref_squeeze %scatter3A_1263 : memref<1x32x129xf32, #tpu.memory_space<vmem>> -> memref<32x129xf32, #tpu.memory_space<vmem>>
        tpu.vector_store_idx %scatter3A_1264[%iota3A, %add3A_1249], %get3A_1254 : memref<32x129xf32, #tpu.memory_space<vmem>>[vector<16xi32>, vector<16xi32>], vector<16xf32>,
        %scatter3A_1265 = arith.constant 2 : i32
        %scatter3A_1266 = arith.constant 0 : i32
        %scatter3A_1267 = arith.constant 0 : i32
        %scatter3A_1268 = tpu.memref_slice %arg7[%scatter3A_1265, %scatter3A_1266, %scatter3A_1267] : memref<4x32x129xf32, #tpu.memory_space<vmem>> -> memref<1x32x129xf32, #tpu.memory_space<vmem>>
        %scatter3A_1269 = tpu.memref_squeeze %scatter3A_1268 : memref<1x32x129xf32, #tpu.memory_space<vmem>> -> memref<32x129xf32, #tpu.memory_space<vmem>>
        tpu.vector_store_idx %scatter3A_1269[%add3A_5, %add3A_1249], %get3A_1259 : memref<32x129xf32, #tpu.memory_space<vmem>>[vector<16xi32>, vector<16xi32>], vector<16xf32>,
        %add3A_1270 = arith.constant 14 : i32
        %add3A_1271 = arith.addi %mul3A_921, %add3A_1270 : i32
        %add3A_1272 = arith.constant 14 : i32
        %add3A_1273 = vector.broadcast %add3A_1272 : i32 to vector<16xi32>
        %add3A_1274 = arith.addi %broadcast_in_dim3A, %add3A_1273 : vector<16xi32>
        %get3A_1275 = arith.constant 2 : i32
        %get3A_1276 = arith.index_cast %get3A_1275 : i32 to index
        %get3A_1277 = arith.index_cast %add3A_1271 : i32 to index
        %get3A_1278 = arith.constant 0 : index
        %get3A_1279 = tpu.vector_load %arg6[%get3A_1276, %get3A_1277, %get3A_1278] {strides = array<i32>} : memref<4x128x32xf32, #tpu.memory_space<vmem>>, vector<16xf32>,
        %get3A_1280 = arith.constant 2 : i32
        %get3A_1281 = arith.index_cast %get3A_1280 : i32 to index
        %get3A_1282 = arith.index_cast %add3A_1271 : i32 to index
        %get3A_1283 = arith.constant 16 : index
        %get3A_1284 = tpu.vector_load %arg6[%get3A_1281, %get3A_1282, %get3A_1283] {strides = array<i32>} : memref<4x128x32xf32, #tpu.memory_space<vmem>>, vector<16xf32>,
        %scatter3A_1285 = arith.constant 2 : i32
        %scatter3A_1286 = arith.constant 0 : i32
        %scatter3A_1287 = arith.constant 0 : i32
        %scatter3A_1288 = tpu.memref_slice %arg7[%scatter3A_1285, %scatter3A_1286, %scatter3A_1287] : memref<4x32x129xf32, #tpu.memory_space<vmem>> -> memref<1x32x129xf32, #tpu.memory_space<vmem>>
        %scatter3A_1289 = tpu.memref_squeeze %scatter3A_1288 : memref<1x32x129xf32, #tpu.memory_space<vmem>> -> memref<32x129xf32, #tpu.memory_space<vmem>>
        tpu.vector_store_idx %scatter3A_1289[%iota3A, %add3A_1274], %get3A_1279 : memref<32x129xf32, #tpu.memory_space<vmem>>[vector<16xi32>, vector<16xi32>], vector<16xf32>,
        %scatter3A_1290 = arith.constant 2 : i32
        %scatter3A_1291 = arith.constant 0 : i32
        %scatter3A_1292 = arith.constant 0 : i32
        %scatter3A_1293 = tpu.memref_slice %arg7[%scatter3A_1290, %scatter3A_1291, %scatter3A_1292] : memref<4x32x129xf32, #tpu.memory_space<vmem>> -> memref<1x32x129xf32, #tpu.memory_space<vmem>>
        %scatter3A_1294 = tpu.memref_squeeze %scatter3A_1293 : memref<1x32x129xf32, #tpu.memory_space<vmem>> -> memref<32x129xf32, #tpu.memory_space<vmem>>
        tpu.vector_store_idx %scatter3A_1294[%add3A_5, %add3A_1274], %get3A_1284 : memref<32x129xf32, #tpu.memory_space<vmem>>[vector<16xi32>, vector<16xi32>], vector<16xf32>,
        %add3A_1295 = arith.constant 15 : i32
        %add3A_1296 = arith.addi %mul3A_921, %add3A_1295 : i32
        %add3A_1297 = arith.constant 15 : i32
        %add3A_1298 = vector.broadcast %add3A_1297 : i32 to vector<16xi32>
        %add3A_1299 = arith.addi %broadcast_in_dim3A, %add3A_1298 : vector<16xi32>
        %get3A_1300 = arith.constant 2 : i32
        %get3A_1301 = arith.index_cast %get3A_1300 : i32 to index
        %get3A_1302 = arith.index_cast %add3A_1296 : i32 to index
        %get3A_1303 = arith.constant 0 : index
        %get3A_1304 = tpu.vector_load %arg6[%get3A_1301, %get3A_1302, %get3A_1303] {strides = array<i32>} : memref<4x128x32xf32, #tpu.memory_space<vmem>>, vector<16xf32>,
        %get3A_1305 = arith.constant 2 : i32
        %get3A_1306 = arith.index_cast %get3A_1305 : i32 to index
        %get3A_1307 = arith.index_cast %add3A_1296 : i32 to index
        %get3A_1308 = arith.constant 16 : index
        %get3A_1309 = tpu.vector_load %arg6[%get3A_1306, %get3A_1307, %get3A_1308] {strides = array<i32>} : memref<4x128x32xf32, #tpu.memory_space<vmem>>, vector<16xf32>,
        %scatter3A_1310 = arith.constant 2 : i32
        %scatter3A_1311 = arith.constant 0 : i32
        %scatter3A_1312 = arith.constant 0 : i32
        %scatter3A_1313 = tpu.memref_slice %arg7[%scatter3A_1310, %scatter3A_1311, %scatter3A_1312] : memref<4x32x129xf32, #tpu.memory_space<vmem>> -> memref<1x32x129xf32, #tpu.memory_space<vmem>>
        %scatter3A_1314 = tpu.memref_squeeze %scatter3A_1313 : memref<1x32x129xf32, #tpu.memory_space<vmem>> -> memref<32x129xf32, #tpu.memory_space<vmem>>
        tpu.vector_store_idx %scatter3A_1314[%iota3A, %add3A_1299], %get3A_1304 : memref<32x129xf32, #tpu.memory_space<vmem>>[vector<16xi32>, vector<16xi32>], vector<16xf32>,
        %scatter3A_1315 = arith.constant 2 : i32
        %scatter3A_1316 = arith.constant 0 : i32
        %scatter3A_1317 = arith.constant 0 : i32
        %scatter3A_1318 = tpu.memref_slice %arg7[%scatter3A_1315, %scatter3A_1316, %scatter3A_1317] : memref<4x32x129xf32, #tpu.memory_space<vmem>> -> memref<1x32x129xf32, #tpu.memory_space<vmem>>
        %scatter3A_1319 = tpu.memref_squeeze %scatter3A_1318 : memref<1x32x129xf32, #tpu.memory_space<vmem>> -> memref<32x129xf32, #tpu.memory_space<vmem>>
        tpu.vector_store_idx %scatter3A_1319[%add3A_5, %add3A_1299], %get3A_1309 : memref<32x129xf32, #tpu.memory_space<vmem>>[vector<16xi32>, vector<16xi32>], vector<16xf32>,
      }
      %scan3A_707 = arith.constant 8 : i32
      %dma_start3A_708 = arith.constant 2 : i32
      %dma_start3A_709 = arith.constant 0 : i32
      %dma_start3A_710 = arith.constant 2 : i32
      %dma_start3A_711 = arith.constant 0 : i32
      %dma_start3A_712 = arith.constant 0 : i32
      %dma_start3A_713 = tpu.memref_slice %arg7[%dma_start3A_708, %dma_start3A_711, %dma_start3A_712] : memref<4x32x129xf32, #tpu.memory_space<vmem>> -> memref<1x8x128xf32, #tpu.memory_space<vmem>>
      %dma_start3A_714 = tpu.memref_squeeze %dma_start3A_713 : memref<1x8x128xf32, #tpu.memory_space<vmem>> -> memref<8x128xf32, #tpu.memory_space<vmem>>
      %dma_start3A_715 = arith.constant 0 : i32
      %dma_start3A_716 = arith.constant 0 : i32
      %dma_start3A_717 = tpu.memref_slice %arg4[%add3A_678, %dma_start3A_709, %add3A, %dma_start3A_715, %dma_start3A_716] : memref<200x4x32x8x128xf32, #tpu.memory_space<hbm>> -> memref<1x1x1x8x128xf32, #tpu.memory_space<hbm>>
      %dma_start3A_718 = tpu.memref_squeeze %dma_start3A_717 : memref<1x1x1x8x128xf32, #tpu.memory_space<hbm>> -> memref<8x128xf32, #tpu.memory_space<hbm>>
      %dma_start3A_719 = tpu.memref_slice %arg9[%dma_start3A_710] : memref<4x!tpu.dma_semaphore, #tpu.memory_space<semaphore_mem>> -> memref<1x!tpu.dma_semaphore, #tpu.memory_space<semaphore_mem>>
      %dma_start3A_720 = tpu.memref_squeeze %dma_start3A_719 : memref<1x!tpu.dma_semaphore, #tpu.memory_space<semaphore_mem>> -> memref<!tpu.dma_semaphore, #tpu.memory_space<semaphore_mem>>
      %dma_start3A_721 = arith.constant 0 : i32
      %dma_start3A_722 = arith.constant 0 : i32
      %dma_start3A_723 = tpu.memref_slice %arg4[%add3A_678, %dma_start3A_709, %add3A, %dma_start3A_721, %dma_start3A_722] : memref<200x4x32x8x128xf32, #tpu.memory_space<hbm>> -> memref<1x1x1x8x128xf32, #tpu.memory_space<hbm>>
      %dma_start3A_724 = tpu.memref_squeeze %dma_start3A_723 : memref<1x1x1x8x128xf32, #tpu.memory_space<hbm>> -> memref<8x128xf32, #tpu.memory_space<hbm>>
      %dma_start3A_725 = arith.constant 0 : i32
      %dma_start3A_726 = arith.constant 0 : i32
      %dma_start3A_727 = tpu.memref_slice %arg7[%dma_start3A_708, %dma_start3A_725, %dma_start3A_726] : memref<4x32x129xf32, #tpu.memory_space<vmem>> -> memref<1x8x128xf32, #tpu.memory_space<vmem>>
      %dma_start3A_728 = tpu.memref_squeeze %dma_start3A_727 : memref<1x8x128xf32, #tpu.memory_space<vmem>> -> memref<8x128xf32, #tpu.memory_space<vmem>>
      tpu.enqueue_dma source(%dma_start3A_728 : memref<8x128xf32, #tpu.memory_space<vmem>>) target(%dma_start3A_724 : memref<8x128xf32, #tpu.memory_space<hbm>>) target_semaphore(%dma_start3A_720 : memref<!tpu.dma_semaphore, #tpu.memory_space<semaphore_mem>>)
      %dma_start3A_729 = arith.constant 2 : i32
      %dma_start3A_730 = arith.constant 1 : i32
      %dma_start3A_731 = arith.constant 2 : i32
      %dma_start3A_732 = arith.constant 8 : i32
      %dma_start3A_733 = arith.constant 0 : i32
      %dma_start3A_734 = tpu.memref_slice %arg7[%dma_start3A_729, %dma_start3A_732, %dma_start3A_733] : memref<4x32x129xf32, #tpu.memory_space<vmem>> -> memref<1x8x128xf32, #tpu.memory_space<vmem>>
      %dma_start3A_735 = tpu.memref_squeeze %dma_start3A_734 : memref<1x8x128xf32, #tpu.memory_space<vmem>> -> memref<8x128xf32, #tpu.memory_space<vmem>>
      %dma_start3A_736 = arith.constant 0 : i32
      %dma_start3A_737 = arith.constant 0 : i32
      %dma_start3A_738 = tpu.memref_slice %arg4[%add3A_678, %dma_start3A_730, %add3A, %dma_start3A_736, %dma_start3A_737] : memref<200x4x32x8x128xf32, #tpu.memory_space<hbm>> -> memref<1x1x1x8x128xf32, #tpu.memory_space<hbm>>
      %dma_start3A_739 = tpu.memref_squeeze %dma_start3A_738 : memref<1x1x1x8x128xf32, #tpu.memory_space<hbm>> -> memref<8x128xf32, #tpu.memory_space<hbm>>
      %dma_start3A_740 = tpu.memref_slice %arg9[%dma_start3A_731] : memref<4x!tpu.dma_semaphore, #tpu.memory_space<semaphore_mem>> -> memref<1x!tpu.dma_semaphore, #tpu.memory_space<semaphore_mem>>
      %dma_start3A_741 = tpu.memref_squeeze %dma_start3A_740 : memref<1x!tpu.dma_semaphore, #tpu.memory_space<semaphore_mem>> -> memref<!tpu.dma_semaphore, #tpu.memory_space<semaphore_mem>>
      %dma_start3A_742 = arith.constant 0 : i32
      %dma_start3A_743 = arith.constant 0 : i32
      %dma_start3A_744 = tpu.memref_slice %arg4[%add3A_678, %dma_start3A_730, %add3A, %dma_start3A_742, %dma_start3A_743] : memref<200x4x32x8x128xf32, #tpu.memory_space<hbm>> -> memref<1x1x1x8x128xf32, #tpu.memory_space<hbm>>
      %dma_start3A_745 = tpu.memref_squeeze %dma_start3A_744 : memref<1x1x1x8x128xf32, #tpu.memory_space<hbm>> -> memref<8x128xf32, #tpu.memory_space<hbm>>
      %dma_start3A_746 = arith.constant 8 : i32
      %dma_start3A_747 = arith.constant 0 : i32
      %dma_start3A_748 = tpu.memref_slice %arg7[%dma_start3A_729, %dma_start3A_746, %dma_start3A_747] : memref<4x32x129xf32, #tpu.memory_space<vmem>> -> memref<1x8x128xf32, #tpu.memory_space<vmem>>
      %dma_start3A_749 = tpu.memref_squeeze %dma_start3A_748 : memref<1x8x128xf32, #tpu.memory_space<vmem>> -> memref<8x128xf32, #tpu.memory_space<vmem>>
      tpu.enqueue_dma source(%dma_start3A_749 : memref<8x128xf32, #tpu.memory_space<vmem>>) target(%dma_start3A_745 : memref<8x128xf32, #tpu.memory_space<hbm>>) target_semaphore(%dma_start3A_741 : memref<!tpu.dma_semaphore, #tpu.memory_space<semaphore_mem>>)
      %dma_start3A_750 = arith.constant 2 : i32
      %dma_start3A_751 = arith.constant 2 : i32
      %dma_start3A_752 = arith.constant 2 : i32
      %dma_start3A_753 = arith.constant 16 : i32
      %dma_start3A_754 = arith.constant 0 : i32
      %dma_start3A_755 = tpu.memref_slice %arg7[%dma_start3A_750, %dma_start3A_753, %dma_start3A_754] : memref<4x32x129xf32, #tpu.memory_space<vmem>> -> memref<1x8x128xf32, #tpu.memory_space<vmem>>
      %dma_start3A_756 = tpu.memref_squeeze %dma_start3A_755 : memref<1x8x128xf32, #tpu.memory_space<vmem>> -> memref<8x128xf32, #tpu.memory_space<vmem>>
      %dma_start3A_757 = arith.constant 0 : i32
      %dma_start3A_758 = arith.constant 0 : i32
      %dma_start3A_759 = tpu.memref_slice %arg4[%add3A_678, %dma_start3A_751, %add3A, %dma_start3A_757, %dma_start3A_758] : memref<200x4x32x8x128xf32, #tpu.memory_space<hbm>> -> memref<1x1x1x8x128xf32, #tpu.memory_space<hbm>>
      %dma_start3A_760 = tpu.memref_squeeze %dma_start3A_759 : memref<1x1x1x8x128xf32, #tpu.memory_space<hbm>> -> memref<8x128xf32, #tpu.memory_space<hbm>>
      %dma_start3A_761 = tpu.memref_slice %arg9[%dma_start3A_752] : memref<4x!tpu.dma_semaphore, #tpu.memory_space<semaphore_mem>> -> memref<1x!tpu.dma_semaphore, #tpu.memory_space<semaphore_mem>>
      %dma_start3A_762 = tpu.memref_squeeze %dma_start3A_761 : memref<1x!tpu.dma_semaphore, #tpu.memory_space<semaphore_mem>> -> memref<!tpu.dma_semaphore, #tpu.memory_space<semaphore_mem>>
      %dma_start3A_763 = arith.constant 0 : i32
      %dma_start3A_764 = arith.constant 0 : i32
      %dma_start3A_765 = tpu.memref_slice %arg4[%add3A_678, %dma_start3A_751, %add3A, %dma_start3A_763, %dma_start3A_764] : memref<200x4x32x8x128xf32, #tpu.memory_space<hbm>> -> memref<1x1x1x8x128xf32, #tpu.memory_space<hbm>>
      %dma_start3A_766 = tpu.memref_squeeze %dma_start3A_765 : memref<1x1x1x8x128xf32, #tpu.memory_space<hbm>> -> memref<8x128xf32, #tpu.memory_space<hbm>>
      %dma_start3A_767 = arith.constant 16 : i32
      %dma_start3A_768 = arith.constant 0 : i32
      %dma_start3A_769 = tpu.memref_slice %arg7[%dma_start3A_750, %dma_start3A_767, %dma_start3A_768] : memref<4x32x129xf32, #tpu.memory_space<vmem>> -> memref<1x8x128xf32, #tpu.memory_space<vmem>>
      %dma_start3A_770 = tpu.memref_squeeze %dma_start3A_769 : memref<1x8x128xf32, #tpu.memory_space<vmem>> -> memref<8x128xf32, #tpu.memory_space<vmem>>
      tpu.enqueue_dma source(%dma_start3A_770 : memref<8x128xf32, #tpu.memory_space<vmem>>) target(%dma_start3A_766 : memref<8x128xf32, #tpu.memory_space<hbm>>) target_semaphore(%dma_start3A_762 : memref<!tpu.dma_semaphore, #tpu.memory_space<semaphore_mem>>)
      %dma_start3A_771 = arith.constant 2 : i32
      %dma_start3A_772 = arith.constant 3 : i32
      %dma_start3A_773 = arith.constant 2 : i32
      %dma_start3A_774 = arith.constant 24 : i32
      %dma_start3A_775 = arith.constant 0 : i32
      %dma_start3A_776 = tpu.memref_slice %arg7[%dma_start3A_771, %dma_start3A_774, %dma_start3A_775] : memref<4x32x129xf32, #tpu.memory_space<vmem>> -> memref<1x8x128xf32, #tpu.memory_space<vmem>>
      %dma_start3A_777 = tpu.memref_squeeze %dma_start3A_776 : memref<1x8x128xf32, #tpu.memory_space<vmem>> -> memref<8x128xf32, #tpu.memory_space<vmem>>
      %dma_start3A_778 = arith.constant 0 : i32
      %dma_start3A_779 = arith.constant 0 : i32
      %dma_start3A_780 = tpu.memref_slice %arg4[%add3A_678, %dma_start3A_772, %add3A, %dma_start3A_778, %dma_start3A_779] : memref<200x4x32x8x128xf32, #tpu.memory_space<hbm>> -> memref<1x1x1x8x128xf32, #tpu.memory_space<hbm>>
      %dma_start3A_781 = tpu.memref_squeeze %dma_start3A_780 : memref<1x1x1x8x128xf32, #tpu.memory_space<hbm>> -> memref<8x128xf32, #tpu.memory_space<hbm>>
      %dma_start3A_782 = tpu.memref_slice %arg9[%dma_start3A_773] : memref<4x!tpu.dma_semaphore, #tpu.memory_space<semaphore_mem>> -> memref<1x!tpu.dma_semaphore, #tpu.memory_space<semaphore_mem>>
      %dma_start3A_783 = tpu.memref_squeeze %dma_start3A_782 : memref<1x!tpu.dma_semaphore, #tpu.memory_space<semaphore_mem>> -> memref<!tpu.dma_semaphore, #tpu.memory_space<semaphore_mem>>
      %dma_start3A_784 = arith.constant 0 : i32
      %dma_start3A_785 = arith.constant 0 : i32
      %dma_start3A_786 = tpu.memref_slice %arg4[%add3A_678, %dma_start3A_772, %add3A, %dma_start3A_784, %dma_start3A_785] : memref<200x4x32x8x128xf32, #tpu.memory_space<hbm>> -> memref<1x1x1x8x128xf32, #tpu.memory_space<hbm>>
      %dma_start3A_787 = tpu.memref_squeeze %dma_start3A_786 : memref<1x1x1x8x128xf32, #tpu.memory_space<hbm>> -> memref<8x128xf32, #tpu.memory_space<hbm>>
      %dma_start3A_788 = arith.constant 24 : i32
      %dma_start3A_789 = arith.constant 0 : i32
      %dma_start3A_790 = tpu.memref_slice %arg7[%dma_start3A_771, %dma_start3A_788, %dma_start3A_789] : memref<4x32x129xf32, #tpu.memory_space<vmem>> -> memref<1x8x128xf32, #tpu.memory_space<vmem>>
      %dma_start3A_791 = tpu.memref_squeeze %dma_start3A_790 : memref<1x8x128xf32, #tpu.memory_space<vmem>> -> memref<8x128xf32, #tpu.memory_space<vmem>>
      tpu.enqueue_dma source(%dma_start3A_791 : memref<8x128xf32, #tpu.memory_space<vmem>>) target(%dma_start3A_787 : memref<8x128xf32, #tpu.memory_space<hbm>>) target_semaphore(%dma_start3A_783 : memref<!tpu.dma_semaphore, #tpu.memory_space<semaphore_mem>>)
      %lt3A_792 = arith.constant 49 : i32
      %lt3A_793 = arith.cmpi slt, %scan3A_422, %lt3A_792 : i32
      %convert_element_type3A_794 = arith.extui %lt3A_793 : i1 to i32
      %cond3A_795 = arith.constant 0 : i32
      %cond3A_796 = arith.cmpi ne, %convert_element_type3A_794, %cond3A_795 : i32
      scf.if %cond3A_796 {
        %add3A_919 = arith.constant 4 : i32
        %add3A_920 = arith.addi %add3A_678, %add3A_919 : i32
        %sub3A_921 = arith.constant 1 : i32
        %sub3A_922 = arith.subi %add3A_920, %sub3A_921 : i32
        %dma_start3A_923 = arith.constant 1 : i32
        %dma_start3A_924 = arith.constant 1 : i32
        %dma_start3A_925 = arith.constant 0 : i32
        %dma_start3A_926 = arith.constant 0 : i32
        %dma_start3A_927 = tpu.memref_slice %arg6[%dma_start3A_923, %dma_start3A_925, %dma_start3A_926] : memref<4x128x32xf32, #tpu.memory_space<vmem>> -> memref<1x128x32xf32, #tpu.memory_space<vmem>>
        %dma_start3A_928 = tpu.memref_squeeze %dma_start3A_927 : memref<1x128x32xf32, #tpu.memory_space<vmem>> -> memref<128x32xf32, #tpu.memory_space<vmem>>
        %dma_start3A_929 = arith.constant 0 : i32
        %dma_start3A_930 = tpu.memref_slice %arg5[%sub3A_922, %dma_start3A_929] : memref<200x128xi32, #tpu.memory_space<vmem>> -> memref<1x128xi32, #tpu.memory_space<vmem>>
        %dma_start3A_931 = tpu.memref_squeeze %dma_start3A_930 : memref<1x128xi32, #tpu.memory_space<vmem>> -> memref<128xi32, #tpu.memory_space<vmem>>
        %dma_start3A_932 = arith.constant 0 : i32
        %dma_start3A_933 = arith.constant 0 : i32
        %dma_start3A_934 = tpu.memref_slice %arg3[%dma_start3A_932, %dma_start3A_933] : memref<1000000x32xf32, #tpu.memory_space<hbm>> -> memref<1000000x32xf32, #tpu.memory_space<hbm>>
        %dma_start3A_935 = tpu.memref_slice %arg8[%dma_start3A_924] : memref<4x!tpu.dma_semaphore, #tpu.memory_space<semaphore_mem>> -> memref<1x!tpu.dma_semaphore, #tpu.memory_space<semaphore_mem>>
        %dma_start3A_936 = tpu.memref_squeeze %dma_start3A_935 : memref<1x!tpu.dma_semaphore, #tpu.memory_space<semaphore_mem>> -> memref<!tpu.dma_semaphore, #tpu.memory_space<semaphore_mem>>
        tpu.enqueue_indirect_dma source(%dma_start3A_934 : memref<1000000x32xf32, #tpu.memory_space<hbm>>) target(%dma_start3A_928 : memref<128x32xf32, #tpu.memory_space<vmem>>) offsets(%dma_start3A_931 : memref<128xi32, #tpu.memory_space<vmem>>) semaphore(%dma_start3A_936 : memref<!tpu.dma_semaphore, #tpu.memory_space<semaphore_mem>>)
      } else {
      }
      %mul3A_797 = arith.constant 4 : i32
      %mul3A_798 = arith.muli %scan3A_422, %mul3A_797 : i32
      %add3A_799 = arith.constant 3 : i32
      %add3A_800 = arith.addi %mul3A_798, %add3A_799 : i32
      %dma_wait3A_801 = arith.constant 3 : i32
      %dma_wait3A_802 = arith.constant 3 : i32
      %dma_wait3A_803 = arith.constant 0 : i32
      %dma_wait3A_804 = arith.constant 0 : i32
      %dma_wait3A_805 = tpu.memref_slice %arg6[%dma_wait3A_801, %dma_wait3A_803, %dma_wait3A_804] : memref<4x128x32xf32, #tpu.memory_space<vmem>> -> memref<1x128x32xf32, #tpu.memory_space<vmem>>
      %dma_wait3A_806 = tpu.memref_squeeze %dma_wait3A_805 : memref<1x128x32xf32, #tpu.memory_space<vmem>> -> memref<128x32xf32, #tpu.memory_space<vmem>>
      %dma_wait3A_807 = arith.constant 0 : i32
      %dma_wait3A_808 = arith.constant 0 : i32
      %dma_wait3A_809 = tpu.memref_slice %arg3[%dma_wait3A_807, %dma_wait3A_808] : memref<1000000x32xf32, #tpu.memory_space<hbm>> -> memref<128x32xf32, #tpu.memory_space<hbm>>
      %dma_wait3A_810 = tpu.memref_slice %arg8[%dma_wait3A_802] : memref<4x!tpu.dma_semaphore, #tpu.memory_space<semaphore_mem>> -> memref<1x!tpu.dma_semaphore, #tpu.memory_space<semaphore_mem>>
      %dma_wait3A_811 = tpu.memref_squeeze %dma_wait3A_810 : memref<1x!tpu.dma_semaphore, #tpu.memory_space<semaphore_mem>> -> memref<!tpu.dma_semaphore, #tpu.memory_space<semaphore_mem>>
      %dma_wait3A_812 = arith.constant 0 : i32
      %dma_wait3A_813 = arith.constant 0 : i32
      %dma_wait3A_814 = tpu.memref_slice %arg6[%dma_wait3A_801, %dma_wait3A_812, %dma_wait3A_813] : memref<4x128x32xf32, #tpu.memory_space<vmem>> -> memref<1x128x32xf32, #tpu.memory_space<vmem>>
      %dma_wait3A_815 = tpu.memref_squeeze %dma_wait3A_814 : memref<1x128x32xf32, #tpu.memory_space<vmem>> -> memref<128x32xf32, #tpu.memory_space<vmem>>
      %dma_wait3A_816 = arith.constant 0 : i32
      %dma_wait3A_817 = arith.constant 0 : i32
      %dma_wait3A_818 = tpu.memref_slice %arg3[%dma_wait3A_816, %dma_wait3A_817] : memref<1000000x32xf32, #tpu.memory_space<hbm>> -> memref<128x32xf32, #tpu.memory_space<hbm>>
      tpu.wait_dma2 semaphore(%dma_wait3A_811 : memref<!tpu.dma_semaphore, #tpu.memory_space<semaphore_mem>>) src(%dma_wait3A_818 : memref<128x32xf32, #tpu.memory_space<hbm>>) dst(%dma_wait3A_815 : memref<128x32xf32, #tpu.memory_space<vmem>>)
      %gt3A_819 = arith.constant 0 : i32
      %gt3A_820 = arith.cmpi sgt, %scan3A_422, %gt3A_819 : i32
      %convert_element_type3A_821 = arith.extui %gt3A_820 : i1 to i32
      %cond3A_822 = arith.constant 0 : i32
      %cond3A_823 = arith.cmpi ne, %convert_element_type3A_821, %cond3A_822 : i32
      scf.if %cond3A_823 {
        %dma_wait3A_919 = arith.constant 3 : i32
        %dma_wait3A_920 = arith.constant 0 : i32
        %dma_wait3A_921 = arith.constant 0 : i32
        %dma_wait3A_922 = arith.constant 0 : i32
        %dma_wait3A_923 = arith.constant 3 : i32
        %dma_wait3A_924 = arith.constant 0 : i32
        %dma_wait3A_925 = arith.constant 0 : i32
        %dma_wait3A_926 = tpu.memref_slice %arg7[%dma_wait3A_919, %dma_wait3A_924, %dma_wait3A_925] : memref<4x32x129xf32, #tpu.memory_space<vmem>> -> memref<1x8x128xf32, #tpu.memory_space<vmem>>
        %dma_wait3A_927 = tpu.memref_squeeze %dma_wait3A_926 : memref<1x8x128xf32, #tpu.memory_space<vmem>> -> memref<8x128xf32, #tpu.memory_space<vmem>>
        %dma_wait3A_928 = arith.constant 0 : i32
        %dma_wait3A_929 = arith.constant 0 : i32
        %dma_wait3A_930 = tpu.memref_slice %arg4[%dma_wait3A_920, %dma_wait3A_921, %dma_wait3A_922, %dma_wait3A_928, %dma_wait3A_929] : memref<200x4x32x8x128xf32, #tpu.memory_space<hbm>> -> memref<1x1x1x8x128xf32, #tpu.memory_space<hbm>>
        %dma_wait3A_931 = tpu.memref_squeeze %dma_wait3A_930 : memref<1x1x1x8x128xf32, #tpu.memory_space<hbm>> -> memref<8x128xf32, #tpu.memory_space<hbm>>
        %dma_wait3A_932 = tpu.memref_slice %arg9[%dma_wait3A_923] : memref<4x!tpu.dma_semaphore, #tpu.memory_space<semaphore_mem>> -> memref<1x!tpu.dma_semaphore, #tpu.memory_space<semaphore_mem>>
        %dma_wait3A_933 = tpu.memref_squeeze %dma_wait3A_932 : memref<1x!tpu.dma_semaphore, #tpu.memory_space<semaphore_mem>> -> memref<!tpu.dma_semaphore, #tpu.memory_space<semaphore_mem>>
        %dma_wait3A_934 = arith.constant 0 : i32
        %dma_wait3A_935 = arith.constant 0 : i32
        %dma_wait3A_936 = tpu.memref_slice %arg4[%dma_wait3A_920, %dma_wait3A_921, %dma_wait3A_922, %dma_wait3A_934, %dma_wait3A_935] : memref<200x4x32x8x128xf32, #tpu.memory_space<hbm>> -> memref<1x1x1x8x128xf32, #tpu.memory_space<hbm>>
        %dma_wait3A_937 = tpu.memref_squeeze %dma_wait3A_936 : memref<1x1x1x8x128xf32, #tpu.memory_space<hbm>> -> memref<8x128xf32, #tpu.memory_space<hbm>>
        %dma_wait3A_938 = arith.constant 0 : i32
        %dma_wait3A_939 = arith.constant 0 : i32
        %dma_wait3A_940 = tpu.memref_slice %arg7[%dma_wait3A_919, %dma_wait3A_938, %dma_wait3A_939] : memref<4x32x129xf32, #tpu.memory_space<vmem>> -> memref<1x8x128xf32, #tpu.memory_space<vmem>>
        %dma_wait3A_941 = tpu.memref_squeeze %dma_wait3A_940 : memref<1x8x128xf32, #tpu.memory_space<vmem>> -> memref<8x128xf32, #tpu.memory_space<vmem>>
        tpu.wait_dma2 semaphore(%dma_wait3A_933 : memref<!tpu.dma_semaphore, #tpu.memory_space<semaphore_mem>>) src(%dma_wait3A_941 : memref<8x128xf32, #tpu.memory_space<vmem>>) dst(%dma_wait3A_937 : memref<8x128xf32, #tpu.memory_space<hbm>>)
        %dma_wait3A_942 = arith.constant 3 : i32
        %dma_wait3A_943 = arith.constant 0 : i32
        %dma_wait3A_944 = arith.constant 0 : i32
        %dma_wait3A_945 = arith.constant 0 : i32
        %dma_wait3A_946 = arith.constant 3 : i32
        %dma_wait3A_947 = arith.constant 8 : i32
        %dma_wait3A_948 = arith.constant 0 : i32
        %dma_wait3A_949 = tpu.memref_slice %arg7[%dma_wait3A_942, %dma_wait3A_947, %dma_wait3A_948] : memref<4x32x129xf32, #tpu.memory_space<vmem>> -> memref<1x8x128xf32, #tpu.memory_space<vmem>>
        %dma_wait3A_950 = tpu.memref_squeeze %dma_wait3A_949 : memref<1x8x128xf32, #tpu.memory_space<vmem>> -> memref<8x128xf32, #tpu.memory_space<vmem>>
        %dma_wait3A_951 = arith.constant 0 : i32
        %dma_wait3A_952 = arith.constant 0 : i32
        %dma_wait3A_953 = tpu.memref_slice %arg4[%dma_wait3A_943, %dma_wait3A_944, %dma_wait3A_945, %dma_wait3A_951, %dma_wait3A_952] : memref<200x4x32x8x128xf32, #tpu.memory_space<hbm>> -> memref<1x1x1x8x128xf32, #tpu.memory_space<hbm>>
        %dma_wait3A_954 = tpu.memref_squeeze %dma_wait3A_953 : memref<1x1x1x8x128xf32, #tpu.memory_space<hbm>> -> memref<8x128xf32, #tpu.memory_space<hbm>>
        %dma_wait3A_955 = tpu.memref_slice %arg9[%dma_wait3A_946] : memref<4x!tpu.dma_semaphore, #tpu.memory_space<semaphore_mem>> -> memref<1x!tpu.dma_semaphore, #tpu.memory_space<semaphore_mem>>
        %dma_wait3A_956 = tpu.memref_squeeze %dma_wait3A_955 : memref<1x!tpu.dma_semaphore, #tpu.memory_space<semaphore_mem>> -> memref<!tpu.dma_semaphore, #tpu.memory_space<semaphore_mem>>
        %dma_wait3A_957 = arith.constant 0 : i32
        %dma_wait3A_958 = arith.constant 0 : i32
        %dma_wait3A_959 = tpu.memref_slice %arg4[%dma_wait3A_943, %dma_wait3A_944, %dma_wait3A_945, %dma_wait3A_957, %dma_wait3A_958] : memref<200x4x32x8x128xf32, #tpu.memory_space<hbm>> -> memref<1x1x1x8x128xf32, #tpu.memory_space<hbm>>
        %dma_wait3A_960 = tpu.memref_squeeze %dma_wait3A_959 : memref<1x1x1x8x128xf32, #tpu.memory_space<hbm>> -> memref<8x128xf32, #tpu.memory_space<hbm>>
        %dma_wait3A_961 = arith.constant 8 : i32
        %dma_wait3A_962 = arith.constant 0 : i32
        %dma_wait3A_963 = tpu.memref_slice %arg7[%dma_wait3A_942, %dma_wait3A_961, %dma_wait3A_962] : memref<4x32x129xf32, #tpu.memory_space<vmem>> -> memref<1x8x128xf32, #tpu.memory_space<vmem>>
        %dma_wait3A_964 = tpu.memref_squeeze %dma_wait3A_963 : memref<1x8x128xf32, #tpu.memory_space<vmem>> -> memref<8x128xf32, #tpu.memory_space<vmem>>
        tpu.wait_dma2 semaphore(%dma_wait3A_956 : memref<!tpu.dma_semaphore, #tpu.memory_space<semaphore_mem>>) src(%dma_wait3A_964 : memref<8x128xf32, #tpu.memory_space<vmem>>) dst(%dma_wait3A_960 : memref<8x128xf32, #tpu.memory_space<hbm>>)
        %dma_wait3A_965 = arith.constant 3 : i32
        %dma_wait3A_966 = arith.constant 0 : i32
        %dma_wait3A_967 = arith.constant 0 : i32
        %dma_wait3A_968 = arith.constant 0 : i32
        %dma_wait3A_969 = arith.constant 3 : i32
        %dma_wait3A_970 = arith.constant 16 : i32
        %dma_wait3A_971 = arith.constant 0 : i32
        %dma_wait3A_972 = tpu.memref_slice %arg7[%dma_wait3A_965, %dma_wait3A_970, %dma_wait3A_971] : memref<4x32x129xf32, #tpu.memory_space<vmem>> -> memref<1x8x128xf32, #tpu.memory_space<vmem>>
        %dma_wait3A_973 = tpu.memref_squeeze %dma_wait3A_972 : memref<1x8x128xf32, #tpu.memory_space<vmem>> -> memref<8x128xf32, #tpu.memory_space<vmem>>
        %dma_wait3A_974 = arith.constant 0 : i32
        %dma_wait3A_975 = arith.constant 0 : i32
        %dma_wait3A_976 = tpu.memref_slice %arg4[%dma_wait3A_966, %dma_wait3A_967, %dma_wait3A_968, %dma_wait3A_974, %dma_wait3A_975] : memref<200x4x32x8x128xf32, #tpu.memory_space<hbm>> -> memref<1x1x1x8x128xf32, #tpu.memory_space<hbm>>
        %dma_wait3A_977 = tpu.memref_squeeze %dma_wait3A_976 : memref<1x1x1x8x128xf32, #tpu.memory_space<hbm>> -> memref<8x128xf32, #tpu.memory_space<hbm>>
        %dma_wait3A_978 = tpu.memref_slice %arg9[%dma_wait3A_969] : memref<4x!tpu.dma_semaphore, #tpu.memory_space<semaphore_mem>> -> memref<1x!tpu.dma_semaphore, #tpu.memory_space<semaphore_mem>>
        %dma_wait3A_979 = tpu.memref_squeeze %dma_wait3A_978 : memref<1x!tpu.dma_semaphore, #tpu.memory_space<semaphore_mem>> -> memref<!tpu.dma_semaphore, #tpu.memory_space<semaphore_mem>>
        %dma_wait3A_980 = arith.constant 0 : i32
        %dma_wait3A_981 = arith.constant 0 : i32
        %dma_wait3A_982 = tpu.memref_slice %arg4[%dma_wait3A_966, %dma_wait3A_967, %dma_wait3A_968, %dma_wait3A_980, %dma_wait3A_981] : memref<200x4x32x8x128xf32, #tpu.memory_space<hbm>> -> memref<1x1x1x8x128xf32, #tpu.memory_space<hbm>>
        %dma_wait3A_983 = tpu.memref_squeeze %dma_wait3A_982 : memref<1x1x1x8x128xf32, #tpu.memory_space<hbm>> -> memref<8x128xf32, #tpu.memory_space<hbm>>
        %dma_wait3A_984 = arith.constant 16 : i32
        %dma_wait3A_985 = arith.constant 0 : i32
        %dma_wait3A_986 = tpu.memref_slice %arg7[%dma_wait3A_965, %dma_wait3A_984, %dma_wait3A_985] : memref<4x32x129xf32, #tpu.memory_space<vmem>> -> memref<1x8x128xf32, #tpu.memory_space<vmem>>
        %dma_wait3A_987 = tpu.memref_squeeze %dma_wait3A_986 : memref<1x8x128xf32, #tpu.memory_space<vmem>> -> memref<8x128xf32, #tpu.memory_space<vmem>>
        tpu.wait_dma2 semaphore(%dma_wait3A_979 : memref<!tpu.dma_semaphore, #tpu.memory_space<semaphore_mem>>) src(%dma_wait3A_987 : memref<8x128xf32, #tpu.memory_space<vmem>>) dst(%dma_wait3A_983 : memref<8x128xf32, #tpu.memory_space<hbm>>)
        %dma_wait3A_988 = arith.constant 3 : i32
        %dma_wait3A_989 = arith.constant 0 : i32
        %dma_wait3A_990 = arith.constant 0 : i32
        %dma_wait3A_991 = arith.constant 0 : i32
        %dma_wait3A_992 = arith.constant 3 : i32
        %dma_wait3A_993 = arith.constant 24 : i32
        %dma_wait3A_994 = arith.constant 0 : i32
        %dma_wait3A_995 = tpu.memref_slice %arg7[%dma_wait3A_988, %dma_wait3A_993, %dma_wait3A_994] : memref<4x32x129xf32, #tpu.memory_space<vmem>> -> memref<1x8x128xf32, #tpu.memory_space<vmem>>
        %dma_wait3A_996 = tpu.memref_squeeze %dma_wait3A_995 : memref<1x8x128xf32, #tpu.memory_space<vmem>> -> memref<8x128xf32, #tpu.memory_space<vmem>>
        %dma_wait3A_997 = arith.constant 0 : i32
        %dma_wait3A_998 = arith.constant 0 : i32
        %dma_wait3A_999 = tpu.memref_slice %arg4[%dma_wait3A_989, %dma_wait3A_990, %dma_wait3A_991, %dma_wait3A_997, %dma_wait3A_998] : memref<200x4x32x8x128xf32, #tpu.memory_space<hbm>> -> memref<1x1x1x8x128xf32, #tpu.memory_space<hbm>>
        %dma_wait3A_1000 = tpu.memref_squeeze %dma_wait3A_999 : memref<1x1x1x8x128xf32, #tpu.memory_space<hbm>> -> memref<8x128xf32, #tpu.memory_space<hbm>>
        %dma_wait3A_1001 = tpu.memref_slice %arg9[%dma_wait3A_992] : memref<4x!tpu.dma_semaphore, #tpu.memory_space<semaphore_mem>> -> memref<1x!tpu.dma_semaphore, #tpu.memory_space<semaphore_mem>>
        %dma_wait3A_1002 = tpu.memref_squeeze %dma_wait3A_1001 : memref<1x!tpu.dma_semaphore, #tpu.memory_space<semaphore_mem>> -> memref<!tpu.dma_semaphore, #tpu.memory_space<semaphore_mem>>
        %dma_wait3A_1003 = arith.constant 0 : i32
        %dma_wait3A_1004 = arith.constant 0 : i32
        %dma_wait3A_1005 = tpu.memref_slice %arg4[%dma_wait3A_989, %dma_wait3A_990, %dma_wait3A_991, %dma_wait3A_1003, %dma_wait3A_1004] : memref<200x4x32x8x128xf32, #tpu.memory_space<hbm>> -> memref<1x1x1x8x128xf32, #tpu.memory_space<hbm>>
        %dma_wait3A_1006 = tpu.memref_squeeze %dma_wait3A_1005 : memref<1x1x1x8x128xf32, #tpu.memory_space<hbm>> -> memref<8x128xf32, #tpu.memory_space<hbm>>
        %dma_wait3A_1007 = arith.constant 24 : i32
        %dma_wait3A_1008 = arith.constant 0 : i32
        %dma_wait3A_1009 = tpu.memref_slice %arg7[%dma_wait3A_988, %dma_wait3A_1007, %dma_wait3A_1008] : memref<4x32x129xf32, #tpu.memory_space<vmem>> -> memref<1x8x128xf32, #tpu.memory_space<vmem>>
        %dma_wait3A_1010 = tpu.memref_squeeze %dma_wait3A_1009 : memref<1x8x128xf32, #tpu.memory_space<vmem>> -> memref<8x128xf32, #tpu.memory_space<vmem>>
        tpu.wait_dma2 semaphore(%dma_wait3A_1002 : memref<!tpu.dma_semaphore, #tpu.memory_space<semaphore_mem>>) src(%dma_wait3A_1010 : memref<8x128xf32, #tpu.memory_space<vmem>>) dst(%dma_wait3A_1006 : memref<8x128xf32, #tpu.memory_space<hbm>>)
      } else {
      }
      %scan3A_824 = arith.constant 0 : i32
      %scan3A_825 = arith.constant 0 : i32
      %scan3A_826 = arith.constant 8 : i32
      %scan3A_827 = arith.addi %scan3A_825, %scan3A_826 : i32
      %scan3A_828 = arith.constant 1 : i32
      scf.for %scan3A_919 = %scan3A_825 to %scan3A_827 step %scan3A_828  : i32 {
        %mul3A_920 = arith.constant 16 : i32
        %mul3A_921 = arith.muli %scan3A_919, %mul3A_920 : i32
        %broadcast_in_dim3A = vector.broadcast %mul3A_921 : i32 to vector<16xi32>
        %add3A_922 = arith.constant 0 : i32
        %add3A_923 = arith.addi %mul3A_921, %add3A_922 : i32
        %add3A_924 = arith.constant 0 : i32
        %add3A_925 = vector.broadcast %add3A_924 : i32 to vector<16xi32>
        %add3A_926 = arith.addi %broadcast_in_dim3A, %add3A_925 : vector<16xi32>
        %get3A = arith.constant 3 : i32
        %get3A_927 = arith.index_cast %get3A : i32 to index
        %get3A_928 = arith.index_cast %add3A_923 : i32 to index
        %get3A_929 = arith.constant 0 : index
        %get3A_930 = tpu.vector_load %arg6[%get3A_927, %get3A_928, %get3A_929] {strides = array<i32>} : memref<4x128x32xf32, #tpu.memory_space<vmem>>, vector<16xf32>,
        %get3A_931 = arith.constant 3 : i32
        %get3A_932 = arith.index_cast %get3A_931 : i32 to index
        %get3A_933 = arith.index_cast %add3A_923 : i32 to index
        %get3A_934 = arith.constant 16 : index
        %get3A_935 = tpu.vector_load %arg6[%get3A_932, %get3A_933, %get3A_934] {strides = array<i32>} : memref<4x128x32xf32, #tpu.memory_space<vmem>>, vector<16xf32>,
        %scatter3A = arith.constant 3 : i32
        %scatter3A_936 = arith.constant 0 : i32
        %scatter3A_937 = arith.constant 0 : i32
        %scatter3A_938 = tpu.memref_slice %arg7[%scatter3A, %scatter3A_936, %scatter3A_937] : memref<4x32x129xf32, #tpu.memory_space<vmem>> -> memref<1x32x129xf32, #tpu.memory_space<vmem>>
        %scatter3A_939 = tpu.memref_squeeze %scatter3A_938 : memref<1x32x129xf32, #tpu.memory_space<vmem>> -> memref<32x129xf32, #tpu.memory_space<vmem>>
        tpu.vector_store_idx %scatter3A_939[%iota3A, %add3A_926], %get3A_930 : memref<32x129xf32, #tpu.memory_space<vmem>>[vector<16xi32>, vector<16xi32>], vector<16xf32>,
        %scatter3A_940 = arith.constant 3 : i32
        %scatter3A_941 = arith.constant 0 : i32
        %scatter3A_942 = arith.constant 0 : i32
        %scatter3A_943 = tpu.memref_slice %arg7[%scatter3A_940, %scatter3A_941, %scatter3A_942] : memref<4x32x129xf32, #tpu.memory_space<vmem>> -> memref<1x32x129xf32, #tpu.memory_space<vmem>>
        %scatter3A_944 = tpu.memref_squeeze %scatter3A_943 : memref<1x32x129xf32, #tpu.memory_space<vmem>> -> memref<32x129xf32, #tpu.memory_space<vmem>>
        tpu.vector_store_idx %scatter3A_944[%add3A_5, %add3A_926], %get3A_935 : memref<32x129xf32, #tpu.memory_space<vmem>>[vector<16xi32>, vector<16xi32>], vector<16xf32>,
        %add3A_945 = arith.constant 1 : i32
        %add3A_946 = arith.addi %mul3A_921, %add3A_945 : i32
        %add3A_947 = arith.constant 1 : i32
        %add3A_948 = vector.broadcast %add3A_947 : i32 to vector<16xi32>
        %add3A_949 = arith.addi %broadcast_in_dim3A, %add3A_948 : vector<16xi32>
        %get3A_950 = arith.constant 3 : i32
        %get3A_951 = arith.index_cast %get3A_950 : i32 to index
        %get3A_952 = arith.index_cast %add3A_946 : i32 to index
        %get3A_953 = arith.constant 0 : index
        %get3A_954 = tpu.vector_load %arg6[%get3A_951, %get3A_952, %get3A_953] {strides = array<i32>} : memref<4x128x32xf32, #tpu.memory_space<vmem>>, vector<16xf32>,
        %get3A_955 = arith.constant 3 : i32
        %get3A_956 = arith.index_cast %get3A_955 : i32 to index
        %get3A_957 = arith.index_cast %add3A_946 : i32 to index
        %get3A_958 = arith.constant 16 : index
        %get3A_959 = tpu.vector_load %arg6[%get3A_956, %get3A_957, %get3A_958] {strides = array<i32>} : memref<4x128x32xf32, #tpu.memory_space<vmem>>, vector<16xf32>,
        %scatter3A_960 = arith.constant 3 : i32
        %scatter3A_961 = arith.constant 0 : i32
        %scatter3A_962 = arith.constant 0 : i32
        %scatter3A_963 = tpu.memref_slice %arg7[%scatter3A_960, %scatter3A_961, %scatter3A_962] : memref<4x32x129xf32, #tpu.memory_space<vmem>> -> memref<1x32x129xf32, #tpu.memory_space<vmem>>
        %scatter3A_964 = tpu.memref_squeeze %scatter3A_963 : memref<1x32x129xf32, #tpu.memory_space<vmem>> -> memref<32x129xf32, #tpu.memory_space<vmem>>
        tpu.vector_store_idx %scatter3A_964[%iota3A, %add3A_949], %get3A_954 : memref<32x129xf32, #tpu.memory_space<vmem>>[vector<16xi32>, vector<16xi32>], vector<16xf32>,
        %scatter3A_965 = arith.constant 3 : i32
        %scatter3A_966 = arith.constant 0 : i32
        %scatter3A_967 = arith.constant 0 : i32
        %scatter3A_968 = tpu.memref_slice %arg7[%scatter3A_965, %scatter3A_966, %scatter3A_967] : memref<4x32x129xf32, #tpu.memory_space<vmem>> -> memref<1x32x129xf32, #tpu.memory_space<vmem>>
        %scatter3A_969 = tpu.memref_squeeze %scatter3A_968 : memref<1x32x129xf32, #tpu.memory_space<vmem>> -> memref<32x129xf32, #tpu.memory_space<vmem>>
        tpu.vector_store_idx %scatter3A_969[%add3A_5, %add3A_949], %get3A_959 : memref<32x129xf32, #tpu.memory_space<vmem>>[vector<16xi32>, vector<16xi32>], vector<16xf32>,
        %add3A_970 = arith.constant 2 : i32
        %add3A_971 = arith.addi %mul3A_921, %add3A_970 : i32
        %add3A_972 = arith.constant 2 : i32
        %add3A_973 = vector.broadcast %add3A_972 : i32 to vector<16xi32>
        %add3A_974 = arith.addi %broadcast_in_dim3A, %add3A_973 : vector<16xi32>
        %get3A_975 = arith.constant 3 : i32
        %get3A_976 = arith.index_cast %get3A_975 : i32 to index
        %get3A_977 = arith.index_cast %add3A_971 : i32 to index
        %get3A_978 = arith.constant 0 : index
        %get3A_979 = tpu.vector_load %arg6[%get3A_976, %get3A_977, %get3A_978] {strides = array<i32>} : memref<4x128x32xf32, #tpu.memory_space<vmem>>, vector<16xf32>,
        %get3A_980 = arith.constant 3 : i32
        %get3A_981 = arith.index_cast %get3A_980 : i32 to index
        %get3A_982 = arith.index_cast %add3A_971 : i32 to index
        %get3A_983 = arith.constant 16 : index
        %get3A_984 = tpu.vector_load %arg6[%get3A_981, %get3A_982, %get3A_983] {strides = array<i32>} : memref<4x128x32xf32, #tpu.memory_space<vmem>>, vector<16xf32>,
        %scatter3A_985 = arith.constant 3 : i32
        %scatter3A_986 = arith.constant 0 : i32
        %scatter3A_987 = arith.constant 0 : i32
        %scatter3A_988 = tpu.memref_slice %arg7[%scatter3A_985, %scatter3A_986, %scatter3A_987] : memref<4x32x129xf32, #tpu.memory_space<vmem>> -> memref<1x32x129xf32, #tpu.memory_space<vmem>>
        %scatter3A_989 = tpu.memref_squeeze %scatter3A_988 : memref<1x32x129xf32, #tpu.memory_space<vmem>> -> memref<32x129xf32, #tpu.memory_space<vmem>>
        tpu.vector_store_idx %scatter3A_989[%iota3A, %add3A_974], %get3A_979 : memref<32x129xf32, #tpu.memory_space<vmem>>[vector<16xi32>, vector<16xi32>], vector<16xf32>,
        %scatter3A_990 = arith.constant 3 : i32
        %scatter3A_991 = arith.constant 0 : i32
        %scatter3A_992 = arith.constant 0 : i32
        %scatter3A_993 = tpu.memref_slice %arg7[%scatter3A_990, %scatter3A_991, %scatter3A_992] : memref<4x32x129xf32, #tpu.memory_space<vmem>> -> memref<1x32x129xf32, #tpu.memory_space<vmem>>
        %scatter3A_994 = tpu.memref_squeeze %scatter3A_993 : memref<1x32x129xf32, #tpu.memory_space<vmem>> -> memref<32x129xf32, #tpu.memory_space<vmem>>
        tpu.vector_store_idx %scatter3A_994[%add3A_5, %add3A_974], %get3A_984 : memref<32x129xf32, #tpu.memory_space<vmem>>[vector<16xi32>, vector<16xi32>], vector<16xf32>,
        %add3A_995 = arith.constant 3 : i32
        %add3A_996 = arith.addi %mul3A_921, %add3A_995 : i32
        %add3A_997 = arith.constant 3 : i32
        %add3A_998 = vector.broadcast %add3A_997 : i32 to vector<16xi32>
        %add3A_999 = arith.addi %broadcast_in_dim3A, %add3A_998 : vector<16xi32>
        %get3A_1000 = arith.constant 3 : i32
        %get3A_1001 = arith.index_cast %get3A_1000 : i32 to index
        %get3A_1002 = arith.index_cast %add3A_996 : i32 to index
        %get3A_1003 = arith.constant 0 : index
        %get3A_1004 = tpu.vector_load %arg6[%get3A_1001, %get3A_1002, %get3A_1003] {strides = array<i32>} : memref<4x128x32xf32, #tpu.memory_space<vmem>>, vector<16xf32>,
        %get3A_1005 = arith.constant 3 : i32
        %get3A_1006 = arith.index_cast %get3A_1005 : i32 to index
        %get3A_1007 = arith.index_cast %add3A_996 : i32 to index
        %get3A_1008 = arith.constant 16 : index
        %get3A_1009 = tpu.vector_load %arg6[%get3A_1006, %get3A_1007, %get3A_1008] {strides = array<i32>} : memref<4x128x32xf32, #tpu.memory_space<vmem>>, vector<16xf32>,
        %scatter3A_1010 = arith.constant 3 : i32
        %scatter3A_1011 = arith.constant 0 : i32
        %scatter3A_1012 = arith.constant 0 : i32
        %scatter3A_1013 = tpu.memref_slice %arg7[%scatter3A_1010, %scatter3A_1011, %scatter3A_1012] : memref<4x32x129xf32, #tpu.memory_space<vmem>> -> memref<1x32x129xf32, #tpu.memory_space<vmem>>
        %scatter3A_1014 = tpu.memref_squeeze %scatter3A_1013 : memref<1x32x129xf32, #tpu.memory_space<vmem>> -> memref<32x129xf32, #tpu.memory_space<vmem>>
        tpu.vector_store_idx %scatter3A_1014[%iota3A, %add3A_999], %get3A_1004 : memref<32x129xf32, #tpu.memory_space<vmem>>[vector<16xi32>, vector<16xi32>], vector<16xf32>,
        %scatter3A_1015 = arith.constant 3 : i32
        %scatter3A_1016 = arith.constant 0 : i32
        %scatter3A_1017 = arith.constant 0 : i32
        %scatter3A_1018 = tpu.memref_slice %arg7[%scatter3A_1015, %scatter3A_1016, %scatter3A_1017] : memref<4x32x129xf32, #tpu.memory_space<vmem>> -> memref<1x32x129xf32, #tpu.memory_space<vmem>>
        %scatter3A_1019 = tpu.memref_squeeze %scatter3A_1018 : memref<1x32x129xf32, #tpu.memory_space<vmem>> -> memref<32x129xf32, #tpu.memory_space<vmem>>
        tpu.vector_store_idx %scatter3A_1019[%add3A_5, %add3A_999], %get3A_1009 : memref<32x129xf32, #tpu.memory_space<vmem>>[vector<16xi32>, vector<16xi32>], vector<16xf32>,
        %add3A_1020 = arith.constant 4 : i32
        %add3A_1021 = arith.addi %mul3A_921, %add3A_1020 : i32
        %add3A_1022 = arith.constant 4 : i32
        %add3A_1023 = vector.broadcast %add3A_1022 : i32 to vector<16xi32>
        %add3A_1024 = arith.addi %broadcast_in_dim3A, %add3A_1023 : vector<16xi32>
        %get3A_1025 = arith.constant 3 : i32
        %get3A_1026 = arith.index_cast %get3A_1025 : i32 to index
        %get3A_1027 = arith.index_cast %add3A_1021 : i32 to index
        %get3A_1028 = arith.constant 0 : index
        %get3A_1029 = tpu.vector_load %arg6[%get3A_1026, %get3A_1027, %get3A_1028] {strides = array<i32>} : memref<4x128x32xf32, #tpu.memory_space<vmem>>, vector<16xf32>,
        %get3A_1030 = arith.constant 3 : i32
        %get3A_1031 = arith.index_cast %get3A_1030 : i32 to index
        %get3A_1032 = arith.index_cast %add3A_1021 : i32 to index
        %get3A_1033 = arith.constant 16 : index
        %get3A_1034 = tpu.vector_load %arg6[%get3A_1031, %get3A_1032, %get3A_1033] {strides = array<i32>} : memref<4x128x32xf32, #tpu.memory_space<vmem>>, vector<16xf32>,
        %scatter3A_1035 = arith.constant 3 : i32
        %scatter3A_1036 = arith.constant 0 : i32
        %scatter3A_1037 = arith.constant 0 : i32
        %scatter3A_1038 = tpu.memref_slice %arg7[%scatter3A_1035, %scatter3A_1036, %scatter3A_1037] : memref<4x32x129xf32, #tpu.memory_space<vmem>> -> memref<1x32x129xf32, #tpu.memory_space<vmem>>
        %scatter3A_1039 = tpu.memref_squeeze %scatter3A_1038 : memref<1x32x129xf32, #tpu.memory_space<vmem>> -> memref<32x129xf32, #tpu.memory_space<vmem>>
        tpu.vector_store_idx %scatter3A_1039[%iota3A, %add3A_1024], %get3A_1029 : memref<32x129xf32, #tpu.memory_space<vmem>>[vector<16xi32>, vector<16xi32>], vector<16xf32>,
        %scatter3A_1040 = arith.constant 3 : i32
        %scatter3A_1041 = arith.constant 0 : i32
        %scatter3A_1042 = arith.constant 0 : i32
        %scatter3A_1043 = tpu.memref_slice %arg7[%scatter3A_1040, %scatter3A_1041, %scatter3A_1042] : memref<4x32x129xf32, #tpu.memory_space<vmem>> -> memref<1x32x129xf32, #tpu.memory_space<vmem>>
        %scatter3A_1044 = tpu.memref_squeeze %scatter3A_1043 : memref<1x32x129xf32, #tpu.memory_space<vmem>> -> memref<32x129xf32, #tpu.memory_space<vmem>>
        tpu.vector_store_idx %scatter3A_1044[%add3A_5, %add3A_1024], %get3A_1034 : memref<32x129xf32, #tpu.memory_space<vmem>>[vector<16xi32>, vector<16xi32>], vector<16xf32>,
        %add3A_1045 = arith.constant 5 : i32
        %add3A_1046 = arith.addi %mul3A_921, %add3A_1045 : i32
        %add3A_1047 = arith.constant 5 : i32
        %add3A_1048 = vector.broadcast %add3A_1047 : i32 to vector<16xi32>
        %add3A_1049 = arith.addi %broadcast_in_dim3A, %add3A_1048 : vector<16xi32>
        %get3A_1050 = arith.constant 3 : i32
        %get3A_1051 = arith.index_cast %get3A_1050 : i32 to index
        %get3A_1052 = arith.index_cast %add3A_1046 : i32 to index
        %get3A_1053 = arith.constant 0 : index
        %get3A_1054 = tpu.vector_load %arg6[%get3A_1051, %get3A_1052, %get3A_1053] {strides = array<i32>} : memref<4x128x32xf32, #tpu.memory_space<vmem>>, vector<16xf32>,
        %get3A_1055 = arith.constant 3 : i32
        %get3A_1056 = arith.index_cast %get3A_1055 : i32 to index
        %get3A_1057 = arith.index_cast %add3A_1046 : i32 to index
        %get3A_1058 = arith.constant 16 : index
        %get3A_1059 = tpu.vector_load %arg6[%get3A_1056, %get3A_1057, %get3A_1058] {strides = array<i32>} : memref<4x128x32xf32, #tpu.memory_space<vmem>>, vector<16xf32>,
        %scatter3A_1060 = arith.constant 3 : i32
        %scatter3A_1061 = arith.constant 0 : i32
        %scatter3A_1062 = arith.constant 0 : i32
        %scatter3A_1063 = tpu.memref_slice %arg7[%scatter3A_1060, %scatter3A_1061, %scatter3A_1062] : memref<4x32x129xf32, #tpu.memory_space<vmem>> -> memref<1x32x129xf32, #tpu.memory_space<vmem>>
        %scatter3A_1064 = tpu.memref_squeeze %scatter3A_1063 : memref<1x32x129xf32, #tpu.memory_space<vmem>> -> memref<32x129xf32, #tpu.memory_space<vmem>>
        tpu.vector_store_idx %scatter3A_1064[%iota3A, %add3A_1049], %get3A_1054 : memref<32x129xf32, #tpu.memory_space<vmem>>[vector<16xi32>, vector<16xi32>], vector<16xf32>,
        %scatter3A_1065 = arith.constant 3 : i32
        %scatter3A_1066 = arith.constant 0 : i32
        %scatter3A_1067 = arith.constant 0 : i32
        %scatter3A_1068 = tpu.memref_slice %arg7[%scatter3A_1065, %scatter3A_1066, %scatter3A_1067] : memref<4x32x129xf32, #tpu.memory_space<vmem>> -> memref<1x32x129xf32, #tpu.memory_space<vmem>>
        %scatter3A_1069 = tpu.memref_squeeze %scatter3A_1068 : memref<1x32x129xf32, #tpu.memory_space<vmem>> -> memref<32x129xf32, #tpu.memory_space<vmem>>
        tpu.vector_store_idx %scatter3A_1069[%add3A_5, %add3A_1049], %get3A_1059 : memref<32x129xf32, #tpu.memory_space<vmem>>[vector<16xi32>, vector<16xi32>], vector<16xf32>,
        %add3A_1070 = arith.constant 6 : i32
        %add3A_1071 = arith.addi %mul3A_921, %add3A_1070 : i32
        %add3A_1072 = arith.constant 6 : i32
        %add3A_1073 = vector.broadcast %add3A_1072 : i32 to vector<16xi32>
        %add3A_1074 = arith.addi %broadcast_in_dim3A, %add3A_1073 : vector<16xi32>
        %get3A_1075 = arith.constant 3 : i32
        %get3A_1076 = arith.index_cast %get3A_1075 : i32 to index
        %get3A_1077 = arith.index_cast %add3A_1071 : i32 to index
        %get3A_1078 = arith.constant 0 : index
        %get3A_1079 = tpu.vector_load %arg6[%get3A_1076, %get3A_1077, %get3A_1078] {strides = array<i32>} : memref<4x128x32xf32, #tpu.memory_space<vmem>>, vector<16xf32>,
        %get3A_1080 = arith.constant 3 : i32
        %get3A_1081 = arith.index_cast %get3A_1080 : i32 to index
        %get3A_1082 = arith.index_cast %add3A_1071 : i32 to index
        %get3A_1083 = arith.constant 16 : index
        %get3A_1084 = tpu.vector_load %arg6[%get3A_1081, %get3A_1082, %get3A_1083] {strides = array<i32>} : memref<4x128x32xf32, #tpu.memory_space<vmem>>, vector<16xf32>,
        %scatter3A_1085 = arith.constant 3 : i32
        %scatter3A_1086 = arith.constant 0 : i32
        %scatter3A_1087 = arith.constant 0 : i32
        %scatter3A_1088 = tpu.memref_slice %arg7[%scatter3A_1085, %scatter3A_1086, %scatter3A_1087] : memref<4x32x129xf32, #tpu.memory_space<vmem>> -> memref<1x32x129xf32, #tpu.memory_space<vmem>>
        %scatter3A_1089 = tpu.memref_squeeze %scatter3A_1088 : memref<1x32x129xf32, #tpu.memory_space<vmem>> -> memref<32x129xf32, #tpu.memory_space<vmem>>
        tpu.vector_store_idx %scatter3A_1089[%iota3A, %add3A_1074], %get3A_1079 : memref<32x129xf32, #tpu.memory_space<vmem>>[vector<16xi32>, vector<16xi32>], vector<16xf32>,
        %scatter3A_1090 = arith.constant 3 : i32
        %scatter3A_1091 = arith.constant 0 : i32
        %scatter3A_1092 = arith.constant 0 : i32
        %scatter3A_1093 = tpu.memref_slice %arg7[%scatter3A_1090, %scatter3A_1091, %scatter3A_1092] : memref<4x32x129xf32, #tpu.memory_space<vmem>> -> memref<1x32x129xf32, #tpu.memory_space<vmem>>
        %scatter3A_1094 = tpu.memref_squeeze %scatter3A_1093 : memref<1x32x129xf32, #tpu.memory_space<vmem>> -> memref<32x129xf32, #tpu.memory_space<vmem>>
        tpu.vector_store_idx %scatter3A_1094[%add3A_5, %add3A_1074], %get3A_1084 : memref<32x129xf32, #tpu.memory_space<vmem>>[vector<16xi32>, vector<16xi32>], vector<16xf32>,
        %add3A_1095 = arith.constant 7 : i32
        %add3A_1096 = arith.addi %mul3A_921, %add3A_1095 : i32
        %add3A_1097 = arith.constant 7 : i32
        %add3A_1098 = vector.broadcast %add3A_1097 : i32 to vector<16xi32>
        %add3A_1099 = arith.addi %broadcast_in_dim3A, %add3A_1098 : vector<16xi32>
        %get3A_1100 = arith.constant 3 : i32
        %get3A_1101 = arith.index_cast %get3A_1100 : i32 to index
        %get3A_1102 = arith.index_cast %add3A_1096 : i32 to index
        %get3A_1103 = arith.constant 0 : index
        %get3A_1104 = tpu.vector_load %arg6[%get3A_1101, %get3A_1102, %get3A_1103] {strides = array<i32>} : memref<4x128x32xf32, #tpu.memory_space<vmem>>, vector<16xf32>,
        %get3A_1105 = arith.constant 3 : i32
        %get3A_1106 = arith.index_cast %get3A_1105 : i32 to index
        %get3A_1107 = arith.index_cast %add3A_1096 : i32 to index
        %get3A_1108 = arith.constant 16 : index
        %get3A_1109 = tpu.vector_load %arg6[%get3A_1106, %get3A_1107, %get3A_1108] {strides = array<i32>} : memref<4x128x32xf32, #tpu.memory_space<vmem>>, vector<16xf32>,
        %scatter3A_1110 = arith.constant 3 : i32
        %scatter3A_1111 = arith.constant 0 : i32
        %scatter3A_1112 = arith.constant 0 : i32
        %scatter3A_1113 = tpu.memref_slice %arg7[%scatter3A_1110, %scatter3A_1111, %scatter3A_1112] : memref<4x32x129xf32, #tpu.memory_space<vmem>> -> memref<1x32x129xf32, #tpu.memory_space<vmem>>
        %scatter3A_1114 = tpu.memref_squeeze %scatter3A_1113 : memref<1x32x129xf32, #tpu.memory_space<vmem>> -> memref<32x129xf32, #tpu.memory_space<vmem>>
        tpu.vector_store_idx %scatter3A_1114[%iota3A, %add3A_1099], %get3A_1104 : memref<32x129xf32, #tpu.memory_space<vmem>>[vector<16xi32>, vector<16xi32>], vector<16xf32>,
        %scatter3A_1115 = arith.constant 3 : i32
        %scatter3A_1116 = arith.constant 0 : i32
        %scatter3A_1117 = arith.constant 0 : i32
        %scatter3A_1118 = tpu.memref_slice %arg7[%scatter3A_1115, %scatter3A_1116, %scatter3A_1117] : memref<4x32x129xf32, #tpu.memory_space<vmem>> -> memref<1x32x129xf32, #tpu.memory_space<vmem>>
        %scatter3A_1119 = tpu.memref_squeeze %scatter3A_1118 : memref<1x32x129xf32, #tpu.memory_space<vmem>> -> memref<32x129xf32, #tpu.memory_space<vmem>>
        tpu.vector_store_idx %scatter3A_1119[%add3A_5, %add3A_1099], %get3A_1109 : memref<32x129xf32, #tpu.memory_space<vmem>>[vector<16xi32>, vector<16xi32>], vector<16xf32>,
        %add3A_1120 = arith.constant 8 : i32
        %add3A_1121 = arith.addi %mul3A_921, %add3A_1120 : i32
        %add3A_1122 = arith.constant 8 : i32
        %add3A_1123 = vector.broadcast %add3A_1122 : i32 to vector<16xi32>
        %add3A_1124 = arith.addi %broadcast_in_dim3A, %add3A_1123 : vector<16xi32>
        %get3A_1125 = arith.constant 3 : i32
        %get3A_1126 = arith.index_cast %get3A_1125 : i32 to index
        %get3A_1127 = arith.index_cast %add3A_1121 : i32 to index
        %get3A_1128 = arith.constant 0 : index
        %get3A_1129 = tpu.vector_load %arg6[%get3A_1126, %get3A_1127, %get3A_1128] {strides = array<i32>} : memref<4x128x32xf32, #tpu.memory_space<vmem>>, vector<16xf32>,
        %get3A_1130 = arith.constant 3 : i32
        %get3A_1131 = arith.index_cast %get3A_1130 : i32 to index
        %get3A_1132 = arith.index_cast %add3A_1121 : i32 to index
        %get3A_1133 = arith.constant 16 : index
        %get3A_1134 = tpu.vector_load %arg6[%get3A_1131, %get3A_1132, %get3A_1133] {strides = array<i32>} : memref<4x128x32xf32, #tpu.memory_space<vmem>>, vector<16xf32>,
        %scatter3A_1135 = arith.constant 3 : i32
        %scatter3A_1136 = arith.constant 0 : i32
        %scatter3A_1137 = arith.constant 0 : i32
        %scatter3A_1138 = tpu.memref_slice %arg7[%scatter3A_1135, %scatter3A_1136, %scatter3A_1137] : memref<4x32x129xf32, #tpu.memory_space<vmem>> -> memref<1x32x129xf32, #tpu.memory_space<vmem>>
        %scatter3A_1139 = tpu.memref_squeeze %scatter3A_1138 : memref<1x32x129xf32, #tpu.memory_space<vmem>> -> memref<32x129xf32, #tpu.memory_space<vmem>>
        tpu.vector_store_idx %scatter3A_1139[%iota3A, %add3A_1124], %get3A_1129 : memref<32x129xf32, #tpu.memory_space<vmem>>[vector<16xi32>, vector<16xi32>], vector<16xf32>,
        %scatter3A_1140 = arith.constant 3 : i32
        %scatter3A_1141 = arith.constant 0 : i32
        %scatter3A_1142 = arith.constant 0 : i32
        %scatter3A_1143 = tpu.memref_slice %arg7[%scatter3A_1140, %scatter3A_1141, %scatter3A_1142] : memref<4x32x129xf32, #tpu.memory_space<vmem>> -> memref<1x32x129xf32, #tpu.memory_space<vmem>>
        %scatter3A_1144 = tpu.memref_squeeze %scatter3A_1143 : memref<1x32x129xf32, #tpu.memory_space<vmem>> -> memref<32x129xf32, #tpu.memory_space<vmem>>
        tpu.vector_store_idx %scatter3A_1144[%add3A_5, %add3A_1124], %get3A_1134 : memref<32x129xf32, #tpu.memory_space<vmem>>[vector<16xi32>, vector<16xi32>], vector<16xf32>,
        %add3A_1145 = arith.constant 9 : i32
        %add3A_1146 = arith.addi %mul3A_921, %add3A_1145 : i32
        %add3A_1147 = arith.constant 9 : i32
        %add3A_1148 = vector.broadcast %add3A_1147 : i32 to vector<16xi32>
        %add3A_1149 = arith.addi %broadcast_in_dim3A, %add3A_1148 : vector<16xi32>
        %get3A_1150 = arith.constant 3 : i32
        %get3A_1151 = arith.index_cast %get3A_1150 : i32 to index
        %get3A_1152 = arith.index_cast %add3A_1146 : i32 to index
        %get3A_1153 = arith.constant 0 : index
        %get3A_1154 = tpu.vector_load %arg6[%get3A_1151, %get3A_1152, %get3A_1153] {strides = array<i32>} : memref<4x128x32xf32, #tpu.memory_space<vmem>>, vector<16xf32>,
        %get3A_1155 = arith.constant 3 : i32
        %get3A_1156 = arith.index_cast %get3A_1155 : i32 to index
        %get3A_1157 = arith.index_cast %add3A_1146 : i32 to index
        %get3A_1158 = arith.constant 16 : index
        %get3A_1159 = tpu.vector_load %arg6[%get3A_1156, %get3A_1157, %get3A_1158] {strides = array<i32>} : memref<4x128x32xf32, #tpu.memory_space<vmem>>, vector<16xf32>,
        %scatter3A_1160 = arith.constant 3 : i32
        %scatter3A_1161 = arith.constant 0 : i32
        %scatter3A_1162 = arith.constant 0 : i32
        %scatter3A_1163 = tpu.memref_slice %arg7[%scatter3A_1160, %scatter3A_1161, %scatter3A_1162] : memref<4x32x129xf32, #tpu.memory_space<vmem>> -> memref<1x32x129xf32, #tpu.memory_space<vmem>>
        %scatter3A_1164 = tpu.memref_squeeze %scatter3A_1163 : memref<1x32x129xf32, #tpu.memory_space<vmem>> -> memref<32x129xf32, #tpu.memory_space<vmem>>
        tpu.vector_store_idx %scatter3A_1164[%iota3A, %add3A_1149], %get3A_1154 : memref<32x129xf32, #tpu.memory_space<vmem>>[vector<16xi32>, vector<16xi32>], vector<16xf32>,
        %scatter3A_1165 = arith.constant 3 : i32
        %scatter3A_1166 = arith.constant 0 : i32
        %scatter3A_1167 = arith.constant 0 : i32
        %scatter3A_1168 = tpu.memref_slice %arg7[%scatter3A_1165, %scatter3A_1166, %scatter3A_1167] : memref<4x32x129xf32, #tpu.memory_space<vmem>> -> memref<1x32x129xf32, #tpu.memory_space<vmem>>
        %scatter3A_1169 = tpu.memref_squeeze %scatter3A_1168 : memref<1x32x129xf32, #tpu.memory_space<vmem>> -> memref<32x129xf32, #tpu.memory_space<vmem>>
        tpu.vector_store_idx %scatter3A_1169[%add3A_5, %add3A_1149], %get3A_1159 : memref<32x129xf32, #tpu.memory_space<vmem>>[vector<16xi32>, vector<16xi32>], vector<16xf32>,
        %add3A_1170 = arith.constant 10 : i32
        %add3A_1171 = arith.addi %mul3A_921, %add3A_1170 : i32
        %add3A_1172 = arith.constant 10 : i32
        %add3A_1173 = vector.broadcast %add3A_1172 : i32 to vector<16xi32>
        %add3A_1174 = arith.addi %broadcast_in_dim3A, %add3A_1173 : vector<16xi32>
        %get3A_1175 = arith.constant 3 : i32
        %get3A_1176 = arith.index_cast %get3A_1175 : i32 to index
        %get3A_1177 = arith.index_cast %add3A_1171 : i32 to index
        %get3A_1178 = arith.constant 0 : index
        %get3A_1179 = tpu.vector_load %arg6[%get3A_1176, %get3A_1177, %get3A_1178] {strides = array<i32>} : memref<4x128x32xf32, #tpu.memory_space<vmem>>, vector<16xf32>,
        %get3A_1180 = arith.constant 3 : i32
        %get3A_1181 = arith.index_cast %get3A_1180 : i32 to index
        %get3A_1182 = arith.index_cast %add3A_1171 : i32 to index
        %get3A_1183 = arith.constant 16 : index
        %get3A_1184 = tpu.vector_load %arg6[%get3A_1181, %get3A_1182, %get3A_1183] {strides = array<i32>} : memref<4x128x32xf32, #tpu.memory_space<vmem>>, vector<16xf32>,
        %scatter3A_1185 = arith.constant 3 : i32
        %scatter3A_1186 = arith.constant 0 : i32
        %scatter3A_1187 = arith.constant 0 : i32
        %scatter3A_1188 = tpu.memref_slice %arg7[%scatter3A_1185, %scatter3A_1186, %scatter3A_1187] : memref<4x32x129xf32, #tpu.memory_space<vmem>> -> memref<1x32x129xf32, #tpu.memory_space<vmem>>
        %scatter3A_1189 = tpu.memref_squeeze %scatter3A_1188 : memref<1x32x129xf32, #tpu.memory_space<vmem>> -> memref<32x129xf32, #tpu.memory_space<vmem>>
        tpu.vector_store_idx %scatter3A_1189[%iota3A, %add3A_1174], %get3A_1179 : memref<32x129xf32, #tpu.memory_space<vmem>>[vector<16xi32>, vector<16xi32>], vector<16xf32>,
        %scatter3A_1190 = arith.constant 3 : i32
        %scatter3A_1191 = arith.constant 0 : i32
        %scatter3A_1192 = arith.constant 0 : i32
        %scatter3A_1193 = tpu.memref_slice %arg7[%scatter3A_1190, %scatter3A_1191, %scatter3A_1192] : memref<4x32x129xf32, #tpu.memory_space<vmem>> -> memref<1x32x129xf32, #tpu.memory_space<vmem>>
        %scatter3A_1194 = tpu.memref_squeeze %scatter3A_1193 : memref<1x32x129xf32, #tpu.memory_space<vmem>> -> memref<32x129xf32, #tpu.memory_space<vmem>>
        tpu.vector_store_idx %scatter3A_1194[%add3A_5, %add3A_1174], %get3A_1184 : memref<32x129xf32, #tpu.memory_space<vmem>>[vector<16xi32>, vector<16xi32>], vector<16xf32>,
        %add3A_1195 = arith.constant 11 : i32
        %add3A_1196 = arith.addi %mul3A_921, %add3A_1195 : i32
        %add3A_1197 = arith.constant 11 : i32
        %add3A_1198 = vector.broadcast %add3A_1197 : i32 to vector<16xi32>
        %add3A_1199 = arith.addi %broadcast_in_dim3A, %add3A_1198 : vector<16xi32>
        %get3A_1200 = arith.constant 3 : i32
        %get3A_1201 = arith.index_cast %get3A_1200 : i32 to index
        %get3A_1202 = arith.index_cast %add3A_1196 : i32 to index
        %get3A_1203 = arith.constant 0 : index
        %get3A_1204 = tpu.vector_load %arg6[%get3A_1201, %get3A_1202, %get3A_1203] {strides = array<i32>} : memref<4x128x32xf32, #tpu.memory_space<vmem>>, vector<16xf32>,
        %get3A_1205 = arith.constant 3 : i32
        %get3A_1206 = arith.index_cast %get3A_1205 : i32 to index
        %get3A_1207 = arith.index_cast %add3A_1196 : i32 to index
        %get3A_1208 = arith.constant 16 : index
        %get3A_1209 = tpu.vector_load %arg6[%get3A_1206, %get3A_1207, %get3A_1208] {strides = array<i32>} : memref<4x128x32xf32, #tpu.memory_space<vmem>>, vector<16xf32>,
        %scatter3A_1210 = arith.constant 3 : i32
        %scatter3A_1211 = arith.constant 0 : i32
        %scatter3A_1212 = arith.constant 0 : i32
        %scatter3A_1213 = tpu.memref_slice %arg7[%scatter3A_1210, %scatter3A_1211, %scatter3A_1212] : memref<4x32x129xf32, #tpu.memory_space<vmem>> -> memref<1x32x129xf32, #tpu.memory_space<vmem>>
        %scatter3A_1214 = tpu.memref_squeeze %scatter3A_1213 : memref<1x32x129xf32, #tpu.memory_space<vmem>> -> memref<32x129xf32, #tpu.memory_space<vmem>>
        tpu.vector_store_idx %scatter3A_1214[%iota3A, %add3A_1199], %get3A_1204 : memref<32x129xf32, #tpu.memory_space<vmem>>[vector<16xi32>, vector<16xi32>], vector<16xf32>,
        %scatter3A_1215 = arith.constant 3 : i32
        %scatter3A_1216 = arith.constant 0 : i32
        %scatter3A_1217 = arith.constant 0 : i32
        %scatter3A_1218 = tpu.memref_slice %arg7[%scatter3A_1215, %scatter3A_1216, %scatter3A_1217] : memref<4x32x129xf32, #tpu.memory_space<vmem>> -> memref<1x32x129xf32, #tpu.memory_space<vmem>>
        %scatter3A_1219 = tpu.memref_squeeze %scatter3A_1218 : memref<1x32x129xf32, #tpu.memory_space<vmem>> -> memref<32x129xf32, #tpu.memory_space<vmem>>
        tpu.vector_store_idx %scatter3A_1219[%add3A_5, %add3A_1199], %get3A_1209 : memref<32x129xf32, #tpu.memory_space<vmem>>[vector<16xi32>, vector<16xi32>], vector<16xf32>,
        %add3A_1220 = arith.constant 12 : i32
        %add3A_1221 = arith.addi %mul3A_921, %add3A_1220 : i32
        %add3A_1222 = arith.constant 12 : i32
        %add3A_1223 = vector.broadcast %add3A_1222 : i32 to vector<16xi32>
        %add3A_1224 = arith.addi %broadcast_in_dim3A, %add3A_1223 : vector<16xi32>
        %get3A_1225 = arith.constant 3 : i32
        %get3A_1226 = arith.index_cast %get3A_1225 : i32 to index
        %get3A_1227 = arith.index_cast %add3A_1221 : i32 to index
        %get3A_1228 = arith.constant 0 : index
        %get3A_1229 = tpu.vector_load %arg6[%get3A_1226, %get3A_1227, %get3A_1228] {strides = array<i32>} : memref<4x128x32xf32, #tpu.memory_space<vmem>>, vector<16xf32>,
        %get3A_1230 = arith.constant 3 : i32
        %get3A_1231 = arith.index_cast %get3A_1230 : i32 to index
        %get3A_1232 = arith.index_cast %add3A_1221 : i32 to index
        %get3A_1233 = arith.constant 16 : index
        %get3A_1234 = tpu.vector_load %arg6[%get3A_1231, %get3A_1232, %get3A_1233] {strides = array<i32>} : memref<4x128x32xf32, #tpu.memory_space<vmem>>, vector<16xf32>,
        %scatter3A_1235 = arith.constant 3 : i32
        %scatter3A_1236 = arith.constant 0 : i32
        %scatter3A_1237 = arith.constant 0 : i32
        %scatter3A_1238 = tpu.memref_slice %arg7[%scatter3A_1235, %scatter3A_1236, %scatter3A_1237] : memref<4x32x129xf32, #tpu.memory_space<vmem>> -> memref<1x32x129xf32, #tpu.memory_space<vmem>>
        %scatter3A_1239 = tpu.memref_squeeze %scatter3A_1238 : memref<1x32x129xf32, #tpu.memory_space<vmem>> -> memref<32x129xf32, #tpu.memory_space<vmem>>
        tpu.vector_store_idx %scatter3A_1239[%iota3A, %add3A_1224], %get3A_1229 : memref<32x129xf32, #tpu.memory_space<vmem>>[vector<16xi32>, vector<16xi32>], vector<16xf32>,
        %scatter3A_1240 = arith.constant 3 : i32
        %scatter3A_1241 = arith.constant 0 : i32
        %scatter3A_1242 = arith.constant 0 : i32
        %scatter3A_1243 = tpu.memref_slice %arg7[%scatter3A_1240, %scatter3A_1241, %scatter3A_1242] : memref<4x32x129xf32, #tpu.memory_space<vmem>> -> memref<1x32x129xf32, #tpu.memory_space<vmem>>
        %scatter3A_1244 = tpu.memref_squeeze %scatter3A_1243 : memref<1x32x129xf32, #tpu.memory_space<vmem>> -> memref<32x129xf32, #tpu.memory_space<vmem>>
        tpu.vector_store_idx %scatter3A_1244[%add3A_5, %add3A_1224], %get3A_1234 : memref<32x129xf32, #tpu.memory_space<vmem>>[vector<16xi32>, vector<16xi32>], vector<16xf32>,
        %add3A_1245 = arith.constant 13 : i32
        %add3A_1246 = arith.addi %mul3A_921, %add3A_1245 : i32
        %add3A_1247 = arith.constant 13 : i32
        %add3A_1248 = vector.broadcast %add3A_1247 : i32 to vector<16xi32>
        %add3A_1249 = arith.addi %broadcast_in_dim3A, %add3A_1248 : vector<16xi32>
        %get3A_1250 = arith.constant 3 : i32
        %get3A_1251 = arith.index_cast %get3A_1250 : i32 to index
        %get3A_1252 = arith.index_cast %add3A_1246 : i32 to index
        %get3A_1253 = arith.constant 0 : index
        %get3A_1254 = tpu.vector_load %arg6[%get3A_1251, %get3A_1252, %get3A_1253] {strides = array<i32>} : memref<4x128x32xf32, #tpu.memory_space<vmem>>, vector<16xf32>,
        %get3A_1255 = arith.constant 3 : i32
        %get3A_1256 = arith.index_cast %get3A_1255 : i32 to index
        %get3A_1257 = arith.index_cast %add3A_1246 : i32 to index
        %get3A_1258 = arith.constant 16 : index
        %get3A_1259 = tpu.vector_load %arg6[%get3A_1256, %get3A_1257, %get3A_1258] {strides = array<i32>} : memref<4x128x32xf32, #tpu.memory_space<vmem>>, vector<16xf32>,
        %scatter3A_1260 = arith.constant 3 : i32
        %scatter3A_1261 = arith.constant 0 : i32
        %scatter3A_1262 = arith.constant 0 : i32
        %scatter3A_1263 = tpu.memref_slice %arg7[%scatter3A_1260, %scatter3A_1261, %scatter3A_1262] : memref<4x32x129xf32, #tpu.memory_space<vmem>> -> memref<1x32x129xf32, #tpu.memory_space<vmem>>
        %scatter3A_1264 = tpu.memref_squeeze %scatter3A_1263 : memref<1x32x129xf32, #tpu.memory_space<vmem>> -> memref<32x129xf32, #tpu.memory_space<vmem>>
        tpu.vector_store_idx %scatter3A_1264[%iota3A, %add3A_1249], %get3A_1254 : memref<32x129xf32, #tpu.memory_space<vmem>>[vector<16xi32>, vector<16xi32>], vector<16xf32>,
        %scatter3A_1265 = arith.constant 3 : i32
        %scatter3A_1266 = arith.constant 0 : i32
        %scatter3A_1267 = arith.constant 0 : i32
        %scatter3A_1268 = tpu.memref_slice %arg7[%scatter3A_1265, %scatter3A_1266, %scatter3A_1267] : memref<4x32x129xf32, #tpu.memory_space<vmem>> -> memref<1x32x129xf32, #tpu.memory_space<vmem>>
        %scatter3A_1269 = tpu.memref_squeeze %scatter3A_1268 : memref<1x32x129xf32, #tpu.memory_space<vmem>> -> memref<32x129xf32, #tpu.memory_space<vmem>>
        tpu.vector_store_idx %scatter3A_1269[%add3A_5, %add3A_1249], %get3A_1259 : memref<32x129xf32, #tpu.memory_space<vmem>>[vector<16xi32>, vector<16xi32>], vector<16xf32>,
        %add3A_1270 = arith.constant 14 : i32
        %add3A_1271 = arith.addi %mul3A_921, %add3A_1270 : i32
        %add3A_1272 = arith.constant 14 : i32
        %add3A_1273 = vector.broadcast %add3A_1272 : i32 to vector<16xi32>
        %add3A_1274 = arith.addi %broadcast_in_dim3A, %add3A_1273 : vector<16xi32>
        %get3A_1275 = arith.constant 3 : i32
        %get3A_1276 = arith.index_cast %get3A_1275 : i32 to index
        %get3A_1277 = arith.index_cast %add3A_1271 : i32 to index
        %get3A_1278 = arith.constant 0 : index
        %get3A_1279 = tpu.vector_load %arg6[%get3A_1276, %get3A_1277, %get3A_1278] {strides = array<i32>} : memref<4x128x32xf32, #tpu.memory_space<vmem>>, vector<16xf32>,
        %get3A_1280 = arith.constant 3 : i32
        %get3A_1281 = arith.index_cast %get3A_1280 : i32 to index
        %get3A_1282 = arith.index_cast %add3A_1271 : i32 to index
        %get3A_1283 = arith.constant 16 : index
        %get3A_1284 = tpu.vector_load %arg6[%get3A_1281, %get3A_1282, %get3A_1283] {strides = array<i32>} : memref<4x128x32xf32, #tpu.memory_space<vmem>>, vector<16xf32>,
        %scatter3A_1285 = arith.constant 3 : i32
        %scatter3A_1286 = arith.constant 0 : i32
        %scatter3A_1287 = arith.constant 0 : i32
        %scatter3A_1288 = tpu.memref_slice %arg7[%scatter3A_1285, %scatter3A_1286, %scatter3A_1287] : memref<4x32x129xf32, #tpu.memory_space<vmem>> -> memref<1x32x129xf32, #tpu.memory_space<vmem>>
        %scatter3A_1289 = tpu.memref_squeeze %scatter3A_1288 : memref<1x32x129xf32, #tpu.memory_space<vmem>> -> memref<32x129xf32, #tpu.memory_space<vmem>>
        tpu.vector_store_idx %scatter3A_1289[%iota3A, %add3A_1274], %get3A_1279 : memref<32x129xf32, #tpu.memory_space<vmem>>[vector<16xi32>, vector<16xi32>], vector<16xf32>,
        %scatter3A_1290 = arith.constant 3 : i32
        %scatter3A_1291 = arith.constant 0 : i32
        %scatter3A_1292 = arith.constant 0 : i32
        %scatter3A_1293 = tpu.memref_slice %arg7[%scatter3A_1290, %scatter3A_1291, %scatter3A_1292] : memref<4x32x129xf32, #tpu.memory_space<vmem>> -> memref<1x32x129xf32, #tpu.memory_space<vmem>>
        %scatter3A_1294 = tpu.memref_squeeze %scatter3A_1293 : memref<1x32x129xf32, #tpu.memory_space<vmem>> -> memref<32x129xf32, #tpu.memory_space<vmem>>
        tpu.vector_store_idx %scatter3A_1294[%add3A_5, %add3A_1274], %get3A_1284 : memref<32x129xf32, #tpu.memory_space<vmem>>[vector<16xi32>, vector<16xi32>], vector<16xf32>,
        %add3A_1295 = arith.constant 15 : i32
        %add3A_1296 = arith.addi %mul3A_921, %add3A_1295 : i32
        %add3A_1297 = arith.constant 15 : i32
        %add3A_1298 = vector.broadcast %add3A_1297 : i32 to vector<16xi32>
        %add3A_1299 = arith.addi %broadcast_in_dim3A, %add3A_1298 : vector<16xi32>
        %get3A_1300 = arith.constant 3 : i32
        %get3A_1301 = arith.index_cast %get3A_1300 : i32 to index
        %get3A_1302 = arith.index_cast %add3A_1296 : i32 to index
        %get3A_1303 = arith.constant 0 : index
        %get3A_1304 = tpu.vector_load %arg6[%get3A_1301, %get3A_1302, %get3A_1303] {strides = array<i32>} : memref<4x128x32xf32, #tpu.memory_space<vmem>>, vector<16xf32>,
        %get3A_1305 = arith.constant 3 : i32
        %get3A_1306 = arith.index_cast %get3A_1305 : i32 to index
        %get3A_1307 = arith.index_cast %add3A_1296 : i32 to index
        %get3A_1308 = arith.constant 16 : index
        %get3A_1309 = tpu.vector_load %arg6[%get3A_1306, %get3A_1307, %get3A_1308] {strides = array<i32>} : memref<4x128x32xf32, #tpu.memory_space<vmem>>, vector<16xf32>,
        %scatter3A_1310 = arith.constant 3 : i32
        %scatter3A_1311 = arith.constant 0 : i32
        %scatter3A_1312 = arith.constant 0 : i32
        %scatter3A_1313 = tpu.memref_slice %arg7[%scatter3A_1310, %scatter3A_1311, %scatter3A_1312] : memref<4x32x129xf32, #tpu.memory_space<vmem>> -> memref<1x32x129xf32, #tpu.memory_space<vmem>>
        %scatter3A_1314 = tpu.memref_squeeze %scatter3A_1313 : memref<1x32x129xf32, #tpu.memory_space<vmem>> -> memref<32x129xf32, #tpu.memory_space<vmem>>
        tpu.vector_store_idx %scatter3A_1314[%iota3A, %add3A_1299], %get3A_1304 : memref<32x129xf32, #tpu.memory_space<vmem>>[vector<16xi32>, vector<16xi32>], vector<16xf32>,
        %scatter3A_1315 = arith.constant 3 : i32
        %scatter3A_1316 = arith.constant 0 : i32
        %scatter3A_1317 = arith.constant 0 : i32
        %scatter3A_1318 = tpu.memref_slice %arg7[%scatter3A_1315, %scatter3A_1316, %scatter3A_1317] : memref<4x32x129xf32, #tpu.memory_space<vmem>> -> memref<1x32x129xf32, #tpu.memory_space<vmem>>
        %scatter3A_1319 = tpu.memref_squeeze %scatter3A_1318 : memref<1x32x129xf32, #tpu.memory_space<vmem>> -> memref<32x129xf32, #tpu.memory_space<vmem>>
        tpu.vector_store_idx %scatter3A_1319[%add3A_5, %add3A_1299], %get3A_1309 : memref<32x129xf32, #tpu.memory_space<vmem>>[vector<16xi32>, vector<16xi32>], vector<16xf32>,
      }
      %scan3A_829 = arith.constant 8 : i32
      %dma_start3A_830 = arith.constant 3 : i32
      %dma_start3A_831 = arith.constant 0 : i32
      %dma_start3A_832 = arith.constant 3 : i32
      %dma_start3A_833 = arith.constant 0 : i32
      %dma_start3A_834 = arith.constant 0 : i32
      %dma_start3A_835 = tpu.memref_slice %arg7[%dma_start3A_830, %dma_start3A_833, %dma_start3A_834] : memref<4x32x129xf32, #tpu.memory_space<vmem>> -> memref<1x8x128xf32, #tpu.memory_space<vmem>>
      %dma_start3A_836 = tpu.memref_squeeze %dma_start3A_835 : memref<1x8x128xf32, #tpu.memory_space<vmem>> -> memref<8x128xf32, #tpu.memory_space<vmem>>
      %dma_start3A_837 = arith.constant 0 : i32
      %dma_start3A_838 = arith.constant 0 : i32
      %dma_start3A_839 = tpu.memref_slice %arg4[%add3A_800, %dma_start3A_831, %add3A, %dma_start3A_837, %dma_start3A_838] : memref<200x4x32x8x128xf32, #tpu.memory_space<hbm>> -> memref<1x1x1x8x128xf32, #tpu.memory_space<hbm>>
      %dma_start3A_840 = tpu.memref_squeeze %dma_start3A_839 : memref<1x1x1x8x128xf32, #tpu.memory_space<hbm>> -> memref<8x128xf32, #tpu.memory_space<hbm>>
      %dma_start3A_841 = tpu.memref_slice %arg9[%dma_start3A_832] : memref<4x!tpu.dma_semaphore, #tpu.memory_space<semaphore_mem>> -> memref<1x!tpu.dma_semaphore, #tpu.memory_space<semaphore_mem>>
      %dma_start3A_842 = tpu.memref_squeeze %dma_start3A_841 : memref<1x!tpu.dma_semaphore, #tpu.memory_space<semaphore_mem>> -> memref<!tpu.dma_semaphore, #tpu.memory_space<semaphore_mem>>
      %dma_start3A_843 = arith.constant 0 : i32
      %dma_start3A_844 = arith.constant 0 : i32
      %dma_start3A_845 = tpu.memref_slice %arg4[%add3A_800, %dma_start3A_831, %add3A, %dma_start3A_843, %dma_start3A_844] : memref<200x4x32x8x128xf32, #tpu.memory_space<hbm>> -> memref<1x1x1x8x128xf32, #tpu.memory_space<hbm>>
      %dma_start3A_846 = tpu.memref_squeeze %dma_start3A_845 : memref<1x1x1x8x128xf32, #tpu.memory_space<hbm>> -> memref<8x128xf32, #tpu.memory_space<hbm>>
      %dma_start3A_847 = arith.constant 0 : i32
      %dma_start3A_848 = arith.constant 0 : i32
      %dma_start3A_849 = tpu.memref_slice %arg7[%dma_start3A_830, %dma_start3A_847, %dma_start3A_848] : memref<4x32x129xf32, #tpu.memory_space<vmem>> -> memref<1x8x128xf32, #tpu.memory_space<vmem>>
      %dma_start3A_850 = tpu.memref_squeeze %dma_start3A_849 : memref<1x8x128xf32, #tpu.memory_space<vmem>> -> memref<8x128xf32, #tpu.memory_space<vmem>>
      tpu.enqueue_dma source(%dma_start3A_850 : memref<8x128xf32, #tpu.memory_space<vmem>>) target(%dma_start3A_846 : memref<8x128xf32, #tpu.memory_space<hbm>>) target_semaphore(%dma_start3A_842 : memref<!tpu.dma_semaphore, #tpu.memory_space<semaphore_mem>>)
      %dma_start3A_851 = arith.constant 3 : i32
      %dma_start3A_852 = arith.constant 1 : i32
      %dma_start3A_853 = arith.constant 3 : i32
      %dma_start3A_854 = arith.constant 8 : i32
      %dma_start3A_855 = arith.constant 0 : i32
      %dma_start3A_856 = tpu.memref_slice %arg7[%dma_start3A_851, %dma_start3A_854, %dma_start3A_855] : memref<4x32x129xf32, #tpu.memory_space<vmem>> -> memref<1x8x128xf32, #tpu.memory_space<vmem>>
      %dma_start3A_857 = tpu.memref_squeeze %dma_start3A_856 : memref<1x8x128xf32, #tpu.memory_space<vmem>> -> memref<8x128xf32, #tpu.memory_space<vmem>>
      %dma_start3A_858 = arith.constant 0 : i32
      %dma_start3A_859 = arith.constant 0 : i32
      %dma_start3A_860 = tpu.memref_slice %arg4[%add3A_800, %dma_start3A_852, %add3A, %dma_start3A_858, %dma_start3A_859] : memref<200x4x32x8x128xf32, #tpu.memory_space<hbm>> -> memref<1x1x1x8x128xf32, #tpu.memory_space<hbm>>
      %dma_start3A_861 = tpu.memref_squeeze %dma_start3A_860 : memref<1x1x1x8x128xf32, #tpu.memory_space<hbm>> -> memref<8x128xf32, #tpu.memory_space<hbm>>
      %dma_start3A_862 = tpu.memref_slice %arg9[%dma_start3A_853] : memref<4x!tpu.dma_semaphore, #tpu.memory_space<semaphore_mem>> -> memref<1x!tpu.dma_semaphore, #tpu.memory_space<semaphore_mem>>
      %dma_start3A_863 = tpu.memref_squeeze %dma_start3A_862 : memref<1x!tpu.dma_semaphore, #tpu.memory_space<semaphore_mem>> -> memref<!tpu.dma_semaphore, #tpu.memory_space<semaphore_mem>>
      %dma_start3A_864 = arith.constant 0 : i32
      %dma_start3A_865 = arith.constant 0 : i32
      %dma_start3A_866 = tpu.memref_slice %arg4[%add3A_800, %dma_start3A_852, %add3A, %dma_start3A_864, %dma_start3A_865] : memref<200x4x32x8x128xf32, #tpu.memory_space<hbm>> -> memref<1x1x1x8x128xf32, #tpu.memory_space<hbm>>
      %dma_start3A_867 = tpu.memref_squeeze %dma_start3A_866 : memref<1x1x1x8x128xf32, #tpu.memory_space<hbm>> -> memref<8x128xf32, #tpu.memory_space<hbm>>
      %dma_start3A_868 = arith.constant 8 : i32
      %dma_start3A_869 = arith.constant 0 : i32
      %dma_start3A_870 = tpu.memref_slice %arg7[%dma_start3A_851, %dma_start3A_868, %dma_start3A_869] : memref<4x32x129xf32, #tpu.memory_space<vmem>> -> memref<1x8x128xf32, #tpu.memory_space<vmem>>
      %dma_start3A_871 = tpu.memref_squeeze %dma_start3A_870 : memref<1x8x128xf32, #tpu.memory_space<vmem>> -> memref<8x128xf32, #tpu.memory_space<vmem>>
      tpu.enqueue_dma source(%dma_start3A_871 : memref<8x128xf32, #tpu.memory_space<vmem>>) target(%dma_start3A_867 : memref<8x128xf32, #tpu.memory_space<hbm>>) target_semaphore(%dma_start3A_863 : memref<!tpu.dma_semaphore, #tpu.memory_space<semaphore_mem>>)
      %dma_start3A_872 = arith.constant 3 : i32
      %dma_start3A_873 = arith.constant 2 : i32
      %dma_start3A_874 = arith.constant 3 : i32
      %dma_start3A_875 = arith.constant 16 : i32
      %dma_start3A_876 = arith.constant 0 : i32
      %dma_start3A_877 = tpu.memref_slice %arg7[%dma_start3A_872, %dma_start3A_875, %dma_start3A_876] : memref<4x32x129xf32, #tpu.memory_space<vmem>> -> memref<1x8x128xf32, #tpu.memory_space<vmem>>
      %dma_start3A_878 = tpu.memref_squeeze %dma_start3A_877 : memref<1x8x128xf32, #tpu.memory_space<vmem>> -> memref<8x128xf32, #tpu.memory_space<vmem>>
      %dma_start3A_879 = arith.constant 0 : i32
      %dma_start3A_880 = arith.constant 0 : i32
      %dma_start3A_881 = tpu.memref_slice %arg4[%add3A_800, %dma_start3A_873, %add3A, %dma_start3A_879, %dma_start3A_880] : memref<200x4x32x8x128xf32, #tpu.memory_space<hbm>> -> memref<1x1x1x8x128xf32, #tpu.memory_space<hbm>>
      %dma_start3A_882 = tpu.memref_squeeze %dma_start3A_881 : memref<1x1x1x8x128xf32, #tpu.memory_space<hbm>> -> memref<8x128xf32, #tpu.memory_space<hbm>>
      %dma_start3A_883 = tpu.memref_slice %arg9[%dma_start3A_874] : memref<4x!tpu.dma_semaphore, #tpu.memory_space<semaphore_mem>> -> memref<1x!tpu.dma_semaphore, #tpu.memory_space<semaphore_mem>>
      %dma_start3A_884 = tpu.memref_squeeze %dma_start3A_883 : memref<1x!tpu.dma_semaphore, #tpu.memory_space<semaphore_mem>> -> memref<!tpu.dma_semaphore, #tpu.memory_space<semaphore_mem>>
      %dma_start3A_885 = arith.constant 0 : i32
      %dma_start3A_886 = arith.constant 0 : i32
      %dma_start3A_887 = tpu.memref_slice %arg4[%add3A_800, %dma_start3A_873, %add3A, %dma_start3A_885, %dma_start3A_886] : memref<200x4x32x8x128xf32, #tpu.memory_space<hbm>> -> memref<1x1x1x8x128xf32, #tpu.memory_space<hbm>>
      %dma_start3A_888 = tpu.memref_squeeze %dma_start3A_887 : memref<1x1x1x8x128xf32, #tpu.memory_space<hbm>> -> memref<8x128xf32, #tpu.memory_space<hbm>>
      %dma_start3A_889 = arith.constant 16 : i32
      %dma_start3A_890 = arith.constant 0 : i32
      %dma_start3A_891 = tpu.memref_slice %arg7[%dma_start3A_872, %dma_start3A_889, %dma_start3A_890] : memref<4x32x129xf32, #tpu.memory_space<vmem>> -> memref<1x8x128xf32, #tpu.memory_space<vmem>>
      %dma_start3A_892 = tpu.memref_squeeze %dma_start3A_891 : memref<1x8x128xf32, #tpu.memory_space<vmem>> -> memref<8x128xf32, #tpu.memory_space<vmem>>
      tpu.enqueue_dma source(%dma_start3A_892 : memref<8x128xf32, #tpu.memory_space<vmem>>) target(%dma_start3A_888 : memref<8x128xf32, #tpu.memory_space<hbm>>) target_semaphore(%dma_start3A_884 : memref<!tpu.dma_semaphore, #tpu.memory_space<semaphore_mem>>)
      %dma_start3A_893 = arith.constant 3 : i32
      %dma_start3A_894 = arith.constant 3 : i32
      %dma_start3A_895 = arith.constant 3 : i32
      %dma_start3A_896 = arith.constant 24 : i32
      %dma_start3A_897 = arith.constant 0 : i32
      %dma_start3A_898 = tpu.memref_slice %arg7[%dma_start3A_893, %dma_start3A_896, %dma_start3A_897] : memref<4x32x129xf32, #tpu.memory_space<vmem>> -> memref<1x8x128xf32, #tpu.memory_space<vmem>>
      %dma_start3A_899 = tpu.memref_squeeze %dma_start3A_898 : memref<1x8x128xf32, #tpu.memory_space<vmem>> -> memref<8x128xf32, #tpu.memory_space<vmem>>
      %dma_start3A_900 = arith.constant 0 : i32
      %dma_start3A_901 = arith.constant 0 : i32
      %dma_start3A_902 = tpu.memref_slice %arg4[%add3A_800, %dma_start3A_894, %add3A, %dma_start3A_900, %dma_start3A_901] : memref<200x4x32x8x128xf32, #tpu.memory_space<hbm>> -> memref<1x1x1x8x128xf32, #tpu.memory_space<hbm>>
      %dma_start3A_903 = tpu.memref_squeeze %dma_start3A_902 : memref<1x1x1x8x128xf32, #tpu.memory_space<hbm>> -> memref<8x128xf32, #tpu.memory_space<hbm>>
      %dma_start3A_904 = tpu.memref_slice %arg9[%dma_start3A_895] : memref<4x!tpu.dma_semaphore, #tpu.memory_space<semaphore_mem>> -> memref<1x!tpu.dma_semaphore, #tpu.memory_space<semaphore_mem>>
      %dma_start3A_905 = tpu.memref_squeeze %dma_start3A_904 : memref<1x!tpu.dma_semaphore, #tpu.memory_space<semaphore_mem>> -> memref<!tpu.dma_semaphore, #tpu.memory_space<semaphore_mem>>
      %dma_start3A_906 = arith.constant 0 : i32
      %dma_start3A_907 = arith.constant 0 : i32
      %dma_start3A_908 = tpu.memref_slice %arg4[%add3A_800, %dma_start3A_894, %add3A, %dma_start3A_906, %dma_start3A_907] : memref<200x4x32x8x128xf32, #tpu.memory_space<hbm>> -> memref<1x1x1x8x128xf32, #tpu.memory_space<hbm>>
      %dma_start3A_909 = tpu.memref_squeeze %dma_start3A_908 : memref<1x1x1x8x128xf32, #tpu.memory_space<hbm>> -> memref<8x128xf32, #tpu.memory_space<hbm>>
      %dma_start3A_910 = arith.constant 24 : i32
      %dma_start3A_911 = arith.constant 0 : i32
      %dma_start3A_912 = tpu.memref_slice %arg7[%dma_start3A_893, %dma_start3A_910, %dma_start3A_911] : memref<4x32x129xf32, #tpu.memory_space<vmem>> -> memref<1x8x128xf32, #tpu.memory_space<vmem>>
      %dma_start3A_913 = tpu.memref_squeeze %dma_start3A_912 : memref<1x8x128xf32, #tpu.memory_space<vmem>> -> memref<8x128xf32, #tpu.memory_space<vmem>>
      tpu.enqueue_dma source(%dma_start3A_913 : memref<8x128xf32, #tpu.memory_space<vmem>>) target(%dma_start3A_909 : memref<8x128xf32, #tpu.memory_space<hbm>>) target_semaphore(%dma_start3A_905 : memref<!tpu.dma_semaphore, #tpu.memory_space<semaphore_mem>>)
      %lt3A_914 = arith.constant 49 : i32
      %lt3A_915 = arith.cmpi slt, %scan3A_422, %lt3A_914 : i32
      %convert_element_type3A_916 = arith.extui %lt3A_915 : i1 to i32
      %cond3A_917 = arith.constant 0 : i32
      %cond3A_918 = arith.cmpi ne, %convert_element_type3A_916, %cond3A_917 : i32
      scf.if %cond3A_918 {
        %add3A_919 = arith.constant 4 : i32
        %add3A_920 = arith.addi %add3A_800, %add3A_919 : i32
        %sub3A_921 = arith.constant 1 : i32
        %sub3A_922 = arith.subi %add3A_920, %sub3A_921 : i32
        %dma_start3A_923 = arith.constant 2 : i32
        %dma_start3A_924 = arith.constant 2 : i32
        %dma_start3A_925 = arith.constant 0 : i32
        %dma_start3A_926 = arith.constant 0 : i32
        %dma_start3A_927 = tpu.memref_slice %arg6[%dma_start3A_923, %dma_start3A_925, %dma_start3A_926] : memref<4x128x32xf32, #tpu.memory_space<vmem>> -> memref<1x128x32xf32, #tpu.memory_space<vmem>>
        %dma_start3A_928 = tpu.memref_squeeze %dma_start3A_927 : memref<1x128x32xf32, #tpu.memory_space<vmem>> -> memref<128x32xf32, #tpu.memory_space<vmem>>
        %dma_start3A_929 = arith.constant 0 : i32
        %dma_start3A_930 = tpu.memref_slice %arg5[%sub3A_922, %dma_start3A_929] : memref<200x128xi32, #tpu.memory_space<vmem>> -> memref<1x128xi32, #tpu.memory_space<vmem>>
        %dma_start3A_931 = tpu.memref_squeeze %dma_start3A_930 : memref<1x128xi32, #tpu.memory_space<vmem>> -> memref<128xi32, #tpu.memory_space<vmem>>
        %dma_start3A_932 = arith.constant 0 : i32
        %dma_start3A_933 = arith.constant 0 : i32
        %dma_start3A_934 = tpu.memref_slice %arg3[%dma_start3A_932, %dma_start3A_933] : memref<1000000x32xf32, #tpu.memory_space<hbm>> -> memref<1000000x32xf32, #tpu.memory_space<hbm>>
        %dma_start3A_935 = tpu.memref_slice %arg8[%dma_start3A_924] : memref<4x!tpu.dma_semaphore, #tpu.memory_space<semaphore_mem>> -> memref<1x!tpu.dma_semaphore, #tpu.memory_space<semaphore_mem>>
        %dma_start3A_936 = tpu.memref_squeeze %dma_start3A_935 : memref<1x!tpu.dma_semaphore, #tpu.memory_space<semaphore_mem>> -> memref<!tpu.dma_semaphore, #tpu.memory_space<semaphore_mem>>
        tpu.enqueue_indirect_dma source(%dma_start3A_934 : memref<1000000x32xf32, #tpu.memory_space<hbm>>) target(%dma_start3A_928 : memref<128x32xf32, #tpu.memory_space<vmem>>) offsets(%dma_start3A_931 : memref<128xi32, #tpu.memory_space<vmem>>) semaphore(%dma_start3A_936 : memref<!tpu.dma_semaphore, #tpu.memory_space<semaphore_mem>>)
      } else {
      }
    }
    %scan3A_54 = arith.constant 50 : i32
    %dma_wait3A = arith.constant 0 : i32
    %dma_wait3A_55 = arith.constant 0 : i32
    %dma_wait3A_56 = arith.constant 0 : i32
    %dma_wait3A_57 = arith.constant 0 : i32
    %dma_wait3A_58 = arith.constant 0 : i32
    %dma_wait3A_59 = arith.constant 0 : i32
    %dma_wait3A_60 = arith.constant 0 : i32
    %dma_wait3A_61 = tpu.memref_slice %arg7[%dma_wait3A, %dma_wait3A_59, %dma_wait3A_60] : memref<4x32x129xf32, #tpu.memory_space<vmem>> -> memref<1x8x128xf32, #tpu.memory_space<vmem>>
    %dma_wait3A_62 = tpu.memref_squeeze %dma_wait3A_61 : memref<1x8x128xf32, #tpu.memory_space<vmem>> -> memref<8x128xf32, #tpu.memory_space<vmem>>
    %dma_wait3A_63 = arith.constant 0 : i32
    %dma_wait3A_64 = arith.constant 0 : i32
    %dma_wait3A_65 = tpu.memref_slice %arg4[%dma_wait3A_55, %dma_wait3A_56, %dma_wait3A_57, %dma_wait3A_63, %dma_wait3A_64] : memref<200x4x32x8x128xf32, #tpu.memory_space<hbm>> -> memref<1x1x1x8x128xf32, #tpu.memory_space<hbm>>
    %dma_wait3A_66 = tpu.memref_squeeze %dma_wait3A_65 : memref<1x1x1x8x128xf32, #tpu.memory_space<hbm>> -> memref<8x128xf32, #tpu.memory_space<hbm>>
    %dma_wait3A_67 = tpu.memref_slice %arg9[%dma_wait3A_58] : memref<4x!tpu.dma_semaphore, #tpu.memory_space<semaphore_mem>> -> memref<1x!tpu.dma_semaphore, #tpu.memory_space<semaphore_mem>>
    %dma_wait3A_68 = tpu.memref_squeeze %dma_wait3A_67 : memref<1x!tpu.dma_semaphore, #tpu.memory_space<semaphore_mem>> -> memref<!tpu.dma_semaphore, #tpu.memory_space<semaphore_mem>>
    %dma_wait3A_69 = arith.constant 0 : i32
    %dma_wait3A_70 = arith.constant 0 : i32
    %dma_wait3A_71 = tpu.memref_slice %arg4[%dma_wait3A_55, %dma_wait3A_56, %dma_wait3A_57, %dma_wait3A_69, %dma_wait3A_70] : memref<200x4x32x8x128xf32, #tpu.memory_space<hbm>> -> memref<1x1x1x8x128xf32, #tpu.memory_space<hbm>>
    %dma_wait3A_72 = tpu.memref_squeeze %dma_wait3A_71 : memref<1x1x1x8x128xf32, #tpu.memory_space<hbm>> -> memref<8x128xf32, #tpu.memory_space<hbm>>
    %dma_wait3A_73 = arith.constant 0 : i32
    %dma_wait3A_74 = arith.constant 0 : i32
    %dma_wait3A_75 = tpu.memref_slice %arg7[%dma_wait3A, %dma_wait3A_73, %dma_wait3A_74] : memref<4x32x129xf32, #tpu.memory_space<vmem>> -> memref<1x8x128xf32, #tpu.memory_space<vmem>>
    %dma_wait3A_76 = tpu.memref_squeeze %dma_wait3A_75 : memref<1x8x128xf32, #tpu.memory_space<vmem>> -> memref<8x128xf32, #tpu.memory_space<vmem>>
    tpu.wait_dma2 semaphore(%dma_wait3A_68 : memref<!tpu.dma_semaphore, #tpu.memory_space<semaphore_mem>>) src(%dma_wait3A_76 : memref<8x128xf32, #tpu.memory_space<vmem>>) dst(%dma_wait3A_72 : memref<8x128xf32, #tpu.memory_space<hbm>>)
    %dma_wait3A_77 = arith.constant 0 : i32
    %dma_wait3A_78 = arith.constant 0 : i32
    %dma_wait3A_79 = arith.constant 0 : i32
    %dma_wait3A_80 = arith.constant 0 : i32
    %dma_wait3A_81 = arith.constant 0 : i32
    %dma_wait3A_82 = arith.constant 8 : i32
    %dma_wait3A_83 = arith.constant 0 : i32
    %dma_wait3A_84 = tpu.memref_slice %arg7[%dma_wait3A_77, %dma_wait3A_82, %dma_wait3A_83] : memref<4x32x129xf32, #tpu.memory_space<vmem>> -> memref<1x8x128xf32, #tpu.memory_space<vmem>>
    %dma_wait3A_85 = tpu.memref_squeeze %dma_wait3A_84 : memref<1x8x128xf32, #tpu.memory_space<vmem>> -> memref<8x128xf32, #tpu.memory_space<vmem>>
    %dma_wait3A_86 = arith.constant 0 : i32
    %dma_wait3A_87 = arith.constant 0 : i32
    %dma_wait3A_88 = tpu.memref_slice %arg4[%dma_wait3A_78, %dma_wait3A_79, %dma_wait3A_80, %dma_wait3A_86, %dma_wait3A_87] : memref<200x4x32x8x128xf32, #tpu.memory_space<hbm>> -> memref<1x1x1x8x128xf32, #tpu.memory_space<hbm>>
    %dma_wait3A_89 = tpu.memref_squeeze %dma_wait3A_88 : memref<1x1x1x8x128xf32, #tpu.memory_space<hbm>> -> memref<8x128xf32, #tpu.memory_space<hbm>>
    %dma_wait3A_90 = tpu.memref_slice %arg9[%dma_wait3A_81] : memref<4x!tpu.dma_semaphore, #tpu.memory_space<semaphore_mem>> -> memref<1x!tpu.dma_semaphore, #tpu.memory_space<semaphore_mem>>
    %dma_wait3A_91 = tpu.memref_squeeze %dma_wait3A_90 : memref<1x!tpu.dma_semaphore, #tpu.memory_space<semaphore_mem>> -> memref<!tpu.dma_semaphore, #tpu.memory_space<semaphore_mem>>
    %dma_wait3A_92 = arith.constant 0 : i32
    %dma_wait3A_93 = arith.constant 0 : i32
    %dma_wait3A_94 = tpu.memref_slice %arg4[%dma_wait3A_78, %dma_wait3A_79, %dma_wait3A_80, %dma_wait3A_92, %dma_wait3A_93] : memref<200x4x32x8x128xf32, #tpu.memory_space<hbm>> -> memref<1x1x1x8x128xf32, #tpu.memory_space<hbm>>
    %dma_wait3A_95 = tpu.memref_squeeze %dma_wait3A_94 : memref<1x1x1x8x128xf32, #tpu.memory_space<hbm>> -> memref<8x128xf32, #tpu.memory_space<hbm>>
    %dma_wait3A_96 = arith.constant 8 : i32
    %dma_wait3A_97 = arith.constant 0 : i32
    %dma_wait3A_98 = tpu.memref_slice %arg7[%dma_wait3A_77, %dma_wait3A_96, %dma_wait3A_97] : memref<4x32x129xf32, #tpu.memory_space<vmem>> -> memref<1x8x128xf32, #tpu.memory_space<vmem>>
    %dma_wait3A_99 = tpu.memref_squeeze %dma_wait3A_98 : memref<1x8x128xf32, #tpu.memory_space<vmem>> -> memref<8x128xf32, #tpu.memory_space<vmem>>
    tpu.wait_dma2 semaphore(%dma_wait3A_91 : memref<!tpu.dma_semaphore, #tpu.memory_space<semaphore_mem>>) src(%dma_wait3A_99 : memref<8x128xf32, #tpu.memory_space<vmem>>) dst(%dma_wait3A_95 : memref<8x128xf32, #tpu.memory_space<hbm>>)
    %dma_wait3A_100 = arith.constant 0 : i32
    %dma_wait3A_101 = arith.constant 0 : i32
    %dma_wait3A_102 = arith.constant 0 : i32
    %dma_wait3A_103 = arith.constant 0 : i32
    %dma_wait3A_104 = arith.constant 0 : i32
    %dma_wait3A_105 = arith.constant 16 : i32
    %dma_wait3A_106 = arith.constant 0 : i32
    %dma_wait3A_107 = tpu.memref_slice %arg7[%dma_wait3A_100, %dma_wait3A_105, %dma_wait3A_106] : memref<4x32x129xf32, #tpu.memory_space<vmem>> -> memref<1x8x128xf32, #tpu.memory_space<vmem>>
    %dma_wait3A_108 = tpu.memref_squeeze %dma_wait3A_107 : memref<1x8x128xf32, #tpu.memory_space<vmem>> -> memref<8x128xf32, #tpu.memory_space<vmem>>
    %dma_wait3A_109 = arith.constant 0 : i32
    %dma_wait3A_110 = arith.constant 0 : i32
    %dma_wait3A_111 = tpu.memref_slice %arg4[%dma_wait3A_101, %dma_wait3A_102, %dma_wait3A_103, %dma_wait3A_109, %dma_wait3A_110] : memref<200x4x32x8x128xf32, #tpu.memory_space<hbm>> -> memref<1x1x1x8x128xf32, #tpu.memory_space<hbm>>
    %dma_wait3A_112 = tpu.memref_squeeze %dma_wait3A_111 : memref<1x1x1x8x128xf32, #tpu.memory_space<hbm>> -> memref<8x128xf32, #tpu.memory_space<hbm>>
    %dma_wait3A_113 = tpu.memref_slice %arg9[%dma_wait3A_104] : memref<4x!tpu.dma_semaphore, #tpu.memory_space<semaphore_mem>> -> memref<1x!tpu.dma_semaphore, #tpu.memory_space<semaphore_mem>>
    %dma_wait3A_114 = tpu.memref_squeeze %dma_wait3A_113 : memref<1x!tpu.dma_semaphore, #tpu.memory_space<semaphore_mem>> -> memref<!tpu.dma_semaphore, #tpu.memory_space<semaphore_mem>>
    %dma_wait3A_115 = arith.constant 0 : i32
    %dma_wait3A_116 = arith.constant 0 : i32
    %dma_wait3A_117 = tpu.memref_slice %arg4[%dma_wait3A_101, %dma_wait3A_102, %dma_wait3A_103, %dma_wait3A_115, %dma_wait3A_116] : memref<200x4x32x8x128xf32, #tpu.memory_space<hbm>> -> memref<1x1x1x8x128xf32, #tpu.memory_space<hbm>>
    %dma_wait3A_118 = tpu.memref_squeeze %dma_wait3A_117 : memref<1x1x1x8x128xf32, #tpu.memory_space<hbm>> -> memref<8x128xf32, #tpu.memory_space<hbm>>
    %dma_wait3A_119 = arith.constant 16 : i32
    %dma_wait3A_120 = arith.constant 0 : i32
    %dma_wait3A_121 = tpu.memref_slice %arg7[%dma_wait3A_100, %dma_wait3A_119, %dma_wait3A_120] : memref<4x32x129xf32, #tpu.memory_space<vmem>> -> memref<1x8x128xf32, #tpu.memory_space<vmem>>
    %dma_wait3A_122 = tpu.memref_squeeze %dma_wait3A_121 : memref<1x8x128xf32, #tpu.memory_space<vmem>> -> memref<8x128xf32, #tpu.memory_space<vmem>>
    tpu.wait_dma2 semaphore(%dma_wait3A_114 : memref<!tpu.dma_semaphore, #tpu.memory_space<semaphore_mem>>) src(%dma_wait3A_122 : memref<8x128xf32, #tpu.memory_space<vmem>>) dst(%dma_wait3A_118 : memref<8x128xf32, #tpu.memory_space<hbm>>)
    %dma_wait3A_123 = arith.constant 0 : i32
    %dma_wait3A_124 = arith.constant 0 : i32
    %dma_wait3A_125 = arith.constant 0 : i32
    %dma_wait3A_126 = arith.constant 0 : i32
    %dma_wait3A_127 = arith.constant 0 : i32
    %dma_wait3A_128 = arith.constant 24 : i32
    %dma_wait3A_129 = arith.constant 0 : i32
    %dma_wait3A_130 = tpu.memref_slice %arg7[%dma_wait3A_123, %dma_wait3A_128, %dma_wait3A_129] : memref<4x32x129xf32, #tpu.memory_space<vmem>> -> memref<1x8x128xf32, #tpu.memory_space<vmem>>
    %dma_wait3A_131 = tpu.memref_squeeze %dma_wait3A_130 : memref<1x8x128xf32, #tpu.memory_space<vmem>> -> memref<8x128xf32, #tpu.memory_space<vmem>>
    %dma_wait3A_132 = arith.constant 0 : i32
    %dma_wait3A_133 = arith.constant 0 : i32
    %dma_wait3A_134 = tpu.memref_slice %arg4[%dma_wait3A_124, %dma_wait3A_125, %dma_wait3A_126, %dma_wait3A_132, %dma_wait3A_133] : memref<200x4x32x8x128xf32, #tpu.memory_space<hbm>> -> memref<1x1x1x8x128xf32, #tpu.memory_space<hbm>>
    %dma_wait3A_135 = tpu.memref_squeeze %dma_wait3A_134 : memref<1x1x1x8x128xf32, #tpu.memory_space<hbm>> -> memref<8x128xf32, #tpu.memory_space<hbm>>
    %dma_wait3A_136 = tpu.memref_slice %arg9[%dma_wait3A_127] : memref<4x!tpu.dma_semaphore, #tpu.memory_space<semaphore_mem>> -> memref<1x!tpu.dma_semaphore, #tpu.memory_space<semaphore_mem>>
    %dma_wait3A_137 = tpu.memref_squeeze %dma_wait3A_136 : memref<1x!tpu.dma_semaphore, #tpu.memory_space<semaphore_mem>> -> memref<!tpu.dma_semaphore, #tpu.memory_space<semaphore_mem>>
    %dma_wait3A_138 = arith.constant 0 : i32
    %dma_wait3A_139 = arith.constant 0 : i32
    %dma_wait3A_140 = tpu.memref_slice %arg4[%dma_wait3A_124, %dma_wait3A_125, %dma_wait3A_126, %dma_wait3A_138, %dma_wait3A_139] : memref<200x4x32x8x128xf32, #tpu.memory_space<hbm>> -> memref<1x1x1x8x128xf32, #tpu.memory_space<hbm>>
    %dma_wait3A_141 = tpu.memref_squeeze %dma_wait3A_140 : memref<1x1x1x8x128xf32, #tpu.memory_space<hbm>> -> memref<8x128xf32, #tpu.memory_space<hbm>>
    %dma_wait3A_142 = arith.constant 24 : i32
    %dma_wait3A_143 = arith.constant 0 : i32
    %dma_wait3A_144 = tpu.memref_slice %arg7[%dma_wait3A_123, %dma_wait3A_142, %dma_wait3A_143] : memref<4x32x129xf32, #tpu.memory_space<vmem>> -> memref<1x8x128xf32, #tpu.memory_space<vmem>>
    %dma_wait3A_145 = tpu.memref_squeeze %dma_wait3A_144 : memref<1x8x128xf32, #tpu.memory_space<vmem>> -> memref<8x128xf32, #tpu.memory_space<vmem>>
    tpu.wait_dma2 semaphore(%dma_wait3A_137 : memref<!tpu.dma_semaphore, #tpu.memory_space<semaphore_mem>>) src(%dma_wait3A_145 : memref<8x128xf32, #tpu.memory_space<vmem>>) dst(%dma_wait3A_141 : memref<8x128xf32, #tpu.memory_space<hbm>>)
    %dma_wait3A_146 = arith.constant 1 : i32
    %dma_wait3A_147 = arith.constant 0 : i32
    %dma_wait3A_148 = arith.constant 0 : i32
    %dma_wait3A_149 = arith.constant 0 : i32
    %dma_wait3A_150 = arith.constant 1 : i32
    %dma_wait3A_151 = arith.constant 0 : i32
    %dma_wait3A_152 = arith.constant 0 : i32
    %dma_wait3A_153 = tpu.memref_slice %arg7[%dma_wait3A_146, %dma_wait3A_151, %dma_wait3A_152] : memref<4x32x129xf32, #tpu.memory_space<vmem>> -> memref<1x8x128xf32, #tpu.memory_space<vmem>>
    %dma_wait3A_154 = tpu.memref_squeeze %dma_wait3A_153 : memref<1x8x128xf32, #tpu.memory_space<vmem>> -> memref<8x128xf32, #tpu.memory_space<vmem>>
    %dma_wait3A_155 = arith.constant 0 : i32
    %dma_wait3A_156 = arith.constant 0 : i32
    %dma_wait3A_157 = tpu.memref_slice %arg4[%dma_wait3A_147, %dma_wait3A_148, %dma_wait3A_149, %dma_wait3A_155, %dma_wait3A_156] : memref<200x4x32x8x128xf32, #tpu.memory_space<hbm>> -> memref<1x1x1x8x128xf32, #tpu.memory_space<hbm>>
    %dma_wait3A_158 = tpu.memref_squeeze %dma_wait3A_157 : memref<1x1x1x8x128xf32, #tpu.memory_space<hbm>> -> memref<8x128xf32, #tpu.memory_space<hbm>>
    %dma_wait3A_159 = tpu.memref_slice %arg9[%dma_wait3A_150] : memref<4x!tpu.dma_semaphore, #tpu.memory_space<semaphore_mem>> -> memref<1x!tpu.dma_semaphore, #tpu.memory_space<semaphore_mem>>
    %dma_wait3A_160 = tpu.memref_squeeze %dma_wait3A_159 : memref<1x!tpu.dma_semaphore, #tpu.memory_space<semaphore_mem>> -> memref<!tpu.dma_semaphore, #tpu.memory_space<semaphore_mem>>
    %dma_wait3A_161 = arith.constant 0 : i32
    %dma_wait3A_162 = arith.constant 0 : i32
    %dma_wait3A_163 = tpu.memref_slice %arg4[%dma_wait3A_147, %dma_wait3A_148, %dma_wait3A_149, %dma_wait3A_161, %dma_wait3A_162] : memref<200x4x32x8x128xf32, #tpu.memory_space<hbm>> -> memref<1x1x1x8x128xf32, #tpu.memory_space<hbm>>
    %dma_wait3A_164 = tpu.memref_squeeze %dma_wait3A_163 : memref<1x1x1x8x128xf32, #tpu.memory_space<hbm>> -> memref<8x128xf32, #tpu.memory_space<hbm>>
    %dma_wait3A_165 = arith.constant 0 : i32
    %dma_wait3A_166 = arith.constant 0 : i32
    %dma_wait3A_167 = tpu.memref_slice %arg7[%dma_wait3A_146, %dma_wait3A_165, %dma_wait3A_166] : memref<4x32x129xf32, #tpu.memory_space<vmem>> -> memref<1x8x128xf32, #tpu.memory_space<vmem>>
    %dma_wait3A_168 = tpu.memref_squeeze %dma_wait3A_167 : memref<1x8x128xf32, #tpu.memory_space<vmem>> -> memref<8x128xf32, #tpu.memory_space<vmem>>
    tpu.wait_dma2 semaphore(%dma_wait3A_160 : memref<!tpu.dma_semaphore, #tpu.memory_space<semaphore_mem>>) src(%dma_wait3A_168 : memref<8x128xf32, #tpu.memory_space<vmem>>) dst(%dma_wait3A_164 : memref<8x128xf32, #tpu.memory_space<hbm>>)
    %dma_wait3A_169 = arith.constant 1 : i32
    %dma_wait3A_170 = arith.constant 0 : i32
    %dma_wait3A_171 = arith.constant 0 : i32
    %dma_wait3A_172 = arith.constant 0 : i32
    %dma_wait3A_173 = arith.constant 1 : i32
    %dma_wait3A_174 = arith.constant 8 : i32
    %dma_wait3A_175 = arith.constant 0 : i32
    %dma_wait3A_176 = tpu.memref_slice %arg7[%dma_wait3A_169, %dma_wait3A_174, %dma_wait3A_175] : memref<4x32x129xf32, #tpu.memory_space<vmem>> -> memref<1x8x128xf32, #tpu.memory_space<vmem>>
    %dma_wait3A_177 = tpu.memref_squeeze %dma_wait3A_176 : memref<1x8x128xf32, #tpu.memory_space<vmem>> -> memref<8x128xf32, #tpu.memory_space<vmem>>
    %dma_wait3A_178 = arith.constant 0 : i32
    %dma_wait3A_179 = arith.constant 0 : i32
    %dma_wait3A_180 = tpu.memref_slice %arg4[%dma_wait3A_170, %dma_wait3A_171, %dma_wait3A_172, %dma_wait3A_178, %dma_wait3A_179] : memref<200x4x32x8x128xf32, #tpu.memory_space<hbm>> -> memref<1x1x1x8x128xf32, #tpu.memory_space<hbm>>
    %dma_wait3A_181 = tpu.memref_squeeze %dma_wait3A_180 : memref<1x1x1x8x128xf32, #tpu.memory_space<hbm>> -> memref<8x128xf32, #tpu.memory_space<hbm>>
    %dma_wait3A_182 = tpu.memref_slice %arg9[%dma_wait3A_173] : memref<4x!tpu.dma_semaphore, #tpu.memory_space<semaphore_mem>> -> memref<1x!tpu.dma_semaphore, #tpu.memory_space<semaphore_mem>>
    %dma_wait3A_183 = tpu.memref_squeeze %dma_wait3A_182 : memref<1x!tpu.dma_semaphore, #tpu.memory_space<semaphore_mem>> -> memref<!tpu.dma_semaphore, #tpu.memory_space<semaphore_mem>>
    %dma_wait3A_184 = arith.constant 0 : i32
    %dma_wait3A_185 = arith.constant 0 : i32
    %dma_wait3A_186 = tpu.memref_slice %arg4[%dma_wait3A_170, %dma_wait3A_171, %dma_wait3A_172, %dma_wait3A_184, %dma_wait3A_185] : memref<200x4x32x8x128xf32, #tpu.memory_space<hbm>> -> memref<1x1x1x8x128xf32, #tpu.memory_space<hbm>>
    %dma_wait3A_187 = tpu.memref_squeeze %dma_wait3A_186 : memref<1x1x1x8x128xf32, #tpu.memory_space<hbm>> -> memref<8x128xf32, #tpu.memory_space<hbm>>
    %dma_wait3A_188 = arith.constant 8 : i32
    %dma_wait3A_189 = arith.constant 0 : i32
    %dma_wait3A_190 = tpu.memref_slice %arg7[%dma_wait3A_169, %dma_wait3A_188, %dma_wait3A_189] : memref<4x32x129xf32, #tpu.memory_space<vmem>> -> memref<1x8x128xf32, #tpu.memory_space<vmem>>
    %dma_wait3A_191 = tpu.memref_squeeze %dma_wait3A_190 : memref<1x8x128xf32, #tpu.memory_space<vmem>> -> memref<8x128xf32, #tpu.memory_space<vmem>>
    tpu.wait_dma2 semaphore(%dma_wait3A_183 : memref<!tpu.dma_semaphore, #tpu.memory_space<semaphore_mem>>) src(%dma_wait3A_191 : memref<8x128xf32, #tpu.memory_space<vmem>>) dst(%dma_wait3A_187 : memref<8x128xf32, #tpu.memory_space<hbm>>)
    %dma_wait3A_192 = arith.constant 1 : i32
    %dma_wait3A_193 = arith.constant 0 : i32
    %dma_wait3A_194 = arith.constant 0 : i32
    %dma_wait3A_195 = arith.constant 0 : i32
    %dma_wait3A_196 = arith.constant 1 : i32
    %dma_wait3A_197 = arith.constant 16 : i32
    %dma_wait3A_198 = arith.constant 0 : i32
    %dma_wait3A_199 = tpu.memref_slice %arg7[%dma_wait3A_192, %dma_wait3A_197, %dma_wait3A_198] : memref<4x32x129xf32, #tpu.memory_space<vmem>> -> memref<1x8x128xf32, #tpu.memory_space<vmem>>
    %dma_wait3A_200 = tpu.memref_squeeze %dma_wait3A_199 : memref<1x8x128xf32, #tpu.memory_space<vmem>> -> memref<8x128xf32, #tpu.memory_space<vmem>>
    %dma_wait3A_201 = arith.constant 0 : i32
    %dma_wait3A_202 = arith.constant 0 : i32
    %dma_wait3A_203 = tpu.memref_slice %arg4[%dma_wait3A_193, %dma_wait3A_194, %dma_wait3A_195, %dma_wait3A_201, %dma_wait3A_202] : memref<200x4x32x8x128xf32, #tpu.memory_space<hbm>> -> memref<1x1x1x8x128xf32, #tpu.memory_space<hbm>>
    %dma_wait3A_204 = tpu.memref_squeeze %dma_wait3A_203 : memref<1x1x1x8x128xf32, #tpu.memory_space<hbm>> -> memref<8x128xf32, #tpu.memory_space<hbm>>
    %dma_wait3A_205 = tpu.memref_slice %arg9[%dma_wait3A_196] : memref<4x!tpu.dma_semaphore, #tpu.memory_space<semaphore_mem>> -> memref<1x!tpu.dma_semaphore, #tpu.memory_space<semaphore_mem>>
    %dma_wait3A_206 = tpu.memref_squeeze %dma_wait3A_205 : memref<1x!tpu.dma_semaphore, #tpu.memory_space<semaphore_mem>> -> memref<!tpu.dma_semaphore, #tpu.memory_space<semaphore_mem>>
    %dma_wait3A_207 = arith.constant 0 : i32
    %dma_wait3A_208 = arith.constant 0 : i32
    %dma_wait3A_209 = tpu.memref_slice %arg4[%dma_wait3A_193, %dma_wait3A_194, %dma_wait3A_195, %dma_wait3A_207, %dma_wait3A_208] : memref<200x4x32x8x128xf32, #tpu.memory_space<hbm>> -> memref<1x1x1x8x128xf32, #tpu.memory_space<hbm>>
    %dma_wait3A_210 = tpu.memref_squeeze %dma_wait3A_209 : memref<1x1x1x8x128xf32, #tpu.memory_space<hbm>> -> memref<8x128xf32, #tpu.memory_space<hbm>>
    %dma_wait3A_211 = arith.constant 16 : i32
    %dma_wait3A_212 = arith.constant 0 : i32
    %dma_wait3A_213 = tpu.memref_slice %arg7[%dma_wait3A_192, %dma_wait3A_211, %dma_wait3A_212] : memref<4x32x129xf32, #tpu.memory_space<vmem>> -> memref<1x8x128xf32, #tpu.memory_space<vmem>>
    %dma_wait3A_214 = tpu.memref_squeeze %dma_wait3A_213 : memref<1x8x128xf32, #tpu.memory_space<vmem>> -> memref<8x128xf32, #tpu.memory_space<vmem>>
    tpu.wait_dma2 semaphore(%dma_wait3A_206 : memref<!tpu.dma_semaphore, #tpu.memory_space<semaphore_mem>>) src(%dma_wait3A_214 : memref<8x128xf32, #tpu.memory_space<vmem>>) dst(%dma_wait3A_210 : memref<8x128xf32, #tpu.memory_space<hbm>>)
    %dma_wait3A_215 = arith.constant 1 : i32
    %dma_wait3A_216 = arith.constant 0 : i32
    %dma_wait3A_217 = arith.constant 0 : i32
    %dma_wait3A_218 = arith.constant 0 : i32
    %dma_wait3A_219 = arith.constant 1 : i32
    %dma_wait3A_220 = arith.constant 24 : i32
    %dma_wait3A_221 = arith.constant 0 : i32
    %dma_wait3A_222 = tpu.memref_slice %arg7[%dma_wait3A_215, %dma_wait3A_220, %dma_wait3A_221] : memref<4x32x129xf32, #tpu.memory_space<vmem>> -> memref<1x8x128xf32, #tpu.memory_space<vmem>>
    %dma_wait3A_223 = tpu.memref_squeeze %dma_wait3A_222 : memref<1x8x128xf32, #tpu.memory_space<vmem>> -> memref<8x128xf32, #tpu.memory_space<vmem>>
    %dma_wait3A_224 = arith.constant 0 : i32
    %dma_wait3A_225 = arith.constant 0 : i32
    %dma_wait3A_226 = tpu.memref_slice %arg4[%dma_wait3A_216, %dma_wait3A_217, %dma_wait3A_218, %dma_wait3A_224, %dma_wait3A_225] : memref<200x4x32x8x128xf32, #tpu.memory_space<hbm>> -> memref<1x1x1x8x128xf32, #tpu.memory_space<hbm>>
    %dma_wait3A_227 = tpu.memref_squeeze %dma_wait3A_226 : memref<1x1x1x8x128xf32, #tpu.memory_space<hbm>> -> memref<8x128xf32, #tpu.memory_space<hbm>>
    %dma_wait3A_228 = tpu.memref_slice %arg9[%dma_wait3A_219] : memref<4x!tpu.dma_semaphore, #tpu.memory_space<semaphore_mem>> -> memref<1x!tpu.dma_semaphore, #tpu.memory_space<semaphore_mem>>
    %dma_wait3A_229 = tpu.memref_squeeze %dma_wait3A_228 : memref<1x!tpu.dma_semaphore, #tpu.memory_space<semaphore_mem>> -> memref<!tpu.dma_semaphore, #tpu.memory_space<semaphore_mem>>
    %dma_wait3A_230 = arith.constant 0 : i32
    %dma_wait3A_231 = arith.constant 0 : i32
    %dma_wait3A_232 = tpu.memref_slice %arg4[%dma_wait3A_216, %dma_wait3A_217, %dma_wait3A_218, %dma_wait3A_230, %dma_wait3A_231] : memref<200x4x32x8x128xf32, #tpu.memory_space<hbm>> -> memref<1x1x1x8x128xf32, #tpu.memory_space<hbm>>
    %dma_wait3A_233 = tpu.memref_squeeze %dma_wait3A_232 : memref<1x1x1x8x128xf32, #tpu.memory_space<hbm>> -> memref<8x128xf32, #tpu.memory_space<hbm>>
    %dma_wait3A_234 = arith.constant 24 : i32
    %dma_wait3A_235 = arith.constant 0 : i32
    %dma_wait3A_236 = tpu.memref_slice %arg7[%dma_wait3A_215, %dma_wait3A_234, %dma_wait3A_235] : memref<4x32x129xf32, #tpu.memory_space<vmem>> -> memref<1x8x128xf32, #tpu.memory_space<vmem>>
    %dma_wait3A_237 = tpu.memref_squeeze %dma_wait3A_236 : memref<1x8x128xf32, #tpu.memory_space<vmem>> -> memref<8x128xf32, #tpu.memory_space<vmem>>
    tpu.wait_dma2 semaphore(%dma_wait3A_229 : memref<!tpu.dma_semaphore, #tpu.memory_space<semaphore_mem>>) src(%dma_wait3A_237 : memref<8x128xf32, #tpu.memory_space<vmem>>) dst(%dma_wait3A_233 : memref<8x128xf32, #tpu.memory_space<hbm>>)
    %dma_wait3A_238 = arith.constant 2 : i32
    %dma_wait3A_239 = arith.constant 0 : i32
    %dma_wait3A_240 = arith.constant 0 : i32
    %dma_wait3A_241 = arith.constant 0 : i32
    %dma_wait3A_242 = arith.constant 2 : i32
    %dma_wait3A_243 = arith.constant 0 : i32
    %dma_wait3A_244 = arith.constant 0 : i32
    %dma_wait3A_245 = tpu.memref_slice %arg7[%dma_wait3A_238, %dma_wait3A_243, %dma_wait3A_244] : memref<4x32x129xf32, #tpu.memory_space<vmem>> -> memref<1x8x128xf32, #tpu.memory_space<vmem>>
    %dma_wait3A_246 = tpu.memref_squeeze %dma_wait3A_245 : memref<1x8x128xf32, #tpu.memory_space<vmem>> -> memref<8x128xf32, #tpu.memory_space<vmem>>
    %dma_wait3A_247 = arith.constant 0 : i32
    %dma_wait3A_248 = arith.constant 0 : i32
    %dma_wait3A_249 = tpu.memref_slice %arg4[%dma_wait3A_239, %dma_wait3A_240, %dma_wait3A_241, %dma_wait3A_247, %dma_wait3A_248] : memref<200x4x32x8x128xf32, #tpu.memory_space<hbm>> -> memref<1x1x1x8x128xf32, #tpu.memory_space<hbm>>
    %dma_wait3A_250 = tpu.memref_squeeze %dma_wait3A_249 : memref<1x1x1x8x128xf32, #tpu.memory_space<hbm>> -> memref<8x128xf32, #tpu.memory_space<hbm>>
    %dma_wait3A_251 = tpu.memref_slice %arg9[%dma_wait3A_242] : memref<4x!tpu.dma_semaphore, #tpu.memory_space<semaphore_mem>> -> memref<1x!tpu.dma_semaphore, #tpu.memory_space<semaphore_mem>>
    %dma_wait3A_252 = tpu.memref_squeeze %dma_wait3A_251 : memref<1x!tpu.dma_semaphore, #tpu.memory_space<semaphore_mem>> -> memref<!tpu.dma_semaphore, #tpu.memory_space<semaphore_mem>>
    %dma_wait3A_253 = arith.constant 0 : i32
    %dma_wait3A_254 = arith.constant 0 : i32
    %dma_wait3A_255 = tpu.memref_slice %arg4[%dma_wait3A_239, %dma_wait3A_240, %dma_wait3A_241, %dma_wait3A_253, %dma_wait3A_254] : memref<200x4x32x8x128xf32, #tpu.memory_space<hbm>> -> memref<1x1x1x8x128xf32, #tpu.memory_space<hbm>>
    %dma_wait3A_256 = tpu.memref_squeeze %dma_wait3A_255 : memref<1x1x1x8x128xf32, #tpu.memory_space<hbm>> -> memref<8x128xf32, #tpu.memory_space<hbm>>
    %dma_wait3A_257 = arith.constant 0 : i32
    %dma_wait3A_258 = arith.constant 0 : i32
    %dma_wait3A_259 = tpu.memref_slice %arg7[%dma_wait3A_238, %dma_wait3A_257, %dma_wait3A_258] : memref<4x32x129xf32, #tpu.memory_space<vmem>> -> memref<1x8x128xf32, #tpu.memory_space<vmem>>
    %dma_wait3A_260 = tpu.memref_squeeze %dma_wait3A_259 : memref<1x8x128xf32, #tpu.memory_space<vmem>> -> memref<8x128xf32, #tpu.memory_space<vmem>>
    tpu.wait_dma2 semaphore(%dma_wait3A_252 : memref<!tpu.dma_semaphore, #tpu.memory_space<semaphore_mem>>) src(%dma_wait3A_260 : memref<8x128xf32, #tpu.memory_space<vmem>>) dst(%dma_wait3A_256 : memref<8x128xf32, #tpu.memory_space<hbm>>)
    %dma_wait3A_261 = arith.constant 2 : i32
    %dma_wait3A_262 = arith.constant 0 : i32
    %dma_wait3A_263 = arith.constant 0 : i32
    %dma_wait3A_264 = arith.constant 0 : i32
    %dma_wait3A_265 = arith.constant 2 : i32
    %dma_wait3A_266 = arith.constant 8 : i32
    %dma_wait3A_267 = arith.constant 0 : i32
    %dma_wait3A_268 = tpu.memref_slice %arg7[%dma_wait3A_261, %dma_wait3A_266, %dma_wait3A_267] : memref<4x32x129xf32, #tpu.memory_space<vmem>> -> memref<1x8x128xf32, #tpu.memory_space<vmem>>
    %dma_wait3A_269 = tpu.memref_squeeze %dma_wait3A_268 : memref<1x8x128xf32, #tpu.memory_space<vmem>> -> memref<8x128xf32, #tpu.memory_space<vmem>>
    %dma_wait3A_270 = arith.constant 0 : i32
    %dma_wait3A_271 = arith.constant 0 : i32
    %dma_wait3A_272 = tpu.memref_slice %arg4[%dma_wait3A_262, %dma_wait3A_263, %dma_wait3A_264, %dma_wait3A_270, %dma_wait3A_271] : memref<200x4x32x8x128xf32, #tpu.memory_space<hbm>> -> memref<1x1x1x8x128xf32, #tpu.memory_space<hbm>>
    %dma_wait3A_273 = tpu.memref_squeeze %dma_wait3A_272 : memref<1x1x1x8x128xf32, #tpu.memory_space<hbm>> -> memref<8x128xf32, #tpu.memory_space<hbm>>
    %dma_wait3A_274 = tpu.memref_slice %arg9[%dma_wait3A_265] : memref<4x!tpu.dma_semaphore, #tpu.memory_space<semaphore_mem>> -> memref<1x!tpu.dma_semaphore, #tpu.memory_space<semaphore_mem>>
    %dma_wait3A_275 = tpu.memref_squeeze %dma_wait3A_274 : memref<1x!tpu.dma_semaphore, #tpu.memory_space<semaphore_mem>> -> memref<!tpu.dma_semaphore, #tpu.memory_space<semaphore_mem>>
    %dma_wait3A_276 = arith.constant 0 : i32
    %dma_wait3A_277 = arith.constant 0 : i32
    %dma_wait3A_278 = tpu.memref_slice %arg4[%dma_wait3A_262, %dma_wait3A_263, %dma_wait3A_264, %dma_wait3A_276, %dma_wait3A_277] : memref<200x4x32x8x128xf32, #tpu.memory_space<hbm>> -> memref<1x1x1x8x128xf32, #tpu.memory_space<hbm>>
    %dma_wait3A_279 = tpu.memref_squeeze %dma_wait3A_278 : memref<1x1x1x8x128xf32, #tpu.memory_space<hbm>> -> memref<8x128xf32, #tpu.memory_space<hbm>>
    %dma_wait3A_280 = arith.constant 8 : i32
    %dma_wait3A_281 = arith.constant 0 : i32
    %dma_wait3A_282 = tpu.memref_slice %arg7[%dma_wait3A_261, %dma_wait3A_280, %dma_wait3A_281] : memref<4x32x129xf32, #tpu.memory_space<vmem>> -> memref<1x8x128xf32, #tpu.memory_space<vmem>>
    %dma_wait3A_283 = tpu.memref_squeeze %dma_wait3A_282 : memref<1x8x128xf32, #tpu.memory_space<vmem>> -> memref<8x128xf32, #tpu.memory_space<vmem>>
    tpu.wait_dma2 semaphore(%dma_wait3A_275 : memref<!tpu.dma_semaphore, #tpu.memory_space<semaphore_mem>>) src(%dma_wait3A_283 : memref<8x128xf32, #tpu.memory_space<vmem>>) dst(%dma_wait3A_279 : memref<8x128xf32, #tpu.memory_space<hbm>>)
    %dma_wait3A_284 = arith.constant 2 : i32
    %dma_wait3A_285 = arith.constant 0 : i32
    %dma_wait3A_286 = arith.constant 0 : i32
    %dma_wait3A_287 = arith.constant 0 : i32
    %dma_wait3A_288 = arith.constant 2 : i32
    %dma_wait3A_289 = arith.constant 16 : i32
    %dma_wait3A_290 = arith.constant 0 : i32
    %dma_wait3A_291 = tpu.memref_slice %arg7[%dma_wait3A_284, %dma_wait3A_289, %dma_wait3A_290] : memref<4x32x129xf32, #tpu.memory_space<vmem>> -> memref<1x8x128xf32, #tpu.memory_space<vmem>>
    %dma_wait3A_292 = tpu.memref_squeeze %dma_wait3A_291 : memref<1x8x128xf32, #tpu.memory_space<vmem>> -> memref<8x128xf32, #tpu.memory_space<vmem>>
    %dma_wait3A_293 = arith.constant 0 : i32
    %dma_wait3A_294 = arith.constant 0 : i32
    %dma_wait3A_295 = tpu.memref_slice %arg4[%dma_wait3A_285, %dma_wait3A_286, %dma_wait3A_287, %dma_wait3A_293, %dma_wait3A_294] : memref<200x4x32x8x128xf32, #tpu.memory_space<hbm>> -> memref<1x1x1x8x128xf32, #tpu.memory_space<hbm>>
    %dma_wait3A_296 = tpu.memref_squeeze %dma_wait3A_295 : memref<1x1x1x8x128xf32, #tpu.memory_space<hbm>> -> memref<8x128xf32, #tpu.memory_space<hbm>>
    %dma_wait3A_297 = tpu.memref_slice %arg9[%dma_wait3A_288] : memref<4x!tpu.dma_semaphore, #tpu.memory_space<semaphore_mem>> -> memref<1x!tpu.dma_semaphore, #tpu.memory_space<semaphore_mem>>
    %dma_wait3A_298 = tpu.memref_squeeze %dma_wait3A_297 : memref<1x!tpu.dma_semaphore, #tpu.memory_space<semaphore_mem>> -> memref<!tpu.dma_semaphore, #tpu.memory_space<semaphore_mem>>
    %dma_wait3A_299 = arith.constant 0 : i32
    %dma_wait3A_300 = arith.constant 0 : i32
    %dma_wait3A_301 = tpu.memref_slice %arg4[%dma_wait3A_285, %dma_wait3A_286, %dma_wait3A_287, %dma_wait3A_299, %dma_wait3A_300] : memref<200x4x32x8x128xf32, #tpu.memory_space<hbm>> -> memref<1x1x1x8x128xf32, #tpu.memory_space<hbm>>
    %dma_wait3A_302 = tpu.memref_squeeze %dma_wait3A_301 : memref<1x1x1x8x128xf32, #tpu.memory_space<hbm>> -> memref<8x128xf32, #tpu.memory_space<hbm>>
    %dma_wait3A_303 = arith.constant 16 : i32
    %dma_wait3A_304 = arith.constant 0 : i32
    %dma_wait3A_305 = tpu.memref_slice %arg7[%dma_wait3A_284, %dma_wait3A_303, %dma_wait3A_304] : memref<4x32x129xf32, #tpu.memory_space<vmem>> -> memref<1x8x128xf32, #tpu.memory_space<vmem>>
    %dma_wait3A_306 = tpu.memref_squeeze %dma_wait3A_305 : memref<1x8x128xf32, #tpu.memory_space<vmem>> -> memref<8x128xf32, #tpu.memory_space<vmem>>
    tpu.wait_dma2 semaphore(%dma_wait3A_298 : memref<!tpu.dma_semaphore, #tpu.memory_space<semaphore_mem>>) src(%dma_wait3A_306 : memref<8x128xf32, #tpu.memory_space<vmem>>) dst(%dma_wait3A_302 : memref<8x128xf32, #tpu.memory_space<hbm>>)
    %dma_wait3A_307 = arith.constant 2 : i32
    %dma_wait3A_308 = arith.constant 0 : i32
    %dma_wait3A_309 = arith.constant 0 : i32
    %dma_wait3A_310 = arith.constant 0 : i32
    %dma_wait3A_311 = arith.constant 2 : i32
    %dma_wait3A_312 = arith.constant 24 : i32
    %dma_wait3A_313 = arith.constant 0 : i32
    %dma_wait3A_314 = tpu.memref_slice %arg7[%dma_wait3A_307, %dma_wait3A_312, %dma_wait3A_313] : memref<4x32x129xf32, #tpu.memory_space<vmem>> -> memref<1x8x128xf32, #tpu.memory_space<vmem>>
    %dma_wait3A_315 = tpu.memref_squeeze %dma_wait3A_314 : memref<1x8x128xf32, #tpu.memory_space<vmem>> -> memref<8x128xf32, #tpu.memory_space<vmem>>
    %dma_wait3A_316 = arith.constant 0 : i32
    %dma_wait3A_317 = arith.constant 0 : i32
    %dma_wait3A_318 = tpu.memref_slice %arg4[%dma_wait3A_308, %dma_wait3A_309, %dma_wait3A_310, %dma_wait3A_316, %dma_wait3A_317] : memref<200x4x32x8x128xf32, #tpu.memory_space<hbm>> -> memref<1x1x1x8x128xf32, #tpu.memory_space<hbm>>
    %dma_wait3A_319 = tpu.memref_squeeze %dma_wait3A_318 : memref<1x1x1x8x128xf32, #tpu.memory_space<hbm>> -> memref<8x128xf32, #tpu.memory_space<hbm>>
    %dma_wait3A_320 = tpu.memref_slice %arg9[%dma_wait3A_311] : memref<4x!tpu.dma_semaphore, #tpu.memory_space<semaphore_mem>> -> memref<1x!tpu.dma_semaphore, #tpu.memory_space<semaphore_mem>>
    %dma_wait3A_321 = tpu.memref_squeeze %dma_wait3A_320 : memref<1x!tpu.dma_semaphore, #tpu.memory_space<semaphore_mem>> -> memref<!tpu.dma_semaphore, #tpu.memory_space<semaphore_mem>>
    %dma_wait3A_322 = arith.constant 0 : i32
    %dma_wait3A_323 = arith.constant 0 : i32
    %dma_wait3A_324 = tpu.memref_slice %arg4[%dma_wait3A_308, %dma_wait3A_309, %dma_wait3A_310, %dma_wait3A_322, %dma_wait3A_323] : memref<200x4x32x8x128xf32, #tpu.memory_space<hbm>> -> memref<1x1x1x8x128xf32, #tpu.memory_space<hbm>>
    %dma_wait3A_325 = tpu.memref_squeeze %dma_wait3A_324 : memref<1x1x1x8x128xf32, #tpu.memory_space<hbm>> -> memref<8x128xf32, #tpu.memory_space<hbm>>
    %dma_wait3A_326 = arith.constant 24 : i32
    %dma_wait3A_327 = arith.constant 0 : i32
    %dma_wait3A_328 = tpu.memref_slice %arg7[%dma_wait3A_307, %dma_wait3A_326, %dma_wait3A_327] : memref<4x32x129xf32, #tpu.memory_space<vmem>> -> memref<1x8x128xf32, #tpu.memory_space<vmem>>
    %dma_wait3A_329 = tpu.memref_squeeze %dma_wait3A_328 : memref<1x8x128xf32, #tpu.memory_space<vmem>> -> memref<8x128xf32, #tpu.memory_space<vmem>>
    tpu.wait_dma2 semaphore(%dma_wait3A_321 : memref<!tpu.dma_semaphore, #tpu.memory_space<semaphore_mem>>) src(%dma_wait3A_329 : memref<8x128xf32, #tpu.memory_space<vmem>>) dst(%dma_wait3A_325 : memref<8x128xf32, #tpu.memory_space<hbm>>)
    %dma_wait3A_330 = arith.constant 3 : i32
    %dma_wait3A_331 = arith.constant 0 : i32
    %dma_wait3A_332 = arith.constant 0 : i32
    %dma_wait3A_333 = arith.constant 0 : i32
    %dma_wait3A_334 = arith.constant 3 : i32
    %dma_wait3A_335 = arith.constant 0 : i32
    %dma_wait3A_336 = arith.constant 0 : i32
    %dma_wait3A_337 = tpu.memref_slice %arg7[%dma_wait3A_330, %dma_wait3A_335, %dma_wait3A_336] : memref<4x32x129xf32, #tpu.memory_space<vmem>> -> memref<1x8x128xf32, #tpu.memory_space<vmem>>
    %dma_wait3A_338 = tpu.memref_squeeze %dma_wait3A_337 : memref<1x8x128xf32, #tpu.memory_space<vmem>> -> memref<8x128xf32, #tpu.memory_space<vmem>>
    %dma_wait3A_339 = arith.constant 0 : i32
    %dma_wait3A_340 = arith.constant 0 : i32
    %dma_wait3A_341 = tpu.memref_slice %arg4[%dma_wait3A_331, %dma_wait3A_332, %dma_wait3A_333, %dma_wait3A_339, %dma_wait3A_340] : memref<200x4x32x8x128xf32, #tpu.memory_space<hbm>> -> memref<1x1x1x8x128xf32, #tpu.memory_space<hbm>>
    %dma_wait3A_342 = tpu.memref_squeeze %dma_wait3A_341 : memref<1x1x1x8x128xf32, #tpu.memory_space<hbm>> -> memref<8x128xf32, #tpu.memory_space<hbm>>
    %dma_wait3A_343 = tpu.memref_slice %arg9[%dma_wait3A_334] : memref<4x!tpu.dma_semaphore, #tpu.memory_space<semaphore_mem>> -> memref<1x!tpu.dma_semaphore, #tpu.memory_space<semaphore_mem>>
    %dma_wait3A_344 = tpu.memref_squeeze %dma_wait3A_343 : memref<1x!tpu.dma_semaphore, #tpu.memory_space<semaphore_mem>> -> memref<!tpu.dma_semaphore, #tpu.memory_space<semaphore_mem>>
    %dma_wait3A_345 = arith.constant 0 : i32
    %dma_wait3A_346 = arith.constant 0 : i32
    %dma_wait3A_347 = tpu.memref_slice %arg4[%dma_wait3A_331, %dma_wait3A_332, %dma_wait3A_333, %dma_wait3A_345, %dma_wait3A_346] : memref<200x4x32x8x128xf32, #tpu.memory_space<hbm>> -> memref<1x1x1x8x128xf32, #tpu.memory_space<hbm>>
    %dma_wait3A_348 = tpu.memref_squeeze %dma_wait3A_347 : memref<1x1x1x8x128xf32, #tpu.memory_space<hbm>> -> memref<8x128xf32, #tpu.memory_space<hbm>>
    %dma_wait3A_349 = arith.constant 0 : i32
    %dma_wait3A_350 = arith.constant 0 : i32
    %dma_wait3A_351 = tpu.memref_slice %arg7[%dma_wait3A_330, %dma_wait3A_349, %dma_wait3A_350] : memref<4x32x129xf32, #tpu.memory_space<vmem>> -> memref<1x8x128xf32, #tpu.memory_space<vmem>>
    %dma_wait3A_352 = tpu.memref_squeeze %dma_wait3A_351 : memref<1x8x128xf32, #tpu.memory_space<vmem>> -> memref<8x128xf32, #tpu.memory_space<vmem>>
    tpu.wait_dma2 semaphore(%dma_wait3A_344 : memref<!tpu.dma_semaphore, #tpu.memory_space<semaphore_mem>>) src(%dma_wait3A_352 : memref<8x128xf32, #tpu.memory_space<vmem>>) dst(%dma_wait3A_348 : memref<8x128xf32, #tpu.memory_space<hbm>>)
    %dma_wait3A_353 = arith.constant 3 : i32
    %dma_wait3A_354 = arith.constant 0 : i32
    %dma_wait3A_355 = arith.constant 0 : i32
    %dma_wait3A_356 = arith.constant 0 : i32
    %dma_wait3A_357 = arith.constant 3 : i32
    %dma_wait3A_358 = arith.constant 8 : i32
    %dma_wait3A_359 = arith.constant 0 : i32
    %dma_wait3A_360 = tpu.memref_slice %arg7[%dma_wait3A_353, %dma_wait3A_358, %dma_wait3A_359] : memref<4x32x129xf32, #tpu.memory_space<vmem>> -> memref<1x8x128xf32, #tpu.memory_space<vmem>>
    %dma_wait3A_361 = tpu.memref_squeeze %dma_wait3A_360 : memref<1x8x128xf32, #tpu.memory_space<vmem>> -> memref<8x128xf32, #tpu.memory_space<vmem>>
    %dma_wait3A_362 = arith.constant 0 : i32
    %dma_wait3A_363 = arith.constant 0 : i32
    %dma_wait3A_364 = tpu.memref_slice %arg4[%dma_wait3A_354, %dma_wait3A_355, %dma_wait3A_356, %dma_wait3A_362, %dma_wait3A_363] : memref<200x4x32x8x128xf32, #tpu.memory_space<hbm>> -> memref<1x1x1x8x128xf32, #tpu.memory_space<hbm>>
    %dma_wait3A_365 = tpu.memref_squeeze %dma_wait3A_364 : memref<1x1x1x8x128xf32, #tpu.memory_space<hbm>> -> memref<8x128xf32, #tpu.memory_space<hbm>>
    %dma_wait3A_366 = tpu.memref_slice %arg9[%dma_wait3A_357] : memref<4x!tpu.dma_semaphore, #tpu.memory_space<semaphore_mem>> -> memref<1x!tpu.dma_semaphore, #tpu.memory_space<semaphore_mem>>
    %dma_wait3A_367 = tpu.memref_squeeze %dma_wait3A_366 : memref<1x!tpu.dma_semaphore, #tpu.memory_space<semaphore_mem>> -> memref<!tpu.dma_semaphore, #tpu.memory_space<semaphore_mem>>
    %dma_wait3A_368 = arith.constant 0 : i32
    %dma_wait3A_369 = arith.constant 0 : i32
    %dma_wait3A_370 = tpu.memref_slice %arg4[%dma_wait3A_354, %dma_wait3A_355, %dma_wait3A_356, %dma_wait3A_368, %dma_wait3A_369] : memref<200x4x32x8x128xf32, #tpu.memory_space<hbm>> -> memref<1x1x1x8x128xf32, #tpu.memory_space<hbm>>
    %dma_wait3A_371 = tpu.memref_squeeze %dma_wait3A_370 : memref<1x1x1x8x128xf32, #tpu.memory_space<hbm>> -> memref<8x128xf32, #tpu.memory_space<hbm>>
    %dma_wait3A_372 = arith.constant 8 : i32
    %dma_wait3A_373 = arith.constant 0 : i32
    %dma_wait3A_374 = tpu.memref_slice %arg7[%dma_wait3A_353, %dma_wait3A_372, %dma_wait3A_373] : memref<4x32x129xf32, #tpu.memory_space<vmem>> -> memref<1x8x128xf32, #tpu.memory_space<vmem>>
    %dma_wait3A_375 = tpu.memref_squeeze %dma_wait3A_374 : memref<1x8x128xf32, #tpu.memory_space<vmem>> -> memref<8x128xf32, #tpu.memory_space<vmem>>
    tpu.wait_dma2 semaphore(%dma_wait3A_367 : memref<!tpu.dma_semaphore, #tpu.memory_space<semaphore_mem>>) src(%dma_wait3A_375 : memref<8x128xf32, #tpu.memory_space<vmem>>) dst(%dma_wait3A_371 : memref<8x128xf32, #tpu.memory_space<hbm>>)
    %dma_wait3A_376 = arith.constant 3 : i32
    %dma_wait3A_377 = arith.constant 0 : i32
    %dma_wait3A_378 = arith.constant 0 : i32
    %dma_wait3A_379 = arith.constant 0 : i32
    %dma_wait3A_380 = arith.constant 3 : i32
    %dma_wait3A_381 = arith.constant 16 : i32
    %dma_wait3A_382 = arith.constant 0 : i32
    %dma_wait3A_383 = tpu.memref_slice %arg7[%dma_wait3A_376, %dma_wait3A_381, %dma_wait3A_382] : memref<4x32x129xf32, #tpu.memory_space<vmem>> -> memref<1x8x128xf32, #tpu.memory_space<vmem>>
    %dma_wait3A_384 = tpu.memref_squeeze %dma_wait3A_383 : memref<1x8x128xf32, #tpu.memory_space<vmem>> -> memref<8x128xf32, #tpu.memory_space<vmem>>
    %dma_wait3A_385 = arith.constant 0 : i32
    %dma_wait3A_386 = arith.constant 0 : i32
    %dma_wait3A_387 = tpu.memref_slice %arg4[%dma_wait3A_377, %dma_wait3A_378, %dma_wait3A_379, %dma_wait3A_385, %dma_wait3A_386] : memref<200x4x32x8x128xf32, #tpu.memory_space<hbm>> -> memref<1x1x1x8x128xf32, #tpu.memory_space<hbm>>
    %dma_wait3A_388 = tpu.memref_squeeze %dma_wait3A_387 : memref<1x1x1x8x128xf32, #tpu.memory_space<hbm>> -> memref<8x128xf32, #tpu.memory_space<hbm>>
    %dma_wait3A_389 = tpu.memref_slice %arg9[%dma_wait3A_380] : memref<4x!tpu.dma_semaphore, #tpu.memory_space<semaphore_mem>> -> memref<1x!tpu.dma_semaphore, #tpu.memory_space<semaphore_mem>>
    %dma_wait3A_390 = tpu.memref_squeeze %dma_wait3A_389 : memref<1x!tpu.dma_semaphore, #tpu.memory_space<semaphore_mem>> -> memref<!tpu.dma_semaphore, #tpu.memory_space<semaphore_mem>>
    %dma_wait3A_391 = arith.constant 0 : i32
    %dma_wait3A_392 = arith.constant 0 : i32
    %dma_wait3A_393 = tpu.memref_slice %arg4[%dma_wait3A_377, %dma_wait3A_378, %dma_wait3A_379, %dma_wait3A_391, %dma_wait3A_392] : memref<200x4x32x8x128xf32, #tpu.memory_space<hbm>> -> memref<1x1x1x8x128xf32, #tpu.memory_space<hbm>>
    %dma_wait3A_394 = tpu.memref_squeeze %dma_wait3A_393 : memref<1x1x1x8x128xf32, #tpu.memory_space<hbm>> -> memref<8x128xf32, #tpu.memory_space<hbm>>
    %dma_wait3A_395 = arith.constant 16 : i32
    %dma_wait3A_396 = arith.constant 0 : i32
    %dma_wait3A_397 = tpu.memref_slice %arg7[%dma_wait3A_376, %dma_wait3A_395, %dma_wait3A_396] : memref<4x32x129xf32, #tpu.memory_space<vmem>> -> memref<1x8x128xf32, #tpu.memory_space<vmem>>
    %dma_wait3A_398 = tpu.memref_squeeze %dma_wait3A_397 : memref<1x8x128xf32, #tpu.memory_space<vmem>> -> memref<8x128xf32, #tpu.memory_space<vmem>>
    tpu.wait_dma2 semaphore(%dma_wait3A_390 : memref<!tpu.dma_semaphore, #tpu.memory_space<semaphore_mem>>) src(%dma_wait3A_398 : memref<8x128xf32, #tpu.memory_space<vmem>>) dst(%dma_wait3A_394 : memref<8x128xf32, #tpu.memory_space<hbm>>)
    %dma_wait3A_399 = arith.constant 3 : i32
    %dma_wait3A_400 = arith.constant 0 : i32
    %dma_wait3A_401 = arith.constant 0 : i32
    %dma_wait3A_402 = arith.constant 0 : i32
    %dma_wait3A_403 = arith.constant 3 : i32
    %dma_wait3A_404 = arith.constant 24 : i32
    %dma_wait3A_405 = arith.constant 0 : i32
    %dma_wait3A_406 = tpu.memref_slice %arg7[%dma_wait3A_399, %dma_wait3A_404, %dma_wait3A_405] : memref<4x32x129xf32, #tpu.memory_space<vmem>> -> memref<1x8x128xf32, #tpu.memory_space<vmem>>
    %dma_wait3A_407 = tpu.memref_squeeze %dma_wait3A_406 : memref<1x8x128xf32, #tpu.memory_space<vmem>> -> memref<8x128xf32, #tpu.memory_space<vmem>>
    %dma_wait3A_408 = arith.constant 0 : i32
    %dma_wait3A_409 = arith.constant 0 : i32
    %dma_wait3A_410 = tpu.memref_slice %arg4[%dma_wait3A_400, %dma_wait3A_401, %dma_wait3A_402, %dma_wait3A_408, %dma_wait3A_409] : memref<200x4x32x8x128xf32, #tpu.memory_space<hbm>> -> memref<1x1x1x8x128xf32, #tpu.memory_space<hbm>>
    %dma_wait3A_411 = tpu.memref_squeeze %dma_wait3A_410 : memref<1x1x1x8x128xf32, #tpu.memory_space<hbm>> -> memref<8x128xf32, #tpu.memory_space<hbm>>
    %dma_wait3A_412 = tpu.memref_slice %arg9[%dma_wait3A_403] : memref<4x!tpu.dma_semaphore, #tpu.memory_space<semaphore_mem>> -> memref<1x!tpu.dma_semaphore, #tpu.memory_space<semaphore_mem>>
    %dma_wait3A_413 = tpu.memref_squeeze %dma_wait3A_412 : memref<1x!tpu.dma_semaphore, #tpu.memory_space<semaphore_mem>> -> memref<!tpu.dma_semaphore, #tpu.memory_space<semaphore_mem>>
    %dma_wait3A_414 = arith.constant 0 : i32
    %dma_wait3A_415 = arith.constant 0 : i32
    %dma_wait3A_416 = tpu.memref_slice %arg4[%dma_wait3A_400, %dma_wait3A_401, %dma_wait3A_402, %dma_wait3A_414, %dma_wait3A_415] : memref<200x4x32x8x128xf32, #tpu.memory_space<hbm>> -> memref<1x1x1x8x128xf32, #tpu.memory_space<hbm>>
    %dma_wait3A_417 = tpu.memref_squeeze %dma_wait3A_416 : memref<1x1x1x8x128xf32, #tpu.memory_space<hbm>> -> memref<8x128xf32, #tpu.memory_space<hbm>>
    %dma_wait3A_418 = arith.constant 24 : i32
    %dma_wait3A_419 = arith.constant 0 : i32
    %dma_wait3A_420 = tpu.memref_slice %arg7[%dma_wait3A_399, %dma_wait3A_418, %dma_wait3A_419] : memref<4x32x129xf32, #tpu.memory_space<vmem>> -> memref<1x8x128xf32, #tpu.memory_space<vmem>>
    %dma_wait3A_421 = tpu.memref_squeeze %dma_wait3A_420 : memref<1x8x128xf32, #tpu.memory_space<vmem>> -> memref<8x128xf32, #tpu.memory_space<vmem>>
    tpu.wait_dma2 semaphore(%dma_wait3A_413 : memref<!tpu.dma_semaphore, #tpu.memory_space<semaphore_mem>>) src(%dma_wait3A_421 : memref<8x128xf32, #tpu.memory_space<vmem>>) dst(%dma_wait3A_417 : memref<8x128xf32, #tpu.memory_space<hbm>>)
    return
  }
}

</mosaic_0001>

<sc_bundles>
// kernel: _gather.3.cloned.1.call-start
scs
__scs_entry_jumppad:
0x0: {  	(pc) =	sbr.rel $0x88, $3  }
0x1: {  	(tag) =	ssettag $0x0;
	lr =	simm.s32 $0x1  }
0x2: {  	[smem:$0x3F9F] =	sst lr;
	_ =	strace $0xD0000000  }
0x3: {  	_ = 	snop  }
0x4: {  	_ = 	snop  }
0x5: {  	_ = 	snop  }
0x6: {  	_ = 	snop  }
0x7: {  	_ = 	snop  }
__scs_overlays_trampoline_lowered:
0x8: {  	[smem:$0x3FAE] =	sst s0  }
0x9: {  	[smem:$0x3FAF] =	sst s1  }
0xa: {  	[smem:$0x3FB0] =	sst s2  }
0xb: {  	[smem:$0x3FB1] =	sst s3  }
0xc: {  	[smem:$0x3FB2] =	sst s4  }
0xd: {  	[smem:$0x3FB3] =	sst s5  }
0xe: {  	[smem:$0x3FB4] =	sst s6  }
0xf: {  	[smem:$0x3FB5] =	sst s7  }
0x10: {  	[smem:$0x3FB6] =	sst s8  }
0x11: {  	[smem:$0x3FB7] =	sst s9;
	s0 =	simm.s32 @!p0 $0x0  }
0x12: {  	s1 =	sld [smem:$0x3F9D];
	s0 =	simm.s32 @p0 $0x1  }
0x13: {  	[smem:$0x3FB8] =	sst s0;
	s0 =	simm.s32 @!p1 $0x0  }
0x14: {  	s2 =	sld [smem:$0x3F9C];
	s0 =	simm.s32 @p1 $0x1  }
0x15: {  	[smem:$0x3FB9] =	sst s0;
	s0 =	simm.s32 @!p2 $0x0  }
0x16: {  	s3 =	sld [smem:$0x3FDB];
	s0 =	simm.s32 @p2 $0x1  }
0x17: {  	s4 =	simm.s32 $0x1BF5;
	[smem:$0x3FBB] =	sst s0  }
0x18: {  	s0 =	sld [smem:$0x3F9E];
	_ =	swait.ge [sflag:s4], $0x0  }
0x19: {  	s7 =	sld [smem:$0x3F9F]  }
0x1a: {  	s8 =	sadd.s32 $0xFFFFE003, lr  }
0x1b: {  	s9 =	sadd.s32 $0xFFFFFEF7, lr;
	s5 =	simm.s32 $0xFFFFFFFF;
	p2 =	slt.u32 s8, $0xFFFFF086  }
0x1c: {  	p1 =	slt.u32 s9, $0xF7A;
	s5 =	simm.s32 @!p2 $0x0  }
0x1d: {  	s5 =	simm.s32 @p1 $0x1;
	p0 =	seq.s32 s7, s2  }
0x1e: {  	s7 =	smul.u32 @!p0 $0xF7A, s2;
	p2 =	seq.s32 @!p0 s5, $0x0  }
0x1f: {  	s9 =	smul.u32 $0xF7A, s1;
	s8 =	simm.s32 @!p0 $0x1BF5;
	p2 =	por !p2, p0  }
0x20: {  	[sflag:s8] =	ssyncset.s32 @!p0 $0xFFFFF086;
	s6 =	sadd.s32 @!p0 s3, s7;
	s7 =	simm.s32 @!p0 $0x108  }
0x21: {  	s3 =	sadd.s32 s3, s9;
	s6 =	sadd.s32 @!p0 $0x88, s6;
	s7 =	simm.s32 @p2 $0x1082  }
0x22: {  	[simem:s7], [sflag:s8] =	dma.local @!p0 [hbm:s6], $0xF7A  }
0x23: {  	s9 =	sor.u32 $0xD0000000, s2;
	s6 =	simm.s32 $0x108;
	_ =	swait.ge @!p0 [sflag:s8], $0x0  }
0x24: {  	s3 =	sadd.s32 $0x88, s3;
	s6 =	simm.s32 @!p1 $0x1082;
	[sflag:s4] =	ssyncset.s32 $0xFFFFF086  }
0x25: {  	[simem:s6], [sflag:s4] =	dma.local [hbm:s3], $0xF7A  }
0x26: {  	[smem:$0x3F9F] =	sst s1;
	(tag) =	ssettag s2;
	_ =	strace s9  }
0x27: {  	s1 =	sld [smem:$0x3FAF]  }
0x28: {  	s2 =	sld [smem:$0x3FB0]  }
0x29: {  	s4 =	sld [smem:$0x3FB2]  }
0x2a: {  	p0 =	seq.s32 s5, $0x0;
	s5 =	sld [smem:$0x3FB3]  }
0x2b: {  	s6 =	sld [smem:$0x3FB4]  }
0x2c: {  	s7 =	sld [smem:$0x3FB5]  }
0x2d: {  	s3 =	simm.s32 $0x108;
	s8 =	sld [smem:$0x3FB6]  }
0x2e: {  	s3 =	simm.s32 @!p0 $0x1082;
	s9 =	sld [smem:$0x3FB7]  }
0x2f: {  	lr =	sadd.s32 s0, s3;
	s0 =	sld [smem:$0x3FAE]  }
0x30: {  	s3 =	sld [smem:$0x3FB1]  }
0x31: {  	[smem:$0x3FBA] =	sst s10  }
0x32: {  	s10 =	sld [smem:$0x3FB8];
	_ =	sdelay $0x3  }
0x33: {  	p0 =	seq.s32 s10, $0x1;
	s10 =	sld [smem:$0x3FBA];
	_ =	sdelay $0x3  }
0x34: {  	[smem:$0x3FBA] =	sst s10  }
0x35: {  	s10 =	sld [smem:$0x3FB9];
	_ =	sdelay $0x3  }
0x36: {  	p1 =	seq.s32 s10, $0x1;
	s10 =	sld [smem:$0x3FBA];
	_ =	sdelay $0x3  }
0x37: {  	[smem:$0x3FBA] =	sst s10  }
0x38: {  	s10 =	sld [smem:$0x3FBB]  }
0x39: {  	_ = 	snop;
	(pc) =	sbr.ind lr, $3  }
0x3a: {  	_ = 	snop  }
0x3b: {  	_ = 	snop  }
0x3c: {  	p2 =	seq.s32 s10, $0x1;
	s10 =	sld [smem:$0x3FBA]  }
0x3d: {  	_ =	shalt  }
0x3e: {  	_ =	shalt  }
0x3f: {  	_ =	shalt  }
0x40: {  	_ =	shalt  }
0x41: {  	_ =	shalt  }
0x42: {  	_ =	shalt  }
0x43: {  	_ =	shalt  }
0x44: {  	_ =	shalt  }
0x45: {  	_ =	shalt  }
0x46: {  	_ =	shalt  }
0x47: {  	_ =	shalt  }
0x48: {  	_ =	shalt  }
0x49: {  	_ =	shalt  }
0x4a: {  	_ =	shalt  }
0x4b: {  	_ =	shalt  }
0x4c: {  	_ =	shalt  }
0x4d: {  	_ =	shalt  }
0x4e: {  	_ =	shalt  }
0x4f: {  	_ =	shalt  }
0x50: {  	_ =	shalt  }
0x51: {  	_ =	shalt  }
0x52: {  	_ =	shalt  }
0x53: {  	_ =	shalt  }
0x54: {  	_ =	shalt  }
0x55: {  	_ =	shalt  }
0x56: {  	_ =	shalt  }
0x57: {  	_ =	shalt  }
0x58: {  	_ =	shalt  }
0x59: {  	_ =	shalt  }
0x5a: {  	_ =	shalt  }
0x5b: {  	_ =	shalt  }
0x5c: {  	_ =	shalt  }
0x5d: {  	_ =	shalt  }
0x5e: {  	_ =	shalt  }
0x5f: {  	_ =	shalt  }
0x60: {  	_ =	shalt  }
0x61: {  	_ =	shalt  }
0x62: {  	_ =	shalt  }
0x63: {  	_ =	shalt  }
0x64: {  	_ =	shalt  }
0x65: {  	_ =	shalt  }
0x66: {  	_ =	shalt  }
0x67: {  	_ =	shalt  }
0x68: {  	_ =	shalt  }
0x69: {  	_ =	shalt  }
0x6a: {  	_ =	shalt  }
0x6b: {  	_ =	shalt  }
0x6c: {  	_ =	shalt  }
0x6d: {  	_ =	shalt  }
0x6e: {  	_ =	shalt  }
0x6f: {  	_ =	shalt  }
0x70: {  	_ =	shalt  }
0x71: {  	_ =	shalt  }
0x72: {  	_ =	shalt  }
0x73: {  	_ =	shalt  }
0x74: {  	_ =	shalt  }
0x75: {  	_ =	shalt  }
0x76: {  	_ =	shalt  }
0x77: {  	_ =	shalt  }
0x78: {  	_ =	shalt  }
0x79: {  	_ =	shalt  }
0x7a: {  	_ =	shalt  }
0x7b: {  	_ =	shalt  }
0x7c: {  	_ =	shalt  }
0x7d: {  	_ =	shalt  }
0x7e: {  	_ =	shalt  }
0x7f: {  	_ =	shalt  }
0x80: {  	_ =	shalt  }
0x81: {  	_ =	shalt  }
0x82: {  	_ =	shalt  }
0x83: {  	_ =	shalt  }
0x84: {  	_ =	shalt  }
0x85: {  	_ =	shalt  }
0x86: {  	_ =	shalt  }
0x87: {  	_ =	shalt  }
.Lfunc_end0:
.L_simem_size_0:
called_computation_lowered:
.L_overlay_start_0:
0x88: {  	s2 =	sld [smem:$0x3FD9]  }
0x89: {  	s3 =	sld [smem:$0x3FFE];
	_ =	sdelay $0x1  }
0x8a: {  	s1 =	srdreg.scid  }
0x8b: {  	s0 =	sand.u32 $0x1, s1  }
0x8c: {  	s17 =	sshll.u32 s0, $0xA;
	s2 =	sadd.s32 s3, s2  }
0x8d: {  	s2 =	sadd.s32 s2, s17  }
0x8e: {  	[smem:$0x3FC6] =	sst s2  }
0x8f: {  	_ = 	snop  }
0x90: {  	s2 =	sld [smem:$0x3FD0];
	(tm) =	ssettm $0x1  }
0x91: {  	s18 =	sld [smem:$0x3FFB];
	_ =	sdelay $0x3  }
0x92: {  	_ =	strace s18  }
0x93: {  	s3 =	sld [smem:$0x3FFC];
	_ =	sdelay $0x3  }
0x94: {  	_ =	strace s3  }
0x95: {  	s3 =	sld [smem:$0x3FFD];
	_ =	sdelay $0x3  }
0x96: {  	_ =	strace s3  }
0x97: {  	_ =	strace $0x8FFFFFFF  }
0x98: {  	s19 =	sld [smem:$0x3FDB];
	_ =	sdelay $0x1  }
0x99: {  	s4 =	simm.s32 $_scs_section_size  }
0x9a: {  	s5 =	simm.s32 $_size__tile_overlayer_lowered;
	s6 =	simm.s32 $_tile_overlayer_lowered  }
0x9b: {  	s22 =	simm.s32 $0x1BFF;
	s21 =	sshll.u32 s6, $0x1;
	s3 =	sadd.s32 s4, s19  }
0x9c: {  	s7 =	simm.s32 $0x0;
	s20 =	sshll.u32 s5, $0x1;
	s5 =	sadd.s32 s21, s3  }
0x9d: {  	[timem:s7], [sflag:s22] =	dma.local [hbm:s5], s20  }
0x9e: {  	_ =	swait.ge [sflag:s22], s20  }
0x9f: {  	s4 =	ssub.s32 $0x0, s20;
	[sflag:s22] =	ssyncset.done $0x0  }
0xa0: {  	[sflag:s22] =	ssyncadd.s32 s4;
	_ =	sdelay $0x1  }
0xa1: {  	s23 =	simm.s32 $0x1B8B  }
0xa2: {  	_ =	swait.ge [sflag:s23], $0x1  }
0xa3: {  	[sflag:s23] =	ssyncset.done $0x0  }
0xa4: {  	s25 =	simm.s32 $0x1B8E;
	s24 =	sld [smem:$0x3FFE];
	[sflag:s23] =	ssyncadd.s32 $0xFFFFFFFF  }
0xa5: {  	s26 =	simm.s32 $execute0_lowered;
	[smem:$0x3FD2] =	sst s25  }
0xa6: {  	s5 =	sshll.u32 s26, $0x1;
	_ =	strace $0x80000046;
	[dreg:$0x1] =	wrdreg $0xFFFFFFFF  }
0xa7: {  	s28 =	simm.s32 $_size_execute0_lowered;
	s3 =	sadd.s32 s3, s5;
	[dreg:$0x0] =	wrdreg $0x0  }
0xa8: {  	s5 =	sshll.u32 s28, $0x1;
	[dreg:$0x2] =	wrdreg s3  }
0xa9: {  	[dreg:$0x3] =	wrdreg s5  }
0xaa: {  	[dreg:$0x4] =	wrdreg $0xC0  }
0xab: {  	_ =	task [dreg:s7], $0x5FFFF  }
0xac: {  	[dreg:$0x1] =	wrdreg $0xFFFFFFFF  }
0xad: {  	[dreg:$0x0] =	wrdreg $0x60  }
0xae: {  	[dreg:$0x2] =	wrdreg s24  }
0xaf: {  	[dreg:$0x3] =	wrdreg s2  }
0xb0: {  	[dreg:$0x4] =	wrdreg $0x9  }
0xb1: {  	_ =	task.clear_ibuf [dreg:s7], $0x5FFFF;
	_ =	strace $0x90000046  }
0xb2: {  	s29 =	simm.s32 $0x9;
	_ =	strace $0x80000048  }
0xb3: {  	_ =	swait.ge [sflag:s29], $0x1  }
0xb4: {  	[sflag:s29] =	ssyncadd.s32 $0xFFFFFFFF  }
0xb5: {  	_ =	strace $0x90000048  }
0xb6: {  	_ =	sfence  }
0xb7: {  	s30 =	sld [smem:$0x0];
	_ =	sdelay $0x2  }
0xb8: {  	s31 =	sshll.u32 s1, $0xD;
	s1 =	sshrl.u32 s1, $0x2  }
0xb9: {  	s3 =	sand.u32 $0x4000, s31;
	s1 =	sadd.s32 s1, s30  }
0xba: {  	s0 =	sor.u32 s3, s0;
	s1 =	sshll.u32 s1, $0x11  }
0xbb: {  	s0 =	sor.u32 s1, s0  }
0xbc: {  	s0 =	sadd.s32 $0x8F2B, s0  }
0xbd: {  	[sflag:s0] =	ssyncadd.remote.s32 $0x1  }
0xbe: {  	_ =	sfence.sel $0xFFFF  }
0xbf: {  	[dreg:$0x0] =	wrdreg $0xFFFFFFFF;
	(pc) =	sbr.abs _section_cstart, $3  }
0xc0: {  	[dreg:$0x1] =	wrdreg $0xFFFFFFFF  }
0xc1: {  	_ =	task.clear_ibuf [dreg:s7], $0x2FFFF;
	_ =	strace $0x9FFFFFFF  }
0xc2: {  	(tm) =	ssettm $0x7FFFFFFF  }
0xc3: {  	_ =	shalt  }
tec
execute0_lowered:
.L_overlay_start_1:
0x0: {  	(tag) =	ssettag $0x1  }
0x1: {  	s0 =	rddreg [dreg:$0x0]  }
0x2: {  	s17 =	rddreg [dreg:$0x1]  }
0x3: {  	s1 =	srdreg.scid;
	s2 =	stileid.u32;
	s3 =	simm.s32 $0x0  }
0x4: {  	s19 =	simm.s32 $0x80;
	s26 =	simm.s32 $0x1;
	s28 =	simm.s32 $0xA400;
	v0 =	vlaneseq.u32  }
0x5: {  	s24 =	simm.s32 $0x2;
	s20 =	simm.s32 $0x7;
	s18 =	simm.s32 $0xC600;
	v0 =	vmul.u32 $0x88, v0  }
0x6: {  	s21 =	simm.s32 $0x8;
	s22 =	simm.s32 $0xD700;
	s23 =	simm.s32 $0x0  }
0x7: {  	s1 =	sand.u32 $0x1, s1;
	s2 =	sshll.u32 s2, $0x1;
	[smem:$0x7FF] =	sst s3;
	v1 =	vadd.s32 $0x880, v0  }
0x8: {  	s7 =	sadd.s32 $0x1000, s17;
	s8 =	sadd.s32 $0x2000, s17;
	s9 =	sadd.s32 $0x3000, s17;
	v2 =	vor.u32 $0x1, v0;
	v3 =	vadd.s32 $0x881, v0;
	v4 =	vor.u32 $0x2, v0  }
0x9: {  	s31 =	sadd.s32 $0x4000, s17;
	s11 =	sadd.s32 $0x5000, s17;
	s12 =	sadd.s32 $0x6000, s17;
	v5 =	vadd.s32 $0x882, v0;
	v6 =	vor.u32 $0x3, v0;
	v7 =	vadd.s32 $0x883, v0  }
0xa: {  	s13 =	sadd.s32 $0x7000, s17;
	s14 =	sadd.s32 $0x8000, s17;
	s15 =	sadd.s32 $0x9000, s17;
	v8 =	vor.u32 $0x4, v0;
	v9 =	vadd.s32 $0x884, v0;
	v10 =	vor.u32 $0x5, v0  }
0xb: {  	s16 =	sadd.s32 $0xA000, s17;
	s10 =	smov.u32 s17;
	s17 =	sadd.s32 $0xB000, s17;
	v11 =	vadd.s32 $0x885, v0;
	v12 =	vor.u32 $0x6, v0;
	v13 =	vadd.s32 $0x886, v0  }
0xc: {  	s2 =	sor.u32 s1, s2;
	s1 =	ssub.s32 $0x2, s1;
	_ =	strace $0x80000047;
	v14 =	vor.u32 $0x7, v0;
	v15 =	vadd.s32 $0x887, v0;
	v16 =	vadd.s32 $0x8, v0  }
.Ltmp0:
0xd: {  	[dreg:$0x4] =	wrdreg s31;
	s4 =	sshll.u32 s2, $0x4;
	v17 =	vadd.s32 $0x888, v0;
	v18 =	vadd.s32 $0x9, v0;
	v19 =	vadd.s32 $0x889, v0;
	(pc) =	sbr.rel .LBB2_1-.Ltmp0, $4  }
0xe: {  	s5 =	sshrl.u32 s1, $0x1;
	v20 =	vadd.s32 $0xA, v0;
	v21 =	vadd.s32 $0x88A, v0;
	v22 =	vadd.s32 $0xB, v0;
	s6 =	sadd.s32 s4, s0;
	s4 =	sadd.s32 $0xF42A00, s0  }
0xf: {  	v23 =	vadd.s32 $0x88B, v0;
	v24 =	vadd.s32 $0xC, v0;
	v25 =	vadd.s32 $0x88C, v0;
	s29 =	ssub.s32 s1, s5;
	s5 =	simm.s32 $0xB500;
	s30 =	sadd.s32 $0x600, s6  }
0x10: {  	v26 =	vadd.s32 $0xD, v0;
	v27 =	vadd.s32 $0x88D, v0;
	v28 =	vadd.s32 $0xE, v0;
	s1 =	simm.s32 $0x3;
	s0 =	smax.u32 s29, $0x1;
	[dreg:$0x3] =	wrdreg s30  }
0x11: {  	v29 =	vadd.s32 $0x88E, v0;
	v30 =	vadd.s32 $0xF, v0;
	v31 =	vadd.s32 $0x88F, v0;
	s6 =	sshll.u32 s2, $0xA;
	[dreg:$0x5] =	wrdreg s0;
	s0 =	simm.s32 $0x4  }
.LBB2_20:
0x12: {  	s2 =	simm.s32 $0x5  }
0x13: {  	_ =	swait.ge [sflag:s2], $0x400  }
0x14: {  	[sflag:s2] =	ssyncset.done $0x0  }
0x15: {  	[sflag:s2] =	ssyncadd.s32 $0xFFFFFC00  }
0x16: {  	_ =	swait.ge [sflag:s2], $0x400  }
0x17: {  	[sflag:s2] =	ssyncset.done $0x0  }
0x18: {  	[sflag:s2] =	ssyncadd.s32 $0xFFFFFC00  }
0x19: {  	_ =	swait.ge [sflag:s2], $0x400  }
0x1a: {  	[sflag:s2] =	ssyncset.done $0x0  }
0x1b: {  	[sflag:s2] =	ssyncadd.s32 $0xFFFFFC00  }
0x1c: {  	_ =	swait.ge [sflag:s2], $0x400  }
0x1d: {  	[sflag:s2] =	ssyncset.done $0x0  }
0x1e: {  	s30 =	simm.s32 $0x6;
	[sflag:s2] =	ssyncadd.s32 $0xFFFFFC00  }
0x1f: {  	_ =	swait.ge [sflag:s30], $0x400  }
0x20: {  	[sflag:s30] =	ssyncset.done $0x0  }
0x21: {  	[sflag:s30] =	ssyncadd.s32 $0xFFFFFC00  }
0x22: {  	_ =	swait.ge [sflag:s30], $0x400  }
0x23: {  	[sflag:s30] =	ssyncset.done $0x0  }
0x24: {  	[sflag:s30] =	ssyncadd.s32 $0xFFFFFC00  }
0x25: {  	_ =	swait.ge [sflag:s30], $0x400  }
0x26: {  	[sflag:s30] =	ssyncset.done $0x0  }
0x27: {  	[sflag:s30] =	ssyncadd.s32 $0xFFFFFC00  }
0x28: {  	_ =	swait.ge [sflag:s30], $0x400  }
0x29: {  	[sflag:s30] =	ssyncset.done $0x0  }
0x2a: {  	[sflag:s30] =	ssyncadd.s32 $0xFFFFFC00  }
0x2b: {  	_ =	swait.ge [sflag:s20], $0x400  }
0x2c: {  	[sflag:s20] =	ssyncset.done $0x0  }
0x2d: {  	[sflag:s20] =	ssyncadd.s32 $0xFFFFFC00  }
0x2e: {  	_ =	swait.ge [sflag:s20], $0x400  }
0x2f: {  	[sflag:s20] =	ssyncset.done $0x0  }
0x30: {  	[sflag:s20] =	ssyncadd.s32 $0xFFFFFC00  }
0x31: {  	_ =	swait.ge [sflag:s20], $0x400  }
0x32: {  	[sflag:s20] =	ssyncset.done $0x0  }
0x33: {  	[sflag:s20] =	ssyncadd.s32 $0xFFFFFC00  }
0x34: {  	_ =	swait.ge [sflag:s20], $0x400  }
0x35: {  	[sflag:s20] =	ssyncset.done $0x0  }
0x36: {  	[sflag:s20] =	ssyncadd.s32 $0xFFFFFC00  }
0x37: {  	_ =	swait.ge [sflag:s21], $0x400  }
0x38: {  	[sflag:s21] =	ssyncset.done $0x0  }
0x39: {  	[sflag:s21] =	ssyncadd.s32 $0xFFFFFC00  }
0x3a: {  	_ =	swait.ge [sflag:s21], $0x400  }
0x3b: {  	[sflag:s21] =	ssyncset.done $0x0  }
0x3c: {  	[sflag:s21] =	ssyncadd.s32 $0xFFFFFC00  }
0x3d: {  	_ =	swait.ge [sflag:s21], $0x400  }
0x3e: {  	[sflag:s21] =	ssyncset.done $0x0  }
0x3f: {  	[sflag:s21] =	ssyncadd.s32 $0xFFFFFC00  }
0x40: {  	_ =	swait.ge [sflag:s21], $0x400  }
0x41: {  	s23 =	rddreg [dreg:$0x6]  }
0x42: {  	s31 =	rddreg [dreg:$0x5];
	s23 =	sadd.s32 $0x1, s23  }
0x43: {  	p0 =	sne.s32 s23, s31  }
.Ltmp1:
0x44: {  	_ = 	snop;
	(pc) =	sbr.rel @!p0 .LBB2_21-.Ltmp1, $3  }
0x45: {  	_ =	sdelay $0x1  }
0x46: {  	[sflag:s21] =	ssyncset.done $0x0  }
0x47: {  	[sflag:s21] =	ssyncadd.s32 $0xFFFFFC00  }
.LBB2_1:
0x48: {  	[dreg:$0x6] =	wrdreg s23  }
0x49: {  	s2 =	rddreg [dreg:$0x3];
	s31 =	simm.s32 $0x1000;
	s23 =	simm.s32 $0x9  }
0x4a: {  	[tilespmem:s3], [sflag:$0x9] =	stream.strided.gather [hbm4b:s2+s19], $0x6400, s31, s19, $0x38;
	[tilespmem:$0xE800] =	vst v63  }
0x4b: {  	_ =	swait.ge [sflag:s23], $0x6400  }
0x4c: {  	[sflag:s23] =	ssyncset.done $0x0  }
0x4d: {  	s25 =	simm.s32 $0x6400;
	[sflag:s23] =	ssyncadd.s32 $0xFFFF9C00  }
0x4e: {  	[tilespmem:s25], [sflag:$0x1] =	stream.indirect.gather [hbm4b:s4+s19], $0x20, s3, s19, $0xb8;
	[tilespmem:$0xE800] =	vst v63  }
0x4f: {  	s29 =	simm.s32 $0x7400  }
0x50: {  	[tilespmem:s29], [sflag:$0x2] =	stream.indirect.gather [hbm4b:s4+s19], $0x20, s19, s19, $0xb8;
	[tilespmem:$0xE800] =	vst v63  }
0x51: {  	s30 =	simm.s32 $0x100;
	s31 =	simm.s32 $0x8400;
	s25 =	simm.s32 $0x0  }
0x52: {  	[tilespmem:s31], [sflag:$0x3] =	stream.indirect.gather [hbm4b:s4+s19], $0x20, s30, s19, $0xb8;
	[tilespmem:$0xE800] =	vst v63  }
.LBB2_2:
0x53: {  	_ =	swait.ge [sflag:s26], $0x1000  }
0x54: {  	p0 =	seq.s32 s25, $0x0;
	[sflag:s26] =	ssyncset.done $0x0  }
0x55: {  	s2 =	simm.s32 @!p0 $0x5;
	[sflag:s26] =	ssyncadd.s32 $0xFFFFF000  }
0x56: {  	_ =	swait.ge @!p0 [sflag:s2], $0x400  }
0x57: {  	[sflag:s2] =	ssyncset.done @!p0 $0x0  }
0x58: {  	[sflag:s2] =	ssyncadd.s32 @!p0 $0xFFFFFC00  }
0x59: {  	_ =	swait.ge @!p0 [sflag:s2], $0x400  }
0x5a: {  	[sflag:s2] =	ssyncset.done @!p0 $0x0  }
0x5b: {  	[sflag:s2] =	ssyncadd.s32 @!p0 $0xFFFFFC00  }
0x5c: {  	_ =	swait.ge @!p0 [sflag:s2], $0x400  }
0x5d: {  	[sflag:s2] =	ssyncset.done @!p0 $0x0  }
0x5e: {  	[sflag:s2] =	ssyncadd.s32 @!p0 $0xFFFFFC00  }
0x5f: {  	_ =	swait.ge @!p0 [sflag:s2], $0x400  }
0x60: {  	[sflag:s2] =	ssyncset.done @!p0 $0x0  }
0x61: {  	s23 =	simm.s32 $0x0;
	s29 =	simm.s32 $0x6500;
	[sflag:s2] =	ssyncadd.s32 @!p0 $0xFFFFFC00  }
0x62: {  	v33 =	vadd.s32 s23, v0;
	v32 =	vld [tilespmem:s29+$0xFFFFFF00]  }
0x63: {  	v35 =	vadd.s32 s23, v1;
	v34 =	vld [tilespmem:s29+$0xFFFFFF10];
	_ =	sdelay $0x3  }
0x64: {  	[tilespmem:v33+s28+$0x0] =	vst.idx.msk $0xffff, v32  }
0x65: {  	[tilespmem:v35+s28+$0x0] =	vst.idx.msk $0xffff, v34  }
0x66: {  	v63 =	vadd.s32 s23, v2;
	v32 =	vld [tilespmem:s29+$0xFFFFFF20]  }
0x67: {  	v36 =	vadd.s32 s23, v3;
	v34 =	vld [tilespmem:s29+$0xFFFFFF30];
	_ =	sdelay $0x3  }
0x68: {  	[tilespmem:v63+s28+$0x0] =	vst.idx.msk $0xffff, v32  }
0x69: {  	[tilespmem:v36+s28+$0x0] =	vst.idx.msk $0xffff, v34  }
0x6a: {  	v37 =	vadd.s32 s23, v4;
	v32 =	vld [tilespmem:s29+$0xFFFFFF40]  }
0x6b: {  	v38 =	vadd.s32 s23, v5;
	v34 =	vld [tilespmem:s29+$0xFFFFFF50];
	_ =	sdelay $0x3  }
0x6c: {  	[tilespmem:v37+s28+$0x0] =	vst.idx.msk $0xffff, v32  }
0x6d: {  	[tilespmem:v38+s28+$0x0] =	vst.idx.msk $0xffff, v34  }
0x6e: {  	v39 =	vadd.s32 s23, v6;
	v32 =	vld [tilespmem:s29+$0xFFFFFF60]  }
0x6f: {  	v40 =	vadd.s32 s23, v7;
	v34 =	vld [tilespmem:s29+$0xFFFFFF70];
	_ =	sdelay $0x3  }
0x70: {  	[tilespmem:v39+s28+$0x0] =	vst.idx.msk $0xffff, v32  }
0x71: {  	[tilespmem:v40+s28+$0x0] =	vst.idx.msk $0xffff, v34  }
0x72: {  	v41 =	vadd.s32 s23, v8;
	v32 =	vld [tilespmem:s29+$0xFFFFFF80]  }
0x73: {  	v42 =	vadd.s32 s23, v9;
	v34 =	vld [tilespmem:s29+$0xFFFFFF90];
	_ =	sdelay $0x3  }
0x74: {  	[tilespmem:v41+s28+$0x0] =	vst.idx.msk $0xffff, v32  }
0x75: {  	[tilespmem:v42+s28+$0x0] =	vst.idx.msk $0xffff, v34  }
0x76: {  	v43 =	vadd.s32 s23, v10;
	v32 =	vld [tilespmem:s29+$0xFFFFFFA0]  }
0x77: {  	v44 =	vadd.s32 s23, v11;
	v34 =	vld [tilespmem:s29+$0xFFFFFFB0];
	_ =	sdelay $0x3  }
0x78: {  	[tilespmem:v43+s28+$0x0] =	vst.idx.msk $0xffff, v32  }
0x79: {  	[tilespmem:v44+s28+$0x0] =	vst.idx.msk $0xffff, v34  }
0x7a: {  	v45 =	vadd.s32 s23, v12;
	v32 =	vld [tilespmem:s29+$0xFFFFFFC0]  }
0x7b: {  	v46 =	vadd.s32 s23, v13;
	v34 =	vld [tilespmem:s29+$0xFFFFFFD0];
	_ =	sdelay $0x3  }
0x7c: {  	[tilespmem:v45+s28+$0x0] =	vst.idx.msk $0xffff, v32  }
0x7d: {  	[tilespmem:v46+s28+$0x0] =	vst.idx.msk $0xffff, v34  }
0x7e: {  	v47 =	vadd.s32 s23, v14;
	v32 =	vld [tilespmem:s29+$0xFFFFFFE0]  }
0x7f: {  	v48 =	vadd.s32 s23, v15;
	v34 =	vld [tilespmem:s29+$0xFFFFFFF0];
	_ =	sdelay $0x3  }
0x80: {  	[tilespmem:v47+s28+$0x0] =	vst.idx.msk $0xffff, v32  }
0x81: {  	[tilespmem:v48+s28+$0x0] =	vst.idx.msk $0xffff, v34  }
0x82: {  	v49 =	vadd.s32 s23, v16;
	v32 =	vld [tilespmem:s29+$0x0]  }
0x83: {  	v50 =	vadd.s32 s23, v17;
	v34 =	vld [tilespmem:s29+$0x10];
	_ =	sdelay $0x3  }
0x84: {  	[tilespmem:v49+s28+$0x0] =	vst.idx.msk $0xffff, v32  }
0x85: {  	[tilespmem:v50+s28+$0x0] =	vst.idx.msk $0xffff, v34  }
0x86: {  	v51 =	vadd.s32 s23, v18;
	v32 =	vld [tilespmem:s29+$0x20]  }
0x87: {  	v52 =	vadd.s32 s23, v19;
	v34 =	vld [tilespmem:s29+$0x30];
	_ =	sdelay $0x3  }
0x88: {  	[tilespmem:v51+s28+$0x0] =	vst.idx.msk $0xffff, v32  }
0x89: {  	[tilespmem:v52+s28+$0x0] =	vst.idx.msk $0xffff, v34  }
0x8a: {  	v53 =	vadd.s32 s23, v20;
	v32 =	vld [tilespmem:s29+$0x40]  }
0x8b: {  	v54 =	vadd.s32 s23, v21;
	v34 =	vld [tilespmem:s29+$0x50];
	_ =	sdelay $0x3  }
0x8c: {  	[tilespmem:v53+s28+$0x0] =	vst.idx.msk $0xffff, v32  }
0x8d: {  	[tilespmem:v54+s28+$0x0] =	vst.idx.msk $0xffff, v34  }
0x8e: {  	v55 =	vadd.s32 s23, v22;
	v32 =	vld [tilespmem:s29+$0x60]  }
0x8f: {  	v56 =	vadd.s32 s23, v23;
	v34 =	vld [tilespmem:s29+$0x70];
	_ =	sdelay $0x3  }
0x90: {  	[tilespmem:v55+s28+$0x0] =	vst.idx.msk $0xffff, v32  }
0x91: {  	[tilespmem:v56+s28+$0x0] =	vst.idx.msk $0xffff, v34  }
0x92: {  	v57 =	vadd.s32 s23, v24;
	v32 =	vld [tilespmem:s29+$0x80]  }
0x93: {  	v58 =	vadd.s32 s23, v25;
	v34 =	vld [tilespmem:s29+$0x90];
	_ =	sdelay $0x3  }
0x94: {  	[tilespmem:v57+s28+$0x0] =	vst.idx.msk $0xffff, v32  }
0x95: {  	[tilespmem:v58+s28+$0x0] =	vst.idx.msk $0xffff, v34  }
0x96: {  	v59 =	vadd.s32 s23, v26;
	v32 =	vld [tilespmem:s29+$0xA0]  }
0x97: {  	v60 =	vadd.s32 s23, v27;
	v34 =	vld [tilespmem:s29+$0xB0];
	_ =	sdelay $0x3  }
0x98: {  	[tilespmem:v59+s28+$0x0] =	vst.idx.msk $0xffff, v32  }
0x99: {  	[tilespmem:v60+s28+$0x0] =	vst.idx.msk $0xffff, v34  }
0x9a: {  	v61 =	vadd.s32 s23, v28;
	v32 =	vld [tilespmem:s29+$0xC0]  }
0x9b: {  	v62 =	vadd.s32 s23, v29;
	v34 =	vld [tilespmem:s29+$0xD0];
	_ =	sdelay $0x3  }
0x9c: {  	[tilespmem:v61+s28+$0x0] =	vst.idx.msk $0xffff, v32  }
0x9d: {  	[tilespmem:v62+s28+$0x0] =	vst.idx.msk $0xffff, v34  }
0x9e: {  	v63 =	vadd.s32 s23, v30;
	v34 =	vld [tilespmem:s29+$0xE0];
	_ =	sdelay $0x1  }
0x9f: {  	v33 =	vadd.s32 s23, v31;
	v32 =	vld [tilespmem:s29+$0xF0];
	_ =	sdelay $0x2  }
0xa0: {  	s31 =	sshll.u32 s25, $0x2;
	s30 =	simm.s32 $0x10;
	[tilespmem:v63+s28+$0x0] =	vst.idx.msk $0xffff, v34  }
.LBB2_3:
0xa1: {  	p1 =	sne.s32 s30, $0x70  }
0xa2: {  	[tilespmem:v33+s28+$0x0] =	vst.idx.msk $0xffff, v32;
	s29 =	sadd.s32 $0x200, s29;
	s23 =	smov.u32 s30;
	s30 =	sadd.s32 $0x10, s30  }
0xa3: {  	v32 =	vld [tilespmem:s29+$0xFFFFFF00];
	v33 =	vadd.s32 s23, v0  }
0xa4: {  	v35 =	vadd.s32 s23, v1;
	v34 =	vld [tilespmem:s29+$0xFFFFFF10];
	_ =	sdelay $0x3  }
0xa5: {  	[tilespmem:v33+s28+$0x0] =	vst.idx.msk $0xffff, v32  }
0xa6: {  	[tilespmem:v35+s28+$0x0] =	vst.idx.msk $0xffff, v34  }
0xa7: {  	v33 =	vadd.s32 s23, v2;
	v32 =	vld [tilespmem:s29+$0xFFFFFF20]  }
0xa8: {  	v35 =	vadd.s32 s23, v3;
	v34 =	vld [tilespmem:s29+$0xFFFFFF30];
	_ =	sdelay $0x3  }
0xa9: {  	[tilespmem:v33+s28+$0x0] =	vst.idx.msk $0xffff, v32  }
0xaa: {  	[tilespmem:v35+s28+$0x0] =	vst.idx.msk $0xffff, v34  }
0xab: {  	v33 =	vadd.s32 s23, v4;
	v32 =	vld [tilespmem:s29+$0xFFFFFF40]  }
0xac: {  	v35 =	vadd.s32 s23, v5;
	v34 =	vld [tilespmem:s29+$0xFFFFFF50];
	_ =	sdelay $0x3  }
0xad: {  	[tilespmem:v33+s28+$0x0] =	vst.idx.msk $0xffff, v32  }
0xae: {  	[tilespmem:v35+s28+$0x0] =	vst.idx.msk $0xffff, v34  }
0xaf: {  	v33 =	vadd.s32 s23, v6;
	v32 =	vld [tilespmem:s29+$0xFFFFFF60]  }
0xb0: {  	v35 =	vadd.s32 s23, v7;
	v34 =	vld [tilespmem:s29+$0xFFFFFF70];
	_ =	sdelay $0x3  }
0xb1: {  	[tilespmem:v33+s28+$0x0] =	vst.idx.msk $0xffff, v32  }
0xb2: {  	[tilespmem:v35+s28+$0x0] =	vst.idx.msk $0xffff, v34  }
0xb3: {  	v33 =	vadd.s32 s23, v8;
	v32 =	vld [tilespmem:s29+$0xFFFFFF80]  }
0xb4: {  	v35 =	vadd.s32 s23, v9;
	v34 =	vld [tilespmem:s29+$0xFFFFFF90];
	_ =	sdelay $0x3  }
0xb5: {  	[tilespmem:v33+s28+$0x0] =	vst.idx.msk $0xffff, v32  }
0xb6: {  	[tilespmem:v35+s28+$0x0] =	vst.idx.msk $0xffff, v34  }
0xb7: {  	v33 =	vadd.s32 s23, v10;
	v32 =	vld [tilespmem:s29+$0xFFFFFFA0]  }
0xb8: {  	v35 =	vadd.s32 s23, v11;
	v34 =	vld [tilespmem:s29+$0xFFFFFFB0];
	_ =	sdelay $0x3  }
0xb9: {  	[tilespmem:v33+s28+$0x0] =	vst.idx.msk $0xffff, v32  }
0xba: {  	[tilespmem:v35+s28+$0x0] =	vst.idx.msk $0xffff, v34  }
0xbb: {  	v33 =	vadd.s32 s23, v12;
	v32 =	vld [tilespmem:s29+$0xFFFFFFC0]  }
0xbc: {  	v35 =	vadd.s32 s23, v13;
	v34 =	vld [tilespmem:s29+$0xFFFFFFD0];
	_ =	sdelay $0x3  }
0xbd: {  	[tilespmem:v33+s28+$0x0] =	vst.idx.msk $0xffff, v32  }
0xbe: {  	[tilespmem:v35+s28+$0x0] =	vst.idx.msk $0xffff, v34  }
0xbf: {  	v33 =	vadd.s32 s23, v14;
	v32 =	vld [tilespmem:s29+$0xFFFFFFE0]  }
0xc0: {  	v35 =	vadd.s32 s23, v15;
	v34 =	vld [tilespmem:s29+$0xFFFFFFF0];
	_ =	sdelay $0x3  }
0xc1: {  	[tilespmem:v33+s28+$0x0] =	vst.idx.msk $0xffff, v32  }
0xc2: {  	[tilespmem:v35+s28+$0x0] =	vst.idx.msk $0xffff, v34  }
0xc3: {  	v33 =	vadd.s32 s23, v16;
	v32 =	vld [tilespmem:s29+$0x0]  }
0xc4: {  	v35 =	vadd.s32 s23, v17;
	v34 =	vld [tilespmem:s29+$0x10];
	_ =	sdelay $0x3  }
0xc5: {  	[tilespmem:v33+s28+$0x0] =	vst.idx.msk $0xffff, v32  }
0xc6: {  	[tilespmem:v35+s28+$0x0] =	vst.idx.msk $0xffff, v34  }
0xc7: {  	v33 =	vadd.s32 s23, v18;
	v32 =	vld [tilespmem:s29+$0x20]  }
0xc8: {  	v35 =	vadd.s32 s23, v19;
	v34 =	vld [tilespmem:s29+$0x30];
	_ =	sdelay $0x3  }
0xc9: {  	[tilespmem:v33+s28+$0x0] =	vst.idx.msk $0xffff, v32  }
0xca: {  	[tilespmem:v35+s28+$0x0] =	vst.idx.msk $0xffff, v34  }
0xcb: {  	v33 =	vadd.s32 s23, v20;
	v32 =	vld [tilespmem:s29+$0x40]  }
0xcc: {  	v35 =	vadd.s32 s23, v21;
	v34 =	vld [tilespmem:s29+$0x50];
	_ =	sdelay $0x3  }
0xcd: {  	[tilespmem:v33+s28+$0x0] =	vst.idx.msk $0xffff, v32  }
0xce: {  	[tilespmem:v35+s28+$0x0] =	vst.idx.msk $0xffff, v34  }
0xcf: {  	v33 =	vadd.s32 s23, v22;
	v32 =	vld [tilespmem:s29+$0x60]  }
0xd0: {  	v35 =	vadd.s32 s23, v23;
	v34 =	vld [tilespmem:s29+$0x70];
	_ =	sdelay $0x3  }
0xd1: {  	[tilespmem:v33+s28+$0x0] =	vst.idx.msk $0xffff, v32  }
0xd2: {  	[tilespmem:v35+s28+$0x0] =	vst.idx.msk $0xffff, v34  }
0xd3: {  	v33 =	vadd.s32 s23, v24;
	v32 =	vld [tilespmem:s29+$0x80]  }
0xd4: {  	v35 =	vadd.s32 s23, v25;
	v34 =	vld [tilespmem:s29+$0x90];
	_ =	sdelay $0x3  }
0xd5: {  	[tilespmem:v33+s28+$0x0] =	vst.idx.msk $0xffff, v32  }
0xd6: {  	[tilespmem:v35+s28+$0x0] =	vst.idx.msk $0xffff, v34  }
0xd7: {  	v33 =	vadd.s32 s23, v26;
	v32 =	vld [tilespmem:s29+$0xA0]  }
0xd8: {  	v35 =	vadd.s32 s23, v27;
	v34 =	vld [tilespmem:s29+$0xB0];
	_ =	sdelay $0x3  }
0xd9: {  	[tilespmem:v33+s28+$0x0] =	vst.idx.msk $0xffff, v32  }
0xda: {  	[tilespmem:v35+s28+$0x0] =	vst.idx.msk $0xffff, v34  }
0xdb: {  	v33 =	vadd.s32 s23, v28;
	v32 =	vld [tilespmem:s29+$0xC0]  }
0xdc: {  	v35 =	vadd.s32 s23, v29;
	v34 =	vld [tilespmem:s29+$0xD0];
	_ =	sdelay $0x3  }
0xdd: {  	[tilespmem:v33+s28+$0x0] =	vst.idx.msk $0xffff, v32  }
0xde: {  	[tilespmem:v35+s28+$0x0] =	vst.idx.msk $0xffff, v34  }
0xdf: {  	v35 =	vadd.s32 s23, v30;
	v34 =	vld [tilespmem:s29+$0xE0]  }
.Ltmp2:
0xe0: {  	v33 =	vadd.s32 s23, v31;
	v32 =	vld [tilespmem:s29+$0xF0];
	(pc) =	sbr.rel @p1 .LBB2_3-.Ltmp2, $2  }
0xe1: {  	_ =	sdelay $0x2  }
0xe2: {  	[tilespmem:v35+s28+$0x0] =	vst.idx.msk $0xffff, v34  }
0xe3: {  	_ = 	snop  }
0xe4: {  	s2 =	sshll.u32 s25, $0x13  }
0xe5: {  	s2 =	sor.u32 s6, s2  }
0xe6: {  	s30 =	sshrl.u32 s2, $0x3  }
0xe7: {  	[tilespmem:v33+s28+$0x0] =	vst.idx.msk $0xffff, v32;
	s2 =	sadd.s32 s10, s30  }
0xe8: {  	[hbm4b:s2+s3] =	stream.linear.scatter [tilespmem:s28], [sflag:$0x5], $0x80, $0x38;
	[tilespmem:$0xE800] =	vst v63  }
0xe9: {  	s29 =	simm.s32 $0xA488;
	s23 =	sadd.s32 $0x10, s2  }
0xea: {  	[hbm4b:s23+s3] =	stream.linear.scatter [tilespmem:s29], [sflag:$0x5], $0x80, $0x38;
	[tilespmem:$0xE800] =	vst v63  }
0xeb: {  	s23 =	sadd.s32 $0x20, s2;
	s29 =	simm.s32 $0xA510  }
0xec: {  	[hbm4b:s23+s3] =	stream.linear.scatter [tilespmem:s29], [sflag:$0x5], $0x80, $0x38;
	[tilespmem:$0xE800] =	vst v63  }
0xed: {  	s23 =	sadd.s32 $0x30, s2;
	s29 =	simm.s32 $0xA598  }
0xee: {  	[hbm4b:s23+s3] =	stream.linear.scatter [tilespmem:s29], [sflag:$0x5], $0x80, $0x38;
	[tilespmem:$0xE800] =	vst v63  }
0xef: {  	s23 =	sadd.s32 $0x40, s2;
	s29 =	simm.s32 $0xA620  }
0xf0: {  	[hbm4b:s23+s3] =	stream.linear.scatter [tilespmem:s29], [sflag:$0x5], $0x80, $0x38;
	[tilespmem:$0xE800] =	vst v63  }
0xf1: {  	s23 =	sadd.s32 $0x50, s2;
	s29 =	simm.s32 $0xA6A8  }
0xf2: {  	[hbm4b:s23+s3] =	stream.linear.scatter [tilespmem:s29], [sflag:$0x5], $0x80, $0x38;
	[tilespmem:$0xE800] =	vst v63  }
0xf3: {  	s23 =	sadd.s32 $0x60, s2;
	s29 =	simm.s32 $0xA730  }
0xf4: {  	[hbm4b:s23+s3] =	stream.linear.scatter [tilespmem:s29], [sflag:$0x5], $0x80, $0x38;
	[tilespmem:$0xE800] =	vst v63  }
0xf5: {  	s2 =	sadd.s32 $0x70, s2;
	s23 =	simm.s32 $0xA7B8  }
0xf6: {  	[hbm4b:s2+s3] =	stream.linear.scatter [tilespmem:s23], [sflag:$0x5], $0x80, $0x38;
	[tilespmem:$0xE800] =	vst v63  }
0xf7: {  	s2 =	sadd.s32 s30, s7;
	s23 =	simm.s32 $0xA840  }
0xf8: {  	[hbm4b:s2+s3] =	stream.linear.scatter [tilespmem:s23], [sflag:$0x5], $0x80, $0x38;
	[tilespmem:$0xE800] =	vst v63  }
0xf9: {  	s29 =	simm.s32 $0xA8C8;
	s23 =	sadd.s32 $0x10, s2  }
0xfa: {  	[hbm4b:s23+s3] =	stream.linear.scatter [tilespmem:s29], [sflag:$0x5], $0x80, $0x38;
	[tilespmem:$0xE800] =	vst v63  }
0xfb: {  	s23 =	sadd.s32 $0x20, s2;
	s29 =	simm.s32 $0xA950  }
0xfc: {  	[hbm4b:s23+s3] =	stream.linear.scatter [tilespmem:s29], [sflag:$0x5], $0x80, $0x38;
	[tilespmem:$0xE800] =	vst v63  }
0xfd: {  	s23 =	sadd.s32 $0x30, s2;
	s29 =	simm.s32 $0xA9D8  }
0xfe: {  	[hbm4b:s23+s3] =	stream.linear.scatter [tilespmem:s29], [sflag:$0x5], $0x80, $0x38;
	[tilespmem:$0xE800] =	vst v63  }
0xff: {  	s23 =	sadd.s32 $0x40, s2;
	s29 =	simm.s32 $0xAA60  }
0x100: {  	[hbm4b:s23+s3] =	stream.linear.scatter [tilespmem:s29], [sflag:$0x5], $0x80, $0x38;
	[tilespmem:$0xE800] =	vst v63  }
0x101: {  	s23 =	sadd.s32 $0x50, s2;
	s29 =	simm.s32 $0xAAE8  }
0x102: {  	[hbm4b:s23+s3] =	stream.linear.scatter [tilespmem:s29], [sflag:$0x5], $0x80, $0x38;
	[tilespmem:$0xE800] =	vst v63  }
0x103: {  	s23 =	sadd.s32 $0x60, s2;
	s29 =	simm.s32 $0xAB70  }
0x104: {  	[hbm4b:s23+s3] =	stream.linear.scatter [tilespmem:s29], [sflag:$0x5], $0x80, $0x38;
	[tilespmem:$0xE800] =	vst v63  }
0x105: {  	s2 =	sadd.s32 $0x70, s2;
	s23 =	simm.s32 $0xABF8  }
0x106: {  	[hbm4b:s2+s3] =	stream.linear.scatter [tilespmem:s23], [sflag:$0x5], $0x80, $0x38;
	[tilespmem:$0xE800] =	vst v63  }
0x107: {  	s2 =	sadd.s32 s30, s8;
	s23 =	simm.s32 $0xAC80  }
0x108: {  	[hbm4b:s2+s3] =	stream.linear.scatter [tilespmem:s23], [sflag:$0x5], $0x80, $0x38;
	[tilespmem:$0xE800] =	vst v63  }
0x109: {  	s29 =	simm.s32 $0xAD08;
	s23 =	sadd.s32 $0x10, s2  }
0x10a: {  	[hbm4b:s23+s3] =	stream.linear.scatter [tilespmem:s29], [sflag:$0x5], $0x80, $0x38;
	[tilespmem:$0xE800] =	vst v63  }
0x10b: {  	s23 =	sadd.s32 $0x20, s2;
	s29 =	simm.s32 $0xAD90  }
0x10c: {  	[hbm4b:s23+s3] =	stream.linear.scatter [tilespmem:s29], [sflag:$0x5], $0x80, $0x38;
	[tilespmem:$0xE800] =	vst v63  }
0x10d: {  	s23 =	sadd.s32 $0x30, s2;
	s29 =	simm.s32 $0xAE18  }
0x10e: {  	[hbm4b:s23+s3] =	stream.linear.scatter [tilespmem:s29], [sflag:$0x5], $0x80, $0x38;
	[tilespmem:$0xE800] =	vst v63  }
0x10f: {  	s23 =	sadd.s32 $0x40, s2;
	s29 =	simm.s32 $0xAEA0  }
0x110: {  	[hbm4b:s23+s3] =	stream.linear.scatter [tilespmem:s29], [sflag:$0x5], $0x80, $0x38;
	[tilespmem:$0xE800] =	vst v63  }
0x111: {  	s23 =	sadd.s32 $0x50, s2;
	s29 =	simm.s32 $0xAF28  }
0x112: {  	[hbm4b:s23+s3] =	stream.linear.scatter [tilespmem:s29], [sflag:$0x5], $0x80, $0x38;
	[tilespmem:$0xE800] =	vst v63  }
0x113: {  	s23 =	sadd.s32 $0x60, s2;
	s29 =	simm.s32 $0xAFB0  }
0x114: {  	[hbm4b:s23+s3] =	stream.linear.scatter [tilespmem:s29], [sflag:$0x5], $0x80, $0x38;
	[tilespmem:$0xE800] =	vst v63  }
0x115: {  	s2 =	sadd.s32 $0x70, s2;
	s23 =	simm.s32 $0xB038  }
0x116: {  	[hbm4b:s2+s3] =	stream.linear.scatter [tilespmem:s23], [sflag:$0x5], $0x80, $0x38;
	[tilespmem:$0xE800] =	vst v63  }
0x117: {  	s2 =	sadd.s32 s30, s9;
	s23 =	simm.s32 $0xB0C0  }
0x118: {  	[hbm4b:s2+s3] =	stream.linear.scatter [tilespmem:s23], [sflag:$0x5], $0x80, $0x38;
	[tilespmem:$0xE800] =	vst v63  }
0x119: {  	s29 =	simm.s32 $0xB148;
	s23 =	sadd.s32 $0x10, s2  }
0x11a: {  	[hbm4b:s23+s3] =	stream.linear.scatter [tilespmem:s29], [sflag:$0x5], $0x80, $0x38;
	[tilespmem:$0xE800] =	vst v63  }
0x11b: {  	s23 =	sadd.s32 $0x20, s2;
	s29 =	simm.s32 $0xB1D0  }
0x11c: {  	[hbm4b:s23+s3] =	stream.linear.scatter [tilespmem:s29], [sflag:$0x5], $0x80, $0x38;
	[tilespmem:$0xE800] =	vst v63  }
0x11d: {  	s23 =	sadd.s32 $0x30, s2;
	s29 =	simm.s32 $0xB258  }
0x11e: {  	[hbm4b:s23+s3] =	stream.linear.scatter [tilespmem:s29], [sflag:$0x5], $0x80, $0x38;
	[tilespmem:$0xE800] =	vst v63  }
0x11f: {  	s23 =	sadd.s32 $0x40, s2;
	s29 =	simm.s32 $0xB2E0  }
0x120: {  	[hbm4b:s23+s3] =	stream.linear.scatter [tilespmem:s29], [sflag:$0x5], $0x80, $0x38;
	[tilespmem:$0xE800] =	vst v63  }
0x121: {  	s23 =	sadd.s32 $0x50, s2;
	s29 =	simm.s32 $0xB368  }
0x122: {  	[hbm4b:s23+s3] =	stream.linear.scatter [tilespmem:s29], [sflag:$0x5], $0x80, $0x38;
	[tilespmem:$0xE800] =	vst v63  }
0x123: {  	s23 =	sadd.s32 $0x60, s2;
	s29 =	simm.s32 $0xB3F0  }
0x124: {  	[hbm4b:s23+s3] =	stream.linear.scatter [tilespmem:s29], [sflag:$0x5], $0x80, $0x38;
	[tilespmem:$0xE800] =	vst v63  }
0x125: {  	s2 =	sadd.s32 $0x70, s2;
	s23 =	simm.s32 $0xB478;
	s29 =	sor.u32 $0x3, s31  }
0x126: {  	[hbm4b:s2+s3] =	stream.linear.scatter [tilespmem:s23], [sflag:$0x5], $0x80, $0x38;
	[tilespmem:$0xE800] =	vst v63  }
0x127: {  	s23 =	sshll.u32 s29, $0x7  }
0x128: {  	s2 =	sand.u32 $0x3FFFFF80, s23;
	s23 =	simm.s32 $0x9400  }
0x129: {  	[tilespmem:s23], [sflag:$0x4] =	stream.indirect.gather [hbm4b:s4+s19], $0x20, s2, s19, $0xb8;
	[tilespmem:$0xE800] =	vst v63  }
0x12a: {  	_ =	swait.ge [sflag:s24], $0x1000  }
0x12b: {  	[sflag:s24] =	ssyncset.done $0x0  }
0x12c: {  	s2 =	simm.s32 @!p0 $0x6;
	[sflag:s24] =	ssyncadd.s32 $0xFFFFF000  }
0x12d: {  	_ =	swait.ge @!p0 [sflag:s2], $0x400  }
0x12e: {  	[sflag:s2] =	ssyncset.done @!p0 $0x0  }
0x12f: {  	[sflag:s2] =	ssyncadd.s32 @!p0 $0xFFFFFC00  }
0x130: {  	_ =	swait.ge @!p0 [sflag:s2], $0x400  }
0x131: {  	[sflag:s2] =	ssyncset.done @!p0 $0x0  }
0x132: {  	[sflag:s2] =	ssyncadd.s32 @!p0 $0xFFFFFC00  }
0x133: {  	_ =	swait.ge @!p0 [sflag:s2], $0x400  }
0x134: {  	[sflag:s2] =	ssyncset.done @!p0 $0x0  }
0x135: {  	[sflag:s2] =	ssyncadd.s32 @!p0 $0xFFFFFC00  }
0x136: {  	_ =	swait.ge @!p0 [sflag:s2], $0x400  }
0x137: {  	[sflag:s2] =	ssyncset.done @!p0 $0x0  }
0x138: {  	s31 =	simm.s32 $0x75F0;
	s23 =	simm.s32 $0x0;
	[sflag:s2] =	ssyncadd.s32 @!p0 $0xFFFFFC00  }
0x139: {  	v62 =	vadd.s32 s23, v0;
	v61 =	vld [tilespmem:s31+$0xFFFFFE10]  }
0x13a: {  	v35 =	vadd.s32 s23, v1;
	v34 =	vld [tilespmem:s31+$0xFFFFFE20];
	_ =	sdelay $0x3  }
0x13b: {  	[tilespmem:v62+s5+$0x0] =	vst.idx.msk $0xffff, v61  }
0x13c: {  	[tilespmem:v35+s5+$0x0] =	vst.idx.msk $0xffff, v34  }
0x13d: {  	v63 =	vadd.s32 s23, v2;
	v32 =	vld [tilespmem:s31+$0xFFFFFE30]  }
0x13e: {  	v36 =	vadd.s32 s23, v3;
	v34 =	vld [tilespmem:s31+$0xFFFFFE40];
	_ =	sdelay $0x3  }
0x13f: {  	[tilespmem:v63+s5+$0x0] =	vst.idx.msk $0xffff, v32  }
0x140: {  	[tilespmem:v36+s5+$0x0] =	vst.idx.msk $0xffff, v34  }
0x141: {  	v37 =	vadd.s32 s23, v4;
	v32 =	vld [tilespmem:s31+$0xFFFFFE50]  }
0x142: {  	v38 =	vadd.s32 s23, v5;
	v34 =	vld [tilespmem:s31+$0xFFFFFE60];
	_ =	sdelay $0x3  }
0x143: {  	[tilespmem:v37+s5+$0x0] =	vst.idx.msk $0xffff, v32  }
0x144: {  	[tilespmem:v38+s5+$0x0] =	vst.idx.msk $0xffff, v34  }
0x145: {  	v39 =	vadd.s32 s23, v6;
	v32 =	vld [tilespmem:s31+$0xFFFFFE70]  }
0x146: {  	v40 =	vadd.s32 s23, v7;
	v34 =	vld [tilespmem:s31+$0xFFFFFE80];
	_ =	sdelay $0x3  }
0x147: {  	[tilespmem:v39+s5+$0x0] =	vst.idx.msk $0xffff, v32  }
0x148: {  	[tilespmem:v40+s5+$0x0] =	vst.idx.msk $0xffff, v34  }
0x149: {  	v41 =	vadd.s32 s23, v8;
	v32 =	vld [tilespmem:s31+$0xFFFFFE90]  }
0x14a: {  	v42 =	vadd.s32 s23, v9;
	v34 =	vld [tilespmem:s31+$0xFFFFFEA0];
	_ =	sdelay $0x3  }
0x14b: {  	[tilespmem:v41+s5+$0x0] =	vst.idx.msk $0xffff, v32  }
0x14c: {  	[tilespmem:v42+s5+$0x0] =	vst.idx.msk $0xffff, v34  }
0x14d: {  	v43 =	vadd.s32 s23, v10;
	v32 =	vld [tilespmem:s31+$0xFFFFFEB0]  }
0x14e: {  	v44 =	vadd.s32 s23, v11;
	v34 =	vld [tilespmem:s31+$0xFFFFFEC0];
	_ =	sdelay $0x3  }
0x14f: {  	[tilespmem:v43+s5+$0x0] =	vst.idx.msk $0xffff, v32  }
0x150: {  	[tilespmem:v44+s5+$0x0] =	vst.idx.msk $0xffff, v34  }
0x151: {  	v45 =	vadd.s32 s23, v12;
	v32 =	vld [tilespmem:s31+$0xFFFFFED0]  }
0x152: {  	v46 =	vadd.s32 s23, v13;
	v34 =	vld [tilespmem:s31+$0xFFFFFEE0];
	_ =	sdelay $0x3  }
0x153: {  	[tilespmem:v45+s5+$0x0] =	vst.idx.msk $0xffff, v32  }
0x154: {  	[tilespmem:v46+s5+$0x0] =	vst.idx.msk $0xffff, v34  }
0x155: {  	v47 =	vadd.s32 s23, v14;
	v32 =	vld [tilespmem:s31+$0xFFFFFEF0]  }
0x156: {  	v48 =	vadd.s32 s23, v15;
	v34 =	vld [tilespmem:s31+$0xFFFFFF00];
	_ =	sdelay $0x3  }
0x157: {  	[tilespmem:v47+s5+$0x0] =	vst.idx.msk $0xffff, v32  }
0x158: {  	[tilespmem:v48+s5+$0x0] =	vst.idx.msk $0xffff, v34  }
0x159: {  	v49 =	vadd.s32 s23, v16;
	v32 =	vld [tilespmem:s31+$0xFFFFFF10]  }
0x15a: {  	v50 =	vadd.s32 s23, v17;
	v34 =	vld [tilespmem:s31+$0xFFFFFF20];
	_ =	sdelay $0x3  }
0x15b: {  	[tilespmem:v49+s5+$0x0] =	vst.idx.msk $0xffff, v32  }
0x15c: {  	[tilespmem:v50+s5+$0x0] =	vst.idx.msk $0xffff, v34  }
0x15d: {  	v51 =	vadd.s32 s23, v18;
	v32 =	vld [tilespmem:s31+$0xFFFFFF30]  }
0x15e: {  	v52 =	vadd.s32 s23, v19;
	v34 =	vld [tilespmem:s31+$0xFFFFFF40];
	_ =	sdelay $0x3  }
0x15f: {  	[tilespmem:v51+s5+$0x0] =	vst.idx.msk $0xffff, v32  }
0x160: {  	[tilespmem:v52+s5+$0x0] =	vst.idx.msk $0xffff, v34  }
0x161: {  	v53 =	vadd.s32 s23, v20;
	v32 =	vld [tilespmem:s31+$0xFFFFFF50]  }
0x162: {  	v54 =	vadd.s32 s23, v21;
	v34 =	vld [tilespmem:s31+$0xFFFFFF60];
	_ =	sdelay $0x3  }
0x163: {  	[tilespmem:v53+s5+$0x0] =	vst.idx.msk $0xffff, v32  }
0x164: {  	[tilespmem:v54+s5+$0x0] =	vst.idx.msk $0xffff, v34  }
0x165: {  	v55 =	vadd.s32 s23, v22;
	v32 =	vld [tilespmem:s31+$0xFFFFFF70]  }
0x166: {  	v56 =	vadd.s32 s23, v23;
	v34 =	vld [tilespmem:s31+$0xFFFFFF80];
	_ =	sdelay $0x3  }
0x167: {  	[tilespmem:v55+s5+$0x0] =	vst.idx.msk $0xffff, v32  }
0x168: {  	[tilespmem:v56+s5+$0x0] =	vst.idx.msk $0xffff, v34  }
0x169: {  	v57 =	vadd.s32 s23, v24;
	v32 =	vld [tilespmem:s31+$0xFFFFFF90]  }
0x16a: {  	v58 =	vadd.s32 s23, v25;
	v34 =	vld [tilespmem:s31+$0xFFFFFFA0];
	_ =	sdelay $0x3  }
0x16b: {  	[tilespmem:v57+s5+$0x0] =	vst.idx.msk $0xffff, v32  }
0x16c: {  	[tilespmem:v58+s5+$0x0] =	vst.idx.msk $0xffff, v34  }
0x16d: {  	v59 =	vadd.s32 s23, v26;
	v32 =	vld [tilespmem:s31+$0xFFFFFFB0]  }
0x16e: {  	v60 =	vadd.s32 s23, v27;
	v34 =	vld [tilespmem:s31+$0xFFFFFFC0];
	_ =	sdelay $0x3  }
0x16f: {  	[tilespmem:v59+s5+$0x0] =	vst.idx.msk $0xffff, v32  }
0x170: {  	[tilespmem:v60+s5+$0x0] =	vst.idx.msk $0xffff, v34  }
0x171: {  	v61 =	vadd.s32 s23, v28;
	v32 =	vld [tilespmem:s31+$0xFFFFFFD0]  }
0x172: {  	v62 =	vadd.s32 s23, v29;
	v34 =	vld [tilespmem:s31+$0xFFFFFFE0];
	_ =	sdelay $0x3  }
0x173: {  	[tilespmem:v61+s5+$0x0] =	vst.idx.msk $0xffff, v32  }
0x174: {  	[tilespmem:v62+s5+$0x0] =	vst.idx.msk $0xffff, v34  }
0x175: {  	v63 =	vadd.s32 s23, v30;
	v34 =	vld [tilespmem:s31+$0xFFFFFFF0];
	_ =	sdelay $0x1  }
0x176: {  	v33 =	vadd.s32 s23, v31;
	v32 =	vld [tilespmem:s31+$0x0];
	_ =	sdelay $0x2  }
0x177: {  	s23 =	simm.s32 $0x10;
	[tilespmem:v63+s5+$0x0] =	vst.idx.msk $0xffff, v34  }
.LBB2_5:
0x178: {  	p1 =	sne.s32 s23, $0x70  }
0x179: {  	[tilespmem:v33+s5+$0x0] =	vst.idx.msk $0xffff, v32;
	s31 =	sadd.s32 $0x200, s31;
	s2 =	smov.u32 s23;
	s23 =	sadd.s32 $0x10, s23  }
0x17a: {  	v32 =	vld [tilespmem:s31+$0xFFFFFE10];
	v33 =	vadd.s32 s2, v0  }
0x17b: {  	v35 =	vadd.s32 s2, v1;
	v34 =	vld [tilespmem:s31+$0xFFFFFE20];
	_ =	sdelay $0x3  }
0x17c: {  	[tilespmem:v33+s5+$0x0] =	vst.idx.msk $0xffff, v32  }
0x17d: {  	[tilespmem:v35+s5+$0x0] =	vst.idx.msk $0xffff, v34  }
0x17e: {  	v33 =	vadd.s32 s2, v2;
	v32 =	vld [tilespmem:s31+$0xFFFFFE30]  }
0x17f: {  	v35 =	vadd.s32 s2, v3;
	v34 =	vld [tilespmem:s31+$0xFFFFFE40];
	_ =	sdelay $0x3  }
0x180: {  	[tilespmem:v33+s5+$0x0] =	vst.idx.msk $0xffff, v32  }
0x181: {  	[tilespmem:v35+s5+$0x0] =	vst.idx.msk $0xffff, v34  }
0x182: {  	v33 =	vadd.s32 s2, v4;
	v32 =	vld [tilespmem:s31+$0xFFFFFE50]  }
0x183: {  	v35 =	vadd.s32 s2, v5;
	v34 =	vld [tilespmem:s31+$0xFFFFFE60];
	_ =	sdelay $0x3  }
0x184: {  	[tilespmem:v33+s5+$0x0] =	vst.idx.msk $0xffff, v32  }
0x185: {  	[tilespmem:v35+s5+$0x0] =	vst.idx.msk $0xffff, v34  }
0x186: {  	v33 =	vadd.s32 s2, v6;
	v32 =	vld [tilespmem:s31+$0xFFFFFE70]  }
0x187: {  	v35 =	vadd.s32 s2, v7;
	v34 =	vld [tilespmem:s31+$0xFFFFFE80];
	_ =	sdelay $0x3  }
0x188: {  	[tilespmem:v33+s5+$0x0] =	vst.idx.msk $0xffff, v32  }
0x189: {  	[tilespmem:v35+s5+$0x0] =	vst.idx.msk $0xffff, v34  }
0x18a: {  	v33 =	vadd.s32 s2, v8;
	v32 =	vld [tilespmem:s31+$0xFFFFFE90]  }
0x18b: {  	v35 =	vadd.s32 s2, v9;
	v34 =	vld [tilespmem:s31+$0xFFFFFEA0];
	_ =	sdelay $0x3  }
0x18c: {  	[tilespmem:v33+s5+$0x0] =	vst.idx.msk $0xffff, v32  }
0x18d: {  	[tilespmem:v35+s5+$0x0] =	vst.idx.msk $0xffff, v34  }
0x18e: {  	v33 =	vadd.s32 s2, v10;
	v32 =	vld [tilespmem:s31+$0xFFFFFEB0]  }
0x18f: {  	v35 =	vadd.s32 s2, v11;
	v34 =	vld [tilespmem:s31+$0xFFFFFEC0];
	_ =	sdelay $0x3  }
0x190: {  	[tilespmem:v33+s5+$0x0] =	vst.idx.msk $0xffff, v32  }
0x191: {  	[tilespmem:v35+s5+$0x0] =	vst.idx.msk $0xffff, v34  }
0x192: {  	v33 =	vadd.s32 s2, v12;
	v32 =	vld [tilespmem:s31+$0xFFFFFED0]  }
0x193: {  	v35 =	vadd.s32 s2, v13;
	v34 =	vld [tilespmem:s31+$0xFFFFFEE0];
	_ =	sdelay $0x3  }
0x194: {  	[tilespmem:v33+s5+$0x0] =	vst.idx.msk $0xffff, v32  }
0x195: {  	[tilespmem:v35+s5+$0x0] =	vst.idx.msk $0xffff, v34  }
0x196: {  	v33 =	vadd.s32 s2, v14;
	v32 =	vld [tilespmem:s31+$0xFFFFFEF0]  }
0x197: {  	v35 =	vadd.s32 s2, v15;
	v34 =	vld [tilespmem:s31+$0xFFFFFF00];
	_ =	sdelay $0x3  }
0x198: {  	[tilespmem:v33+s5+$0x0] =	vst.idx.msk $0xffff, v32  }
0x199: {  	[tilespmem:v35+s5+$0x0] =	vst.idx.msk $0xffff, v34  }
0x19a: {  	v33 =	vadd.s32 s2, v16;
	v32 =	vld [tilespmem:s31+$0xFFFFFF10]  }
0x19b: {  	v35 =	vadd.s32 s2, v17;
	v34 =	vld [tilespmem:s31+$0xFFFFFF20];
	_ =	sdelay $0x3  }
0x19c: {  	[tilespmem:v33+s5+$0x0] =	vst.idx.msk $0xffff, v32  }
0x19d: {  	[tilespmem:v35+s5+$0x0] =	vst.idx.msk $0xffff, v34  }
0x19e: {  	v33 =	vadd.s32 s2, v18;
	v32 =	vld [tilespmem:s31+$0xFFFFFF30]  }
0x19f: {  	v35 =	vadd.s32 s2, v19;
	v34 =	vld [tilespmem:s31+$0xFFFFFF40];
	_ =	sdelay $0x3  }
0x1a0: {  	[tilespmem:v33+s5+$0x0] =	vst.idx.msk $0xffff, v32  }
0x1a1: {  	[tilespmem:v35+s5+$0x0] =	vst.idx.msk $0xffff, v34  }
0x1a2: {  	v33 =	vadd.s32 s2, v20;
	v32 =	vld [tilespmem:s31+$0xFFFFFF50]  }
0x1a3: {  	v35 =	vadd.s32 s2, v21;
	v34 =	vld [tilespmem:s31+$0xFFFFFF60];
	_ =	sdelay $0x3  }
0x1a4: {  	[tilespmem:v33+s5+$0x0] =	vst.idx.msk $0xffff, v32  }
0x1a5: {  	[tilespmem:v35+s5+$0x0] =	vst.idx.msk $0xffff, v34  }
0x1a6: {  	v33 =	vadd.s32 s2, v22;
	v32 =	vld [tilespmem:s31+$0xFFFFFF70]  }
0x1a7: {  	v35 =	vadd.s32 s2, v23;
	v34 =	vld [tilespmem:s31+$0xFFFFFF80];
	_ =	sdelay $0x3  }
0x1a8: {  	[tilespmem:v33+s5+$0x0] =	vst.idx.msk $0xffff, v32  }
0x1a9: {  	[tilespmem:v35+s5+$0x0] =	vst.idx.msk $0xffff, v34  }
0x1aa: {  	v33 =	vadd.s32 s2, v24;
	v32 =	vld [tilespmem:s31+$0xFFFFFF90]  }
0x1ab: {  	v35 =	vadd.s32 s2, v25;
	v34 =	vld [tilespmem:s31+$0xFFFFFFA0];
	_ =	sdelay $0x3  }
0x1ac: {  	[tilespmem:v33+s5+$0x0] =	vst.idx.msk $0xffff, v32  }
0x1ad: {  	[tilespmem:v35+s5+$0x0] =	vst.idx.msk $0xffff, v34  }
0x1ae: {  	v33 =	vadd.s32 s2, v26;
	v32 =	vld [tilespmem:s31+$0xFFFFFFB0]  }
0x1af: {  	v35 =	vadd.s32 s2, v27;
	v34 =	vld [tilespmem:s31+$0xFFFFFFC0];
	_ =	sdelay $0x3  }
0x1b0: {  	[tilespmem:v33+s5+$0x0] =	vst.idx.msk $0xffff, v32  }
0x1b1: {  	[tilespmem:v35+s5+$0x0] =	vst.idx.msk $0xffff, v34  }
0x1b2: {  	v33 =	vadd.s32 s2, v28;
	v32 =	vld [tilespmem:s31+$0xFFFFFFD0]  }
0x1b3: {  	v35 =	vadd.s32 s2, v29;
	v34 =	vld [tilespmem:s31+$0xFFFFFFE0];
	_ =	sdelay $0x3  }
0x1b4: {  	[tilespmem:v33+s5+$0x0] =	vst.idx.msk $0xffff, v32  }
0x1b5: {  	[tilespmem:v35+s5+$0x0] =	vst.idx.msk $0xffff, v34  }
0x1b6: {  	v35 =	vadd.s32 s2, v30;
	v34 =	vld [tilespmem:s31+$0xFFFFFFF0]  }
.Ltmp3:
0x1b7: {  	v33 =	vadd.s32 s2, v31;
	v32 =	vld [tilespmem:s31+$0x0];
	(pc) =	sbr.rel @p1 .LBB2_5-.Ltmp3, $2  }
0x1b8: {  	_ =	sdelay $0x2  }
0x1b9: {  	[tilespmem:v35+s5+$0x0] =	vst.idx.msk $0xffff, v34  }
0x1ba: {  	_ =	sdelay $0x2  }
0x1bb: {  	s2 =	rddreg [dreg:$0x4]  }
0x1bc: {  	[tilespmem:v33+s5+$0x0] =	vst.idx.msk $0xffff, v32;
	s2 =	sadd.s32 s30, s2  }
0x1bd: {  	[hbm4b:s2+s3] =	stream.linear.scatter [tilespmem:s5], [sflag:$0x6], $0x80, $0x38;
	[tilespmem:$0xE800] =	vst v63  }
0x1be: {  	s31 =	simm.s32 $0xB588;
	s23 =	sadd.s32 $0x10, s2  }
0x1bf: {  	[hbm4b:s23+s3] =	stream.linear.scatter [tilespmem:s31], [sflag:$0x6], $0x80, $0x38;
	[tilespmem:$0xE800] =	vst v63  }
0x1c0: {  	s23 =	sadd.s32 $0x20, s2;
	s31 =	simm.s32 $0xB610  }
0x1c1: {  	[hbm4b:s23+s3] =	stream.linear.scatter [tilespmem:s31], [sflag:$0x6], $0x80, $0x38;
	[tilespmem:$0xE800] =	vst v63  }
0x1c2: {  	s23 =	sadd.s32 $0x30, s2;
	s31 =	simm.s32 $0xB698  }
0x1c3: {  	[hbm4b:s23+s3] =	stream.linear.scatter [tilespmem:s31], [sflag:$0x6], $0x80, $0x38;
	[tilespmem:$0xE800] =	vst v63  }
0x1c4: {  	s23 =	sadd.s32 $0x40, s2;
	s31 =	simm.s32 $0xB720  }
0x1c5: {  	[hbm4b:s23+s3] =	stream.linear.scatter [tilespmem:s31], [sflag:$0x6], $0x80, $0x38;
	[tilespmem:$0xE800] =	vst v63  }
0x1c6: {  	s23 =	sadd.s32 $0x50, s2;
	s31 =	simm.s32 $0xB7A8  }
0x1c7: {  	[hbm4b:s23+s3] =	stream.linear.scatter [tilespmem:s31], [sflag:$0x6], $0x80, $0x38;
	[tilespmem:$0xE800] =	vst v63  }
0x1c8: {  	s23 =	sadd.s32 $0x60, s2;
	s31 =	simm.s32 $0xB830  }
0x1c9: {  	[hbm4b:s23+s3] =	stream.linear.scatter [tilespmem:s31], [sflag:$0x6], $0x80, $0x38;
	[tilespmem:$0xE800] =	vst v63  }
0x1ca: {  	s2 =	sadd.s32 $0x70, s2;
	s31 =	simm.s32 $0xB8B8  }
0x1cb: {  	[hbm4b:s2+s3] =	stream.linear.scatter [tilespmem:s31], [sflag:$0x6], $0x80, $0x38;
	[tilespmem:$0xE800] =	vst v63  }
0x1cc: {  	s2 =	sadd.s32 s30, s11;
	s31 =	simm.s32 $0xB940  }
0x1cd: {  	[hbm4b:s2+s3] =	stream.linear.scatter [tilespmem:s31], [sflag:$0x6], $0x80, $0x38;
	[tilespmem:$0xE800] =	vst v63  }
0x1ce: {  	s23 =	sadd.s32 $0x10, s2;
	s31 =	simm.s32 $0xB9C8  }
0x1cf: {  	[hbm4b:s23+s3] =	stream.linear.scatter [tilespmem:s31], [sflag:$0x6], $0x80, $0x38;
	[tilespmem:$0xE800] =	vst v63  }
0x1d0: {  	s23 =	sadd.s32 $0x20, s2;
	s31 =	simm.s32 $0xBA50  }
0x1d1: {  	[hbm4b:s23+s3] =	stream.linear.scatter [tilespmem:s31], [sflag:$0x6], $0x80, $0x38;
	[tilespmem:$0xE800] =	vst v63  }
0x1d2: {  	s23 =	sadd.s32 $0x30, s2;
	s31 =	simm.s32 $0xBAD8  }
0x1d3: {  	[hbm4b:s23+s3] =	stream.linear.scatter [tilespmem:s31], [sflag:$0x6], $0x80, $0x38;
	[tilespmem:$0xE800] =	vst v63  }
0x1d4: {  	s23 =	sadd.s32 $0x40, s2;
	s31 =	simm.s32 $0xBB60  }
0x1d5: {  	[hbm4b:s23+s3] =	stream.linear.scatter [tilespmem:s31], [sflag:$0x6], $0x80, $0x38;
	[tilespmem:$0xE800] =	vst v63  }
0x1d6: {  	s23 =	sadd.s32 $0x50, s2;
	s31 =	simm.s32 $0xBBE8  }
0x1d7: {  	[hbm4b:s23+s3] =	stream.linear.scatter [tilespmem:s31], [sflag:$0x6], $0x80, $0x38;
	[tilespmem:$0xE800] =	vst v63  }
0x1d8: {  	s23 =	sadd.s32 $0x60, s2;
	s31 =	simm.s32 $0xBC70  }
0x1d9: {  	[hbm4b:s23+s3] =	stream.linear.scatter [tilespmem:s31], [sflag:$0x6], $0x80, $0x38;
	[tilespmem:$0xE800] =	vst v63  }
0x1da: {  	s2 =	sadd.s32 $0x70, s2;
	s31 =	simm.s32 $0xBCF8  }
0x1db: {  	[hbm4b:s2+s3] =	stream.linear.scatter [tilespmem:s31], [sflag:$0x6], $0x80, $0x38;
	[tilespmem:$0xE800] =	vst v63  }
0x1dc: {  	s2 =	sadd.s32 s30, s12;
	s31 =	simm.s32 $0xBD80  }
0x1dd: {  	[hbm4b:s2+s3] =	stream.linear.scatter [tilespmem:s31], [sflag:$0x6], $0x80, $0x38;
	[tilespmem:$0xE800] =	vst v63  }
0x1de: {  	s23 =	sadd.s32 $0x10, s2;
	s31 =	simm.s32 $0xBE08  }
0x1df: {  	[hbm4b:s23+s3] =	stream.linear.scatter [tilespmem:s31], [sflag:$0x6], $0x80, $0x38;
	[tilespmem:$0xE800] =	vst v63  }
0x1e0: {  	s23 =	sadd.s32 $0x20, s2;
	s31 =	simm.s32 $0xBE90  }
0x1e1: {  	[hbm4b:s23+s3] =	stream.linear.scatter [tilespmem:s31], [sflag:$0x6], $0x80, $0x38;
	[tilespmem:$0xE800] =	vst v63  }
0x1e2: {  	s23 =	sadd.s32 $0x30, s2;
	s31 =	simm.s32 $0xBF18  }
0x1e3: {  	[hbm4b:s23+s3] =	stream.linear.scatter [tilespmem:s31], [sflag:$0x6], $0x80, $0x38;
	[tilespmem:$0xE800] =	vst v63  }
0x1e4: {  	s23 =	sadd.s32 $0x40, s2;
	s31 =	simm.s32 $0xBFA0  }
0x1e5: {  	[hbm4b:s23+s3] =	stream.linear.scatter [tilespmem:s31], [sflag:$0x6], $0x80, $0x38;
	[tilespmem:$0xE800] =	vst v63  }
0x1e6: {  	s23 =	sadd.s32 $0x50, s2;
	s31 =	simm.s32 $0xC028  }
0x1e7: {  	[hbm4b:s23+s3] =	stream.linear.scatter [tilespmem:s31], [sflag:$0x6], $0x80, $0x38;
	[tilespmem:$0xE800] =	vst v63  }
0x1e8: {  	s23 =	sadd.s32 $0x60, s2;
	s31 =	simm.s32 $0xC0B0  }
0x1e9: {  	[hbm4b:s23+s3] =	stream.linear.scatter [tilespmem:s31], [sflag:$0x6], $0x80, $0x38;
	[tilespmem:$0xE800] =	vst v63  }
0x1ea: {  	s2 =	sadd.s32 $0x70, s2;
	s31 =	simm.s32 $0xC138  }
0x1eb: {  	[hbm4b:s2+s3] =	stream.linear.scatter [tilespmem:s31], [sflag:$0x6], $0x80, $0x38;
	[tilespmem:$0xE800] =	vst v63  }
0x1ec: {  	s2 =	sadd.s32 s30, s13;
	s31 =	simm.s32 $0xC1C0  }
0x1ed: {  	[hbm4b:s2+s3] =	stream.linear.scatter [tilespmem:s31], [sflag:$0x6], $0x80, $0x38;
	[tilespmem:$0xE800] =	vst v63  }
0x1ee: {  	s23 =	sadd.s32 $0x10, s2;
	s31 =	simm.s32 $0xC248  }
0x1ef: {  	[hbm4b:s23+s3] =	stream.linear.scatter [tilespmem:s31], [sflag:$0x6], $0x80, $0x38;
	[tilespmem:$0xE800] =	vst v63  }
0x1f0: {  	s23 =	sadd.s32 $0x20, s2;
	s31 =	simm.s32 $0xC2D0  }
0x1f1: {  	[hbm4b:s23+s3] =	stream.linear.scatter [tilespmem:s31], [sflag:$0x6], $0x80, $0x38;
	[tilespmem:$0xE800] =	vst v63  }
0x1f2: {  	s23 =	sadd.s32 $0x30, s2;
	s31 =	simm.s32 $0xC358  }
0x1f3: {  	[hbm4b:s23+s3] =	stream.linear.scatter [tilespmem:s31], [sflag:$0x6], $0x80, $0x38;
	[tilespmem:$0xE800] =	vst v63  }
0x1f4: {  	s23 =	sadd.s32 $0x40, s2;
	s31 =	simm.s32 $0xC3E0  }
0x1f5: {  	[hbm4b:s23+s3] =	stream.linear.scatter [tilespmem:s31], [sflag:$0x6], $0x80, $0x38;
	[tilespmem:$0xE800] =	vst v63  }
0x1f6: {  	p1 =	sne.s32 s25, $0x31;
	s23 =	sadd.s32 $0x50, s2;
	s31 =	simm.s32 $0xC468  }
0x1f7: {  	[hbm4b:s23+s3] =	stream.linear.scatter [tilespmem:s31], [sflag:$0x6], $0x80, $0x38;
	[tilespmem:$0xE800] =	vst v63  }
.Ltmp4:
0x1f8: {  	_ = 	snop;
	(pc) =	sbr.rel @p1 .LBB2_8-.Ltmp4, $4  }
0x1f9: {  	s23 =	sadd.s32 $0x60, s2;
	s31 =	simm.s32 $0xC4F0  }
0x1fa: {  	[hbm4b:s23+s3] =	stream.linear.scatter [tilespmem:s31], [sflag:$0x6], $0x80, $0x38;
	[tilespmem:$0xE800] =	vst v63  }
0x1fb: {  	s2 =	sadd.s32 $0x70, s2;
	s31 =	simm.s32 $0xC578  }
0x1fc: {  	[hbm4b:s2+s3] =	stream.linear.scatter [tilespmem:s31], [sflag:$0x6], $0x80, $0x38;
	[tilespmem:$0xE800] =	vst v63  }
.Ltmp5:
0x1fd: {  	(pc) =	sbr.rel .LBB2_9-.Ltmp5, $4  }
0x1fe: {  	_ = 	snop  }
0x1ff: {  	_ =	swait.ge [sflag:s1], $0x1000  }
0x200: {  	[sflag:s1] =	ssyncset.done $0x0  }
0x201: {  	[sflag:s1] =	ssyncadd.s32 $0xFFFFF000  }
.LBB2_8:
0x202: {  	s2 =	sshll.u32 s25, $0x9  }
0x203: {  	s2 =	sand.u32 $0x3FFFFE00, s2  }
.Ltmp6:
0x204: {  	s23 =	simm.s32 $0x6400;
	s2 =	sadd.s32 $0x200, s2;
	(pc) =	sbr.rel @p0 .LBB2_10-.Ltmp6, $4  }
0x205: {  	[tilespmem:s23], [sflag:$0x1] =	stream.indirect.gather [hbm4b:s4+s19], $0x20, s2, s19, $0xb8;
	[tilespmem:$0xE800] =	vst v63  }
0x206: {  	_ =	swait.ge [sflag:s1], $0x1000  }
0x207: {  	[sflag:s1] =	ssyncset.done $0x0  }
0x208: {  	[sflag:s1] =	ssyncadd.s32 $0xFFFFF000  }
.LBB2_9:
0x209: {  	_ =	swait.ge [sflag:s20], $0x400  }
0x20a: {  	[sflag:s20] =	ssyncset.done $0x0  }
0x20b: {  	[sflag:s20] =	ssyncadd.s32 $0xFFFFFC00  }
0x20c: {  	_ =	swait.ge [sflag:s20], $0x400  }
0x20d: {  	[sflag:s20] =	ssyncset.done $0x0  }
0x20e: {  	[sflag:s20] =	ssyncadd.s32 $0xFFFFFC00  }
0x20f: {  	_ =	swait.ge [sflag:s20], $0x400  }
0x210: {  	[sflag:s20] =	ssyncset.done $0x0  }
0x211: {  	[sflag:s20] =	ssyncadd.s32 $0xFFFFFC00  }
0x212: {  	_ =	swait.ge [sflag:s20], $0x400  }
0x213: {  	[sflag:s20] =	ssyncset.done $0x0  }
0x214: {  	[sflag:s20] =	ssyncadd.s32 $0xFFFFFC00  }
.LBB2_10:
0x215: {  	s2 =	simm.s32 $0x0;
	s31 =	simm.s32 $0x85F0  }
0x216: {  	v32 =	vld [tilespmem:s31+$0xFFFFFE10];
	v33 =	vadd.s32 s2, v0  }
0x217: {  	v34 =	vld [tilespmem:s31+$0xFFFFFE20];
	v35 =	vadd.s32 s2, v1;
	_ =	sdelay $0x3  }
0x218: {  	[tilespmem:v33+s18+$0x0] =	vst.idx.msk $0xffff, v32  }
0x219: {  	[tilespmem:v35+s18+$0x0] =	vst.idx.msk $0xffff, v34  }
0x21a: {  	v63 =	vadd.s32 s2, v2;
	v32 =	vld [tilespmem:s31+$0xFFFFFE30]  }
0x21b: {  	v36 =	vadd.s32 s2, v3;
	v34 =	vld [tilespmem:s31+$0xFFFFFE40];
	_ =	sdelay $0x3  }
0x21c: {  	[tilespmem:v63+s18+$0x0] =	vst.idx.msk $0xffff, v32  }
0x21d: {  	[tilespmem:v36+s18+$0x0] =	vst.idx.msk $0xffff, v34  }
0x21e: {  	v37 =	vadd.s32 s2, v4;
	v32 =	vld [tilespmem:s31+$0xFFFFFE50]  }
0x21f: {  	v38 =	vadd.s32 s2, v5;
	v34 =	vld [tilespmem:s31+$0xFFFFFE60];
	_ =	sdelay $0x3  }
0x220: {  	[tilespmem:v37+s18+$0x0] =	vst.idx.msk $0xffff, v32  }
0x221: {  	[tilespmem:v38+s18+$0x0] =	vst.idx.msk $0xffff, v34  }
0x222: {  	v39 =	vadd.s32 s2, v6;
	v32 =	vld [tilespmem:s31+$0xFFFFFE70]  }
0x223: {  	v40 =	vadd.s32 s2, v7;
	v34 =	vld [tilespmem:s31+$0xFFFFFE80];
	_ =	sdelay $0x3  }
0x224: {  	[tilespmem:v39+s18+$0x0] =	vst.idx.msk $0xffff, v32  }
0x225: {  	[tilespmem:v40+s18+$0x0] =	vst.idx.msk $0xffff, v34  }
0x226: {  	v41 =	vadd.s32 s2, v8;
	v32 =	vld [tilespmem:s31+$0xFFFFFE90]  }
0x227: {  	v42 =	vadd.s32 s2, v9;
	v34 =	vld [tilespmem:s31+$0xFFFFFEA0];
	_ =	sdelay $0x3  }
0x228: {  	[tilespmem:v41+s18+$0x0] =	vst.idx.msk $0xffff, v32  }
0x229: {  	[tilespmem:v42+s18+$0x0] =	vst.idx.msk $0xffff, v34  }
0x22a: {  	v43 =	vadd.s32 s2, v10;
	v32 =	vld [tilespmem:s31+$0xFFFFFEB0]  }
0x22b: {  	v44 =	vadd.s32 s2, v11;
	v34 =	vld [tilespmem:s31+$0xFFFFFEC0];
	_ =	sdelay $0x3  }
0x22c: {  	[tilespmem:v43+s18+$0x0] =	vst.idx.msk $0xffff, v32  }
0x22d: {  	[tilespmem:v44+s18+$0x0] =	vst.idx.msk $0xffff, v34  }
0x22e: {  	v45 =	vadd.s32 s2, v12;
	v32 =	vld [tilespmem:s31+$0xFFFFFED0]  }
0x22f: {  	v46 =	vadd.s32 s2, v13;
	v34 =	vld [tilespmem:s31+$0xFFFFFEE0];
	_ =	sdelay $0x3  }
0x230: {  	[tilespmem:v45+s18+$0x0] =	vst.idx.msk $0xffff, v32  }
0x231: {  	[tilespmem:v46+s18+$0x0] =	vst.idx.msk $0xffff, v34  }
0x232: {  	v47 =	vadd.s32 s2, v14;
	v32 =	vld [tilespmem:s31+$0xFFFFFEF0]  }
0x233: {  	v48 =	vadd.s32 s2, v15;
	v34 =	vld [tilespmem:s31+$0xFFFFFF00];
	_ =	sdelay $0x3  }
0x234: {  	[tilespmem:v47+s18+$0x0] =	vst.idx.msk $0xffff, v32  }
0x235: {  	[tilespmem:v48+s18+$0x0] =	vst.idx.msk $0xffff, v34  }
0x236: {  	v49 =	vadd.s32 s2, v16;
	v32 =	vld [tilespmem:s31+$0xFFFFFF10]  }
0x237: {  	v50 =	vadd.s32 s2, v17;
	v34 =	vld [tilespmem:s31+$0xFFFFFF20];
	_ =	sdelay $0x3  }
0x238: {  	[tilespmem:v49+s18+$0x0] =	vst.idx.msk $0xffff, v32  }
0x239: {  	[tilespmem:v50+s18+$0x0] =	vst.idx.msk $0xffff, v34  }
0x23a: {  	v51 =	vadd.s32 s2, v18;
	v32 =	vld [tilespmem:s31+$0xFFFFFF30]  }
0x23b: {  	v52 =	vadd.s32 s2, v19;
	v34 =	vld [tilespmem:s31+$0xFFFFFF40];
	_ =	sdelay $0x3  }
0x23c: {  	[tilespmem:v51+s18+$0x0] =	vst.idx.msk $0xffff, v32  }
0x23d: {  	[tilespmem:v52+s18+$0x0] =	vst.idx.msk $0xffff, v34  }
0x23e: {  	v53 =	vadd.s32 s2, v20;
	v32 =	vld [tilespmem:s31+$0xFFFFFF50]  }
0x23f: {  	v54 =	vadd.s32 s2, v21;
	v34 =	vld [tilespmem:s31+$0xFFFFFF60];
	_ =	sdelay $0x3  }
0x240: {  	[tilespmem:v53+s18+$0x0] =	vst.idx.msk $0xffff, v32  }
0x241: {  	[tilespmem:v54+s18+$0x0] =	vst.idx.msk $0xffff, v34  }
0x242: {  	v55 =	vadd.s32 s2, v22;
	v32 =	vld [tilespmem:s31+$0xFFFFFF70]  }
0x243: {  	v56 =	vadd.s32 s2, v23;
	v34 =	vld [tilespmem:s31+$0xFFFFFF80];
	_ =	sdelay $0x3  }
0x244: {  	[tilespmem:v55+s18+$0x0] =	vst.idx.msk $0xffff, v32  }
0x245: {  	[tilespmem:v56+s18+$0x0] =	vst.idx.msk $0xffff, v34  }
0x246: {  	v57 =	vadd.s32 s2, v24;
	v32 =	vld [tilespmem:s31+$0xFFFFFF90]  }
0x247: {  	v58 =	vadd.s32 s2, v25;
	v34 =	vld [tilespmem:s31+$0xFFFFFFA0];
	_ =	sdelay $0x3  }
0x248: {  	[tilespmem:v57+s18+$0x0] =	vst.idx.msk $0xffff, v32  }
0x249: {  	[tilespmem:v58+s18+$0x0] =	vst.idx.msk $0xffff, v34  }
0x24a: {  	v59 =	vadd.s32 s2, v26;
	v32 =	vld [tilespmem:s31+$0xFFFFFFB0]  }
0x24b: {  	v60 =	vadd.s32 s2, v27;
	v34 =	vld [tilespmem:s31+$0xFFFFFFC0];
	_ =	sdelay $0x3  }
0x24c: {  	[tilespmem:v59+s18+$0x0] =	vst.idx.msk $0xffff, v32  }
0x24d: {  	[tilespmem:v60+s18+$0x0] =	vst.idx.msk $0xffff, v34  }
0x24e: {  	v61 =	vadd.s32 s2, v28;
	v32 =	vld [tilespmem:s31+$0xFFFFFFD0]  }
0x24f: {  	v62 =	vadd.s32 s2, v29;
	v34 =	vld [tilespmem:s31+$0xFFFFFFE0];
	_ =	sdelay $0x3  }
0x250: {  	[tilespmem:v61+s18+$0x0] =	vst.idx.msk $0xffff, v32  }
0x251: {  	[tilespmem:v62+s18+$0x0] =	vst.idx.msk $0xffff, v34  }
0x252: {  	v63 =	vadd.s32 s2, v30;
	v34 =	vld [tilespmem:s31+$0xFFFFFFF0];
	_ =	sdelay $0x1  }
0x253: {  	v33 =	vadd.s32 s2, v31;
	v32 =	vld [tilespmem:s31+$0x0];
	_ =	sdelay $0x2  }
0x254: {  	s23 =	simm.s32 $0x10;
	[tilespmem:v63+s18+$0x0] =	vst.idx.msk $0xffff, v34  }
.LBB2_11:
0x255: {  	p2 =	sne.s32 s23, $0x70  }
0x256: {  	[tilespmem:v33+s18+$0x0] =	vst.idx.msk $0xffff, v32;
	s31 =	sadd.s32 $0x200, s31;
	s2 =	smov.u32 s23;
	s23 =	sadd.s32 $0x10, s23  }
0x257: {  	v32 =	vld [tilespmem:s31+$0xFFFFFE10];
	v33 =	vadd.s32 s2, v0  }
0x258: {  	v35 =	vadd.s32 s2, v1;
	v34 =	vld [tilespmem:s31+$0xFFFFFE20];
	_ =	sdelay $0x3  }
0x259: {  	[tilespmem:v33+s18+$0x0] =	vst.idx.msk $0xffff, v32  }
0x25a: {  	[tilespmem:v35+s18+$0x0] =	vst.idx.msk $0xffff, v34  }
0x25b: {  	v33 =	vadd.s32 s2, v2;
	v32 =	vld [tilespmem:s31+$0xFFFFFE30]  }
0x25c: {  	v35 =	vadd.s32 s2, v3;
	v34 =	vld [tilespmem:s31+$0xFFFFFE40];
	_ =	sdelay $0x3  }
0x25d: {  	[tilespmem:v33+s18+$0x0] =	vst.idx.msk $0xffff, v32  }
0x25e: {  	[tilespmem:v35+s18+$0x0] =	vst.idx.msk $0xffff, v34  }
0x25f: {  	v33 =	vadd.s32 s2, v4;
	v32 =	vld [tilespmem:s31+$0xFFFFFE50]  }
0x260: {  	v35 =	vadd.s32 s2, v5;
	v34 =	vld [tilespmem:s31+$0xFFFFFE60];
	_ =	sdelay $0x3  }
0x261: {  	[tilespmem:v33+s18+$0x0] =	vst.idx.msk $0xffff, v32  }
0x262: {  	[tilespmem:v35+s18+$0x0] =	vst.idx.msk $0xffff, v34  }
0x263: {  	v33 =	vadd.s32 s2, v6;
	v32 =	vld [tilespmem:s31+$0xFFFFFE70]  }
0x264: {  	v35 =	vadd.s32 s2, v7;
	v34 =	vld [tilespmem:s31+$0xFFFFFE80];
	_ =	sdelay $0x3  }
0x265: {  	[tilespmem:v33+s18+$0x0] =	vst.idx.msk $0xffff, v32  }
0x266: {  	[tilespmem:v35+s18+$0x0] =	vst.idx.msk $0xffff, v34  }
0x267: {  	v33 =	vadd.s32 s2, v8;
	v32 =	vld [tilespmem:s31+$0xFFFFFE90]  }
0x268: {  	v35 =	vadd.s32 s2, v9;
	v34 =	vld [tilespmem:s31+$0xFFFFFEA0];
	_ =	sdelay $0x3  }
0x269: {  	[tilespmem:v33+s18+$0x0] =	vst.idx.msk $0xffff, v32  }
0x26a: {  	[tilespmem:v35+s18+$0x0] =	vst.idx.msk $0xffff, v34  }
0x26b: {  	v33 =	vadd.s32 s2, v10;
	v32 =	vld [tilespmem:s31+$0xFFFFFEB0]  }
0x26c: {  	v35 =	vadd.s32 s2, v11;
	v34 =	vld [tilespmem:s31+$0xFFFFFEC0];
	_ =	sdelay $0x3  }
0x26d: {  	[tilespmem:v33+s18+$0x0] =	vst.idx.msk $0xffff, v32  }
0x26e: {  	[tilespmem:v35+s18+$0x0] =	vst.idx.msk $0xffff, v34  }
0x26f: {  	v33 =	vadd.s32 s2, v12;
	v32 =	vld [tilespmem:s31+$0xFFFFFED0]  }
0x270: {  	v35 =	vadd.s32 s2, v13;
	v34 =	vld [tilespmem:s31+$0xFFFFFEE0];
	_ =	sdelay $0x3  }
0x271: {  	[tilespmem:v33+s18+$0x0] =	vst.idx.msk $0xffff, v32  }
0x272: {  	[tilespmem:v35+s18+$0x0] =	vst.idx.msk $0xffff, v34  }
0x273: {  	v33 =	vadd.s32 s2, v14;
	v32 =	vld [tilespmem:s31+$0xFFFFFEF0]  }
0x274: {  	v35 =	vadd.s32 s2, v15;
	v34 =	vld [tilespmem:s31+$0xFFFFFF00];
	_ =	sdelay $0x3  }
0x275: {  	[tilespmem:v33+s18+$0x0] =	vst.idx.msk $0xffff, v32  }
0x276: {  	[tilespmem:v35+s18+$0x0] =	vst.idx.msk $0xffff, v34  }
0x277: {  	v33 =	vadd.s32 s2, v16;
	v32 =	vld [tilespmem:s31+$0xFFFFFF10]  }
0x278: {  	v35 =	vadd.s32 s2, v17;
	v34 =	vld [tilespmem:s31+$0xFFFFFF20];
	_ =	sdelay $0x3  }
0x279: {  	[tilespmem:v33+s18+$0x0] =	vst.idx.msk $0xffff, v32  }
0x27a: {  	[tilespmem:v35+s18+$0x0] =	vst.idx.msk $0xffff, v34  }
0x27b: {  	v33 =	vadd.s32 s2, v18;
	v32 =	vld [tilespmem:s31+$0xFFFFFF30]  }
0x27c: {  	v35 =	vadd.s32 s2, v19;
	v34 =	vld [tilespmem:s31+$0xFFFFFF40];
	_ =	sdelay $0x3  }
0x27d: {  	[tilespmem:v33+s18+$0x0] =	vst.idx.msk $0xffff, v32  }
0x27e: {  	[tilespmem:v35+s18+$0x0] =	vst.idx.msk $0xffff, v34  }
0x27f: {  	v33 =	vadd.s32 s2, v20;
	v32 =	vld [tilespmem:s31+$0xFFFFFF50]  }
0x280: {  	v35 =	vadd.s32 s2, v21;
	v34 =	vld [tilespmem:s31+$0xFFFFFF60];
	_ =	sdelay $0x3  }
0x281: {  	[tilespmem:v33+s18+$0x0] =	vst.idx.msk $0xffff, v32  }
0x282: {  	[tilespmem:v35+s18+$0x0] =	vst.idx.msk $0xffff, v34  }
0x283: {  	v33 =	vadd.s32 s2, v22;
	v32 =	vld [tilespmem:s31+$0xFFFFFF70]  }
0x284: {  	v35 =	vadd.s32 s2, v23;
	v34 =	vld [tilespmem:s31+$0xFFFFFF80];
	_ =	sdelay $0x3  }
0x285: {  	[tilespmem:v33+s18+$0x0] =	vst.idx.msk $0xffff, v32  }
0x286: {  	[tilespmem:v35+s18+$0x0] =	vst.idx.msk $0xffff, v34  }
0x287: {  	v33 =	vadd.s32 s2, v24;
	v32 =	vld [tilespmem:s31+$0xFFFFFF90]  }
0x288: {  	v35 =	vadd.s32 s2, v25;
	v34 =	vld [tilespmem:s31+$0xFFFFFFA0];
	_ =	sdelay $0x3  }
0x289: {  	[tilespmem:v33+s18+$0x0] =	vst.idx.msk $0xffff, v32  }
0x28a: {  	[tilespmem:v35+s18+$0x0] =	vst.idx.msk $0xffff, v34  }
0x28b: {  	v33 =	vadd.s32 s2, v26;
	v32 =	vld [tilespmem:s31+$0xFFFFFFB0]  }
0x28c: {  	v35 =	vadd.s32 s2, v27;
	v34 =	vld [tilespmem:s31+$0xFFFFFFC0];
	_ =	sdelay $0x3  }
0x28d: {  	[tilespmem:v33+s18+$0x0] =	vst.idx.msk $0xffff, v32  }
0x28e: {  	[tilespmem:v35+s18+$0x0] =	vst.idx.msk $0xffff, v34  }
0x28f: {  	v33 =	vadd.s32 s2, v28;
	v32 =	vld [tilespmem:s31+$0xFFFFFFD0]  }
0x290: {  	v35 =	vadd.s32 s2, v29;
	v34 =	vld [tilespmem:s31+$0xFFFFFFE0];
	_ =	sdelay $0x3  }
0x291: {  	[tilespmem:v33+s18+$0x0] =	vst.idx.msk $0xffff, v32  }
0x292: {  	[tilespmem:v35+s18+$0x0] =	vst.idx.msk $0xffff, v34  }
0x293: {  	v35 =	vadd.s32 s2, v30;
	v34 =	vld [tilespmem:s31+$0xFFFFFFF0]  }
.Ltmp7:
0x294: {  	v33 =	vadd.s32 s2, v31;
	v32 =	vld [tilespmem:s31+$0x0];
	(pc) =	sbr.rel @p2 .LBB2_11-.Ltmp7, $2  }
0x295: {  	_ =	sdelay $0x2  }
0x296: {  	[tilespmem:v35+s18+$0x0] =	vst.idx.msk $0xffff, v34  }
0x297: {  	_ =	sdelay $0x3  }
0x298: {  	[tilespmem:v33+s18+$0x0] =	vst.idx.msk $0xffff, v32;
	s2 =	sadd.s32 s30, s14  }
0x299: {  	[hbm4b:s2+s3] =	stream.linear.scatter [tilespmem:s18], [sflag:$0x7], $0x80, $0x38;
	[tilespmem:$0xE800] =	vst v63  }
0x29a: {  	s31 =	simm.s32 $0xC688;
	s23 =	sadd.s32 $0x10, s2  }
0x29b: {  	[hbm4b:s23+s3] =	stream.linear.scatter [tilespmem:s31], [sflag:$0x7], $0x80, $0x38;
	[tilespmem:$0xE800] =	vst v63  }
0x29c: {  	s23 =	sadd.s32 $0x20, s2;
	s31 =	simm.s32 $0xC710  }
0x29d: {  	[hbm4b:s23+s3] =	stream.linear.scatter [tilespmem:s31], [sflag:$0x7], $0x80, $0x38;
	[tilespmem:$0xE800] =	vst v63  }
0x29e: {  	s23 =	sadd.s32 $0x30, s2;
	s31 =	simm.s32 $0xC798  }
0x29f: {  	[hbm4b:s23+s3] =	stream.linear.scatter [tilespmem:s31], [sflag:$0x7], $0x80, $0x38;
	[tilespmem:$0xE800] =	vst v63  }
0x2a0: {  	s23 =	sadd.s32 $0x40, s2;
	s31 =	simm.s32 $0xC820  }
0x2a1: {  	[hbm4b:s23+s3] =	stream.linear.scatter [tilespmem:s31], [sflag:$0x7], $0x80, $0x38;
	[tilespmem:$0xE800] =	vst v63  }
0x2a2: {  	s23 =	sadd.s32 $0x50, s2;
	s31 =	simm.s32 $0xC8A8  }
0x2a3: {  	[hbm4b:s23+s3] =	stream.linear.scatter [tilespmem:s31], [sflag:$0x7], $0x80, $0x38;
	[tilespmem:$0xE800] =	vst v63  }
0x2a4: {  	s23 =	sadd.s32 $0x60, s2;
	s31 =	simm.s32 $0xC930  }
0x2a5: {  	[hbm4b:s23+s3] =	stream.linear.scatter [tilespmem:s31], [sflag:$0x7], $0x80, $0x38;
	[tilespmem:$0xE800] =	vst v63  }
0x2a6: {  	s2 =	sadd.s32 $0x70, s2;
	s31 =	simm.s32 $0xC9B8  }
0x2a7: {  	[hbm4b:s2+s3] =	stream.linear.scatter [tilespmem:s31], [sflag:$0x7], $0x80, $0x38;
	[tilespmem:$0xE800] =	vst v63  }
0x2a8: {  	s2 =	sadd.s32 s30, s15;
	s31 =	simm.s32 $0xCA40  }
0x2a9: {  	[hbm4b:s2+s3] =	stream.linear.scatter [tilespmem:s31], [sflag:$0x7], $0x80, $0x38;
	[tilespmem:$0xE800] =	vst v63  }
0x2aa: {  	s23 =	sadd.s32 $0x10, s2;
	s31 =	simm.s32 $0xCAC8  }
0x2ab: {  	[hbm4b:s23+s3] =	stream.linear.scatter [tilespmem:s31], [sflag:$0x7], $0x80, $0x38;
	[tilespmem:$0xE800] =	vst v63  }
0x2ac: {  	s23 =	sadd.s32 $0x20, s2;
	s31 =	simm.s32 $0xCB50  }
0x2ad: {  	[hbm4b:s23+s3] =	stream.linear.scatter [tilespmem:s31], [sflag:$0x7], $0x80, $0x38;
	[tilespmem:$0xE800] =	vst v63  }
0x2ae: {  	s23 =	sadd.s32 $0x30, s2;
	s31 =	simm.s32 $0xCBD8  }
0x2af: {  	[hbm4b:s23+s3] =	stream.linear.scatter [tilespmem:s31], [sflag:$0x7], $0x80, $0x38;
	[tilespmem:$0xE800] =	vst v63  }
0x2b0: {  	s23 =	sadd.s32 $0x40, s2;
	s31 =	simm.s32 $0xCC60  }
0x2b1: {  	[hbm4b:s23+s3] =	stream.linear.scatter [tilespmem:s31], [sflag:$0x7], $0x80, $0x38;
	[tilespmem:$0xE800] =	vst v63  }
0x2b2: {  	s23 =	sadd.s32 $0x50, s2;
	s31 =	simm.s32 $0xCCE8  }
0x2b3: {  	[hbm4b:s23+s3] =	stream.linear.scatter [tilespmem:s31], [sflag:$0x7], $0x80, $0x38;
	[tilespmem:$0xE800] =	vst v63  }
0x2b4: {  	s23 =	sadd.s32 $0x60, s2;
	s31 =	simm.s32 $0xCD70  }
0x2b5: {  	[hbm4b:s23+s3] =	stream.linear.scatter [tilespmem:s31], [sflag:$0x7], $0x80, $0x38;
	[tilespmem:$0xE800] =	vst v63  }
0x2b6: {  	s2 =	sadd.s32 $0x70, s2;
	s31 =	simm.s32 $0xCDF8  }
0x2b7: {  	[hbm4b:s2+s3] =	stream.linear.scatter [tilespmem:s31], [sflag:$0x7], $0x80, $0x38;
	[tilespmem:$0xE800] =	vst v63  }
0x2b8: {  	s2 =	sadd.s32 s30, s16;
	s31 =	simm.s32 $0xCE80  }
0x2b9: {  	[hbm4b:s2+s3] =	stream.linear.scatter [tilespmem:s31], [sflag:$0x7], $0x80, $0x38;
	[tilespmem:$0xE800] =	vst v63  }
0x2ba: {  	s23 =	sadd.s32 $0x10, s2;
	s31 =	simm.s32 $0xCF08  }
0x2bb: {  	[hbm4b:s23+s3] =	stream.linear.scatter [tilespmem:s31], [sflag:$0x7], $0x80, $0x38;
	[tilespmem:$0xE800] =	vst v63  }
0x2bc: {  	s23 =	sadd.s32 $0x20, s2;
	s31 =	simm.s32 $0xCF90  }
0x2bd: {  	[hbm4b:s23+s3] =	stream.linear.scatter [tilespmem:s31], [sflag:$0x7], $0x80, $0x38;
	[tilespmem:$0xE800] =	vst v63  }
0x2be: {  	s23 =	sadd.s32 $0x30, s2;
	s31 =	simm.s32 $0xD018  }
0x2bf: {  	[hbm4b:s23+s3] =	stream.linear.scatter [tilespmem:s31], [sflag:$0x7], $0x80, $0x38;
	[tilespmem:$0xE800] =	vst v63  }
0x2c0: {  	s23 =	sadd.s32 $0x40, s2;
	s31 =	simm.s32 $0xD0A0  }
0x2c1: {  	[hbm4b:s23+s3] =	stream.linear.scatter [tilespmem:s31], [sflag:$0x7], $0x80, $0x38;
	[tilespmem:$0xE800] =	vst v63  }
0x2c2: {  	s23 =	sadd.s32 $0x50, s2;
	s31 =	simm.s32 $0xD128  }
0x2c3: {  	[hbm4b:s23+s3] =	stream.linear.scatter [tilespmem:s31], [sflag:$0x7], $0x80, $0x38;
	[tilespmem:$0xE800] =	vst v63  }
0x2c4: {  	s23 =	sadd.s32 $0x60, s2;
	s31 =	simm.s32 $0xD1B0  }
0x2c5: {  	[hbm4b:s23+s3] =	stream.linear.scatter [tilespmem:s31], [sflag:$0x7], $0x80, $0x38;
	[tilespmem:$0xE800] =	vst v63  }
0x2c6: {  	s2 =	sadd.s32 $0x70, s2;
	s31 =	simm.s32 $0xD238  }
0x2c7: {  	[hbm4b:s2+s3] =	stream.linear.scatter [tilespmem:s31], [sflag:$0x7], $0x80, $0x38;
	[tilespmem:$0xE800] =	vst v63  }
0x2c8: {  	s2 =	sadd.s32 s30, s17;
	s30 =	simm.s32 $0xD2C0  }
0x2c9: {  	[hbm4b:s2+s3] =	stream.linear.scatter [tilespmem:s30], [sflag:$0x7], $0x80, $0x38;
	[tilespmem:$0xE800] =	vst v63  }
0x2ca: {  	s31 =	simm.s32 $0xD348;
	s23 =	sadd.s32 $0x10, s2  }
0x2cb: {  	[hbm4b:s23+s3] =	stream.linear.scatter [tilespmem:s31], [sflag:$0x7], $0x80, $0x38;
	[tilespmem:$0xE800] =	vst v63  }
0x2cc: {  	s23 =	sadd.s32 $0x20, s2;
	s31 =	simm.s32 $0xD3D0  }
0x2cd: {  	[hbm4b:s23+s3] =	stream.linear.scatter [tilespmem:s31], [sflag:$0x7], $0x80, $0x38;
	[tilespmem:$0xE800] =	vst v63  }
0x2ce: {  	s23 =	sadd.s32 $0x30, s2;
	s31 =	simm.s32 $0xD458  }
0x2cf: {  	[hbm4b:s23+s3] =	stream.linear.scatter [tilespmem:s31], [sflag:$0x7], $0x80, $0x38;
	[tilespmem:$0xE800] =	vst v63  }
0x2d0: {  	s23 =	sadd.s32 $0x40, s2;
	s31 =	simm.s32 $0xD4E0  }
0x2d1: {  	[hbm4b:s23+s3] =	stream.linear.scatter [tilespmem:s31], [sflag:$0x7], $0x80, $0x38;
	[tilespmem:$0xE800] =	vst v63  }
0x2d2: {  	s23 =	sadd.s32 $0x50, s2;
	s31 =	simm.s32 $0xD568  }
0x2d3: {  	[hbm4b:s23+s3] =	stream.linear.scatter [tilespmem:s31], [sflag:$0x7], $0x80, $0x38;
	[tilespmem:$0xE800] =	vst v63  }
.Ltmp8:
0x2d4: {  	_ = 	snop;
	(pc) =	sbr.rel @p1 .LBB2_14-.Ltmp8, $4  }
0x2d5: {  	s23 =	sadd.s32 $0x60, s2;
	s31 =	simm.s32 $0xD5F0  }
0x2d6: {  	[hbm4b:s23+s3] =	stream.linear.scatter [tilespmem:s31], [sflag:$0x7], $0x80, $0x38;
	[tilespmem:$0xE800] =	vst v63  }
0x2d7: {  	s2 =	sadd.s32 $0x70, s2;
	s31 =	simm.s32 $0xD678  }
0x2d8: {  	[hbm4b:s2+s3] =	stream.linear.scatter [tilespmem:s31], [sflag:$0x7], $0x80, $0x38;
	[tilespmem:$0xE800] =	vst v63  }
.Ltmp9:
0x2d9: {  	(pc) =	sbr.rel .LBB2_15-.Ltmp9, $4  }
0x2da: {  	_ = 	snop  }
0x2db: {  	_ =	swait.ge [sflag:s0], $0x1000  }
0x2dc: {  	[sflag:s0] =	ssyncset.done $0x0  }
0x2dd: {  	[sflag:s0] =	ssyncadd.s32 $0xFFFFF000  }
.LBB2_14:
0x2de: {  	s2 =	sshll.u32 s25, $0x9  }
0x2df: {  	s2 =	sand.u32 $0x3FFFFE00, s2  }
.Ltmp10:
0x2e0: {  	s23 =	simm.s32 $0x7400;
	s2 =	sadd.s32 $0x280, s2;
	(pc) =	sbr.rel @p0 .LBB2_16-.Ltmp10, $4  }
0x2e1: {  	[tilespmem:s23], [sflag:$0x2] =	stream.indirect.gather [hbm4b:s4+s19], $0x20, s2, s19, $0xb8;
	[tilespmem:$0xE800] =	vst v63  }
0x2e2: {  	_ =	swait.ge [sflag:s0], $0x1000  }
0x2e3: {  	[sflag:s0] =	ssyncset.done $0x0  }
0x2e4: {  	[sflag:s0] =	ssyncadd.s32 $0xFFFFF000  }
.LBB2_15:
0x2e5: {  	_ =	swait.ge [sflag:s21], $0x400  }
0x2e6: {  	[sflag:s21] =	ssyncset.done $0x0  }
0x2e7: {  	[sflag:s21] =	ssyncadd.s32 $0xFFFFFC00  }
0x2e8: {  	_ =	swait.ge [sflag:s21], $0x400  }
0x2e9: {  	[sflag:s21] =	ssyncset.done $0x0  }
0x2ea: {  	[sflag:s21] =	ssyncadd.s32 $0xFFFFFC00  }
0x2eb: {  	_ =	swait.ge [sflag:s21], $0x400  }
0x2ec: {  	[sflag:s21] =	ssyncset.done $0x0  }
0x2ed: {  	[sflag:s21] =	ssyncadd.s32 $0xFFFFFC00  }
0x2ee: {  	_ =	swait.ge [sflag:s21], $0x400  }
0x2ef: {  	[sflag:s21] =	ssyncset.done $0x0  }
0x2f0: {  	[sflag:s21] =	ssyncadd.s32 $0xFFFFFC00  }
.LBB2_16:
0x2f1: {  	s2 =	simm.s32 $0x0;
	s30 =	simm.s32 $0x95F0  }
0x2f2: {  	v32 =	vld [tilespmem:s30+$0xFFFFFE10];
	v33 =	vadd.s32 s2, v0  }
0x2f3: {  	v34 =	vld [tilespmem:s30+$0xFFFFFE20];
	v35 =	vadd.s32 s2, v1;
	_ =	sdelay $0x3  }
0x2f4: {  	[tilespmem:v33+s22+$0x0] =	vst.idx.msk $0xffff, v32  }
0x2f5: {  	[tilespmem:v35+s22+$0x0] =	vst.idx.msk $0xffff, v34  }
0x2f6: {  	v63 =	vadd.s32 s2, v2;
	v32 =	vld [tilespmem:s30+$0xFFFFFE30]  }
0x2f7: {  	v36 =	vadd.s32 s2, v3;
	v34 =	vld [tilespmem:s30+$0xFFFFFE40];
	_ =	sdelay $0x3  }
0x2f8: {  	[tilespmem:v63+s22+$0x0] =	vst.idx.msk $0xffff, v32  }
0x2f9: {  	[tilespmem:v36+s22+$0x0] =	vst.idx.msk $0xffff, v34  }
0x2fa: {  	v37 =	vadd.s32 s2, v4;
	v32 =	vld [tilespmem:s30+$0xFFFFFE50]  }
0x2fb: {  	v38 =	vadd.s32 s2, v5;
	v34 =	vld [tilespmem:s30+$0xFFFFFE60];
	_ =	sdelay $0x3  }
0x2fc: {  	[tilespmem:v37+s22+$0x0] =	vst.idx.msk $0xffff, v32  }
0x2fd: {  	[tilespmem:v38+s22+$0x0] =	vst.idx.msk $0xffff, v34  }
0x2fe: {  	v39 =	vadd.s32 s2, v6;
	v32 =	vld [tilespmem:s30+$0xFFFFFE70]  }
0x2ff: {  	v40 =	vadd.s32 s2, v7;
	v34 =	vld [tilespmem:s30+$0xFFFFFE80];
	_ =	sdelay $0x3  }
0x300: {  	[tilespmem:v39+s22+$0x0] =	vst.idx.msk $0xffff, v32  }
0x301: {  	[tilespmem:v40+s22+$0x0] =	vst.idx.msk $0xffff, v34  }
0x302: {  	v41 =	vadd.s32 s2, v8;
	v32 =	vld [tilespmem:s30+$0xFFFFFE90]  }
0x303: {  	v42 =	vadd.s32 s2, v9;
	v34 =	vld [tilespmem:s30+$0xFFFFFEA0];
	_ =	sdelay $0x3  }
0x304: {  	[tilespmem:v41+s22+$0x0] =	vst.idx.msk $0xffff, v32  }
0x305: {  	[tilespmem:v42+s22+$0x0] =	vst.idx.msk $0xffff, v34  }
0x306: {  	v43 =	vadd.s32 s2, v10;
	v32 =	vld [tilespmem:s30+$0xFFFFFEB0]  }
0x307: {  	v44 =	vadd.s32 s2, v11;
	v34 =	vld [tilespmem:s30+$0xFFFFFEC0];
	_ =	sdelay $0x3  }
0x308: {  	[tilespmem:v43+s22+$0x0] =	vst.idx.msk $0xffff, v32  }
0x309: {  	[tilespmem:v44+s22+$0x0] =	vst.idx.msk $0xffff, v34  }
0x30a: {  	v45 =	vadd.s32 s2, v12;
	v32 =	vld [tilespmem:s30+$0xFFFFFED0]  }
0x30b: {  	v46 =	vadd.s32 s2, v13;
	v34 =	vld [tilespmem:s30+$0xFFFFFEE0];
	_ =	sdelay $0x3  }
0x30c: {  	[tilespmem:v45+s22+$0x0] =	vst.idx.msk $0xffff, v32  }
0x30d: {  	[tilespmem:v46+s22+$0x0] =	vst.idx.msk $0xffff, v34  }
0x30e: {  	v47 =	vadd.s32 s2, v14;
	v32 =	vld [tilespmem:s30+$0xFFFFFEF0]  }
0x30f: {  	v48 =	vadd.s32 s2, v15;
	v34 =	vld [tilespmem:s30+$0xFFFFFF00];
	_ =	sdelay $0x3  }
0x310: {  	[tilespmem:v47+s22+$0x0] =	vst.idx.msk $0xffff, v32  }
0x311: {  	[tilespmem:v48+s22+$0x0] =	vst.idx.msk $0xffff, v34  }
0x312: {  	v49 =	vadd.s32 s2, v16;
	v32 =	vld [tilespmem:s30+$0xFFFFFF10]  }
0x313: {  	v50 =	vadd.s32 s2, v17;
	v34 =	vld [tilespmem:s30+$0xFFFFFF20];
	_ =	sdelay $0x3  }
0x314: {  	[tilespmem:v49+s22+$0x0] =	vst.idx.msk $0xffff, v32  }
0x315: {  	[tilespmem:v50+s22+$0x0] =	vst.idx.msk $0xffff, v34  }
0x316: {  	v51 =	vadd.s32 s2, v18;
	v32 =	vld [tilespmem:s30+$0xFFFFFF30]  }
0x317: {  	v52 =	vadd.s32 s2, v19;
	v34 =	vld [tilespmem:s30+$0xFFFFFF40];
	_ =	sdelay $0x3  }
0x318: {  	[tilespmem:v51+s22+$0x0] =	vst.idx.msk $0xffff, v32  }
0x319: {  	[tilespmem:v52+s22+$0x0] =	vst.idx.msk $0xffff, v34  }
0x31a: {  	v53 =	vadd.s32 s2, v20;
	v32 =	vld [tilespmem:s30+$0xFFFFFF50]  }
0x31b: {  	v54 =	vadd.s32 s2, v21;
	v34 =	vld [tilespmem:s30+$0xFFFFFF60];
	_ =	sdelay $0x3  }
0x31c: {  	[tilespmem:v53+s22+$0x0] =	vst.idx.msk $0xffff, v32  }
0x31d: {  	[tilespmem:v54+s22+$0x0] =	vst.idx.msk $0xffff, v34  }
0x31e: {  	v55 =	vadd.s32 s2, v22;
	v32 =	vld [tilespmem:s30+$0xFFFFFF70]  }
0x31f: {  	v56 =	vadd.s32 s2, v23;
	v34 =	vld [tilespmem:s30+$0xFFFFFF80];
	_ =	sdelay $0x3  }
0x320: {  	[tilespmem:v55+s22+$0x0] =	vst.idx.msk $0xffff, v32  }
0x321: {  	[tilespmem:v56+s22+$0x0] =	vst.idx.msk $0xffff, v34  }
0x322: {  	v57 =	vadd.s32 s2, v24;
	v32 =	vld [tilespmem:s30+$0xFFFFFF90]  }
0x323: {  	v58 =	vadd.s32 s2, v25;
	v34 =	vld [tilespmem:s30+$0xFFFFFFA0];
	_ =	sdelay $0x3  }
0x324: {  	[tilespmem:v57+s22+$0x0] =	vst.idx.msk $0xffff, v32  }
0x325: {  	[tilespmem:v58+s22+$0x0] =	vst.idx.msk $0xffff, v34  }
0x326: {  	v59 =	vadd.s32 s2, v26;
	v32 =	vld [tilespmem:s30+$0xFFFFFFB0]  }
0x327: {  	v60 =	vadd.s32 s2, v27;
	v34 =	vld [tilespmem:s30+$0xFFFFFFC0];
	_ =	sdelay $0x3  }
0x328: {  	[tilespmem:v59+s22+$0x0] =	vst.idx.msk $0xffff, v32  }
0x329: {  	[tilespmem:v60+s22+$0x0] =	vst.idx.msk $0xffff, v34  }
0x32a: {  	v61 =	vadd.s32 s2, v28;
	v32 =	vld [tilespmem:s30+$0xFFFFFFD0]  }
0x32b: {  	v62 =	vadd.s32 s2, v29;
	v34 =	vld [tilespmem:s30+$0xFFFFFFE0];
	_ =	sdelay $0x3  }
0x32c: {  	[tilespmem:v61+s22+$0x0] =	vst.idx.msk $0xffff, v32  }
0x32d: {  	[tilespmem:v62+s22+$0x0] =	vst.idx.msk $0xffff, v34  }
0x32e: {  	v63 =	vadd.s32 s2, v30;
	v34 =	vld [tilespmem:s30+$0xFFFFFFF0];
	_ =	sdelay $0x1  }
0x32f: {  	v33 =	vadd.s32 s2, v31;
	v32 =	vld [tilespmem:s30+$0x0];
	_ =	sdelay $0x2  }
0x330: {  	s23 =	simm.s32 $0x10;
	[tilespmem:v63+s22+$0x0] =	vst.idx.msk $0xffff, v34  }
.LBB2_17:
0x331: {  	p0 =	sne.s32 s23, $0x70  }
0x332: {  	[tilespmem:v33+s22+$0x0] =	vst.idx.msk $0xffff, v32;
	s30 =	sadd.s32 $0x200, s30;
	s2 =	smov.u32 s23;
	s23 =	sadd.s32 $0x10, s23  }
0x333: {  	v32 =	vld [tilespmem:s30+$0xFFFFFE10];
	v33 =	vadd.s32 s2, v0  }
0x334: {  	v35 =	vadd.s32 s2, v1;
	v34 =	vld [tilespmem:s30+$0xFFFFFE20];
	_ =	sdelay $0x3  }
0x335: {  	[tilespmem:v33+s22+$0x0] =	vst.idx.msk $0xffff, v32  }
0x336: {  	[tilespmem:v35+s22+$0x0] =	vst.idx.msk $0xffff, v34  }
0x337: {  	v33 =	vadd.s32 s2, v2;
	v32 =	vld [tilespmem:s30+$0xFFFFFE30]  }
0x338: {  	v35 =	vadd.s32 s2, v3;
	v34 =	vld [tilespmem:s30+$0xFFFFFE40];
	_ =	sdelay $0x3  }
0x339: {  	[tilespmem:v33+s22+$0x0] =	vst.idx.msk $0xffff, v32  }
0x33a: {  	[tilespmem:v35+s22+$0x0] =	vst.idx.msk $0xffff, v34  }
0x33b: {  	v33 =	vadd.s32 s2, v4;
	v32 =	vld [tilespmem:s30+$0xFFFFFE50]  }
0x33c: {  	v35 =	vadd.s32 s2, v5;
	v34 =	vld [tilespmem:s30+$0xFFFFFE60];
	_ =	sdelay $0x3  }
0x33d: {  	[tilespmem:v33+s22+$0x0] =	vst.idx.msk $0xffff, v32  }
0x33e: {  	[tilespmem:v35+s22+$0x0] =	vst.idx.msk $0xffff, v34  }
0x33f: {  	v33 =	vadd.s32 s2, v6;
	v32 =	vld [tilespmem:s30+$0xFFFFFE70]  }
0x340: {  	v35 =	vadd.s32 s2, v7;
	v34 =	vld [tilespmem:s30+$0xFFFFFE80];
	_ =	sdelay $0x3  }
0x341: {  	[tilespmem:v33+s22+$0x0] =	vst.idx.msk $0xffff, v32  }
0x342: {  	[tilespmem:v35+s22+$0x0] =	vst.idx.msk $0xffff, v34  }
0x343: {  	v33 =	vadd.s32 s2, v8;
	v32 =	vld [tilespmem:s30+$0xFFFFFE90]  }
0x344: {  	v35 =	vadd.s32 s2, v9;
	v34 =	vld [tilespmem:s30+$0xFFFFFEA0];
	_ =	sdelay $0x3  }
0x345: {  	[tilespmem:v33+s22+$0x0] =	vst.idx.msk $0xffff, v32  }
0x346: {  	[tilespmem:v35+s22+$0x0] =	vst.idx.msk $0xffff, v34  }
0x347: {  	v33 =	vadd.s32 s2, v10;
	v32 =	vld [tilespmem:s30+$0xFFFFFEB0]  }
0x348: {  	v35 =	vadd.s32 s2, v11;
	v34 =	vld [tilespmem:s30+$0xFFFFFEC0];
	_ =	sdelay $0x3  }
0x349: {  	[tilespmem:v33+s22+$0x0] =	vst.idx.msk $0xffff, v32  }
0x34a: {  	[tilespmem:v35+s22+$0x0] =	vst.idx.msk $0xffff, v34  }
0x34b: {  	v33 =	vadd.s32 s2, v12;
	v32 =	vld [tilespmem:s30+$0xFFFFFED0]  }
0x34c: {  	v35 =	vadd.s32 s2, v13;
	v34 =	vld [tilespmem:s30+$0xFFFFFEE0];
	_ =	sdelay $0x3  }
0x34d: {  	[tilespmem:v33+s22+$0x0] =	vst.idx.msk $0xffff, v32  }
0x34e: {  	[tilespmem:v35+s22+$0x0] =	vst.idx.msk $0xffff, v34  }
0x34f: {  	v33 =	vadd.s32 s2, v14;
	v32 =	vld [tilespmem:s30+$0xFFFFFEF0]  }
0x350: {  	v35 =	vadd.s32 s2, v15;
	v34 =	vld [tilespmem:s30+$0xFFFFFF00];
	_ =	sdelay $0x3  }
0x351: {  	[tilespmem:v33+s22+$0x0] =	vst.idx.msk $0xffff, v32  }
0x352: {  	[tilespmem:v35+s22+$0x0] =	vst.idx.msk $0xffff, v34  }
0x353: {  	v33 =	vadd.s32 s2, v16;
	v32 =	vld [tilespmem:s30+$0xFFFFFF10]  }
0x354: {  	v35 =	vadd.s32 s2, v17;
	v34 =	vld [tilespmem:s30+$0xFFFFFF20];
	_ =	sdelay $0x3  }
0x355: {  	[tilespmem:v33+s22+$0x0] =	vst.idx.msk $0xffff, v32  }
0x356: {  	[tilespmem:v35+s22+$0x0] =	vst.idx.msk $0xffff, v34  }
0x357: {  	v33 =	vadd.s32 s2, v18;
	v32 =	vld [tilespmem:s30+$0xFFFFFF30]  }
0x358: {  	v35 =	vadd.s32 s2, v19;
	v34 =	vld [tilespmem:s30+$0xFFFFFF40];
	_ =	sdelay $0x3  }
0x359: {  	[tilespmem:v33+s22+$0x0] =	vst.idx.msk $0xffff, v32  }
0x35a: {  	[tilespmem:v35+s22+$0x0] =	vst.idx.msk $0xffff, v34  }
0x35b: {  	v33 =	vadd.s32 s2, v20;
	v32 =	vld [tilespmem:s30+$0xFFFFFF50]  }
0x35c: {  	v35 =	vadd.s32 s2, v21;
	v34 =	vld [tilespmem:s30+$0xFFFFFF60];
	_ =	sdelay $0x3  }
0x35d: {  	[tilespmem:v33+s22+$0x0] =	vst.idx.msk $0xffff, v32  }
0x35e: {  	[tilespmem:v35+s22+$0x0] =	vst.idx.msk $0xffff, v34  }
0x35f: {  	v33 =	vadd.s32 s2, v22;
	v32 =	vld [tilespmem:s30+$0xFFFFFF70]  }
0x360: {  	v35 =	vadd.s32 s2, v23;
	v34 =	vld [tilespmem:s30+$0xFFFFFF80];
	_ =	sdelay $0x3  }
0x361: {  	[tilespmem:v33+s22+$0x0] =	vst.idx.msk $0xffff, v32  }
0x362: {  	[tilespmem:v35+s22+$0x0] =	vst.idx.msk $0xffff, v34  }
0x363: {  	v33 =	vadd.s32 s2, v24;
	v32 =	vld [tilespmem:s30+$0xFFFFFF90]  }
0x364: {  	v35 =	vadd.s32 s2, v25;
	v34 =	vld [tilespmem:s30+$0xFFFFFFA0];
	_ =	sdelay $0x3  }
0x365: {  	[tilespmem:v33+s22+$0x0] =	vst.idx.msk $0xffff, v32  }
0x366: {  	[tilespmem:v35+s22+$0x0] =	vst.idx.msk $0xffff, v34  }
0x367: {  	v33 =	vadd.s32 s2, v26;
	v32 =	vld [tilespmem:s30+$0xFFFFFFB0]  }
0x368: {  	v35 =	vadd.s32 s2, v27;
	v34 =	vld [tilespmem:s30+$0xFFFFFFC0];
	_ =	sdelay $0x3  }
0x369: {  	[tilespmem:v33+s22+$0x0] =	vst.idx.msk $0xffff, v32  }
0x36a: {  	[tilespmem:v35+s22+$0x0] =	vst.idx.msk $0xffff, v34  }
0x36b: {  	v33 =	vadd.s32 s2, v28;
	v32 =	vld [tilespmem:s30+$0xFFFFFFD0]  }
0x36c: {  	v35 =	vadd.s32 s2, v29;
	v34 =	vld [tilespmem:s30+$0xFFFFFFE0];
	_ =	sdelay $0x3  }
0x36d: {  	[tilespmem:v33+s22+$0x0] =	vst.idx.msk $0xffff, v32  }
0x36e: {  	[tilespmem:v35+s22+$0x0] =	vst.idx.msk $0xffff, v34  }
0x36f: {  	v35 =	vadd.s32 s2, v30;
	v34 =	vld [tilespmem:s30+$0xFFFFFFF0]  }
.Ltmp11:
0x370: {  	v33 =	vadd.s32 s2, v31;
	v32 =	vld [tilespmem:s30+$0x0];
	(pc) =	sbr.rel @p0 .LBB2_17-.Ltmp11, $2  }
0x371: {  	_ =	sdelay $0x2  }
0x372: {  	[tilespmem:v35+s22+$0x0] =	vst.idx.msk $0xffff, v34  }
0x373: {  	_ = 	snop  }
0x374: {  	s2 =	sshll.u32 s29, $0x11  }
0x375: {  	s2 =	sor.u32 s6, s2  }
0x376: {  	s2 =	sshrl.u32 s2, $0x3  }
0x377: {  	[tilespmem:v33+s22+$0x0] =	vst.idx.msk $0xffff, v32;
	s23 =	sadd.s32 s10, s2  }
0x378: {  	[hbm4b:s23+s3] =	stream.linear.scatter [tilespmem:s22], [sflag:$0x8], $0x80, $0x38;
	[tilespmem:$0xE800] =	vst v63  }
0x379: {  	s30 =	simm.s32 $0xD788;
	s31 =	sadd.s32 $0x10, s23  }
0x37a: {  	[hbm4b:s31+s3] =	stream.linear.scatter [tilespmem:s30], [sflag:$0x8], $0x80, $0x38;
	[tilespmem:$0xE800] =	vst v63  }
0x37b: {  	s29 =	sadd.s32 $0x20, s23;
	s31 =	simm.s32 $0xD810  }
0x37c: {  	[hbm4b:s29+s3] =	stream.linear.scatter [tilespmem:s31], [sflag:$0x8], $0x80, $0x38;
	[tilespmem:$0xE800] =	vst v63  }
0x37d: {  	s29 =	sadd.s32 $0x30, s23;
	s31 =	simm.s32 $0xD898  }
0x37e: {  	[hbm4b:s29+s3] =	stream.linear.scatter [tilespmem:s31], [sflag:$0x8], $0x80, $0x38;
	[tilespmem:$0xE800] =	vst v63  }
0x37f: {  	s29 =	sadd.s32 $0x40, s23;
	s31 =	simm.s32 $0xD920  }
0x380: {  	[hbm4b:s29+s3] =	stream.linear.scatter [tilespmem:s31], [sflag:$0x8], $0x80, $0x38;
	[tilespmem:$0xE800] =	vst v63  }
0x381: {  	s29 =	sadd.s32 $0x50, s23;
	s31 =	simm.s32 $0xD9A8  }
0x382: {  	[hbm4b:s29+s3] =	stream.linear.scatter [tilespmem:s31], [sflag:$0x8], $0x80, $0x38;
	[tilespmem:$0xE800] =	vst v63  }
0x383: {  	s29 =	sadd.s32 $0x60, s23;
	s31 =	simm.s32 $0xDA30  }
0x384: {  	[hbm4b:s29+s3] =	stream.linear.scatter [tilespmem:s31], [sflag:$0x8], $0x80, $0x38;
	[tilespmem:$0xE800] =	vst v63  }
0x385: {  	s23 =	sadd.s32 $0x70, s23;
	s31 =	simm.s32 $0xDAB8  }
0x386: {  	[hbm4b:s23+s3] =	stream.linear.scatter [tilespmem:s31], [sflag:$0x8], $0x80, $0x38;
	[tilespmem:$0xE800] =	vst v63  }
0x387: {  	s30 =	simm.s32 $0xDB40;
	s23 =	sadd.s32 s2, s7  }
0x388: {  	[hbm4b:s23+s3] =	stream.linear.scatter [tilespmem:s30], [sflag:$0x8], $0x80, $0x38;
	[tilespmem:$0xE800] =	vst v63  }
0x389: {  	s31 =	simm.s32 $0xDBC8;
	s29 =	sadd.s32 $0x10, s23  }
0x38a: {  	[hbm4b:s29+s3] =	stream.linear.scatter [tilespmem:s31], [sflag:$0x8], $0x80, $0x38;
	[tilespmem:$0xE800] =	vst v63  }
0x38b: {  	s29 =	sadd.s32 $0x20, s23;
	s31 =	simm.s32 $0xDC50  }
0x38c: {  	[hbm4b:s29+s3] =	stream.linear.scatter [tilespmem:s31], [sflag:$0x8], $0x80, $0x38;
	[tilespmem:$0xE800] =	vst v63  }
0x38d: {  	s29 =	sadd.s32 $0x30, s23;
	s31 =	simm.s32 $0xDCD8  }
0x38e: {  	[hbm4b:s29+s3] =	stream.linear.scatter [tilespmem:s31], [sflag:$0x8], $0x80, $0x38;
	[tilespmem:$0xE800] =	vst v63  }
0x38f: {  	s29 =	sadd.s32 $0x40, s23;
	s31 =	simm.s32 $0xDD60  }
0x390: {  	[hbm4b:s29+s3] =	stream.linear.scatter [tilespmem:s31], [sflag:$0x8], $0x80, $0x38;
	[tilespmem:$0xE800] =	vst v63  }
0x391: {  	s29 =	sadd.s32 $0x50, s23;
	s31 =	simm.s32 $0xDDE8  }
0x392: {  	[hbm4b:s29+s3] =	stream.linear.scatter [tilespmem:s31], [sflag:$0x8], $0x80, $0x38;
	[tilespmem:$0xE800] =	vst v63  }
0x393: {  	s29 =	sadd.s32 $0x60, s23;
	s31 =	simm.s32 $0xDE70  }
0x394: {  	[hbm4b:s29+s3] =	stream.linear.scatter [tilespmem:s31], [sflag:$0x8], $0x80, $0x38;
	[tilespmem:$0xE800] =	vst v63  }
0x395: {  	s23 =	sadd.s32 $0x70, s23;
	s31 =	simm.s32 $0xDEF8  }
0x396: {  	[hbm4b:s23+s3] =	stream.linear.scatter [tilespmem:s31], [sflag:$0x8], $0x80, $0x38;
	[tilespmem:$0xE800] =	vst v63  }
0x397: {  	s30 =	simm.s32 $0xDF80;
	s23 =	sadd.s32 s2, s8  }
0x398: {  	[hbm4b:s23+s3] =	stream.linear.scatter [tilespmem:s30], [sflag:$0x8], $0x80, $0x38;
	[tilespmem:$0xE800] =	vst v63  }
0x399: {  	s31 =	simm.s32 $0xE008;
	s29 =	sadd.s32 $0x10, s23  }
0x39a: {  	[hbm4b:s29+s3] =	stream.linear.scatter [tilespmem:s31], [sflag:$0x8], $0x80, $0x38;
	[tilespmem:$0xE800] =	vst v63  }
0x39b: {  	s29 =	sadd.s32 $0x20, s23;
	s31 =	simm.s32 $0xE090  }
0x39c: {  	[hbm4b:s29+s3] =	stream.linear.scatter [tilespmem:s31], [sflag:$0x8], $0x80, $0x38;
	[tilespmem:$0xE800] =	vst v63  }
0x39d: {  	s29 =	sadd.s32 $0x30, s23;
	s31 =	simm.s32 $0xE118  }
0x39e: {  	[hbm4b:s29+s3] =	stream.linear.scatter [tilespmem:s31], [sflag:$0x8], $0x80, $0x38;
	[tilespmem:$0xE800] =	vst v63  }
0x39f: {  	s29 =	sadd.s32 $0x40, s23;
	s31 =	simm.s32 $0xE1A0  }
0x3a0: {  	[hbm4b:s29+s3] =	stream.linear.scatter [tilespmem:s31], [sflag:$0x8], $0x80, $0x38;
	[tilespmem:$0xE800] =	vst v63  }
0x3a1: {  	s29 =	sadd.s32 $0x50, s23;
	s31 =	simm.s32 $0xE228  }
0x3a2: {  	[hbm4b:s29+s3] =	stream.linear.scatter [tilespmem:s31], [sflag:$0x8], $0x80, $0x38;
	[tilespmem:$0xE800] =	vst v63  }
0x3a3: {  	s29 =	sadd.s32 $0x60, s23;
	s31 =	simm.s32 $0xE2B0  }
0x3a4: {  	[hbm4b:s29+s3] =	stream.linear.scatter [tilespmem:s31], [sflag:$0x8], $0x80, $0x38;
	[tilespmem:$0xE800] =	vst v63  }
0x3a5: {  	s23 =	sadd.s32 $0x70, s23;
	s31 =	simm.s32 $0xE338  }
0x3a6: {  	[hbm4b:s23+s3] =	stream.linear.scatter [tilespmem:s31], [sflag:$0x8], $0x80, $0x38;
	[tilespmem:$0xE800] =	vst v63  }
0x3a7: {  	s2 =	sadd.s32 s2, s9;
	s30 =	simm.s32 $0xE3C0  }
0x3a8: {  	[hbm4b:s2+s3] =	stream.linear.scatter [tilespmem:s30], [sflag:$0x8], $0x80, $0x38;
	[tilespmem:$0xE800] =	vst v63  }
0x3a9: {  	s31 =	sadd.s32 $0x10, s2;
	s30 =	simm.s32 $0xE448  }
0x3aa: {  	[hbm4b:s31+s3] =	stream.linear.scatter [tilespmem:s30], [sflag:$0x8], $0x80, $0x38;
	[tilespmem:$0xE800] =	vst v63  }
0x3ab: {  	s31 =	sadd.s32 $0x20, s2;
	s30 =	simm.s32 $0xE4D0  }
0x3ac: {  	[hbm4b:s31+s3] =	stream.linear.scatter [tilespmem:s30], [sflag:$0x8], $0x80, $0x38;
	[tilespmem:$0xE800] =	vst v63  }
0x3ad: {  	s31 =	sadd.s32 $0x30, s2;
	s30 =	simm.s32 $0xE558  }
0x3ae: {  	[hbm4b:s31+s3] =	stream.linear.scatter [tilespmem:s30], [sflag:$0x8], $0x80, $0x38;
	[tilespmem:$0xE800] =	vst v63  }
0x3af: {  	s31 =	sadd.s32 $0x40, s2;
	s30 =	simm.s32 $0xE5E0  }
0x3b0: {  	[hbm4b:s31+s3] =	stream.linear.scatter [tilespmem:s30], [sflag:$0x8], $0x80, $0x38;
	[tilespmem:$0xE800] =	vst v63  }
0x3b1: {  	p0 =	seq.s32 s25, $0x31;
	s31 =	sadd.s32 $0x50, s2;
	s30 =	simm.s32 $0xE668  }
0x3b2: {  	[hbm4b:s31+s3] =	stream.linear.scatter [tilespmem:s30], [sflag:$0x8], $0x80, $0x38;
	[tilespmem:$0xE800] =	vst v63  }
.Ltmp12:
0x3b3: {  	_ = 	snop;
	(pc) =	sbr.rel @p0 .LBB2_20-.Ltmp12, $4  }
0x3b4: {  	s31 =	sadd.s32 $0x60, s2;
	s30 =	simm.s32 $0xE6F0  }
0x3b5: {  	[hbm4b:s31+s3] =	stream.linear.scatter [tilespmem:s30], [sflag:$0x8], $0x80, $0x38;
	[tilespmem:$0xE800] =	vst v63  }
0x3b6: {  	s2 =	sadd.s32 $0x70, s2;
	s31 =	simm.s32 $0xE778  }
0x3b7: {  	[hbm4b:s2+s3] =	stream.linear.scatter [tilespmem:s31], [sflag:$0x8], $0x80, $0x38;
	[tilespmem:$0xE800] =	vst v63  }
.Ltmp13:
0x3b8: {  	(pc) =	sbr.rel .LBB2_2-.Ltmp13, $4  }
0x3b9: {  	s2 =	sshll.u32 s25, $0x9  }
0x3ba: {  	s2 =	sand.u32 $0x3FFFFE00, s2  }
0x3bb: {  	s23 =	simm.s32 $0x8400;
	s25 =	sadd.s32 $0x1, s25;
	s2 =	sadd.s32 $0x300, s2  }
0x3bc: {  	[tilespmem:s23], [sflag:$0x3] =	stream.indirect.gather [hbm4b:s4+s19], $0x20, s2, s19, $0xb8;
	[tilespmem:$0xE800] =	vst v63  }
.LBB2_21:
0x3bd: {  	_ =	sfence.sel $0x180000  }
0x3be: {  	[bflag:$0x0] =	sbarrier.arrive $0xFFFF  }
0x3bf: {  	_ =	strace $0x90000047  }
0x3c0: {  	s0 =	stileid.u32;
	[bflag:$0x2] =	sbarrier.arrive $0xFFFF  }
0x3c1: {  	p0 =	sne.s32 s0, $0x0;
	s0 =	rddreg [dreg:$0x2]  }
0x3c2: {  	s0 =	sadd.s32 @!p0 $0x100000, s0  }
0x3c3: {  	[sflag:s0] =	ssyncadd.tile.s32 @!p0 $0x1;
	_ =	shalt  }
.Lfunc_end2:
_tile_overlayer_lowered:
.L_overlay_start_2:
0x3c4: {  	(tag) =	ssettag $0x2  }
0x3c5: {  	s0 =	rddreg [dreg:$0x0];
	s2 =	stileid.u32  }
0x3c6: {  	s1 =	rddreg [dreg:$0x1];
	p0 =	sne.s32 s2, $0x0  }
0x3c7: {  	s3 =	rddreg [dreg:$0x2];
	[bflag:$0x3] =	sbarrier.arrive $0xFFFF;
	s2 =	simm.s32 @!p0 $0x1C09  }
0x3c8: {  	[timem:s3], [sflag:s2] =	dma.local @!p0 [hbm:s0], s1  }
0x3c9: {  	s0 =	simm.s32 @!p0 $0x9  }
0x3ca: {  	_ =	swait.ge @!p0 [sflag:s0], s1  }
0x3cb: {  	s1 =	ssub.s32 @!p0 $0x0, s1;
	[sflag:s0] =	ssyncset.done @!p0 $0x0  }
0x3cc: {  	[sflag:s0] =	ssyncadd.s32 @!p0 s1  }
0x3cd: {  	[bflag:$0x3] =	sbarrier.arrive $0xFFFF  }
0x3ce: {  	_ =	shalt  }

</sc_bundles>
